<compile_context>
chip_gen: v7x
topology: tpu7x:2x2x1
jax: 0.10.2.dev20260603
libtpu: 0.0.44.dev20260713+nightly
codegen_flags: <defaults>
</compile_context>

<pallas_src>
import functools

import jax
import jax.numpy as jnp
from jax import lax
from jax.experimental import pallas as pl
from jax.experimental.pallas import tpu as pltpu
from jax.experimental.pallas import tpu_sc as plsc

N = 10000
NP = 10240
E = 320000
EP = E
FEAT = 128
HEADS = 8
C1 = 128
C2 = 128
OUT = 10
G = 64
FA = 144
DUMMY = N

NBLK = NP // 256

NC = 2
NS = 16
CHUNK = 80

NCH1 = EP // NS // CHUNK
NCH2 = EP // (NS * NC) // CHUNK
ROWS_T = NP // NS


def _a_body(x_ref, w_ref, asrc_ref, adst_ref, haug_ref, ad_ref):
    h = jnp.dot(x_ref[...], w_ref[...], preferred_element_type=jnp.float32)
    lane = lax.broadcasted_iota(jnp.int32, (256, 16), 1)
    ones_col = (lane == 0).astype(jnp.float32)
    as_col = (lane == 1).astype(jnp.float32)
    for hh in range(HEADS):
        hblk = h[:, hh * C1:(hh + 1) * C1]
        a_s = jnp.sum(hblk * asrc_ref[hh, :][None, :], axis=1)
        haug_ref[hh, :, 0:C1] = hblk
        haug_ref[hh, :, C1:FA] = ones_col + as_col * a_s[:, None]
        ad_ref[hh, :] = jnp.sum(hblk * adst_ref[hh, :][None, :], axis=1)


def _layer1_dense(x_pad, W1, a_src1, a_dst1):
    return pl.pallas_call(
        _a_body,
        grid=(NBLK,),
        in_specs=[
            pl.BlockSpec((256, FEAT), lambda i: (i, 0)),
            pl.BlockSpec((FEAT, HEADS * C1), lambda i: (0, 0)),
            pl.BlockSpec((HEADS, C1), lambda i: (0, 0)),
            pl.BlockSpec((HEADS, C1), lambda i: (0, 0)),
        ],
        out_specs=[
            pl.BlockSpec((HEADS, 256, FA), lambda i: (0, i, 0)),
            pl.BlockSpec((HEADS, 256), lambda i: (0, i)),
        ],
        out_shape=[
            jax.ShapeDtypeStruct((HEADS, NP, FA), jnp.float32),
            jax.ShapeDtypeStruct((HEADS, NP), jnp.float32),
        ],
    )(x_pad, W1, a_src1, a_dst1)


GRP = 25


def _sc_edge_body(nheads, nch, split_cores, h_hbm, ad_hbm, src_hbm, dst_hbm,
                  zero_hbm, num_hbm, src_v, dst_v, rows_v, ad_v, acc_sh,
                  gsem):
    cid = lax.axis_index("c")
    sid = lax.axis_index("s")
    if split_cores:
        wid = cid * NS + sid
    else:
        wid = sid

    heads_per_core = nheads if split_cores else nheads // NC
    nrow_e = EP // CHUNK

    iota16 = lax.iota(jnp.int32, 16)
    col_as = jnp.full((16,), C1 + 1, dtype=jnp.int32)

    def head_body(hh, _):
        if split_cores:
            head = hh
        else:
            head = cid * heads_per_core + hh
        pltpu.sync_copy(zero_hbm.at[pl.ds(sid * ROWS_T, ROWS_T)],
                        acc_sh.at[pl.ds(sid * ROWS_T, ROWS_T)])
        pltpu.sync_copy(ad_hbm.at[pl.ds(head * NP, NP)], ad_v)
        plsc.subcore_barrier()

        def grp_body(grp, _):
            ebase = head * nrow_e + wid * nch + grp * GRP
            pltpu.sync_copy(src_hbm.at[pl.ds(ebase, GRP)], src_v)
            pltpu.sync_copy(dst_hbm.at[pl.ds(wid * nch + grp * GRP, GRP)],
                            dst_v)
            pltpu.async_copy(h_hbm.at[src_v.at[0]], rows_v.at[0],
                             gsem.at[0])

            def chunk_body(ci, _):
                b = lax.rem(ci, 2)
                nb = 1 - b
                pltpu.make_async_copy(h_hbm.at[src_v.at[ci]], rows_v.at[b],
                                      gsem.at[b]).wait()

                @pl.when(ci + 1 < GRP)
                def _():
                    pltpu.async_copy(h_hbm.at[src_v.at[ci + 1]],
                                     rows_v.at[nb], gsem.at[nb])

                b16 = jnp.full((16,), b, dtype=jnp.int32)

                def ex_grp_body(g, _):
                    r16 = iota16 + g * 16
                    asv = plsc.load_gather(rows_v, [b16, r16, col_as])
                    d16 = dst_v[ci, pl.ds(g * 16, 16)]
                    e = asv + plsc.load_gather(ad_v, [d16])
                    e = jnp.where(e > 0, e, 0.2 * e)
                    ex16 = jnp.exp(e)
                    for l in range(16):
                        s = jnp.full((16,), ex16[l], dtype=jnp.float32)
                        k = g * 16 + l
                        for j in range(C1 // 16):
                            rows_v[b, k, pl.ds(j * 16, 16)] = (
                                rows_v[b, k, pl.ds(j * 16, 16)] * s)
                        rows_v[b, k, pl.ds(C1, 16)] = s
                    return 0

                lax.fori_loop(0, CHUNK // 16, ex_grp_body, 0)
                pltpu.sync_copy(rows_v.at[b], acc_sh.at[dst_v.at[ci]],
                                add=True)
                return 0

            lax.fori_loop(0, GRP, chunk_body, 0)
            return 0

        lax.fori_loop(0, nch // GRP, grp_body, 0)
        plsc.subcore_barrier()
        if split_cores:
            out_base = cid * NP
        else:
            out_base = head * NP
        pltpu.sync_copy(acc_sh.at[pl.ds(sid * ROWS_T, ROWS_T)],
                        num_hbm.at[pl.ds(out_base + sid * ROWS_T, ROWS_T)])
        return 0

    lax.fori_loop(0, heads_per_core, head_body, 0)


def _make_sc_kernel(nheads, nch, split_cores, out_leading):
    mesh = plsc.VectorSubcoreMesh(core_axis_name="c", subcore_axis_name="s",
                                  num_cores=NC, num_subcores=NS)
    return functools.partial(
        pl.kernel,
        out_type=jax.ShapeDtypeStruct((out_leading * NP, FA), jnp.float32),
        mesh=mesh,
        scratch_types=[
            pltpu.VMEM((GRP, CHUNK), jnp.int32),
            pltpu.VMEM((GRP, CHUNK), jnp.int32),
            pltpu.VMEM((2, CHUNK, FA), jnp.float32),
            pltpu.VMEM((NP,), jnp.float32),
            pltpu.VMEM_SHARED((NP, FA), jnp.float32),
            pltpu.SemaphoreType.DMA((2,)),
        ],
        compiler_params=pltpu.CompilerParams(needs_layout_passes=False,
                                             use_tc_tiling_on_sc=False),
    )(functools.partial(_sc_edge_body, nheads, nch, split_cores))


_sc_layer1 = _make_sc_kernel(HEADS, NCH1, False, HEADS)
_sc_layer2 = _make_sc_kernel(1, NCH2, True, NC)


def _c_body(num_ref, w2_ref, b1_ref, as2_ref, ad2_ref, haug_ref, asad_ref):
    acc = jnp.zeros((256, C2), dtype=jnp.float32)
    for hh in range(HEADS):
        num = num_ref[hh, :, 0:C1]
        den = num_ref[hh, :, C1:C1 + 1]
        h1n = num / (den + 1e-16) + b1_ref[0, hh * C1:(hh + 1) * C1][None, :]
        h1n = jnp.maximum(h1n, 0.0)
        acc = acc + jnp.dot(h1n, w2_ref[hh * C1:(hh + 1) * C1, :],
                            preferred_element_type=jnp.float32)
    lane = lax.broadcasted_iota(jnp.int32, (256, 16), 1)
    ones_col = (lane == 0).astype(jnp.float32)
    as_col = (lane == 1).astype(jnp.float32)
    a_s = jnp.sum(acc * as2_ref[0, :][None, :], axis=1)
    haug_ref[:, 0:C2] = acc
    haug_ref[:, C2:FA] = ones_col + as_col * a_s[:, None]
    asad_ref[0, :] = jnp.sum(acc * ad2_ref[0, :][None, :], axis=1)
    asad_ref[1, :] = a_s


def _layer2_dense(num1, W2, b1, a_src2, a_dst2):
    return pl.pallas_call(
        _c_body,
        grid=(NBLK,),
        in_specs=[
            pl.BlockSpec((HEADS, 256, FA), lambda i: (0, i, 0)),
            pl.BlockSpec((HEADS * C1, C2), lambda i: (0, 0)),
            pl.BlockSpec((1, HEADS * C1), lambda i: (0, 0)),
            pl.BlockSpec((1, C2), lambda i: (0, 0)),
            pl.BlockSpec((1, C2), lambda i: (0, 0)),
        ],
        out_specs=[
            pl.BlockSpec((256, FA), lambda i: (i, 0)),
            pl.BlockSpec((2, 256), lambda i: (0, i)),
        ],
        out_shape=[
            jax.ShapeDtypeStruct((NP, FA), jnp.float32),
            jax.ShapeDtypeStruct((2, NP), jnp.float32),
        ],
    )(num1, W2, b1, a_src2, a_dst2)


def _d_body(num_ref, batch_ref, b2_ref, wa_ref, wm_ref, ba_ref, bm_ref,
            wo_ref, bo_ref, out_ref, pooled_ref):
    i = pl.program_id(0)
    num = num_ref[0, :, 0:C2] + num_ref[1, :, 0:C2]
    den = num_ref[0, :, C2:C2 + 1] + num_ref[1, :, C2:C2 + 1]
    h2 = jnp.maximum(num / (den + 1e-16) + b2_ref[0, :][None, :], 0.0)
    attn = jnp.sum(h2 * wa_ref[0, :][None, :], axis=1) + ba_ref[0, 0]
    gate = jax.nn.sigmoid(
        jnp.sum(h2 * wm_ref[0, :][None, :], axis=1) + bm_ref[0, 0])
    fs = attn * gate
    s_mat = h2 * fs[:, None]
    b = batch_ref[0, 0, :]
    oh = (lax.broadcasted_iota(jnp.int32, (G, 256), 0) == b[None, :]).astype(
        jnp.float32)
    contrib = jnp.dot(oh, s_mat, preferred_element_type=jnp.float32)

    @pl.when(i == 0)
    def _():
        pooled_ref[...] = contrib

    @pl.when(i > 0)
    def _():
        pooled_ref[...] = pooled_ref[...] + contrib

    @pl.when(i == NBLK - 1)
    def _():
        out_ref[...] = (
            jnp.dot(pooled_ref[...], wo_ref[...],
                    preferred_element_type=jnp.float32) + bo_ref[0, :][None, :])


def _pooling(num2, batch3, b2, wa, wm, ba, bm, Wo, bo):
    return pl.pallas_call(
        _d_body,
        grid=(NBLK,),
        in_specs=[
            pl.BlockSpec((NC, 256, FA), lambda i: (0, i, 0)),
            pl.BlockSpec((1, 1, 256), lambda i: (i, 0, 0)),
            pl.BlockSpec((1, C2), lambda i: (0, 0)),
            pl.BlockSpec((1, C2), lambda i: (0, 0)),
            pl.BlockSpec((1, C2), lambda i: (0, 0)),
            pl.BlockSpec((1, 1), lambda i: (0, 0)),
            pl.BlockSpec((1, 1), lambda i: (0, 0)),
            pl.BlockSpec((C2, OUT), lambda i: (0, 0)),
            pl.BlockSpec((1, OUT), lambda i: (0, 0)),
        ],
        out_specs=pl.BlockSpec((G, OUT), lambda i: (0, 0)),
        out_shape=jax.ShapeDtypeStruct((G, OUT), jnp.float32),
        scratch_shapes=[pltpu.VMEM((G, C2), jnp.float32)],
    )(num2, batch3, b2, wa, wm, ba, bm, Wo, bo)


def kernel(x, edge_index, batch, W1, a_src1, a_dst1, b1, W2, a_src2, a_dst2,
           b2, wa, ba, wm, bm, Wo, bo):
    x_pad = jnp.pad(x, ((0, NP - N), (0, 0)))
    src_p = jnp.pad(edge_index[0], (0, EP - E), constant_values=DUMMY)
    dst_p = jnp.pad(edge_index[1], (0, EP - E), constant_values=DUMMY)
    src1_r = (jnp.arange(HEADS, dtype=jnp.int32)[:, None] * NP +
              src_p[None, :]).reshape(HEADS * (EP // CHUNK), CHUNK)
    src2_r = src_p.reshape(EP // CHUNK, CHUNK)
    dst_r = dst_p.reshape(EP // CHUNK, CHUNK)
    batch3 = jnp.pad(batch, (0, NP - N),
                     constant_values=G).reshape(NBLK, 1, 256).astype(jnp.int32)
    zeros_nf = jnp.zeros((NP, FA), dtype=jnp.float32)

    haug1, ad1 = _layer1_dense(x_pad, W1, a_src1, a_dst1)
    num1 = _sc_layer1(haug1.reshape(HEADS * NP, FA),
                      ad1.reshape(HEADS * NP), src1_r, dst_r,
                      zeros_nf).reshape(HEADS, NP, FA)
    haug2, asad2 = _layer2_dense(num1, W2, b1.reshape(1, HEADS * C1),
                                 a_src2, a_dst2)
    num2 = _sc_layer2(haug2, asad2.reshape(2 * NP), src2_r, dst_r,
                      zeros_nf).reshape(NC, NP, FA)
    return _pooling(num2, batch3, b2.reshape(1, C2),
                    wa.reshape(1, C2), wm.reshape(1, C2),
                    ba.reshape(1, 1), bm.reshape(1, 1),
                    Wo, bo.reshape(1, OUT))

# --- scband reference (transcript-rebuilt; emitter-appended) ---
"""Pipeline reference for scband-gat-78752520340206 (READ-ONLY COPY).

The authoritative reference and input builder live on the scoring server;
editing this copy changes nothing except your own understanding.
"""

import jax, jax.numpy as jnp
import numpy as np

N = 10000
E = 320000
FEAT = 128
HEADS = 8
C1 = 128
C2 = 128
OUT = 10
G = 64


def setup_inputs(seed: int = 0) -> dict:
    key = jax.random.key(seed)
    ks = jax.random.split(key, 16)
    s = 0.05
    inp = {
        "x": jax.random.normal(ks[0], (N, FEAT), dtype=jnp.float32),
        "edge_index": jax.random.randint(ks[1], (2, E), 0, N),
        "batch": jnp.sort(jax.random.randint(ks[2], (N,), 0, G)),
        "W1": jax.random.normal(ks[3], (FEAT, HEADS * C1), dtype=jnp.float32) * s,
        "a_src1": jax.random.normal(ks[4], (HEADS, C1), dtype=jnp.float32) * s,
        "a_dst1": jax.random.normal(ks[5], (HEADS, C1), dtype=jnp.float32) * s,
        "b1": jnp.zeros((HEADS * C1,), dtype=jnp.float32),
        "W2": jax.random.normal(ks[6], (HEADS * C1, C2), dtype=jnp.float32) * s,
        "a_src2": jax.random.normal(ks[7], (1, C2), dtype=jnp.float32) * s,
        "a_dst2": jax.random.normal(ks[8], (1, C2), dtype=jnp.float32) * s,
        "b2": jnp.zeros((C2,), dtype=jnp.float32),
        "wa": jax.random.normal(ks[9], (C2, 1), dtype=jnp.float32) * s,
        "ba": jnp.zeros((1,), dtype=jnp.float32),
        "wm": jax.random.normal(ks[10], (C2, 1), dtype=jnp.float32) * s,
        "bm": jnp.zeros((1,), dtype=jnp.float32),
        "Wo": jax.random.normal(ks[11], (C2, OUT), dtype=jnp.float32) * s,
        "bo": jnp.zeros((OUT,), dtype=jnp.float32),
    }
    return inp


def _gat_layer(x, edge_index, W, a_src, a_dst, b, heads, ch):
    # Faithful PyG GATConv (v1): linear -> per-head additive attention ->
    # segment softmax over incoming edges (grouped by dst) -> weighted scatter-add.
    n = x.shape[0]
    h = (x @ W).reshape(n, heads, ch)
    src = edge_index[0]
    dst = edge_index[1]
    alpha_src = (h * a_src[None, :, :]).sum(-1)  # [N, heads]
    alpha_dst = (h * a_dst[None, :, :]).sum(-1)  # [N, heads]
    e = alpha_src[src] + alpha_dst[dst]          # [E, heads]
    e = jnp.where(e > 0, e, 0.2 * e)             # LeakyReLU(0.2)
    m = jax.ops.segment_max(e, dst, num_segments=n)
    m = jnp.where(jnp.isfinite(m), m, 0.0)
    m = jax.lax.stop_gradient(m)
    ex = jnp.exp(e - m[dst])
    den = jax.ops.segment_sum(ex, dst, num_segments=n)
    alpha = ex / (den[dst] + 1e-16)              # [E, heads]
    msg = h[src] * alpha[:, :, None]             # gather + weight
    out = jax.ops.segment_sum(msg, dst, num_segments=n)  # scatter-add
    return out.reshape(n, heads * ch) + b


def reference(x, edge_index, batch, W1, a_src1, a_dst1, b1, W2, a_src2, a_dst2, b2, wa, ba, wm, bm, Wo, bo):
    h = _gat_layer(x, edge_index, W1, a_src1, a_dst1, b1, HEADS, C1)
    h = jax.nn.relu(h)
    # dropout_rate=0.0 -> identity (inference)
    h = _gat_layer(h, edge_index, W2, a_src2, a_dst2, b2, 1, C2)
    h = jax.nn.relu(h)
    # AttentionPooling
    attn_scores = h @ wa + ba
    node_mask = jax.nn.sigmoid(h @ wm + bm)
    final_scores = attn_scores * node_mask
    pooled = jax.ops.segment_sum(h * final_scores, batch, num_segments=G)
    return pooled @ Wo + bo

if __name__ == "__main__":
    import jax
    _d = setup_inputs()
    print(jax.jit(kernel)(*tuple(_d.values())))

</pallas_src>

<mosaic_0001>
#map = affine_map<(d0, d1) -> (0, 0)>
#map1 = affine_map<(d0, d1) -> (0)>
module attributes {stable_mosaic.version = 14 : i64} {
  func.func @_sc_edge_body(%arg0: i32, %arg1: i32, %arg2: memref<81920x144xf32, #tpu.memory_space<hbm>>, %arg3: memref<81920xf32, #tpu.memory_space<hbm>>, %arg4: memref<32000x80xi32, #tpu.memory_space<hbm>>, %arg5: memref<4000x80xi32, #tpu.memory_space<hbm>>, %arg6: memref<10240x144xf32, #tpu.memory_space<hbm>>, %arg7: memref<81920x144xf32, #tpu.memory_space<hbm>>, %arg8: memref<25x80xi32, #tpu.memory_space<vmem>>, %arg9: memref<25x80xi32, #tpu.memory_space<vmem>>, %arg10: memref<2x80x144xf32, #tpu.memory_space<vmem>>, %arg11: memref<10240xf32, #tpu.memory_space<vmem>>, %arg12: memref<10240x144xf32, #tpu.memory_space<vmem_shared>>, %arg13: memref<2x!tpu.dma_semaphore, #tpu.memory_space<semaphore_mem>>) attributes {dimension_semantics = [#tpu.dimension_semantics<core_parallel>, #tpu.dimension_semantics<subcore_parallel>], iteration_bounds = array<i64: 2, 16>, scalar_prefetch = 0 : i64, scratch_operands = 6 : i64, tpu.core_type = #tpu.core_type<sc_vector_subcore>, window_params = [{transform_indices = #map}, {transform_indices = #map1}, {transform_indices = #map}, {transform_indices = #map}, {transform_indices = #map}, {transform_indices = #map}]} {
    %iota3A = tpu.iota {dimensions = array<i32: 0>} : vector<16xi32>
    %broadcast_in_dim3A = arith.constant 129 : i32
    %broadcast_in_dim3A_0 = vector.broadcast %broadcast_in_dim3A : i32 to vector<16xi32>
    %scan3A = arith.constant 0 : i32
    %scan3A_1 = arith.constant 0 : i32
    %scan3A_2 = arith.constant 4 : i32
    %scan3A_3 = arith.addi %scan3A_1, %scan3A_2 : i32
    %scan3A_4 = arith.constant 1 : i32
    %scan3A_5 = scf.for %scan3A_7 = %scan3A_1 to %scan3A_3 step %scan3A_4 iter_args(%scan3A_8 = %scan3A) -> (i32)  : i32 {
      %mul3A = arith.constant 4 : i32
      %mul3A_9 = arith.muli %arg0, %mul3A : i32
      %add3A = arith.addi %mul3A_9, %scan3A_7 : i32
      %mul3A_10 = arith.constant 640 : i32
      %mul3A_11 = arith.muli %arg1, %mul3A_10 : i32
      %mul3A_12 = arith.constant 640 : i32
      %mul3A_13 = arith.muli %arg1, %mul3A_12 : i32
      "tpu.region"() ({
        %run_scoped3A = tpu.sem_alloc : memref<!tpu.dma_semaphore, #tpu.memory_space<semaphore_mem>>
        %dma_start3A = arith.constant 0 : i32
        %dma_start3A_32 = tpu.memref_slice %arg12[%mul3A_13, %dma_start3A] : memref<10240x144xf32, #tpu.memory_space<vmem_shared>> -> memref<640x144xf32, #tpu.memory_space<vmem_shared>>
        %dma_start3A_33 = arith.constant 0 : i32
        %dma_start3A_34 = tpu.memref_slice %arg6[%mul3A_11, %dma_start3A_33] : memref<10240x144xf32, #tpu.memory_space<hbm>> -> memref<640x144xf32, #tpu.memory_space<hbm>>
        tpu.enqueue_dma source(%dma_start3A_34 : memref<640x144xf32, #tpu.memory_space<hbm>>) target(%dma_start3A_32 : memref<640x144xf32, #tpu.memory_space<vmem_shared>>) target_semaphore(%run_scoped3A : memref<!tpu.dma_semaphore, #tpu.memory_space<semaphore_mem>>)
        %dma_wait3A = arith.constant 0 : i32
        %dma_wait3A_35 = tpu.memref_slice %arg12[%mul3A_13, %dma_wait3A] : memref<10240x144xf32, #tpu.memory_space<vmem_shared>> -> memref<640x144xf32, #tpu.memory_space<vmem_shared>>
        %dma_wait3A_36 = arith.constant 0 : i32
        %dma_wait3A_37 = tpu.memref_slice %arg6[%mul3A_11, %dma_wait3A_36] : memref<10240x144xf32, #tpu.memory_space<hbm>> -> memref<640x144xf32, #tpu.memory_space<hbm>>
        tpu.wait_dma2 semaphore(%run_scoped3A : memref<!tpu.dma_semaphore, #tpu.memory_space<semaphore_mem>>) src(%dma_wait3A_37 : memref<640x144xf32, #tpu.memory_space<hbm>>) dst(%dma_wait3A_35 : memref<640x144xf32, #tpu.memory_space<vmem_shared>>)
        tpu.yield
      }) : () -> ()
      %mul3A_14 = arith.constant 10240 : i32
      %mul3A_15 = arith.muli %add3A, %mul3A_14 : i32
      "tpu.region"() ({
        %run_scoped3A = tpu.sem_alloc : memref<!tpu.dma_semaphore, #tpu.memory_space<semaphore_mem>>
        %dma_start3A = tpu.memref_slice %arg3[%mul3A_15] : memref<81920xf32, #tpu.memory_space<hbm>> -> memref<10240xf32, #tpu.memory_space<hbm>>
        %dma_start3A_32 = tpu.memref_slice %arg3[%mul3A_15] : memref<81920xf32, #tpu.memory_space<hbm>> -> memref<10240xf32, #tpu.memory_space<hbm>>
        tpu.enqueue_dma source(%dma_start3A_32 : memref<10240xf32, #tpu.memory_space<hbm>>) target(%arg11 : memref<10240xf32, #tpu.memory_space<vmem>>) target_semaphore(%run_scoped3A : memref<!tpu.dma_semaphore, #tpu.memory_space<semaphore_mem>>)
        %dma_wait3A = tpu.memref_slice %arg3[%mul3A_15] : memref<81920xf32, #tpu.memory_space<hbm>> -> memref<10240xf32, #tpu.memory_space<hbm>>
        %dma_wait3A_33 = tpu.memref_slice %arg3[%mul3A_15] : memref<81920xf32, #tpu.memory_space<hbm>> -> memref<10240xf32, #tpu.memory_space<hbm>>
        tpu.wait_dma2 semaphore(%run_scoped3A : memref<!tpu.dma_semaphore, #tpu.memory_space<semaphore_mem>>) src(%dma_wait3A_33 : memref<10240xf32, #tpu.memory_space<hbm>>) dst(%arg11 : memref<10240xf32, #tpu.memory_space<vmem>>)
        tpu.yield
      }) : () -> ()
      %barrier3A = arith.constant 0 : index
      tpu.barrier barrier_id(%barrier3A)
      %scan3A_16 = arith.constant 0 : i32
      %scan3A_17 = arith.constant 0 : i32
      %scan3A_18 = arith.constant 10 : i32
      %scan3A_19 = arith.addi %scan3A_17, %scan3A_18 : i32
      %scan3A_20 = arith.constant 1 : i32
      %scan3A_21 = scf.for %scan3A_32 = %scan3A_17 to %scan3A_19 step %scan3A_20 iter_args(%scan3A_33 = %scan3A_16) -> (i32)  : i32 {
        %mul3A_34 = arith.constant 4000 : i32
        %mul3A_35 = arith.muli %add3A, %mul3A_34 : i32
        %mul3A_36 = arith.constant 250 : i32
        %mul3A_37 = arith.muli %arg1, %mul3A_36 : i32
        %add3A_38 = arith.addi %mul3A_35, %mul3A_37 : i32
        %mul3A_39 = arith.constant 25 : i32
        %mul3A_40 = arith.muli %scan3A_32, %mul3A_39 : i32
        %add3A_41 = arith.addi %add3A_38, %mul3A_40 : i32
        "tpu.region"() ({
          %run_scoped3A = tpu.sem_alloc : memref<!tpu.dma_semaphore, #tpu.memory_space<semaphore_mem>>
          %dma_start3A_69 = arith.constant 0 : i32
          %dma_start3A_70 = tpu.memref_slice %arg4[%add3A_41, %dma_start3A_69] : memref<32000x80xi32, #tpu.memory_space<hbm>> -> memref<25x80xi32, #tpu.memory_space<hbm>>
          %dma_start3A_71 = arith.constant 0 : i32
          %dma_start3A_72 = tpu.memref_slice %arg4[%add3A_41, %dma_start3A_71] : memref<32000x80xi32, #tpu.memory_space<hbm>> -> memref<25x80xi32, #tpu.memory_space<hbm>>
          tpu.enqueue_dma source(%dma_start3A_72 : memref<25x80xi32, #tpu.memory_space<hbm>>) target(%arg8 : memref<25x80xi32, #tpu.memory_space<vmem>>) target_semaphore(%run_scoped3A : memref<!tpu.dma_semaphore, #tpu.memory_space<semaphore_mem>>)
          %dma_wait3A = arith.constant 0 : i32
          %dma_wait3A_73 = tpu.memref_slice %arg4[%add3A_41, %dma_wait3A] : memref<32000x80xi32, #tpu.memory_space<hbm>> -> memref<25x80xi32, #tpu.memory_space<hbm>>
          %dma_wait3A_74 = arith.constant 0 : i32
          %dma_wait3A_75 = tpu.memref_slice %arg4[%add3A_41, %dma_wait3A_74] : memref<32000x80xi32, #tpu.memory_space<hbm>> -> memref<25x80xi32, #tpu.memory_space<hbm>>
          tpu.wait_dma2 semaphore(%run_scoped3A : memref<!tpu.dma_semaphore, #tpu.memory_space<semaphore_mem>>) src(%dma_wait3A_75 : memref<25x80xi32, #tpu.memory_space<hbm>>) dst(%arg8 : memref<25x80xi32, #tpu.memory_space<vmem>>)
          tpu.yield
        }) : () -> ()
        %mul3A_42 = arith.constant 250 : i32
        %mul3A_43 = arith.muli %arg1, %mul3A_42 : i32
        %mul3A_44 = arith.constant 25 : i32
        %mul3A_45 = arith.muli %scan3A_32, %mul3A_44 : i32
        %add3A_46 = arith.addi %mul3A_43, %mul3A_45 : i32
        "tpu.region"() ({
          %run_scoped3A = tpu.sem_alloc : memref<!tpu.dma_semaphore, #tpu.memory_space<semaphore_mem>>
          %dma_start3A_69 = arith.constant 0 : i32
          %dma_start3A_70 = tpu.memref_slice %arg5[%add3A_46, %dma_start3A_69] : memref<4000x80xi32, #tpu.memory_space<hbm>> -> memref<25x80xi32, #tpu.memory_space<hbm>>
          %dma_start3A_71 = arith.constant 0 : i32
          %dma_start3A_72 = tpu.memref_slice %arg5[%add3A_46, %dma_start3A_71] : memref<4000x80xi32, #tpu.memory_space<hbm>> -> memref<25x80xi32, #tpu.memory_space<hbm>>
          tpu.enqueue_dma source(%dma_start3A_72 : memref<25x80xi32, #tpu.memory_space<hbm>>) target(%arg9 : memref<25x80xi32, #tpu.memory_space<vmem>>) target_semaphore(%run_scoped3A : memref<!tpu.dma_semaphore, #tpu.memory_space<semaphore_mem>>)
          %dma_wait3A = arith.constant 0 : i32
          %dma_wait3A_73 = tpu.memref_slice %arg5[%add3A_46, %dma_wait3A] : memref<4000x80xi32, #tpu.memory_space<hbm>> -> memref<25x80xi32, #tpu.memory_space<hbm>>
          %dma_wait3A_74 = arith.constant 0 : i32
          %dma_wait3A_75 = tpu.memref_slice %arg5[%add3A_46, %dma_wait3A_74] : memref<4000x80xi32, #tpu.memory_space<hbm>> -> memref<25x80xi32, #tpu.memory_space<hbm>>
          tpu.wait_dma2 semaphore(%run_scoped3A : memref<!tpu.dma_semaphore, #tpu.memory_space<semaphore_mem>>) src(%dma_wait3A_75 : memref<25x80xi32, #tpu.memory_space<hbm>>) dst(%arg9 : memref<25x80xi32, #tpu.memory_space<vmem>>)
          tpu.yield
        }) : () -> ()
        %dma_start3A = arith.constant 0 : i32
        %dma_start3A_47 = arith.constant 0 : i32
        %dma_start3A_48 = arith.constant 0 : i32
        %dma_start3A_49 = arith.constant 0 : i32
        %dma_start3A_50 = arith.constant 0 : i32
        %dma_start3A_51 = tpu.memref_slice %arg10[%dma_start3A_47, %dma_start3A_49, %dma_start3A_50] : memref<2x80x144xf32, #tpu.memory_space<vmem>> -> memref<1x80x144xf32, #tpu.memory_space<vmem>>
        %dma_start3A_52 = tpu.memref_squeeze %dma_start3A_51 : memref<1x80x144xf32, #tpu.memory_space<vmem>> -> memref<80x144xf32, #tpu.memory_space<vmem>>
        %dma_start3A_53 = arith.constant 0 : i32
        %dma_start3A_54 = tpu.memref_slice %arg8[%dma_start3A, %dma_start3A_53] : memref<25x80xi32, #tpu.memory_space<vmem>> -> memref<1x80xi32, #tpu.memory_space<vmem>>
        %dma_start3A_55 = tpu.memref_squeeze %dma_start3A_54 : memref<1x80xi32, #tpu.memory_space<vmem>> -> memref<80xi32, #tpu.memory_space<vmem>>
        %dma_start3A_56 = arith.constant 0 : i32
        %dma_start3A_57 = arith.constant 0 : i32
        %dma_start3A_58 = tpu.memref_slice %arg2[%dma_start3A_56, %dma_start3A_57] : memref<81920x144xf32, #tpu.memory_space<hbm>> -> memref<81920x144xf32, #tpu.memory_space<hbm>>
        %dma_start3A_59 = tpu.memref_slice %arg13[%dma_start3A_48] : memref<2x!tpu.dma_semaphore, #tpu.memory_space<semaphore_mem>> -> memref<1x!tpu.dma_semaphore, #tpu.memory_space<semaphore_mem>>
        %dma_start3A_60 = tpu.memref_squeeze %dma_start3A_59 : memref<1x!tpu.dma_semaphore, #tpu.memory_space<semaphore_mem>> -> memref<!tpu.dma_semaphore, #tpu.memory_space<semaphore_mem>>
        tpu.enqueue_indirect_dma source(%dma_start3A_58 : memref<81920x144xf32, #tpu.memory_space<hbm>>) target(%dma_start3A_52 : memref<80x144xf32, #tpu.memory_space<vmem>>) offsets(%dma_start3A_55 : memref<80xi32, #tpu.memory_space<vmem>>) semaphore(%dma_start3A_60 : memref<!tpu.dma_semaphore, #tpu.memory_space<semaphore_mem>>)
        %scan3A_61 = arith.constant 0 : i32
        %scan3A_62 = arith.constant 0 : i32
        %scan3A_63 = arith.constant 25 : i32
        %scan3A_64 = arith.addi %scan3A_62, %scan3A_63 : i32
        %scan3A_65 = arith.constant 1 : i32
        %scan3A_66 = scf.for %scan3A_69 = %scan3A_62 to %scan3A_64 step %scan3A_65 iter_args(%scan3A_70 = %scan3A_61) -> (i32)  : i32 {
          %rem3A = arith.constant 2 : i32
          %rem3A_71 = arith.remsi %scan3A_69, %rem3A : i32
          %sub3A = arith.constant 1 : i32
          %sub3A_72 = arith.subi %sub3A, %rem3A_71 : i32
          %dma_wait3A = arith.constant 0 : i32
          %dma_wait3A_73 = arith.constant 0 : i32
          %dma_wait3A_74 = tpu.memref_slice %arg10[%rem3A_71, %dma_wait3A, %dma_wait3A_73] : memref<2x80x144xf32, #tpu.memory_space<vmem>> -> memref<1x80x144xf32, #tpu.memory_space<vmem>>
          %dma_wait3A_75 = tpu.memref_squeeze %dma_wait3A_74 : memref<1x80x144xf32, #tpu.memory_space<vmem>> -> memref<80x144xf32, #tpu.memory_space<vmem>>
          %dma_wait3A_76 = arith.constant 0 : i32
          %dma_wait3A_77 = tpu.memref_slice %arg8[%scan3A_69, %dma_wait3A_76] : memref<25x80xi32, #tpu.memory_space<vmem>> -> memref<1x80xi32, #tpu.memory_space<vmem>>
          %dma_wait3A_78 = tpu.memref_squeeze %dma_wait3A_77 : memref<1x80xi32, #tpu.memory_space<vmem>> -> memref<80xi32, #tpu.memory_space<vmem>>
          %dma_wait3A_79 = arith.constant 0 : i32
          %dma_wait3A_80 = arith.constant 0 : i32
          %dma_wait3A_81 = tpu.memref_slice %arg2[%dma_wait3A_79, %dma_wait3A_80] : memref<81920x144xf32, #tpu.memory_space<hbm>> -> memref<81920x144xf32, #tpu.memory_space<hbm>>
          %dma_wait3A_82 = tpu.memref_slice %arg13[%rem3A_71] : memref<2x!tpu.dma_semaphore, #tpu.memory_space<semaphore_mem>> -> memref<1x!tpu.dma_semaphore, #tpu.memory_space<semaphore_mem>>
          %dma_wait3A_83 = tpu.memref_squeeze %dma_wait3A_82 : memref<1x!tpu.dma_semaphore, #tpu.memory_space<semaphore_mem>> -> memref<!tpu.dma_semaphore, #tpu.memory_space<semaphore_mem>>
          tpu.wait_indirect_dma semaphore(%dma_wait3A_83 : memref<!tpu.dma_semaphore, #tpu.memory_space<semaphore_mem>>) src(%dma_wait3A_81 : memref<81920x144xf32, #tpu.memory_space<hbm>>) dst(%dma_wait3A_75 : memref<80x144xf32, #tpu.memory_space<vmem>>)
          %add3A_84 = arith.constant 1 : i32
          %add3A_85 = arith.addi %scan3A_69, %add3A_84 : i32
          %lt3A = arith.constant 25 : i32
          %lt3A_86 = arith.cmpi slt, %add3A_85, %lt3A : i32
          %convert_element_type3A = arith.extui %lt3A_86 : i1 to i32
          %cond3A = arith.constant 0 : i32
          %cond3A_87 = arith.cmpi ne, %convert_element_type3A, %cond3A : i32
          scf.if %cond3A_87 {
            %add3A_97 = arith.constant 1 : i32
            %add3A_98 = arith.addi %scan3A_69, %add3A_97 : i32
            %dma_start3A_99 = arith.constant 0 : i32
            %dma_start3A_100 = arith.constant 0 : i32
            %dma_start3A_101 = tpu.memref_slice %arg10[%sub3A_72, %dma_start3A_99, %dma_start3A_100] : memref<2x80x144xf32, #tpu.memory_space<vmem>> -> memref<1x80x144xf32, #tpu.memory_space<vmem>>
            %dma_start3A_102 = tpu.memref_squeeze %dma_start3A_101 : memref<1x80x144xf32, #tpu.memory_space<vmem>> -> memref<80x144xf32, #tpu.memory_space<vmem>>
            %dma_start3A_103 = arith.constant 0 : i32
            %dma_start3A_104 = tpu.memref_slice %arg8[%add3A_98, %dma_start3A_103] : memref<25x80xi32, #tpu.memory_space<vmem>> -> memref<1x80xi32, #tpu.memory_space<vmem>>
            %dma_start3A_105 = tpu.memref_squeeze %dma_start3A_104 : memref<1x80xi32, #tpu.memory_space<vmem>> -> memref<80xi32, #tpu.memory_space<vmem>>
            %dma_start3A_106 = arith.constant 0 : i32
            %dma_start3A_107 = arith.constant 0 : i32
            %dma_start3A_108 = tpu.memref_slice %arg2[%dma_start3A_106, %dma_start3A_107] : memref<81920x144xf32, #tpu.memory_space<hbm>> -> memref<81920x144xf32, #tpu.memory_space<hbm>>
            %dma_start3A_109 = tpu.memref_slice %arg13[%sub3A_72] : memref<2x!tpu.dma_semaphore, #tpu.memory_space<semaphore_mem>> -> memref<1x!tpu.dma_semaphore, #tpu.memory_space<semaphore_mem>>
            %dma_start3A_110 = tpu.memref_squeeze %dma_start3A_109 : memref<1x!tpu.dma_semaphore, #tpu.memory_space<semaphore_mem>> -> memref<!tpu.dma_semaphore, #tpu.memory_space<semaphore_mem>>
            tpu.enqueue_indirect_dma source(%dma_start3A_108 : memref<81920x144xf32, #tpu.memory_space<hbm>>) target(%dma_start3A_102 : memref<80x144xf32, #tpu.memory_space<vmem>>) offsets(%dma_start3A_105 : memref<80xi32, #tpu.memory_space<vmem>>) semaphore(%dma_start3A_110 : memref<!tpu.dma_semaphore, #tpu.memory_space<semaphore_mem>>)
          } else {
          }
          %broadcast_in_dim3A_88 = vector.broadcast %rem3A_71 : i32 to vector<16xi32>
          %scan3A_89 = arith.constant 0 : i32
          %scan3A_90 = arith.constant 0 : i32
          %scan3A_91 = arith.constant 5 : i32
          %scan3A_92 = arith.addi %scan3A_90, %scan3A_91 : i32
          %scan3A_93 = arith.constant 1 : i32
          %scan3A_94 = scf.for %scan3A_97 = %scan3A_90 to %scan3A_92 step %scan3A_93 iter_args(%scan3A_98 = %scan3A_89) -> (i32)  : i32 {
            %mul3A_99 = arith.constant 16 : i32
            %mul3A_100 = arith.muli %scan3A_97, %mul3A_99 : i32
            %add3A_101 = vector.broadcast %mul3A_100 : i32 to vector<16xi32>
            %add3A_102 = arith.addi %iota3A, %add3A_101 : vector<16xi32>
            %gather3A = tpu.vector_load_idx %arg10[%broadcast_in_dim3A_88, %add3A_102, %broadcast_in_dim3A_0] : memref<2x80x144xf32, #tpu.memory_space<vmem>>[vector<16xi32>, vector<16xi32>, vector<16xi32>], vector<16xf32>,
            %mul3A_103 = arith.constant 16 : i32
            %mul3A_104 = arith.muli %scan3A_97, %mul3A_103 : i32
            %get3A = arith.index_cast %scan3A_69 : i32 to index
            %get3A_105 = arith.index_cast %mul3A_104 : i32 to index
            %get3A_106 = tpu.vector_load %arg9[%get3A, %get3A_105] {strides = array<i32>} : memref<25x80xi32, #tpu.memory_space<vmem>>, vector<16xi32>,
            %gather3A_107 = tpu.vector_load_idx %arg11[%get3A_106] : memref<10240xf32, #tpu.memory_space<vmem>>[vector<16xi32>], vector<16xf32>,
            %add3A_108 = arith.addf %gather3A, %gather3A_107 : vector<16xf32>
            %gt3A = arith.constant 0.000000e+00 : f32
            %gt3A_109 = vector.broadcast %gt3A : f32 to vector<16xf32>
            %gt3A_110 = arith.cmpf ogt, %add3A_108, %gt3A_109 : vector<16xf32>
            %mul3A_111 = arith.constant 2.000000e-01 : f32
            %mul3A_112 = vector.broadcast %mul3A_111 : f32 to vector<16xf32>
            %mul3A_113 = arith.mulf %mul3A_112, %add3A_108 : vector<16xf32>
            %select_n3A = arith.select %gt3A_110, %add3A_108, %mul3A_113 : vector<16xi1>, vector<16xf32>
            %exp3A = math.exp %select_n3A : vector<16xf32>
            %slice3A = vector.extract_strided_slice %exp3A {offsets = [0], sizes = [1], strides = [1]} : vector<16xf32> to vector<1xf32>
            %squeeze3A = vector.extract %slice3A[0] : f32 from vector<1xf32>
            %broadcast_in_dim3A_114 = vector.broadcast %squeeze3A : f32 to vector<16xf32>
            %mul3A_115 = arith.constant 16 : i32
            %mul3A_116 = arith.muli %scan3A_97, %mul3A_115 : i32
            %add3A_117 = arith.constant 0 : i32
            %add3A_118 = arith.addi %mul3A_116, %add3A_117 : i32
            %get3A_119 = arith.index_cast %rem3A_71 : i32 to index
            %get3A_120 = arith.index_cast %add3A_118 : i32 to index
            %get3A_121 = arith.constant 0 : index
            %get3A_122 = tpu.vector_load %arg10[%get3A_119, %get3A_120, %get3A_121] {strides = array<i32>} : memref<2x80x144xf32, #tpu.memory_space<vmem>>, vector<16xf32>,
            %mul3A_123 = arith.mulf %get3A_122, %broadcast_in_dim3A_114 : vector<16xf32>
            %swap3A = arith.index_cast %rem3A_71 : i32 to index
            %swap3A_124 = arith.index_cast %add3A_118 : i32 to index
            %swap3A_125 = arith.constant 0 : index
            %swap3A_126 = tpu.vector_load %arg10[%swap3A, %swap3A_124, %swap3A_125] {strides = array<i32>} : memref<2x80x144xf32, #tpu.memory_space<vmem>>, vector<16xf32>,
            tpu.vector_store %arg10[%swap3A, %swap3A_124, %swap3A_125], %mul3A_123 {strides = array<i32>} : memref<2x80x144xf32, #tpu.memory_space<vmem>>, vector<16xf32>,
            %get3A_127 = arith.index_cast %rem3A_71 : i32 to index
            %get3A_128 = arith.index_cast %add3A_118 : i32 to index
            %get3A_129 = arith.constant 16 : index
            %get3A_130 = tpu.vector_load %arg10[%get3A_127, %get3A_128, %get3A_129] {strides = array<i32>} : memref<2x80x144xf32, #tpu.memory_space<vmem>>, vector<16xf32>,
            %mul3A_131 = arith.mulf %get3A_130, %broadcast_in_dim3A_114 : vector<16xf32>
            %swap3A_132 = arith.index_cast %rem3A_71 : i32 to index
            %swap3A_133 = arith.index_cast %add3A_118 : i32 to index
            %swap3A_134 = arith.constant 16 : index
            %swap3A_135 = tpu.vector_load %arg10[%swap3A_132, %swap3A_133, %swap3A_134] {strides = array<i32>} : memref<2x80x144xf32, #tpu.memory_space<vmem>>, vector<16xf32>,
            tpu.vector_store %arg10[%swap3A_132, %swap3A_133, %swap3A_134], %mul3A_131 {strides = array<i32>} : memref<2x80x144xf32, #tpu.memory_space<vmem>>, vector<16xf32>,
            %get3A_136 = arith.index_cast %rem3A_71 : i32 to index
            %get3A_137 = arith.index_cast %add3A_118 : i32 to index
            %get3A_138 = arith.constant 32 : index
            %get3A_139 = tpu.vector_load %arg10[%get3A_136, %get3A_137, %get3A_138] {strides = array<i32>} : memref<2x80x144xf32, #tpu.memory_space<vmem>>, vector<16xf32>,
            %mul3A_140 = arith.mulf %get3A_139, %broadcast_in_dim3A_114 : vector<16xf32>
            %swap3A_141 = arith.index_cast %rem3A_71 : i32 to index
            %swap3A_142 = arith.index_cast %add3A_118 : i32 to index
            %swap3A_143 = arith.constant 32 : index
            %swap3A_144 = tpu.vector_load %arg10[%swap3A_141, %swap3A_142, %swap3A_143] {strides = array<i32>} : memref<2x80x144xf32, #tpu.memory_space<vmem>>, vector<16xf32>,
            tpu.vector_store %arg10[%swap3A_141, %swap3A_142, %swap3A_143], %mul3A_140 {strides = array<i32>} : memref<2x80x144xf32, #tpu.memory_space<vmem>>, vector<16xf32>,
            %get3A_145 = arith.index_cast %rem3A_71 : i32 to index
            %get3A_146 = arith.index_cast %add3A_118 : i32 to index
            %get3A_147 = arith.constant 48 : index
            %get3A_148 = tpu.vector_load %arg10[%get3A_145, %get3A_146, %get3A_147] {strides = array<i32>} : memref<2x80x144xf32, #tpu.memory_space<vmem>>, vector<16xf32>,
            %mul3A_149 = arith.mulf %get3A_148, %broadcast_in_dim3A_114 : vector<16xf32>
            %swap3A_150 = arith.index_cast %rem3A_71 : i32 to index
            %swap3A_151 = arith.index_cast %add3A_118 : i32 to index
            %swap3A_152 = arith.constant 48 : index
            %swap3A_153 = tpu.vector_load %arg10[%swap3A_150, %swap3A_151, %swap3A_152] {strides = array<i32>} : memref<2x80x144xf32, #tpu.memory_space<vmem>>, vector<16xf32>,
            tpu.vector_store %arg10[%swap3A_150, %swap3A_151, %swap3A_152], %mul3A_149 {strides = array<i32>} : memref<2x80x144xf32, #tpu.memory_space<vmem>>, vector<16xf32>,
            %get3A_154 = arith.index_cast %rem3A_71 : i32 to index
            %get3A_155 = arith.index_cast %add3A_118 : i32 to index
            %get3A_156 = arith.constant 64 : index
            %get3A_157 = tpu.vector_load %arg10[%get3A_154, %get3A_155, %get3A_156] {strides = array<i32>} : memref<2x80x144xf32, #tpu.memory_space<vmem>>, vector<16xf32>,
            %mul3A_158 = arith.mulf %get3A_157, %broadcast_in_dim3A_114 : vector<16xf32>
            %swap3A_159 = arith.index_cast %rem3A_71 : i32 to index
            %swap3A_160 = arith.index_cast %add3A_118 : i32 to index
            %swap3A_161 = arith.constant 64 : index
            %swap3A_162 = tpu.vector_load %arg10[%swap3A_159, %swap3A_160, %swap3A_161] {strides = array<i32>} : memref<2x80x144xf32, #tpu.memory_space<vmem>>, vector<16xf32>,
            tpu.vector_store %arg10[%swap3A_159, %swap3A_160, %swap3A_161], %mul3A_158 {strides = array<i32>} : memref<2x80x144xf32, #tpu.memory_space<vmem>>, vector<16xf32>,
            %get3A_163 = arith.index_cast %rem3A_71 : i32 to index
            %get3A_164 = arith.index_cast %add3A_118 : i32 to index
            %get3A_165 = arith.constant 80 : index
            %get3A_166 = tpu.vector_load %arg10[%get3A_163, %get3A_164, %get3A_165] {strides = array<i32>} : memref<2x80x144xf32, #tpu.memory_space<vmem>>, vector<16xf32>,
            %mul3A_167 = arith.mulf %get3A_166, %broadcast_in_dim3A_114 : vector<16xf32>
            %swap3A_168 = arith.index_cast %rem3A_71 : i32 to index
            %swap3A_169 = arith.index_cast %add3A_118 : i32 to index
            %swap3A_170 = arith.constant 80 : index
            %swap3A_171 = tpu.vector_load %arg10[%swap3A_168, %swap3A_169, %swap3A_170] {strides = array<i32>} : memref<2x80x144xf32, #tpu.memory_space<vmem>>, vector<16xf32>,
            tpu.vector_store %arg10[%swap3A_168, %swap3A_169, %swap3A_170], %mul3A_167 {strides = array<i32>} : memref<2x80x144xf32, #tpu.memory_space<vmem>>, vector<16xf32>,
            %get3A_172 = arith.index_cast %rem3A_71 : i32 to index
            %get3A_173 = arith.index_cast %add3A_118 : i32 to index
            %get3A_174 = arith.constant 96 : index
            %get3A_175 = tpu.vector_load %arg10[%get3A_172, %get3A_173, %get3A_174] {strides = array<i32>} : memref<2x80x144xf32, #tpu.memory_space<vmem>>, vector<16xf32>,
            %mul3A_176 = arith.mulf %get3A_175, %broadcast_in_dim3A_114 : vector<16xf32>
            %swap3A_177 = arith.index_cast %rem3A_71 : i32 to index
            %swap3A_178 = arith.index_cast %add3A_118 : i32 to index
            %swap3A_179 = arith.constant 96 : index
            %swap3A_180 = tpu.vector_load %arg10[%swap3A_177, %swap3A_178, %swap3A_179] {strides = array<i32>} : memref<2x80x144xf32, #tpu.memory_space<vmem>>, vector<16xf32>,
            tpu.vector_store %arg10[%swap3A_177, %swap3A_178, %swap3A_179], %mul3A_176 {strides = array<i32>} : memref<2x80x144xf32, #tpu.memory_space<vmem>>, vector<16xf32>,
            %get3A_181 = arith.index_cast %rem3A_71 : i32 to index
            %get3A_182 = arith.index_cast %add3A_118 : i32 to index
            %get3A_183 = arith.constant 112 : index
            %get3A_184 = tpu.vector_load %arg10[%get3A_181, %get3A_182, %get3A_183] {strides = array<i32>} : memref<2x80x144xf32, #tpu.memory_space<vmem>>, vector<16xf32>,
            %mul3A_185 = arith.mulf %get3A_184, %broadcast_in_dim3A_114 : vector<16xf32>
            %swap3A_186 = arith.index_cast %rem3A_71 : i32 to index
            %swap3A_187 = arith.index_cast %add3A_118 : i32 to index
            %swap3A_188 = arith.constant 112 : index
            %swap3A_189 = tpu.vector_load %arg10[%swap3A_186, %swap3A_187, %swap3A_188] {strides = array<i32>} : memref<2x80x144xf32, #tpu.memory_space<vmem>>, vector<16xf32>,
            tpu.vector_store %arg10[%swap3A_186, %swap3A_187, %swap3A_188], %mul3A_185 {strides = array<i32>} : memref<2x80x144xf32, #tpu.memory_space<vmem>>, vector<16xf32>,
            %swap3A_190 = arith.index_cast %rem3A_71 : i32 to index
            %swap3A_191 = arith.index_cast %add3A_118 : i32 to index
            %swap3A_192 = arith.constant 128 : index
            %swap3A_193 = tpu.vector_load %arg10[%swap3A_190, %swap3A_191, %swap3A_192] {strides = array<i32>} : memref<2x80x144xf32, #tpu.memory_space<vmem>>, vector<16xf32>,
            tpu.vector_store %arg10[%swap3A_190, %swap3A_191, %swap3A_192], %broadcast_in_dim3A_114 {strides = array<i32>} : memref<2x80x144xf32, #tpu.memory_space<vmem>>, vector<16xf32>,
            %slice3A_194 = vector.extract_strided_slice %exp3A {offsets = [1], sizes = [1], strides = [1]} : vector<16xf32> to vector<1xf32>
            %squeeze3A_195 = vector.extract %slice3A_194[0] : f32 from vector<1xf32>
            %broadcast_in_dim3A_196 = vector.broadcast %squeeze3A_195 : f32 to vector<16xf32>
            %mul3A_197 = arith.constant 16 : i32
            %mul3A_198 = arith.muli %scan3A_97, %mul3A_197 : i32
            %add3A_199 = arith.constant 1 : i32
            %add3A_200 = arith.addi %mul3A_198, %add3A_199 : i32
            %get3A_201 = arith.index_cast %rem3A_71 : i32 to index
            %get3A_202 = arith.index_cast %add3A_200 : i32 to index
            %get3A_203 = arith.constant 0 : index
            %get3A_204 = tpu.vector_load %arg10[%get3A_201, %get3A_202, %get3A_203] {strides = array<i32>} : memref<2x80x144xf32, #tpu.memory_space<vmem>>, vector<16xf32>,
            %mul3A_205 = arith.mulf %get3A_204, %broadcast_in_dim3A_196 : vector<16xf32>
            %swap3A_206 = arith.index_cast %rem3A_71 : i32 to index
            %swap3A_207 = arith.index_cast %add3A_200 : i32 to index
            %swap3A_208 = arith.constant 0 : index
            %swap3A_209 = tpu.vector_load %arg10[%swap3A_206, %swap3A_207, %swap3A_208] {strides = array<i32>} : memref<2x80x144xf32, #tpu.memory_space<vmem>>, vector<16xf32>,
            tpu.vector_store %arg10[%swap3A_206, %swap3A_207, %swap3A_208], %mul3A_205 {strides = array<i32>} : memref<2x80x144xf32, #tpu.memory_space<vmem>>, vector<16xf32>,
            %get3A_210 = arith.index_cast %rem3A_71 : i32 to index
            %get3A_211 = arith.index_cast %add3A_200 : i32 to index
            %get3A_212 = arith.constant 16 : index
            %get3A_213 = tpu.vector_load %arg10[%get3A_210, %get3A_211, %get3A_212] {strides = array<i32>} : memref<2x80x144xf32, #tpu.memory_space<vmem>>, vector<16xf32>,
            %mul3A_214 = arith.mulf %get3A_213, %broadcast_in_dim3A_196 : vector<16xf32>
            %swap3A_215 = arith.index_cast %rem3A_71 : i32 to index
            %swap3A_216 = arith.index_cast %add3A_200 : i32 to index
            %swap3A_217 = arith.constant 16 : index
            %swap3A_218 = tpu.vector_load %arg10[%swap3A_215, %swap3A_216, %swap3A_217] {strides = array<i32>} : memref<2x80x144xf32, #tpu.memory_space<vmem>>, vector<16xf32>,
            tpu.vector_store %arg10[%swap3A_215, %swap3A_216, %swap3A_217], %mul3A_214 {strides = array<i32>} : memref<2x80x144xf32, #tpu.memory_space<vmem>>, vector<16xf32>,
            %get3A_219 = arith.index_cast %rem3A_71 : i32 to index
            %get3A_220 = arith.index_cast %add3A_200 : i32 to index
            %get3A_221 = arith.constant 32 : index
            %get3A_222 = tpu.vector_load %arg10[%get3A_219, %get3A_220, %get3A_221] {strides = array<i32>} : memref<2x80x144xf32, #tpu.memory_space<vmem>>, vector<16xf32>,
            %mul3A_223 = arith.mulf %get3A_222, %broadcast_in_dim3A_196 : vector<16xf32>
            %swap3A_224 = arith.index_cast %rem3A_71 : i32 to index
            %swap3A_225 = arith.index_cast %add3A_200 : i32 to index
            %swap3A_226 = arith.constant 32 : index
            %swap3A_227 = tpu.vector_load %arg10[%swap3A_224, %swap3A_225, %swap3A_226] {strides = array<i32>} : memref<2x80x144xf32, #tpu.memory_space<vmem>>, vector<16xf32>,
            tpu.vector_store %arg10[%swap3A_224, %swap3A_225, %swap3A_226], %mul3A_223 {strides = array<i32>} : memref<2x80x144xf32, #tpu.memory_space<vmem>>, vector<16xf32>,
            %get3A_228 = arith.index_cast %rem3A_71 : i32 to index
            %get3A_229 = arith.index_cast %add3A_200 : i32 to index
            %get3A_230 = arith.constant 48 : index
            %get3A_231 = tpu.vector_load %arg10[%get3A_228, %get3A_229, %get3A_230] {strides = array<i32>} : memref<2x80x144xf32, #tpu.memory_space<vmem>>, vector<16xf32>,
            %mul3A_232 = arith.mulf %get3A_231, %broadcast_in_dim3A_196 : vector<16xf32>
            %swap3A_233 = arith.index_cast %rem3A_71 : i32 to index
            %swap3A_234 = arith.index_cast %add3A_200 : i32 to index
            %swap3A_235 = arith.constant 48 : index
            %swap3A_236 = tpu.vector_load %arg10[%swap3A_233, %swap3A_234, %swap3A_235] {strides = array<i32>} : memref<2x80x144xf32, #tpu.memory_space<vmem>>, vector<16xf32>,
            tpu.vector_store %arg10[%swap3A_233, %swap3A_234, %swap3A_235], %mul3A_232 {strides = array<i32>} : memref<2x80x144xf32, #tpu.memory_space<vmem>>, vector<16xf32>,
            %get3A_237 = arith.index_cast %rem3A_71 : i32 to index
            %get3A_238 = arith.index_cast %add3A_200 : i32 to index
            %get3A_239 = arith.constant 64 : index
            %get3A_240 = tpu.vector_load %arg10[%get3A_237, %get3A_238, %get3A_239] {strides = array<i32>} : memref<2x80x144xf32, #tpu.memory_space<vmem>>, vector<16xf32>,
            %mul3A_241 = arith.mulf %get3A_240, %broadcast_in_dim3A_196 : vector<16xf32>
            %swap3A_242 = arith.index_cast %rem3A_71 : i32 to index
            %swap3A_243 = arith.index_cast %add3A_200 : i32 to index
            %swap3A_244 = arith.constant 64 : index
            %swap3A_245 = tpu.vector_load %arg10[%swap3A_242, %swap3A_243, %swap3A_244] {strides = array<i32>} : memref<2x80x144xf32, #tpu.memory_space<vmem>>, vector<16xf32>,
            tpu.vector_store %arg10[%swap3A_242, %swap3A_243, %swap3A_244], %mul3A_241 {strides = array<i32>} : memref<2x80x144xf32, #tpu.memory_space<vmem>>, vector<16xf32>,
            %get3A_246 = arith.index_cast %rem3A_71 : i32 to index
            %get3A_247 = arith.index_cast %add3A_200 : i32 to index
            %get3A_248 = arith.constant 80 : index
            %get3A_249 = tpu.vector_load %arg10[%get3A_246, %get3A_247, %get3A_248] {strides = array<i32>} : memref<2x80x144xf32, #tpu.memory_space<vmem>>, vector<16xf32>,
            %mul3A_250 = arith.mulf %get3A_249, %broadcast_in_dim3A_196 : vector<16xf32>
            %swap3A_251 = arith.index_cast %rem3A_71 : i32 to index
            %swap3A_252 = arith.index_cast %add3A_200 : i32 to index
            %swap3A_253 = arith.constant 80 : index
            %swap3A_254 = tpu.vector_load %arg10[%swap3A_251, %swap3A_252, %swap3A_253] {strides = array<i32>} : memref<2x80x144xf32, #tpu.memory_space<vmem>>, vector<16xf32>,
            tpu.vector_store %arg10[%swap3A_251, %swap3A_252, %swap3A_253], %mul3A_250 {strides = array<i32>} : memref<2x80x144xf32, #tpu.memory_space<vmem>>, vector<16xf32>,
            %get3A_255 = arith.index_cast %rem3A_71 : i32 to index
            %get3A_256 = arith.index_cast %add3A_200 : i32 to index
            %get3A_257 = arith.constant 96 : index
            %get3A_258 = tpu.vector_load %arg10[%get3A_255, %get3A_256, %get3A_257] {strides = array<i32>} : memref<2x80x144xf32, #tpu.memory_space<vmem>>, vector<16xf32>,
            %mul3A_259 = arith.mulf %get3A_258, %broadcast_in_dim3A_196 : vector<16xf32>
            %swap3A_260 = arith.index_cast %rem3A_71 : i32 to index
            %swap3A_261 = arith.index_cast %add3A_200 : i32 to index
            %swap3A_262 = arith.constant 96 : index
            %swap3A_263 = tpu.vector_load %arg10[%swap3A_260, %swap3A_261, %swap3A_262] {strides = array<i32>} : memref<2x80x144xf32, #tpu.memory_space<vmem>>, vector<16xf32>,
            tpu.vector_store %arg10[%swap3A_260, %swap3A_261, %swap3A_262], %mul3A_259 {strides = array<i32>} : memref<2x80x144xf32, #tpu.memory_space<vmem>>, vector<16xf32>,
            %get3A_264 = arith.index_cast %rem3A_71 : i32 to index
            %get3A_265 = arith.index_cast %add3A_200 : i32 to index
            %get3A_266 = arith.constant 112 : index
            %get3A_267 = tpu.vector_load %arg10[%get3A_264, %get3A_265, %get3A_266] {strides = array<i32>} : memref<2x80x144xf32, #tpu.memory_space<vmem>>, vector<16xf32>,
            %mul3A_268 = arith.mulf %get3A_267, %broadcast_in_dim3A_196 : vector<16xf32>
            %swap3A_269 = arith.index_cast %rem3A_71 : i32 to index
            %swap3A_270 = arith.index_cast %add3A_200 : i32 to index
            %swap3A_271 = arith.constant 112 : index
            %swap3A_272 = tpu.vector_load %arg10[%swap3A_269, %swap3A_270, %swap3A_271] {strides = array<i32>} : memref<2x80x144xf32, #tpu.memory_space<vmem>>, vector<16xf32>,
            tpu.vector_store %arg10[%swap3A_269, %swap3A_270, %swap3A_271], %mul3A_268 {strides = array<i32>} : memref<2x80x144xf32, #tpu.memory_space<vmem>>, vector<16xf32>,
            %swap3A_273 = arith.index_cast %rem3A_71 : i32 to index
            %swap3A_274 = arith.index_cast %add3A_200 : i32 to index
            %swap3A_275 = arith.constant 128 : index
            %swap3A_276 = tpu.vector_load %arg10[%swap3A_273, %swap3A_274, %swap3A_275] {strides = array<i32>} : memref<2x80x144xf32, #tpu.memory_space<vmem>>, vector<16xf32>,
            tpu.vector_store %arg10[%swap3A_273, %swap3A_274, %swap3A_275], %broadcast_in_dim3A_196 {strides = array<i32>} : memref<2x80x144xf32, #tpu.memory_space<vmem>>, vector<16xf32>,
            %slice3A_277 = vector.extract_strided_slice %exp3A {offsets = [2], sizes = [1], strides = [1]} : vector<16xf32> to vector<1xf32>
            %squeeze3A_278 = vector.extract %slice3A_277[0] : f32 from vector<1xf32>
            %broadcast_in_dim3A_279 = vector.broadcast %squeeze3A_278 : f32 to vector<16xf32>
            %mul3A_280 = arith.constant 16 : i32
            %mul3A_281 = arith.muli %scan3A_97, %mul3A_280 : i32
            %add3A_282 = arith.constant 2 : i32
            %add3A_283 = arith.addi %mul3A_281, %add3A_282 : i32
            %get3A_284 = arith.index_cast %rem3A_71 : i32 to index
            %get3A_285 = arith.index_cast %add3A_283 : i32 to index
            %get3A_286 = arith.constant 0 : index
            %get3A_287 = tpu.vector_load %arg10[%get3A_284, %get3A_285, %get3A_286] {strides = array<i32>} : memref<2x80x144xf32, #tpu.memory_space<vmem>>, vector<16xf32>,
            %mul3A_288 = arith.mulf %get3A_287, %broadcast_in_dim3A_279 : vector<16xf32>
            %swap3A_289 = arith.index_cast %rem3A_71 : i32 to index
            %swap3A_290 = arith.index_cast %add3A_283 : i32 to index
            %swap3A_291 = arith.constant 0 : index
            %swap3A_292 = tpu.vector_load %arg10[%swap3A_289, %swap3A_290, %swap3A_291] {strides = array<i32>} : memref<2x80x144xf32, #tpu.memory_space<vmem>>, vector<16xf32>,
            tpu.vector_store %arg10[%swap3A_289, %swap3A_290, %swap3A_291], %mul3A_288 {strides = array<i32>} : memref<2x80x144xf32, #tpu.memory_space<vmem>>, vector<16xf32>,
            %get3A_293 = arith.index_cast %rem3A_71 : i32 to index
            %get3A_294 = arith.index_cast %add3A_283 : i32 to index
            %get3A_295 = arith.constant 16 : index
            %get3A_296 = tpu.vector_load %arg10[%get3A_293, %get3A_294, %get3A_295] {strides = array<i32>} : memref<2x80x144xf32, #tpu.memory_space<vmem>>, vector<16xf32>,
            %mul3A_297 = arith.mulf %get3A_296, %broadcast_in_dim3A_279 : vector<16xf32>
            %swap3A_298 = arith.index_cast %rem3A_71 : i32 to index
            %swap3A_299 = arith.index_cast %add3A_283 : i32 to index
            %swap3A_300 = arith.constant 16 : index
            %swap3A_301 = tpu.vector_load %arg10[%swap3A_298, %swap3A_299, %swap3A_300] {strides = array<i32>} : memref<2x80x144xf32, #tpu.memory_space<vmem>>, vector<16xf32>,
            tpu.vector_store %arg10[%swap3A_298, %swap3A_299, %swap3A_300], %mul3A_297 {strides = array<i32>} : memref<2x80x144xf32, #tpu.memory_space<vmem>>, vector<16xf32>,
            %get3A_302 = arith.index_cast %rem3A_71 : i32 to index
            %get3A_303 = arith.index_cast %add3A_283 : i32 to index
            %get3A_304 = arith.constant 32 : index
            %get3A_305 = tpu.vector_load %arg10[%get3A_302, %get3A_303, %get3A_304] {strides = array<i32>} : memref<2x80x144xf32, #tpu.memory_space<vmem>>, vector<16xf32>,
            %mul3A_306 = arith.mulf %get3A_305, %broadcast_in_dim3A_279 : vector<16xf32>
            %swap3A_307 = arith.index_cast %rem3A_71 : i32 to index
            %swap3A_308 = arith.index_cast %add3A_283 : i32 to index
            %swap3A_309 = arith.constant 32 : index
            %swap3A_310 = tpu.vector_load %arg10[%swap3A_307, %swap3A_308, %swap3A_309] {strides = array<i32>} : memref<2x80x144xf32, #tpu.memory_space<vmem>>, vector<16xf32>,
            tpu.vector_store %arg10[%swap3A_307, %swap3A_308, %swap3A_309], %mul3A_306 {strides = array<i32>} : memref<2x80x144xf32, #tpu.memory_space<vmem>>, vector<16xf32>,
            %get3A_311 = arith.index_cast %rem3A_71 : i32 to index
            %get3A_312 = arith.index_cast %add3A_283 : i32 to index
            %get3A_313 = arith.constant 48 : index
            %get3A_314 = tpu.vector_load %arg10[%get3A_311, %get3A_312, %get3A_313] {strides = array<i32>} : memref<2x80x144xf32, #tpu.memory_space<vmem>>, vector<16xf32>,
            %mul3A_315 = arith.mulf %get3A_314, %broadcast_in_dim3A_279 : vector<16xf32>
            %swap3A_316 = arith.index_cast %rem3A_71 : i32 to index
            %swap3A_317 = arith.index_cast %add3A_283 : i32 to index
            %swap3A_318 = arith.constant 48 : index
            %swap3A_319 = tpu.vector_load %arg10[%swap3A_316, %swap3A_317, %swap3A_318] {strides = array<i32>} : memref<2x80x144xf32, #tpu.memory_space<vmem>>, vector<16xf32>,
            tpu.vector_store %arg10[%swap3A_316, %swap3A_317, %swap3A_318], %mul3A_315 {strides = array<i32>} : memref<2x80x144xf32, #tpu.memory_space<vmem>>, vector<16xf32>,
            %get3A_320 = arith.index_cast %rem3A_71 : i32 to index
            %get3A_321 = arith.index_cast %add3A_283 : i32 to index
            %get3A_322 = arith.constant 64 : index
            %get3A_323 = tpu.vector_load %arg10[%get3A_320, %get3A_321, %get3A_322] {strides = array<i32>} : memref<2x80x144xf32, #tpu.memory_space<vmem>>, vector<16xf32>,
            %mul3A_324 = arith.mulf %get3A_323, %broadcast_in_dim3A_279 : vector<16xf32>
            %swap3A_325 = arith.index_cast %rem3A_71 : i32 to index
            %swap3A_326 = arith.index_cast %add3A_283 : i32 to index
            %swap3A_327 = arith.constant 64 : index
            %swap3A_328 = tpu.vector_load %arg10[%swap3A_325, %swap3A_326, %swap3A_327] {strides = array<i32>} : memref<2x80x144xf32, #tpu.memory_space<vmem>>, vector<16xf32>,
            tpu.vector_store %arg10[%swap3A_325, %swap3A_326, %swap3A_327], %mul3A_324 {strides = array<i32>} : memref<2x80x144xf32, #tpu.memory_space<vmem>>, vector<16xf32>,
            %get3A_329 = arith.index_cast %rem3A_71 : i32 to index
            %get3A_330 = arith.index_cast %add3A_283 : i32 to index
            %get3A_331 = arith.constant 80 : index
            %get3A_332 = tpu.vector_load %arg10[%get3A_329, %get3A_330, %get3A_331] {strides = array<i32>} : memref<2x80x144xf32, #tpu.memory_space<vmem>>, vector<16xf32>,
            %mul3A_333 = arith.mulf %get3A_332, %broadcast_in_dim3A_279 : vector<16xf32>
            %swap3A_334 = arith.index_cast %rem3A_71 : i32 to index
            %swap3A_335 = arith.index_cast %add3A_283 : i32 to index
            %swap3A_336 = arith.constant 80 : index
            %swap3A_337 = tpu.vector_load %arg10[%swap3A_334, %swap3A_335, %swap3A_336] {strides = array<i32>} : memref<2x80x144xf32, #tpu.memory_space<vmem>>, vector<16xf32>,
            tpu.vector_store %arg10[%swap3A_334, %swap3A_335, %swap3A_336], %mul3A_333 {strides = array<i32>} : memref<2x80x144xf32, #tpu.memory_space<vmem>>, vector<16xf32>,
            %get3A_338 = arith.index_cast %rem3A_71 : i32 to index
            %get3A_339 = arith.index_cast %add3A_283 : i32 to index
            %get3A_340 = arith.constant 96 : index
            %get3A_341 = tpu.vector_load %arg10[%get3A_338, %get3A_339, %get3A_340] {strides = array<i32>} : memref<2x80x144xf32, #tpu.memory_space<vmem>>, vector<16xf32>,
            %mul3A_342 = arith.mulf %get3A_341, %broadcast_in_dim3A_279 : vector<16xf32>
            %swap3A_343 = arith.index_cast %rem3A_71 : i32 to index
            %swap3A_344 = arith.index_cast %add3A_283 : i32 to index
            %swap3A_345 = arith.constant 96 : index
            %swap3A_346 = tpu.vector_load %arg10[%swap3A_343, %swap3A_344, %swap3A_345] {strides = array<i32>} : memref<2x80x144xf32, #tpu.memory_space<vmem>>, vector<16xf32>,
            tpu.vector_store %arg10[%swap3A_343, %swap3A_344, %swap3A_345], %mul3A_342 {strides = array<i32>} : memref<2x80x144xf32, #tpu.memory_space<vmem>>, vector<16xf32>,
            %get3A_347 = arith.index_cast %rem3A_71 : i32 to index
            %get3A_348 = arith.index_cast %add3A_283 : i32 to index
            %get3A_349 = arith.constant 112 : index
            %get3A_350 = tpu.vector_load %arg10[%get3A_347, %get3A_348, %get3A_349] {strides = array<i32>} : memref<2x80x144xf32, #tpu.memory_space<vmem>>, vector<16xf32>,
            %mul3A_351 = arith.mulf %get3A_350, %broadcast_in_dim3A_279 : vector<16xf32>
            %swap3A_352 = arith.index_cast %rem3A_71 : i32 to index
            %swap3A_353 = arith.index_cast %add3A_283 : i32 to index
            %swap3A_354 = arith.constant 112 : index
            %swap3A_355 = tpu.vector_load %arg10[%swap3A_352, %swap3A_353, %swap3A_354] {strides = array<i32>} : memref<2x80x144xf32, #tpu.memory_space<vmem>>, vector<16xf32>,
            tpu.vector_store %arg10[%swap3A_352, %swap3A_353, %swap3A_354], %mul3A_351 {strides = array<i32>} : memref<2x80x144xf32, #tpu.memory_space<vmem>>, vector<16xf32>,
            %swap3A_356 = arith.index_cast %rem3A_71 : i32 to index
            %swap3A_357 = arith.index_cast %add3A_283 : i32 to index
            %swap3A_358 = arith.constant 128 : index
            %swap3A_359 = tpu.vector_load %arg10[%swap3A_356, %swap3A_357, %swap3A_358] {strides = array<i32>} : memref<2x80x144xf32, #tpu.memory_space<vmem>>, vector<16xf32>,
            tpu.vector_store %arg10[%swap3A_356, %swap3A_357, %swap3A_358], %broadcast_in_dim3A_279 {strides = array<i32>} : memref<2x80x144xf32, #tpu.memory_space<vmem>>, vector<16xf32>,
            %slice3A_360 = vector.extract_strided_slice %exp3A {offsets = [3], sizes = [1], strides = [1]} : vector<16xf32> to vector<1xf32>
            %squeeze3A_361 = vector.extract %slice3A_360[0] : f32 from vector<1xf32>
            %broadcast_in_dim3A_362 = vector.broadcast %squeeze3A_361 : f32 to vector<16xf32>
            %mul3A_363 = arith.constant 16 : i32
            %mul3A_364 = arith.muli %scan3A_97, %mul3A_363 : i32
            %add3A_365 = arith.constant 3 : i32
            %add3A_366 = arith.addi %mul3A_364, %add3A_365 : i32
            %get3A_367 = arith.index_cast %rem3A_71 : i32 to index
            %get3A_368 = arith.index_cast %add3A_366 : i32 to index
            %get3A_369 = arith.constant 0 : index
            %get3A_370 = tpu.vector_load %arg10[%get3A_367, %get3A_368, %get3A_369] {strides = array<i32>} : memref<2x80x144xf32, #tpu.memory_space<vmem>>, vector<16xf32>,
            %mul3A_371 = arith.mulf %get3A_370, %broadcast_in_dim3A_362 : vector<16xf32>
            %swap3A_372 = arith.index_cast %rem3A_71 : i32 to index
            %swap3A_373 = arith.index_cast %add3A_366 : i32 to index
            %swap3A_374 = arith.constant 0 : index
            %swap3A_375 = tpu.vector_load %arg10[%swap3A_372, %swap3A_373, %swap3A_374] {strides = array<i32>} : memref<2x80x144xf32, #tpu.memory_space<vmem>>, vector<16xf32>,
            tpu.vector_store %arg10[%swap3A_372, %swap3A_373, %swap3A_374], %mul3A_371 {strides = array<i32>} : memref<2x80x144xf32, #tpu.memory_space<vmem>>, vector<16xf32>,
            %get3A_376 = arith.index_cast %rem3A_71 : i32 to index
            %get3A_377 = arith.index_cast %add3A_366 : i32 to index
            %get3A_378 = arith.constant 16 : index
            %get3A_379 = tpu.vector_load %arg10[%get3A_376, %get3A_377, %get3A_378] {strides = array<i32>} : memref<2x80x144xf32, #tpu.memory_space<vmem>>, vector<16xf32>,
            %mul3A_380 = arith.mulf %get3A_379, %broadcast_in_dim3A_362 : vector<16xf32>
            %swap3A_381 = arith.index_cast %rem3A_71 : i32 to index
            %swap3A_382 = arith.index_cast %add3A_366 : i32 to index
            %swap3A_383 = arith.constant 16 : index
            %swap3A_384 = tpu.vector_load %arg10[%swap3A_381, %swap3A_382, %swap3A_383] {strides = array<i32>} : memref<2x80x144xf32, #tpu.memory_space<vmem>>, vector<16xf32>,
            tpu.vector_store %arg10[%swap3A_381, %swap3A_382, %swap3A_383], %mul3A_380 {strides = array<i32>} : memref<2x80x144xf32, #tpu.memory_space<vmem>>, vector<16xf32>,
            %get3A_385 = arith.index_cast %rem3A_71 : i32 to index
            %get3A_386 = arith.index_cast %add3A_366 : i32 to index
            %get3A_387 = arith.constant 32 : index
            %get3A_388 = tpu.vector_load %arg10[%get3A_385, %get3A_386, %get3A_387] {strides = array<i32>} : memref<2x80x144xf32, #tpu.memory_space<vmem>>, vector<16xf32>,
            %mul3A_389 = arith.mulf %get3A_388, %broadcast_in_dim3A_362 : vector<16xf32>
            %swap3A_390 = arith.index_cast %rem3A_71 : i32 to index
            %swap3A_391 = arith.index_cast %add3A_366 : i32 to index
            %swap3A_392 = arith.constant 32 : index
            %swap3A_393 = tpu.vector_load %arg10[%swap3A_390, %swap3A_391, %swap3A_392] {strides = array<i32>} : memref<2x80x144xf32, #tpu.memory_space<vmem>>, vector<16xf32>,
            tpu.vector_store %arg10[%swap3A_390, %swap3A_391, %swap3A_392], %mul3A_389 {strides = array<i32>} : memref<2x80x144xf32, #tpu.memory_space<vmem>>, vector<16xf32>,
            %get3A_394 = arith.index_cast %rem3A_71 : i32 to index
            %get3A_395 = arith.index_cast %add3A_366 : i32 to index
            %get3A_396 = arith.constant 48 : index
            %get3A_397 = tpu.vector_load %arg10[%get3A_394, %get3A_395, %get3A_396] {strides = array<i32>} : memref<2x80x144xf32, #tpu.memory_space<vmem>>, vector<16xf32>,
            %mul3A_398 = arith.mulf %get3A_397, %broadcast_in_dim3A_362 : vector<16xf32>
            %swap3A_399 = arith.index_cast %rem3A_71 : i32 to index
            %swap3A_400 = arith.index_cast %add3A_366 : i32 to index
            %swap3A_401 = arith.constant 48 : index
            %swap3A_402 = tpu.vector_load %arg10[%swap3A_399, %swap3A_400, %swap3A_401] {strides = array<i32>} : memref<2x80x144xf32, #tpu.memory_space<vmem>>, vector<16xf32>,
            tpu.vector_store %arg10[%swap3A_399, %swap3A_400, %swap3A_401], %mul3A_398 {strides = array<i32>} : memref<2x80x144xf32, #tpu.memory_space<vmem>>, vector<16xf32>,
            %get3A_403 = arith.index_cast %rem3A_71 : i32 to index
            %get3A_404 = arith.index_cast %add3A_366 : i32 to index
            %get3A_405 = arith.constant 64 : index
            %get3A_406 = tpu.vector_load %arg10[%get3A_403, %get3A_404, %get3A_405] {strides = array<i32>} : memref<2x80x144xf32, #tpu.memory_space<vmem>>, vector<16xf32>,
            %mul3A_407 = arith.mulf %get3A_406, %broadcast_in_dim3A_362 : vector<16xf32>
            %swap3A_408 = arith.index_cast %rem3A_71 : i32 to index
            %swap3A_409 = arith.index_cast %add3A_366 : i32 to index
            %swap3A_410 = arith.constant 64 : index
            %swap3A_411 = tpu.vector_load %arg10[%swap3A_408, %swap3A_409, %swap3A_410] {strides = array<i32>} : memref<2x80x144xf32, #tpu.memory_space<vmem>>, vector<16xf32>,
            tpu.vector_store %arg10[%swap3A_408, %swap3A_409, %swap3A_410], %mul3A_407 {strides = array<i32>} : memref<2x80x144xf32, #tpu.memory_space<vmem>>, vector<16xf32>,
            %get3A_412 = arith.index_cast %rem3A_71 : i32 to index
            %get3A_413 = arith.index_cast %add3A_366 : i32 to index
            %get3A_414 = arith.constant 80 : index
            %get3A_415 = tpu.vector_load %arg10[%get3A_412, %get3A_413, %get3A_414] {strides = array<i32>} : memref<2x80x144xf32, #tpu.memory_space<vmem>>, vector<16xf32>,
            %mul3A_416 = arith.mulf %get3A_415, %broadcast_in_dim3A_362 : vector<16xf32>
            %swap3A_417 = arith.index_cast %rem3A_71 : i32 to index
            %swap3A_418 = arith.index_cast %add3A_366 : i32 to index
            %swap3A_419 = arith.constant 80 : index
            %swap3A_420 = tpu.vector_load %arg10[%swap3A_417, %swap3A_418, %swap3A_419] {strides = array<i32>} : memref<2x80x144xf32, #tpu.memory_space<vmem>>, vector<16xf32>,
            tpu.vector_store %arg10[%swap3A_417, %swap3A_418, %swap3A_419], %mul3A_416 {strides = array<i32>} : memref<2x80x144xf32, #tpu.memory_space<vmem>>, vector<16xf32>,
            %get3A_421 = arith.index_cast %rem3A_71 : i32 to index
            %get3A_422 = arith.index_cast %add3A_366 : i32 to index
            %get3A_423 = arith.constant 96 : index
            %get3A_424 = tpu.vector_load %arg10[%get3A_421, %get3A_422, %get3A_423] {strides = array<i32>} : memref<2x80x144xf32, #tpu.memory_space<vmem>>, vector<16xf32>,
            %mul3A_425 = arith.mulf %get3A_424, %broadcast_in_dim3A_362 : vector<16xf32>
            %swap3A_426 = arith.index_cast %rem3A_71 : i32 to index
            %swap3A_427 = arith.index_cast %add3A_366 : i32 to index
            %swap3A_428 = arith.constant 96 : index
            %swap3A_429 = tpu.vector_load %arg10[%swap3A_426, %swap3A_427, %swap3A_428] {strides = array<i32>} : memref<2x80x144xf32, #tpu.memory_space<vmem>>, vector<16xf32>,
            tpu.vector_store %arg10[%swap3A_426, %swap3A_427, %swap3A_428], %mul3A_425 {strides = array<i32>} : memref<2x80x144xf32, #tpu.memory_space<vmem>>, vector<16xf32>,
            %get3A_430 = arith.index_cast %rem3A_71 : i32 to index
            %get3A_431 = arith.index_cast %add3A_366 : i32 to index
            %get3A_432 = arith.constant 112 : index
            %get3A_433 = tpu.vector_load %arg10[%get3A_430, %get3A_431, %get3A_432] {strides = array<i32>} : memref<2x80x144xf32, #tpu.memory_space<vmem>>, vector<16xf32>,
            %mul3A_434 = arith.mulf %get3A_433, %broadcast_in_dim3A_362 : vector<16xf32>
            %swap3A_435 = arith.index_cast %rem3A_71 : i32 to index
            %swap3A_436 = arith.index_cast %add3A_366 : i32 to index
            %swap3A_437 = arith.constant 112 : index
            %swap3A_438 = tpu.vector_load %arg10[%swap3A_435, %swap3A_436, %swap3A_437] {strides = array<i32>} : memref<2x80x144xf32, #tpu.memory_space<vmem>>, vector<16xf32>,
            tpu.vector_store %arg10[%swap3A_435, %swap3A_436, %swap3A_437], %mul3A_434 {strides = array<i32>} : memref<2x80x144xf32, #tpu.memory_space<vmem>>, vector<16xf32>,
            %swap3A_439 = arith.index_cast %rem3A_71 : i32 to index
            %swap3A_440 = arith.index_cast %add3A_366 : i32 to index
            %swap3A_441 = arith.constant 128 : index
            %swap3A_442 = tpu.vector_load %arg10[%swap3A_439, %swap3A_440, %swap3A_441] {strides = array<i32>} : memref<2x80x144xf32, #tpu.memory_space<vmem>>, vector<16xf32>,
            tpu.vector_store %arg10[%swap3A_439, %swap3A_440, %swap3A_441], %broadcast_in_dim3A_362 {strides = array<i32>} : memref<2x80x144xf32, #tpu.memory_space<vmem>>, vector<16xf32>,
            %slice3A_443 = vector.extract_strided_slice %exp3A {offsets = [4], sizes = [1], strides = [1]} : vector<16xf32> to vector<1xf32>
            %squeeze3A_444 = vector.extract %slice3A_443[0] : f32 from vector<1xf32>
            %broadcast_in_dim3A_445 = vector.broadcast %squeeze3A_444 : f32 to vector<16xf32>
            %mul3A_446 = arith.constant 16 : i32
            %mul3A_447 = arith.muli %scan3A_97, %mul3A_446 : i32
            %add3A_448 = arith.constant 4 : i32
            %add3A_449 = arith.addi %mul3A_447, %add3A_448 : i32
            %get3A_450 = arith.index_cast %rem3A_71 : i32 to index
            %get3A_451 = arith.index_cast %add3A_449 : i32 to index
            %get3A_452 = arith.constant 0 : index
            %get3A_453 = tpu.vector_load %arg10[%get3A_450, %get3A_451, %get3A_452] {strides = array<i32>} : memref<2x80x144xf32, #tpu.memory_space<vmem>>, vector<16xf32>,
            %mul3A_454 = arith.mulf %get3A_453, %broadcast_in_dim3A_445 : vector<16xf32>
            %swap3A_455 = arith.index_cast %rem3A_71 : i32 to index
            %swap3A_456 = arith.index_cast %add3A_449 : i32 to index
            %swap3A_457 = arith.constant 0 : index
            %swap3A_458 = tpu.vector_load %arg10[%swap3A_455, %swap3A_456, %swap3A_457] {strides = array<i32>} : memref<2x80x144xf32, #tpu.memory_space<vmem>>, vector<16xf32>,
            tpu.vector_store %arg10[%swap3A_455, %swap3A_456, %swap3A_457], %mul3A_454 {strides = array<i32>} : memref<2x80x144xf32, #tpu.memory_space<vmem>>, vector<16xf32>,
            %get3A_459 = arith.index_cast %rem3A_71 : i32 to index
            %get3A_460 = arith.index_cast %add3A_449 : i32 to index
            %get3A_461 = arith.constant 16 : index
            %get3A_462 = tpu.vector_load %arg10[%get3A_459, %get3A_460, %get3A_461] {strides = array<i32>} : memref<2x80x144xf32, #tpu.memory_space<vmem>>, vector<16xf32>,
            %mul3A_463 = arith.mulf %get3A_462, %broadcast_in_dim3A_445 : vector<16xf32>
            %swap3A_464 = arith.index_cast %rem3A_71 : i32 to index
            %swap3A_465 = arith.index_cast %add3A_449 : i32 to index
            %swap3A_466 = arith.constant 16 : index
            %swap3A_467 = tpu.vector_load %arg10[%swap3A_464, %swap3A_465, %swap3A_466] {strides = array<i32>} : memref<2x80x144xf32, #tpu.memory_space<vmem>>, vector<16xf32>,
            tpu.vector_store %arg10[%swap3A_464, %swap3A_465, %swap3A_466], %mul3A_463 {strides = array<i32>} : memref<2x80x144xf32, #tpu.memory_space<vmem>>, vector<16xf32>,
            %get3A_468 = arith.index_cast %rem3A_71 : i32 to index
            %get3A_469 = arith.index_cast %add3A_449 : i32 to index
            %get3A_470 = arith.constant 32 : index
            %get3A_471 = tpu.vector_load %arg10[%get3A_468, %get3A_469, %get3A_470] {strides = array<i32>} : memref<2x80x144xf32, #tpu.memory_space<vmem>>, vector<16xf32>,
            %mul3A_472 = arith.mulf %get3A_471, %broadcast_in_dim3A_445 : vector<16xf32>
            %swap3A_473 = arith.index_cast %rem3A_71 : i32 to index
            %swap3A_474 = arith.index_cast %add3A_449 : i32 to index
            %swap3A_475 = arith.constant 32 : index
            %swap3A_476 = tpu.vector_load %arg10[%swap3A_473, %swap3A_474, %swap3A_475] {strides = array<i32>} : memref<2x80x144xf32, #tpu.memory_space<vmem>>, vector<16xf32>,
            tpu.vector_store %arg10[%swap3A_473, %swap3A_474, %swap3A_475], %mul3A_472 {strides = array<i32>} : memref<2x80x144xf32, #tpu.memory_space<vmem>>, vector<16xf32>,
            %get3A_477 = arith.index_cast %rem3A_71 : i32 to index
            %get3A_478 = arith.index_cast %add3A_449 : i32 to index
            %get3A_479 = arith.constant 48 : index
            %get3A_480 = tpu.vector_load %arg10[%get3A_477, %get3A_478, %get3A_479] {strides = array<i32>} : memref<2x80x144xf32, #tpu.memory_space<vmem>>, vector<16xf32>,
            %mul3A_481 = arith.mulf %get3A_480, %broadcast_in_dim3A_445 : vector<16xf32>
            %swap3A_482 = arith.index_cast %rem3A_71 : i32 to index
            %swap3A_483 = arith.index_cast %add3A_449 : i32 to index
            %swap3A_484 = arith.constant 48 : index
            %swap3A_485 = tpu.vector_load %arg10[%swap3A_482, %swap3A_483, %swap3A_484] {strides = array<i32>} : memref<2x80x144xf32, #tpu.memory_space<vmem>>, vector<16xf32>,
            tpu.vector_store %arg10[%swap3A_482, %swap3A_483, %swap3A_484], %mul3A_481 {strides = array<i32>} : memref<2x80x144xf32, #tpu.memory_space<vmem>>, vector<16xf32>,
            %get3A_486 = arith.index_cast %rem3A_71 : i32 to index
            %get3A_487 = arith.index_cast %add3A_449 : i32 to index
            %get3A_488 = arith.constant 64 : index
            %get3A_489 = tpu.vector_load %arg10[%get3A_486, %get3A_487, %get3A_488] {strides = array<i32>} : memref<2x80x144xf32, #tpu.memory_space<vmem>>, vector<16xf32>,
            %mul3A_490 = arith.mulf %get3A_489, %broadcast_in_dim3A_445 : vector<16xf32>
            %swap3A_491 = arith.index_cast %rem3A_71 : i32 to index
            %swap3A_492 = arith.index_cast %add3A_449 : i32 to index
            %swap3A_493 = arith.constant 64 : index
            %swap3A_494 = tpu.vector_load %arg10[%swap3A_491, %swap3A_492, %swap3A_493] {strides = array<i32>} : memref<2x80x144xf32, #tpu.memory_space<vmem>>, vector<16xf32>,
            tpu.vector_store %arg10[%swap3A_491, %swap3A_492, %swap3A_493], %mul3A_490 {strides = array<i32>} : memref<2x80x144xf32, #tpu.memory_space<vmem>>, vector<16xf32>,
            %get3A_495 = arith.index_cast %rem3A_71 : i32 to index
            %get3A_496 = arith.index_cast %add3A_449 : i32 to index
            %get3A_497 = arith.constant 80 : index
            %get3A_498 = tpu.vector_load %arg10[%get3A_495, %get3A_496, %get3A_497] {strides = array<i32>} : memref<2x80x144xf32, #tpu.memory_space<vmem>>, vector<16xf32>,
            %mul3A_499 = arith.mulf %get3A_498, %broadcast_in_dim3A_445 : vector<16xf32>
            %swap3A_500 = arith.index_cast %rem3A_71 : i32 to index
            %swap3A_501 = arith.index_cast %add3A_449 : i32 to index
            %swap3A_502 = arith.constant 80 : index
            %swap3A_503 = tpu.vector_load %arg10[%swap3A_500, %swap3A_501, %swap3A_502] {strides = array<i32>} : memref<2x80x144xf32, #tpu.memory_space<vmem>>, vector<16xf32>,
            tpu.vector_store %arg10[%swap3A_500, %swap3A_501, %swap3A_502], %mul3A_499 {strides = array<i32>} : memref<2x80x144xf32, #tpu.memory_space<vmem>>, vector<16xf32>,
            %get3A_504 = arith.index_cast %rem3A_71 : i32 to index
            %get3A_505 = arith.index_cast %add3A_449 : i32 to index
            %get3A_506 = arith.constant 96 : index
            %get3A_507 = tpu.vector_load %arg10[%get3A_504, %get3A_505, %get3A_506] {strides = array<i32>} : memref<2x80x144xf32, #tpu.memory_space<vmem>>, vector<16xf32>,
            %mul3A_508 = arith.mulf %get3A_507, %broadcast_in_dim3A_445 : vector<16xf32>
            %swap3A_509 = arith.index_cast %rem3A_71 : i32 to index
            %swap3A_510 = arith.index_cast %add3A_449 : i32 to index
            %swap3A_511 = arith.constant 96 : index
            %swap3A_512 = tpu.vector_load %arg10[%swap3A_509, %swap3A_510, %swap3A_511] {strides = array<i32>} : memref<2x80x144xf32, #tpu.memory_space<vmem>>, vector<16xf32>,
            tpu.vector_store %arg10[%swap3A_509, %swap3A_510, %swap3A_511], %mul3A_508 {strides = array<i32>} : memref<2x80x144xf32, #tpu.memory_space<vmem>>, vector<16xf32>,
            %get3A_513 = arith.index_cast %rem3A_71 : i32 to index
            %get3A_514 = arith.index_cast %add3A_449 : i32 to index
            %get3A_515 = arith.constant 112 : index
            %get3A_516 = tpu.vector_load %arg10[%get3A_513, %get3A_514, %get3A_515] {strides = array<i32>} : memref<2x80x144xf32, #tpu.memory_space<vmem>>, vector<16xf32>,
            %mul3A_517 = arith.mulf %get3A_516, %broadcast_in_dim3A_445 : vector<16xf32>
            %swap3A_518 = arith.index_cast %rem3A_71 : i32 to index
            %swap3A_519 = arith.index_cast %add3A_449 : i32 to index
            %swap3A_520 = arith.constant 112 : index
            %swap3A_521 = tpu.vector_load %arg10[%swap3A_518, %swap3A_519, %swap3A_520] {strides = array<i32>} : memref<2x80x144xf32, #tpu.memory_space<vmem>>, vector<16xf32>,
            tpu.vector_store %arg10[%swap3A_518, %swap3A_519, %swap3A_520], %mul3A_517 {strides = array<i32>} : memref<2x80x144xf32, #tpu.memory_space<vmem>>, vector<16xf32>,
            %swap3A_522 = arith.index_cast %rem3A_71 : i32 to index
            %swap3A_523 = arith.index_cast %add3A_449 : i32 to index
            %swap3A_524 = arith.constant 128 : index
            %swap3A_525 = tpu.vector_load %arg10[%swap3A_522, %swap3A_523, %swap3A_524] {strides = array<i32>} : memref<2x80x144xf32, #tpu.memory_space<vmem>>, vector<16xf32>,
            tpu.vector_store %arg10[%swap3A_522, %swap3A_523, %swap3A_524], %broadcast_in_dim3A_445 {strides = array<i32>} : memref<2x80x144xf32, #tpu.memory_space<vmem>>, vector<16xf32>,
            %slice3A_526 = vector.extract_strided_slice %exp3A {offsets = [5], sizes = [1], strides = [1]} : vector<16xf32> to vector<1xf32>
            %squeeze3A_527 = vector.extract %slice3A_526[0] : f32 from vector<1xf32>
            %broadcast_in_dim3A_528 = vector.broadcast %squeeze3A_527 : f32 to vector<16xf32>
            %mul3A_529 = arith.constant 16 : i32
            %mul3A_530 = arith.muli %scan3A_97, %mul3A_529 : i32
            %add3A_531 = arith.constant 5 : i32
            %add3A_532 = arith.addi %mul3A_530, %add3A_531 : i32
            %get3A_533 = arith.index_cast %rem3A_71 : i32 to index
            %get3A_534 = arith.index_cast %add3A_532 : i32 to index
            %get3A_535 = arith.constant 0 : index
            %get3A_536 = tpu.vector_load %arg10[%get3A_533, %get3A_534, %get3A_535] {strides = array<i32>} : memref<2x80x144xf32, #tpu.memory_space<vmem>>, vector<16xf32>,
            %mul3A_537 = arith.mulf %get3A_536, %broadcast_in_dim3A_528 : vector<16xf32>
            %swap3A_538 = arith.index_cast %rem3A_71 : i32 to index
            %swap3A_539 = arith.index_cast %add3A_532 : i32 to index
            %swap3A_540 = arith.constant 0 : index
            %swap3A_541 = tpu.vector_load %arg10[%swap3A_538, %swap3A_539, %swap3A_540] {strides = array<i32>} : memref<2x80x144xf32, #tpu.memory_space<vmem>>, vector<16xf32>,
            tpu.vector_store %arg10[%swap3A_538, %swap3A_539, %swap3A_540], %mul3A_537 {strides = array<i32>} : memref<2x80x144xf32, #tpu.memory_space<vmem>>, vector<16xf32>,
            %get3A_542 = arith.index_cast %rem3A_71 : i32 to index
            %get3A_543 = arith.index_cast %add3A_532 : i32 to index
            %get3A_544 = arith.constant 16 : index
            %get3A_545 = tpu.vector_load %arg10[%get3A_542, %get3A_543, %get3A_544] {strides = array<i32>} : memref<2x80x144xf32, #tpu.memory_space<vmem>>, vector<16xf32>,
            %mul3A_546 = arith.mulf %get3A_545, %broadcast_in_dim3A_528 : vector<16xf32>
            %swap3A_547 = arith.index_cast %rem3A_71 : i32 to index
            %swap3A_548 = arith.index_cast %add3A_532 : i32 to index
            %swap3A_549 = arith.constant 16 : index
            %swap3A_550 = tpu.vector_load %arg10[%swap3A_547, %swap3A_548, %swap3A_549] {strides = array<i32>} : memref<2x80x144xf32, #tpu.memory_space<vmem>>, vector<16xf32>,
            tpu.vector_store %arg10[%swap3A_547, %swap3A_548, %swap3A_549], %mul3A_546 {strides = array<i32>} : memref<2x80x144xf32, #tpu.memory_space<vmem>>, vector<16xf32>,
            %get3A_551 = arith.index_cast %rem3A_71 : i32 to index
            %get3A_552 = arith.index_cast %add3A_532 : i32 to index
            %get3A_553 = arith.constant 32 : index
            %get3A_554 = tpu.vector_load %arg10[%get3A_551, %get3A_552, %get3A_553] {strides = array<i32>} : memref<2x80x144xf32, #tpu.memory_space<vmem>>, vector<16xf32>,
            %mul3A_555 = arith.mulf %get3A_554, %broadcast_in_dim3A_528 : vector<16xf32>
            %swap3A_556 = arith.index_cast %rem3A_71 : i32 to index
            %swap3A_557 = arith.index_cast %add3A_532 : i32 to index
            %swap3A_558 = arith.constant 32 : index
            %swap3A_559 = tpu.vector_load %arg10[%swap3A_556, %swap3A_557, %swap3A_558] {strides = array<i32>} : memref<2x80x144xf32, #tpu.memory_space<vmem>>, vector<16xf32>,
            tpu.vector_store %arg10[%swap3A_556, %swap3A_557, %swap3A_558], %mul3A_555 {strides = array<i32>} : memref<2x80x144xf32, #tpu.memory_space<vmem>>, vector<16xf32>,
            %get3A_560 = arith.index_cast %rem3A_71 : i32 to index
            %get3A_561 = arith.index_cast %add3A_532 : i32 to index
            %get3A_562 = arith.constant 48 : index
            %get3A_563 = tpu.vector_load %arg10[%get3A_560, %get3A_561, %get3A_562] {strides = array<i32>} : memref<2x80x144xf32, #tpu.memory_space<vmem>>, vector<16xf32>,
            %mul3A_564 = arith.mulf %get3A_563, %broadcast_in_dim3A_528 : vector<16xf32>
            %swap3A_565 = arith.index_cast %rem3A_71 : i32 to index
            %swap3A_566 = arith.index_cast %add3A_532 : i32 to index
            %swap3A_567 = arith.constant 48 : index
            %swap3A_568 = tpu.vector_load %arg10[%swap3A_565, %swap3A_566, %swap3A_567] {strides = array<i32>} : memref<2x80x144xf32, #tpu.memory_space<vmem>>, vector<16xf32>,
            tpu.vector_store %arg10[%swap3A_565, %swap3A_566, %swap3A_567], %mul3A_564 {strides = array<i32>} : memref<2x80x144xf32, #tpu.memory_space<vmem>>, vector<16xf32>,
            %get3A_569 = arith.index_cast %rem3A_71 : i32 to index
            %get3A_570 = arith.index_cast %add3A_532 : i32 to index
            %get3A_571 = arith.constant 64 : index
            %get3A_572 = tpu.vector_load %arg10[%get3A_569, %get3A_570, %get3A_571] {strides = array<i32>} : memref<2x80x144xf32, #tpu.memory_space<vmem>>, vector<16xf32>,
            %mul3A_573 = arith.mulf %get3A_572, %broadcast_in_dim3A_528 : vector<16xf32>
            %swap3A_574 = arith.index_cast %rem3A_71 : i32 to index
            %swap3A_575 = arith.index_cast %add3A_532 : i32 to index
            %swap3A_576 = arith.constant 64 : index
            %swap3A_577 = tpu.vector_load %arg10[%swap3A_574, %swap3A_575, %swap3A_576] {strides = array<i32>} : memref<2x80x144xf32, #tpu.memory_space<vmem>>, vector<16xf32>,
            tpu.vector_store %arg10[%swap3A_574, %swap3A_575, %swap3A_576], %mul3A_573 {strides = array<i32>} : memref<2x80x144xf32, #tpu.memory_space<vmem>>, vector<16xf32>,
            %get3A_578 = arith.index_cast %rem3A_71 : i32 to index
            %get3A_579 = arith.index_cast %add3A_532 : i32 to index
            %get3A_580 = arith.constant 80 : index
            %get3A_581 = tpu.vector_load %arg10[%get3A_578, %get3A_579, %get3A_580] {strides = array<i32>} : memref<2x80x144xf32, #tpu.memory_space<vmem>>, vector<16xf32>,
            %mul3A_582 = arith.mulf %get3A_581, %broadcast_in_dim3A_528 : vector<16xf32>
            %swap3A_583 = arith.index_cast %rem3A_71 : i32 to index
            %swap3A_584 = arith.index_cast %add3A_532 : i32 to index
            %swap3A_585 = arith.constant 80 : index
            %swap3A_586 = tpu.vector_load %arg10[%swap3A_583, %swap3A_584, %swap3A_585] {strides = array<i32>} : memref<2x80x144xf32, #tpu.memory_space<vmem>>, vector<16xf32>,
            tpu.vector_store %arg10[%swap3A_583, %swap3A_584, %swap3A_585], %mul3A_582 {strides = array<i32>} : memref<2x80x144xf32, #tpu.memory_space<vmem>>, vector<16xf32>,
            %get3A_587 = arith.index_cast %rem3A_71 : i32 to index
            %get3A_588 = arith.index_cast %add3A_532 : i32 to index
            %get3A_589 = arith.constant 96 : index
            %get3A_590 = tpu.vector_load %arg10[%get3A_587, %get3A_588, %get3A_589] {strides = array<i32>} : memref<2x80x144xf32, #tpu.memory_space<vmem>>, vector<16xf32>,
            %mul3A_591 = arith.mulf %get3A_590, %broadcast_in_dim3A_528 : vector<16xf32>
            %swap3A_592 = arith.index_cast %rem3A_71 : i32 to index
            %swap3A_593 = arith.index_cast %add3A_532 : i32 to index
            %swap3A_594 = arith.constant 96 : index
            %swap3A_595 = tpu.vector_load %arg10[%swap3A_592, %swap3A_593, %swap3A_594] {strides = array<i32>} : memref<2x80x144xf32, #tpu.memory_space<vmem>>, vector<16xf32>,
            tpu.vector_store %arg10[%swap3A_592, %swap3A_593, %swap3A_594], %mul3A_591 {strides = array<i32>} : memref<2x80x144xf32, #tpu.memory_space<vmem>>, vector<16xf32>,
            %get3A_596 = arith.index_cast %rem3A_71 : i32 to index
            %get3A_597 = arith.index_cast %add3A_532 : i32 to index
            %get3A_598 = arith.constant 112 : index
            %get3A_599 = tpu.vector_load %arg10[%get3A_596, %get3A_597, %get3A_598] {strides = array<i32>} : memref<2x80x144xf32, #tpu.memory_space<vmem>>, vector<16xf32>,
            %mul3A_600 = arith.mulf %get3A_599, %broadcast_in_dim3A_528 : vector<16xf32>
            %swap3A_601 = arith.index_cast %rem3A_71 : i32 to index
            %swap3A_602 = arith.index_cast %add3A_532 : i32 to index
            %swap3A_603 = arith.constant 112 : index
            %swap3A_604 = tpu.vector_load %arg10[%swap3A_601, %swap3A_602, %swap3A_603] {strides = array<i32>} : memref<2x80x144xf32, #tpu.memory_space<vmem>>, vector<16xf32>,
            tpu.vector_store %arg10[%swap3A_601, %swap3A_602, %swap3A_603], %mul3A_600 {strides = array<i32>} : memref<2x80x144xf32, #tpu.memory_space<vmem>>, vector<16xf32>,
            %swap3A_605 = arith.index_cast %rem3A_71 : i32 to index
            %swap3A_606 = arith.index_cast %add3A_532 : i32 to index
            %swap3A_607 = arith.constant 128 : index
            %swap3A_608 = tpu.vector_load %arg10[%swap3A_605, %swap3A_606, %swap3A_607] {strides = array<i32>} : memref<2x80x144xf32, #tpu.memory_space<vmem>>, vector<16xf32>,
            tpu.vector_store %arg10[%swap3A_605, %swap3A_606, %swap3A_607], %broadcast_in_dim3A_528 {strides = array<i32>} : memref<2x80x144xf32, #tpu.memory_space<vmem>>, vector<16xf32>,
            %slice3A_609 = vector.extract_strided_slice %exp3A {offsets = [6], sizes = [1], strides = [1]} : vector<16xf32> to vector<1xf32>
            %squeeze3A_610 = vector.extract %slice3A_609[0] : f32 from vector<1xf32>
            %broadcast_in_dim3A_611 = vector.broadcast %squeeze3A_610 : f32 to vector<16xf32>
            %mul3A_612 = arith.constant 16 : i32
            %mul3A_613 = arith.muli %scan3A_97, %mul3A_612 : i32
            %add3A_614 = arith.constant 6 : i32
            %add3A_615 = arith.addi %mul3A_613, %add3A_614 : i32
            %get3A_616 = arith.index_cast %rem3A_71 : i32 to index
            %get3A_617 = arith.index_cast %add3A_615 : i32 to index
            %get3A_618 = arith.constant 0 : index
            %get3A_619 = tpu.vector_load %arg10[%get3A_616, %get3A_617, %get3A_618] {strides = array<i32>} : memref<2x80x144xf32, #tpu.memory_space<vmem>>, vector<16xf32>,
            %mul3A_620 = arith.mulf %get3A_619, %broadcast_in_dim3A_611 : vector<16xf32>
            %swap3A_621 = arith.index_cast %rem3A_71 : i32 to index
            %swap3A_622 = arith.index_cast %add3A_615 : i32 to index
            %swap3A_623 = arith.constant 0 : index
            %swap3A_624 = tpu.vector_load %arg10[%swap3A_621, %swap3A_622, %swap3A_623] {strides = array<i32>} : memref<2x80x144xf32, #tpu.memory_space<vmem>>, vector<16xf32>,
            tpu.vector_store %arg10[%swap3A_621, %swap3A_622, %swap3A_623], %mul3A_620 {strides = array<i32>} : memref<2x80x144xf32, #tpu.memory_space<vmem>>, vector<16xf32>,
            %get3A_625 = arith.index_cast %rem3A_71 : i32 to index
            %get3A_626 = arith.index_cast %add3A_615 : i32 to index
            %get3A_627 = arith.constant 16 : index
            %get3A_628 = tpu.vector_load %arg10[%get3A_625, %get3A_626, %get3A_627] {strides = array<i32>} : memref<2x80x144xf32, #tpu.memory_space<vmem>>, vector<16xf32>,
            %mul3A_629 = arith.mulf %get3A_628, %broadcast_in_dim3A_611 : vector<16xf32>
            %swap3A_630 = arith.index_cast %rem3A_71 : i32 to index
            %swap3A_631 = arith.index_cast %add3A_615 : i32 to index
            %swap3A_632 = arith.constant 16 : index
            %swap3A_633 = tpu.vector_load %arg10[%swap3A_630, %swap3A_631, %swap3A_632] {strides = array<i32>} : memref<2x80x144xf32, #tpu.memory_space<vmem>>, vector<16xf32>,
            tpu.vector_store %arg10[%swap3A_630, %swap3A_631, %swap3A_632], %mul3A_629 {strides = array<i32>} : memref<2x80x144xf32, #tpu.memory_space<vmem>>, vector<16xf32>,
            %get3A_634 = arith.index_cast %rem3A_71 : i32 to index
            %get3A_635 = arith.index_cast %add3A_615 : i32 to index
            %get3A_636 = arith.constant 32 : index
            %get3A_637 = tpu.vector_load %arg10[%get3A_634, %get3A_635, %get3A_636] {strides = array<i32>} : memref<2x80x144xf32, #tpu.memory_space<vmem>>, vector<16xf32>,
            %mul3A_638 = arith.mulf %get3A_637, %broadcast_in_dim3A_611 : vector<16xf32>
            %swap3A_639 = arith.index_cast %rem3A_71 : i32 to index
            %swap3A_640 = arith.index_cast %add3A_615 : i32 to index
            %swap3A_641 = arith.constant 32 : index
            %swap3A_642 = tpu.vector_load %arg10[%swap3A_639, %swap3A_640, %swap3A_641] {strides = array<i32>} : memref<2x80x144xf32, #tpu.memory_space<vmem>>, vector<16xf32>,
            tpu.vector_store %arg10[%swap3A_639, %swap3A_640, %swap3A_641], %mul3A_638 {strides = array<i32>} : memref<2x80x144xf32, #tpu.memory_space<vmem>>, vector<16xf32>,
            %get3A_643 = arith.index_cast %rem3A_71 : i32 to index
            %get3A_644 = arith.index_cast %add3A_615 : i32 to index
            %get3A_645 = arith.constant 48 : index
            %get3A_646 = tpu.vector_load %arg10[%get3A_643, %get3A_644, %get3A_645] {strides = array<i32>} : memref<2x80x144xf32, #tpu.memory_space<vmem>>, vector<16xf32>,
            %mul3A_647 = arith.mulf %get3A_646, %broadcast_in_dim3A_611 : vector<16xf32>
            %swap3A_648 = arith.index_cast %rem3A_71 : i32 to index
            %swap3A_649 = arith.index_cast %add3A_615 : i32 to index
            %swap3A_650 = arith.constant 48 : index
            %swap3A_651 = tpu.vector_load %arg10[%swap3A_648, %swap3A_649, %swap3A_650] {strides = array<i32>} : memref<2x80x144xf32, #tpu.memory_space<vmem>>, vector<16xf32>,
            tpu.vector_store %arg10[%swap3A_648, %swap3A_649, %swap3A_650], %mul3A_647 {strides = array<i32>} : memref<2x80x144xf32, #tpu.memory_space<vmem>>, vector<16xf32>,
            %get3A_652 = arith.index_cast %rem3A_71 : i32 to index
            %get3A_653 = arith.index_cast %add3A_615 : i32 to index
            %get3A_654 = arith.constant 64 : index
            %get3A_655 = tpu.vector_load %arg10[%get3A_652, %get3A_653, %get3A_654] {strides = array<i32>} : memref<2x80x144xf32, #tpu.memory_space<vmem>>, vector<16xf32>,
            %mul3A_656 = arith.mulf %get3A_655, %broadcast_in_dim3A_611 : vector<16xf32>
            %swap3A_657 = arith.index_cast %rem3A_71 : i32 to index
            %swap3A_658 = arith.index_cast %add3A_615 : i32 to index
            %swap3A_659 = arith.constant 64 : index
            %swap3A_660 = tpu.vector_load %arg10[%swap3A_657, %swap3A_658, %swap3A_659] {strides = array<i32>} : memref<2x80x144xf32, #tpu.memory_space<vmem>>, vector<16xf32>,
            tpu.vector_store %arg10[%swap3A_657, %swap3A_658, %swap3A_659], %mul3A_656 {strides = array<i32>} : memref<2x80x144xf32, #tpu.memory_space<vmem>>, vector<16xf32>,
            %get3A_661 = arith.index_cast %rem3A_71 : i32 to index
            %get3A_662 = arith.index_cast %add3A_615 : i32 to index
            %get3A_663 = arith.constant 80 : index
            %get3A_664 = tpu.vector_load %arg10[%get3A_661, %get3A_662, %get3A_663] {strides = array<i32>} : memref<2x80x144xf32, #tpu.memory_space<vmem>>, vector<16xf32>,
            %mul3A_665 = arith.mulf %get3A_664, %broadcast_in_dim3A_611 : vector<16xf32>
            %swap3A_666 = arith.index_cast %rem3A_71 : i32 to index
            %swap3A_667 = arith.index_cast %add3A_615 : i32 to index
            %swap3A_668 = arith.constant 80 : index
            %swap3A_669 = tpu.vector_load %arg10[%swap3A_666, %swap3A_667, %swap3A_668] {strides = array<i32>} : memref<2x80x144xf32, #tpu.memory_space<vmem>>, vector<16xf32>,
            tpu.vector_store %arg10[%swap3A_666, %swap3A_667, %swap3A_668], %mul3A_665 {strides = array<i32>} : memref<2x80x144xf32, #tpu.memory_space<vmem>>, vector<16xf32>,
            %get3A_670 = arith.index_cast %rem3A_71 : i32 to index
            %get3A_671 = arith.index_cast %add3A_615 : i32 to index
            %get3A_672 = arith.constant 96 : index
            %get3A_673 = tpu.vector_load %arg10[%get3A_670, %get3A_671, %get3A_672] {strides = array<i32>} : memref<2x80x144xf32, #tpu.memory_space<vmem>>, vector<16xf32>,
            %mul3A_674 = arith.mulf %get3A_673, %broadcast_in_dim3A_611 : vector<16xf32>
            %swap3A_675 = arith.index_cast %rem3A_71 : i32 to index
            %swap3A_676 = arith.index_cast %add3A_615 : i32 to index
            %swap3A_677 = arith.constant 96 : index
            %swap3A_678 = tpu.vector_load %arg10[%swap3A_675, %swap3A_676, %swap3A_677] {strides = array<i32>} : memref<2x80x144xf32, #tpu.memory_space<vmem>>, vector<16xf32>,
            tpu.vector_store %arg10[%swap3A_675, %swap3A_676, %swap3A_677], %mul3A_674 {strides = array<i32>} : memref<2x80x144xf32, #tpu.memory_space<vmem>>, vector<16xf32>,
            %get3A_679 = arith.index_cast %rem3A_71 : i32 to index
            %get3A_680 = arith.index_cast %add3A_615 : i32 to index
            %get3A_681 = arith.constant 112 : index
            %get3A_682 = tpu.vector_load %arg10[%get3A_679, %get3A_680, %get3A_681] {strides = array<i32>} : memref<2x80x144xf32, #tpu.memory_space<vmem>>, vector<16xf32>,
            %mul3A_683 = arith.mulf %get3A_682, %broadcast_in_dim3A_611 : vector<16xf32>
            %swap3A_684 = arith.index_cast %rem3A_71 : i32 to index
            %swap3A_685 = arith.index_cast %add3A_615 : i32 to index
            %swap3A_686 = arith.constant 112 : index
            %swap3A_687 = tpu.vector_load %arg10[%swap3A_684, %swap3A_685, %swap3A_686] {strides = array<i32>} : memref<2x80x144xf32, #tpu.memory_space<vmem>>, vector<16xf32>,
            tpu.vector_store %arg10[%swap3A_684, %swap3A_685, %swap3A_686], %mul3A_683 {strides = array<i32>} : memref<2x80x144xf32, #tpu.memory_space<vmem>>, vector<16xf32>,
            %swap3A_688 = arith.index_cast %rem3A_71 : i32 to index
            %swap3A_689 = arith.index_cast %add3A_615 : i32 to index
            %swap3A_690 = arith.constant 128 : index
            %swap3A_691 = tpu.vector_load %arg10[%swap3A_688, %swap3A_689, %swap3A_690] {strides = array<i32>} : memref<2x80x144xf32, #tpu.memory_space<vmem>>, vector<16xf32>,
            tpu.vector_store %arg10[%swap3A_688, %swap3A_689, %swap3A_690], %broadcast_in_dim3A_611 {strides = array<i32>} : memref<2x80x144xf32, #tpu.memory_space<vmem>>, vector<16xf32>,
            %slice3A_692 = vector.extract_strided_slice %exp3A {offsets = [7], sizes = [1], strides = [1]} : vector<16xf32> to vector<1xf32>
            %squeeze3A_693 = vector.extract %slice3A_692[0] : f32 from vector<1xf32>
            %broadcast_in_dim3A_694 = vector.broadcast %squeeze3A_693 : f32 to vector<16xf32>
            %mul3A_695 = arith.constant 16 : i32
            %mul3A_696 = arith.muli %scan3A_97, %mul3A_695 : i32
            %add3A_697 = arith.constant 7 : i32
            %add3A_698 = arith.addi %mul3A_696, %add3A_697 : i32
            %get3A_699 = arith.index_cast %rem3A_71 : i32 to index
            %get3A_700 = arith.index_cast %add3A_698 : i32 to index
            %get3A_701 = arith.constant 0 : index
            %get3A_702 = tpu.vector_load %arg10[%get3A_699, %get3A_700, %get3A_701] {strides = array<i32>} : memref<2x80x144xf32, #tpu.memory_space<vmem>>, vector<16xf32>,
            %mul3A_703 = arith.mulf %get3A_702, %broadcast_in_dim3A_694 : vector<16xf32>
            %swap3A_704 = arith.index_cast %rem3A_71 : i32 to index
            %swap3A_705 = arith.index_cast %add3A_698 : i32 to index
            %swap3A_706 = arith.constant 0 : index
            %swap3A_707 = tpu.vector_load %arg10[%swap3A_704, %swap3A_705, %swap3A_706] {strides = array<i32>} : memref<2x80x144xf32, #tpu.memory_space<vmem>>, vector<16xf32>,
            tpu.vector_store %arg10[%swap3A_704, %swap3A_705, %swap3A_706], %mul3A_703 {strides = array<i32>} : memref<2x80x144xf32, #tpu.memory_space<vmem>>, vector<16xf32>,
            %get3A_708 = arith.index_cast %rem3A_71 : i32 to index
            %get3A_709 = arith.index_cast %add3A_698 : i32 to index
            %get3A_710 = arith.constant 16 : index
            %get3A_711 = tpu.vector_load %arg10[%get3A_708, %get3A_709, %get3A_710] {strides = array<i32>} : memref<2x80x144xf32, #tpu.memory_space<vmem>>, vector<16xf32>,
            %mul3A_712 = arith.mulf %get3A_711, %broadcast_in_dim3A_694 : vector<16xf32>
            %swap3A_713 = arith.index_cast %rem3A_71 : i32 to index
            %swap3A_714 = arith.index_cast %add3A_698 : i32 to index
            %swap3A_715 = arith.constant 16 : index
            %swap3A_716 = tpu.vector_load %arg10[%swap3A_713, %swap3A_714, %swap3A_715] {strides = array<i32>} : memref<2x80x144xf32, #tpu.memory_space<vmem>>, vector<16xf32>,
            tpu.vector_store %arg10[%swap3A_713, %swap3A_714, %swap3A_715], %mul3A_712 {strides = array<i32>} : memref<2x80x144xf32, #tpu.memory_space<vmem>>, vector<16xf32>,
            %get3A_717 = arith.index_cast %rem3A_71 : i32 to index
            %get3A_718 = arith.index_cast %add3A_698 : i32 to index
            %get3A_719 = arith.constant 32 : index
            %get3A_720 = tpu.vector_load %arg10[%get3A_717, %get3A_718, %get3A_719] {strides = array<i32>} : memref<2x80x144xf32, #tpu.memory_space<vmem>>, vector<16xf32>,
            %mul3A_721 = arith.mulf %get3A_720, %broadcast_in_dim3A_694 : vector<16xf32>
            %swap3A_722 = arith.index_cast %rem3A_71 : i32 to index
            %swap3A_723 = arith.index_cast %add3A_698 : i32 to index
            %swap3A_724 = arith.constant 32 : index
            %swap3A_725 = tpu.vector_load %arg10[%swap3A_722, %swap3A_723, %swap3A_724] {strides = array<i32>} : memref<2x80x144xf32, #tpu.memory_space<vmem>>, vector<16xf32>,
            tpu.vector_store %arg10[%swap3A_722, %swap3A_723, %swap3A_724], %mul3A_721 {strides = array<i32>} : memref<2x80x144xf32, #tpu.memory_space<vmem>>, vector<16xf32>,
            %get3A_726 = arith.index_cast %rem3A_71 : i32 to index
            %get3A_727 = arith.index_cast %add3A_698 : i32 to index
            %get3A_728 = arith.constant 48 : index
            %get3A_729 = tpu.vector_load %arg10[%get3A_726, %get3A_727, %get3A_728] {strides = array<i32>} : memref<2x80x144xf32, #tpu.memory_space<vmem>>, vector<16xf32>,
            %mul3A_730 = arith.mulf %get3A_729, %broadcast_in_dim3A_694 : vector<16xf32>
            %swap3A_731 = arith.index_cast %rem3A_71 : i32 to index
            %swap3A_732 = arith.index_cast %add3A_698 : i32 to index
            %swap3A_733 = arith.constant 48 : index
            %swap3A_734 = tpu.vector_load %arg10[%swap3A_731, %swap3A_732, %swap3A_733] {strides = array<i32>} : memref<2x80x144xf32, #tpu.memory_space<vmem>>, vector<16xf32>,
            tpu.vector_store %arg10[%swap3A_731, %swap3A_732, %swap3A_733], %mul3A_730 {strides = array<i32>} : memref<2x80x144xf32, #tpu.memory_space<vmem>>, vector<16xf32>,
            %get3A_735 = arith.index_cast %rem3A_71 : i32 to index
            %get3A_736 = arith.index_cast %add3A_698 : i32 to index
            %get3A_737 = arith.constant 64 : index
            %get3A_738 = tpu.vector_load %arg10[%get3A_735, %get3A_736, %get3A_737] {strides = array<i32>} : memref<2x80x144xf32, #tpu.memory_space<vmem>>, vector<16xf32>,
            %mul3A_739 = arith.mulf %get3A_738, %broadcast_in_dim3A_694 : vector<16xf32>
            %swap3A_740 = arith.index_cast %rem3A_71 : i32 to index
            %swap3A_741 = arith.index_cast %add3A_698 : i32 to index
            %swap3A_742 = arith.constant 64 : index
            %swap3A_743 = tpu.vector_load %arg10[%swap3A_740, %swap3A_741, %swap3A_742] {strides = array<i32>} : memref<2x80x144xf32, #tpu.memory_space<vmem>>, vector<16xf32>,
            tpu.vector_store %arg10[%swap3A_740, %swap3A_741, %swap3A_742], %mul3A_739 {strides = array<i32>} : memref<2x80x144xf32, #tpu.memory_space<vmem>>, vector<16xf32>,
            %get3A_744 = arith.index_cast %rem3A_71 : i32 to index
            %get3A_745 = arith.index_cast %add3A_698 : i32 to index
            %get3A_746 = arith.constant 80 : index
            %get3A_747 = tpu.vector_load %arg10[%get3A_744, %get3A_745, %get3A_746] {strides = array<i32>} : memref<2x80x144xf32, #tpu.memory_space<vmem>>, vector<16xf32>,
            %mul3A_748 = arith.mulf %get3A_747, %broadcast_in_dim3A_694 : vector<16xf32>
            %swap3A_749 = arith.index_cast %rem3A_71 : i32 to index
            %swap3A_750 = arith.index_cast %add3A_698 : i32 to index
            %swap3A_751 = arith.constant 80 : index
            %swap3A_752 = tpu.vector_load %arg10[%swap3A_749, %swap3A_750, %swap3A_751] {strides = array<i32>} : memref<2x80x144xf32, #tpu.memory_space<vmem>>, vector<16xf32>,
            tpu.vector_store %arg10[%swap3A_749, %swap3A_750, %swap3A_751], %mul3A_748 {strides = array<i32>} : memref<2x80x144xf32, #tpu.memory_space<vmem>>, vector<16xf32>,
            %get3A_753 = arith.index_cast %rem3A_71 : i32 to index
            %get3A_754 = arith.index_cast %add3A_698 : i32 to index
            %get3A_755 = arith.constant 96 : index
            %get3A_756 = tpu.vector_load %arg10[%get3A_753, %get3A_754, %get3A_755] {strides = array<i32>} : memref<2x80x144xf32, #tpu.memory_space<vmem>>, vector<16xf32>,
            %mul3A_757 = arith.mulf %get3A_756, %broadcast_in_dim3A_694 : vector<16xf32>
            %swap3A_758 = arith.index_cast %rem3A_71 : i32 to index
            %swap3A_759 = arith.index_cast %add3A_698 : i32 to index
            %swap3A_760 = arith.constant 96 : index
            %swap3A_761 = tpu.vector_load %arg10[%swap3A_758, %swap3A_759, %swap3A_760] {strides = array<i32>} : memref<2x80x144xf32, #tpu.memory_space<vmem>>, vector<16xf32>,
            tpu.vector_store %arg10[%swap3A_758, %swap3A_759, %swap3A_760], %mul3A_757 {strides = array<i32>} : memref<2x80x144xf32, #tpu.memory_space<vmem>>, vector<16xf32>,
            %get3A_762 = arith.index_cast %rem3A_71 : i32 to index
            %get3A_763 = arith.index_cast %add3A_698 : i32 to index
            %get3A_764 = arith.constant 112 : index
            %get3A_765 = tpu.vector_load %arg10[%get3A_762, %get3A_763, %get3A_764] {strides = array<i32>} : memref<2x80x144xf32, #tpu.memory_space<vmem>>, vector<16xf32>,
            %mul3A_766 = arith.mulf %get3A_765, %broadcast_in_dim3A_694 : vector<16xf32>
            %swap3A_767 = arith.index_cast %rem3A_71 : i32 to index
            %swap3A_768 = arith.index_cast %add3A_698 : i32 to index
            %swap3A_769 = arith.constant 112 : index
            %swap3A_770 = tpu.vector_load %arg10[%swap3A_767, %swap3A_768, %swap3A_769] {strides = array<i32>} : memref<2x80x144xf32, #tpu.memory_space<vmem>>, vector<16xf32>,
            tpu.vector_store %arg10[%swap3A_767, %swap3A_768, %swap3A_769], %mul3A_766 {strides = array<i32>} : memref<2x80x144xf32, #tpu.memory_space<vmem>>, vector<16xf32>,
            %swap3A_771 = arith.index_cast %rem3A_71 : i32 to index
            %swap3A_772 = arith.index_cast %add3A_698 : i32 to index
            %swap3A_773 = arith.constant 128 : index
            %swap3A_774 = tpu.vector_load %arg10[%swap3A_771, %swap3A_772, %swap3A_773] {strides = array<i32>} : memref<2x80x144xf32, #tpu.memory_space<vmem>>, vector<16xf32>,
            tpu.vector_store %arg10[%swap3A_771, %swap3A_772, %swap3A_773], %broadcast_in_dim3A_694 {strides = array<i32>} : memref<2x80x144xf32, #tpu.memory_space<vmem>>, vector<16xf32>,
            %slice3A_775 = vector.extract_strided_slice %exp3A {offsets = [8], sizes = [1], strides = [1]} : vector<16xf32> to vector<1xf32>
            %squeeze3A_776 = vector.extract %slice3A_775[0] : f32 from vector<1xf32>
            %broadcast_in_dim3A_777 = vector.broadcast %squeeze3A_776 : f32 to vector<16xf32>
            %mul3A_778 = arith.constant 16 : i32
            %mul3A_779 = arith.muli %scan3A_97, %mul3A_778 : i32
            %add3A_780 = arith.constant 8 : i32
            %add3A_781 = arith.addi %mul3A_779, %add3A_780 : i32
            %get3A_782 = arith.index_cast %rem3A_71 : i32 to index
            %get3A_783 = arith.index_cast %add3A_781 : i32 to index
            %get3A_784 = arith.constant 0 : index
            %get3A_785 = tpu.vector_load %arg10[%get3A_782, %get3A_783, %get3A_784] {strides = array<i32>} : memref<2x80x144xf32, #tpu.memory_space<vmem>>, vector<16xf32>,
            %mul3A_786 = arith.mulf %get3A_785, %broadcast_in_dim3A_777 : vector<16xf32>
            %swap3A_787 = arith.index_cast %rem3A_71 : i32 to index
            %swap3A_788 = arith.index_cast %add3A_781 : i32 to index
            %swap3A_789 = arith.constant 0 : index
            %swap3A_790 = tpu.vector_load %arg10[%swap3A_787, %swap3A_788, %swap3A_789] {strides = array<i32>} : memref<2x80x144xf32, #tpu.memory_space<vmem>>, vector<16xf32>,
            tpu.vector_store %arg10[%swap3A_787, %swap3A_788, %swap3A_789], %mul3A_786 {strides = array<i32>} : memref<2x80x144xf32, #tpu.memory_space<vmem>>, vector<16xf32>,
            %get3A_791 = arith.index_cast %rem3A_71 : i32 to index
            %get3A_792 = arith.index_cast %add3A_781 : i32 to index
            %get3A_793 = arith.constant 16 : index
            %get3A_794 = tpu.vector_load %arg10[%get3A_791, %get3A_792, %get3A_793] {strides = array<i32>} : memref<2x80x144xf32, #tpu.memory_space<vmem>>, vector<16xf32>,
            %mul3A_795 = arith.mulf %get3A_794, %broadcast_in_dim3A_777 : vector<16xf32>
            %swap3A_796 = arith.index_cast %rem3A_71 : i32 to index
            %swap3A_797 = arith.index_cast %add3A_781 : i32 to index
            %swap3A_798 = arith.constant 16 : index
            %swap3A_799 = tpu.vector_load %arg10[%swap3A_796, %swap3A_797, %swap3A_798] {strides = array<i32>} : memref<2x80x144xf32, #tpu.memory_space<vmem>>, vector<16xf32>,
            tpu.vector_store %arg10[%swap3A_796, %swap3A_797, %swap3A_798], %mul3A_795 {strides = array<i32>} : memref<2x80x144xf32, #tpu.memory_space<vmem>>, vector<16xf32>,
            %get3A_800 = arith.index_cast %rem3A_71 : i32 to index
            %get3A_801 = arith.index_cast %add3A_781 : i32 to index
            %get3A_802 = arith.constant 32 : index
            %get3A_803 = tpu.vector_load %arg10[%get3A_800, %get3A_801, %get3A_802] {strides = array<i32>} : memref<2x80x144xf32, #tpu.memory_space<vmem>>, vector<16xf32>,
            %mul3A_804 = arith.mulf %get3A_803, %broadcast_in_dim3A_777 : vector<16xf32>
            %swap3A_805 = arith.index_cast %rem3A_71 : i32 to index
            %swap3A_806 = arith.index_cast %add3A_781 : i32 to index
            %swap3A_807 = arith.constant 32 : index
            %swap3A_808 = tpu.vector_load %arg10[%swap3A_805, %swap3A_806, %swap3A_807] {strides = array<i32>} : memref<2x80x144xf32, #tpu.memory_space<vmem>>, vector<16xf32>,
            tpu.vector_store %arg10[%swap3A_805, %swap3A_806, %swap3A_807], %mul3A_804 {strides = array<i32>} : memref<2x80x144xf32, #tpu.memory_space<vmem>>, vector<16xf32>,
            %get3A_809 = arith.index_cast %rem3A_71 : i32 to index
            %get3A_810 = arith.index_cast %add3A_781 : i32 to index
            %get3A_811 = arith.constant 48 : index
            %get3A_812 = tpu.vector_load %arg10[%get3A_809, %get3A_810, %get3A_811] {strides = array<i32>} : memref<2x80x144xf32, #tpu.memory_space<vmem>>, vector<16xf32>,
            %mul3A_813 = arith.mulf %get3A_812, %broadcast_in_dim3A_777 : vector<16xf32>
            %swap3A_814 = arith.index_cast %rem3A_71 : i32 to index
            %swap3A_815 = arith.index_cast %add3A_781 : i32 to index
            %swap3A_816 = arith.constant 48 : index
            %swap3A_817 = tpu.vector_load %arg10[%swap3A_814, %swap3A_815, %swap3A_816] {strides = array<i32>} : memref<2x80x144xf32, #tpu.memory_space<vmem>>, vector<16xf32>,
            tpu.vector_store %arg10[%swap3A_814, %swap3A_815, %swap3A_816], %mul3A_813 {strides = array<i32>} : memref<2x80x144xf32, #tpu.memory_space<vmem>>, vector<16xf32>,
            %get3A_818 = arith.index_cast %rem3A_71 : i32 to index
            %get3A_819 = arith.index_cast %add3A_781 : i32 to index
            %get3A_820 = arith.constant 64 : index
            %get3A_821 = tpu.vector_load %arg10[%get3A_818, %get3A_819, %get3A_820] {strides = array<i32>} : memref<2x80x144xf32, #tpu.memory_space<vmem>>, vector<16xf32>,
            %mul3A_822 = arith.mulf %get3A_821, %broadcast_in_dim3A_777 : vector<16xf32>
            %swap3A_823 = arith.index_cast %rem3A_71 : i32 to index
            %swap3A_824 = arith.index_cast %add3A_781 : i32 to index
            %swap3A_825 = arith.constant 64 : index
            %swap3A_826 = tpu.vector_load %arg10[%swap3A_823, %swap3A_824, %swap3A_825] {strides = array<i32>} : memref<2x80x144xf32, #tpu.memory_space<vmem>>, vector<16xf32>,
            tpu.vector_store %arg10[%swap3A_823, %swap3A_824, %swap3A_825], %mul3A_822 {strides = array<i32>} : memref<2x80x144xf32, #tpu.memory_space<vmem>>, vector<16xf32>,
            %get3A_827 = arith.index_cast %rem3A_71 : i32 to index
            %get3A_828 = arith.index_cast %add3A_781 : i32 to index
            %get3A_829 = arith.constant 80 : index
            %get3A_830 = tpu.vector_load %arg10[%get3A_827, %get3A_828, %get3A_829] {strides = array<i32>} : memref<2x80x144xf32, #tpu.memory_space<vmem>>, vector<16xf32>,
            %mul3A_831 = arith.mulf %get3A_830, %broadcast_in_dim3A_777 : vector<16xf32>
            %swap3A_832 = arith.index_cast %rem3A_71 : i32 to index
            %swap3A_833 = arith.index_cast %add3A_781 : i32 to index
            %swap3A_834 = arith.constant 80 : index
            %swap3A_835 = tpu.vector_load %arg10[%swap3A_832, %swap3A_833, %swap3A_834] {strides = array<i32>} : memref<2x80x144xf32, #tpu.memory_space<vmem>>, vector<16xf32>,
            tpu.vector_store %arg10[%swap3A_832, %swap3A_833, %swap3A_834], %mul3A_831 {strides = array<i32>} : memref<2x80x144xf32, #tpu.memory_space<vmem>>, vector<16xf32>,
            %get3A_836 = arith.index_cast %rem3A_71 : i32 to index
            %get3A_837 = arith.index_cast %add3A_781 : i32 to index
            %get3A_838 = arith.constant 96 : index
            %get3A_839 = tpu.vector_load %arg10[%get3A_836, %get3A_837, %get3A_838] {strides = array<i32>} : memref<2x80x144xf32, #tpu.memory_space<vmem>>, vector<16xf32>,
            %mul3A_840 = arith.mulf %get3A_839, %broadcast_in_dim3A_777 : vector<16xf32>
            %swap3A_841 = arith.index_cast %rem3A_71 : i32 to index
            %swap3A_842 = arith.index_cast %add3A_781 : i32 to index
            %swap3A_843 = arith.constant 96 : index
            %swap3A_844 = tpu.vector_load %arg10[%swap3A_841, %swap3A_842, %swap3A_843] {strides = array<i32>} : memref<2x80x144xf32, #tpu.memory_space<vmem>>, vector<16xf32>,
            tpu.vector_store %arg10[%swap3A_841, %swap3A_842, %swap3A_843], %mul3A_840 {strides = array<i32>} : memref<2x80x144xf32, #tpu.memory_space<vmem>>, vector<16xf32>,
            %get3A_845 = arith.index_cast %rem3A_71 : i32 to index
            %get3A_846 = arith.index_cast %add3A_781 : i32 to index
            %get3A_847 = arith.constant 112 : index
            %get3A_848 = tpu.vector_load %arg10[%get3A_845, %get3A_846, %get3A_847] {strides = array<i32>} : memref<2x80x144xf32, #tpu.memory_space<vmem>>, vector<16xf32>,
            %mul3A_849 = arith.mulf %get3A_848, %broadcast_in_dim3A_777 : vector<16xf32>
            %swap3A_850 = arith.index_cast %rem3A_71 : i32 to index
            %swap3A_851 = arith.index_cast %add3A_781 : i32 to index
            %swap3A_852 = arith.constant 112 : index
            %swap3A_853 = tpu.vector_load %arg10[%swap3A_850, %swap3A_851, %swap3A_852] {strides = array<i32>} : memref<2x80x144xf32, #tpu.memory_space<vmem>>, vector<16xf32>,
            tpu.vector_store %arg10[%swap3A_850, %swap3A_851, %swap3A_852], %mul3A_849 {strides = array<i32>} : memref<2x80x144xf32, #tpu.memory_space<vmem>>, vector<16xf32>,
            %swap3A_854 = arith.index_cast %rem3A_71 : i32 to index
            %swap3A_855 = arith.index_cast %add3A_781 : i32 to index
            %swap3A_856 = arith.constant 128 : index
            %swap3A_857 = tpu.vector_load %arg10[%swap3A_854, %swap3A_855, %swap3A_856] {strides = array<i32>} : memref<2x80x144xf32, #tpu.memory_space<vmem>>, vector<16xf32>,
            tpu.vector_store %arg10[%swap3A_854, %swap3A_855, %swap3A_856], %broadcast_in_dim3A_777 {strides = array<i32>} : memref<2x80x144xf32, #tpu.memory_space<vmem>>, vector<16xf32>,
            %slice3A_858 = vector.extract_strided_slice %exp3A {offsets = [9], sizes = [1], strides = [1]} : vector<16xf32> to vector<1xf32>
            %squeeze3A_859 = vector.extract %slice3A_858[0] : f32 from vector<1xf32>
            %broadcast_in_dim3A_860 = vector.broadcast %squeeze3A_859 : f32 to vector<16xf32>
            %mul3A_861 = arith.constant 16 : i32
            %mul3A_862 = arith.muli %scan3A_97, %mul3A_861 : i32
            %add3A_863 = arith.constant 9 : i32
            %add3A_864 = arith.addi %mul3A_862, %add3A_863 : i32
            %get3A_865 = arith.index_cast %rem3A_71 : i32 to index
            %get3A_866 = arith.index_cast %add3A_864 : i32 to index
            %get3A_867 = arith.constant 0 : index
            %get3A_868 = tpu.vector_load %arg10[%get3A_865, %get3A_866, %get3A_867] {strides = array<i32>} : memref<2x80x144xf32, #tpu.memory_space<vmem>>, vector<16xf32>,
            %mul3A_869 = arith.mulf %get3A_868, %broadcast_in_dim3A_860 : vector<16xf32>
            %swap3A_870 = arith.index_cast %rem3A_71 : i32 to index
            %swap3A_871 = arith.index_cast %add3A_864 : i32 to index
            %swap3A_872 = arith.constant 0 : index
            %swap3A_873 = tpu.vector_load %arg10[%swap3A_870, %swap3A_871, %swap3A_872] {strides = array<i32>} : memref<2x80x144xf32, #tpu.memory_space<vmem>>, vector<16xf32>,
            tpu.vector_store %arg10[%swap3A_870, %swap3A_871, %swap3A_872], %mul3A_869 {strides = array<i32>} : memref<2x80x144xf32, #tpu.memory_space<vmem>>, vector<16xf32>,
            %get3A_874 = arith.index_cast %rem3A_71 : i32 to index
            %get3A_875 = arith.index_cast %add3A_864 : i32 to index
            %get3A_876 = arith.constant 16 : index
            %get3A_877 = tpu.vector_load %arg10[%get3A_874, %get3A_875, %get3A_876] {strides = array<i32>} : memref<2x80x144xf32, #tpu.memory_space<vmem>>, vector<16xf32>,
            %mul3A_878 = arith.mulf %get3A_877, %broadcast_in_dim3A_860 : vector<16xf32>
            %swap3A_879 = arith.index_cast %rem3A_71 : i32 to index
            %swap3A_880 = arith.index_cast %add3A_864 : i32 to index
            %swap3A_881 = arith.constant 16 : index
            %swap3A_882 = tpu.vector_load %arg10[%swap3A_879, %swap3A_880, %swap3A_881] {strides = array<i32>} : memref<2x80x144xf32, #tpu.memory_space<vmem>>, vector<16xf32>,
            tpu.vector_store %arg10[%swap3A_879, %swap3A_880, %swap3A_881], %mul3A_878 {strides = array<i32>} : memref<2x80x144xf32, #tpu.memory_space<vmem>>, vector<16xf32>,
            %get3A_883 = arith.index_cast %rem3A_71 : i32 to index
            %get3A_884 = arith.index_cast %add3A_864 : i32 to index
            %get3A_885 = arith.constant 32 : index
            %get3A_886 = tpu.vector_load %arg10[%get3A_883, %get3A_884, %get3A_885] {strides = array<i32>} : memref<2x80x144xf32, #tpu.memory_space<vmem>>, vector<16xf32>,
            %mul3A_887 = arith.mulf %get3A_886, %broadcast_in_dim3A_860 : vector<16xf32>
            %swap3A_888 = arith.index_cast %rem3A_71 : i32 to index
            %swap3A_889 = arith.index_cast %add3A_864 : i32 to index
            %swap3A_890 = arith.constant 32 : index
            %swap3A_891 = tpu.vector_load %arg10[%swap3A_888, %swap3A_889, %swap3A_890] {strides = array<i32>} : memref<2x80x144xf32, #tpu.memory_space<vmem>>, vector<16xf32>,
            tpu.vector_store %arg10[%swap3A_888, %swap3A_889, %swap3A_890], %mul3A_887 {strides = array<i32>} : memref<2x80x144xf32, #tpu.memory_space<vmem>>, vector<16xf32>,
            %get3A_892 = arith.index_cast %rem3A_71 : i32 to index
            %get3A_893 = arith.index_cast %add3A_864 : i32 to index
            %get3A_894 = arith.constant 48 : index
            %get3A_895 = tpu.vector_load %arg10[%get3A_892, %get3A_893, %get3A_894] {strides = array<i32>} : memref<2x80x144xf32, #tpu.memory_space<vmem>>, vector<16xf32>,
            %mul3A_896 = arith.mulf %get3A_895, %broadcast_in_dim3A_860 : vector<16xf32>
            %swap3A_897 = arith.index_cast %rem3A_71 : i32 to index
            %swap3A_898 = arith.index_cast %add3A_864 : i32 to index
            %swap3A_899 = arith.constant 48 : index
            %swap3A_900 = tpu.vector_load %arg10[%swap3A_897, %swap3A_898, %swap3A_899] {strides = array<i32>} : memref<2x80x144xf32, #tpu.memory_space<vmem>>, vector<16xf32>,
            tpu.vector_store %arg10[%swap3A_897, %swap3A_898, %swap3A_899], %mul3A_896 {strides = array<i32>} : memref<2x80x144xf32, #tpu.memory_space<vmem>>, vector<16xf32>,
            %get3A_901 = arith.index_cast %rem3A_71 : i32 to index
            %get3A_902 = arith.index_cast %add3A_864 : i32 to index
            %get3A_903 = arith.constant 64 : index
            %get3A_904 = tpu.vector_load %arg10[%get3A_901, %get3A_902, %get3A_903] {strides = array<i32>} : memref<2x80x144xf32, #tpu.memory_space<vmem>>, vector<16xf32>,
            %mul3A_905 = arith.mulf %get3A_904, %broadcast_in_dim3A_860 : vector<16xf32>
            %swap3A_906 = arith.index_cast %rem3A_71 : i32 to index
            %swap3A_907 = arith.index_cast %add3A_864 : i32 to index
            %swap3A_908 = arith.constant 64 : index
            %swap3A_909 = tpu.vector_load %arg10[%swap3A_906, %swap3A_907, %swap3A_908] {strides = array<i32>} : memref<2x80x144xf32, #tpu.memory_space<vmem>>, vector<16xf32>,
            tpu.vector_store %arg10[%swap3A_906, %swap3A_907, %swap3A_908], %mul3A_905 {strides = array<i32>} : memref<2x80x144xf32, #tpu.memory_space<vmem>>, vector<16xf32>,
            %get3A_910 = arith.index_cast %rem3A_71 : i32 to index
            %get3A_911 = arith.index_cast %add3A_864 : i32 to index
            %get3A_912 = arith.constant 80 : index
            %get3A_913 = tpu.vector_load %arg10[%get3A_910, %get3A_911, %get3A_912] {strides = array<i32>} : memref<2x80x144xf32, #tpu.memory_space<vmem>>, vector<16xf32>,
            %mul3A_914 = arith.mulf %get3A_913, %broadcast_in_dim3A_860 : vector<16xf32>
            %swap3A_915 = arith.index_cast %rem3A_71 : i32 to index
            %swap3A_916 = arith.index_cast %add3A_864 : i32 to index
            %swap3A_917 = arith.constant 80 : index
            %swap3A_918 = tpu.vector_load %arg10[%swap3A_915, %swap3A_916, %swap3A_917] {strides = array<i32>} : memref<2x80x144xf32, #tpu.memory_space<vmem>>, vector<16xf32>,
            tpu.vector_store %arg10[%swap3A_915, %swap3A_916, %swap3A_917], %mul3A_914 {strides = array<i32>} : memref<2x80x144xf32, #tpu.memory_space<vmem>>, vector<16xf32>,
            %get3A_919 = arith.index_cast %rem3A_71 : i32 to index
            %get3A_920 = arith.index_cast %add3A_864 : i32 to index
            %get3A_921 = arith.constant 96 : index
            %get3A_922 = tpu.vector_load %arg10[%get3A_919, %get3A_920, %get3A_921] {strides = array<i32>} : memref<2x80x144xf32, #tpu.memory_space<vmem>>, vector<16xf32>,
            %mul3A_923 = arith.mulf %get3A_922, %broadcast_in_dim3A_860 : vector<16xf32>
            %swap3A_924 = arith.index_cast %rem3A_71 : i32 to index
            %swap3A_925 = arith.index_cast %add3A_864 : i32 to index
            %swap3A_926 = arith.constant 96 : index
            %swap3A_927 = tpu.vector_load %arg10[%swap3A_924, %swap3A_925, %swap3A_926] {strides = array<i32>} : memref<2x80x144xf32, #tpu.memory_space<vmem>>, vector<16xf32>,
            tpu.vector_store %arg10[%swap3A_924, %swap3A_925, %swap3A_926], %mul3A_923 {strides = array<i32>} : memref<2x80x144xf32, #tpu.memory_space<vmem>>, vector<16xf32>,
            %get3A_928 = arith.index_cast %rem3A_71 : i32 to index
            %get3A_929 = arith.index_cast %add3A_864 : i32 to index
            %get3A_930 = arith.constant 112 : index
            %get3A_931 = tpu.vector_load %arg10[%get3A_928, %get3A_929, %get3A_930] {strides = array<i32>} : memref<2x80x144xf32, #tpu.memory_space<vmem>>, vector<16xf32>,
            %mul3A_932 = arith.mulf %get3A_931, %broadcast_in_dim3A_860 : vector<16xf32>
            %swap3A_933 = arith.index_cast %rem3A_71 : i32 to index
            %swap3A_934 = arith.index_cast %add3A_864 : i32 to index
            %swap3A_935 = arith.constant 112 : index
            %swap3A_936 = tpu.vector_load %arg10[%swap3A_933, %swap3A_934, %swap3A_935] {strides = array<i32>} : memref<2x80x144xf32, #tpu.memory_space<vmem>>, vector<16xf32>,
            tpu.vector_store %arg10[%swap3A_933, %swap3A_934, %swap3A_935], %mul3A_932 {strides = array<i32>} : memref<2x80x144xf32, #tpu.memory_space<vmem>>, vector<16xf32>,
            %swap3A_937 = arith.index_cast %rem3A_71 : i32 to index
            %swap3A_938 = arith.index_cast %add3A_864 : i32 to index
            %swap3A_939 = arith.constant 128 : index
            %swap3A_940 = tpu.vector_load %arg10[%swap3A_937, %swap3A_938, %swap3A_939] {strides = array<i32>} : memref<2x80x144xf32, #tpu.memory_space<vmem>>, vector<16xf32>,
            tpu.vector_store %arg10[%swap3A_937, %swap3A_938, %swap3A_939], %broadcast_in_dim3A_860 {strides = array<i32>} : memref<2x80x144xf32, #tpu.memory_space<vmem>>, vector<16xf32>,
            %slice3A_941 = vector.extract_strided_slice %exp3A {offsets = [10], sizes = [1], strides = [1]} : vector<16xf32> to vector<1xf32>
            %squeeze3A_942 = vector.extract %slice3A_941[0] : f32 from vector<1xf32>
            %broadcast_in_dim3A_943 = vector.broadcast %squeeze3A_942 : f32 to vector<16xf32>
            %mul3A_944 = arith.constant 16 : i32
            %mul3A_945 = arith.muli %scan3A_97, %mul3A_944 : i32
            %add3A_946 = arith.constant 10 : i32
            %add3A_947 = arith.addi %mul3A_945, %add3A_946 : i32
            %get3A_948 = arith.index_cast %rem3A_71 : i32 to index
            %get3A_949 = arith.index_cast %add3A_947 : i32 to index
            %get3A_950 = arith.constant 0 : index
            %get3A_951 = tpu.vector_load %arg10[%get3A_948, %get3A_949, %get3A_950] {strides = array<i32>} : memref<2x80x144xf32, #tpu.memory_space<vmem>>, vector<16xf32>,
            %mul3A_952 = arith.mulf %get3A_951, %broadcast_in_dim3A_943 : vector<16xf32>
            %swap3A_953 = arith.index_cast %rem3A_71 : i32 to index
            %swap3A_954 = arith.index_cast %add3A_947 : i32 to index
            %swap3A_955 = arith.constant 0 : index
            %swap3A_956 = tpu.vector_load %arg10[%swap3A_953, %swap3A_954, %swap3A_955] {strides = array<i32>} : memref<2x80x144xf32, #tpu.memory_space<vmem>>, vector<16xf32>,
            tpu.vector_store %arg10[%swap3A_953, %swap3A_954, %swap3A_955], %mul3A_952 {strides = array<i32>} : memref<2x80x144xf32, #tpu.memory_space<vmem>>, vector<16xf32>,
            %get3A_957 = arith.index_cast %rem3A_71 : i32 to index
            %get3A_958 = arith.index_cast %add3A_947 : i32 to index
            %get3A_959 = arith.constant 16 : index
            %get3A_960 = tpu.vector_load %arg10[%get3A_957, %get3A_958, %get3A_959] {strides = array<i32>} : memref<2x80x144xf32, #tpu.memory_space<vmem>>, vector<16xf32>,
            %mul3A_961 = arith.mulf %get3A_960, %broadcast_in_dim3A_943 : vector<16xf32>
            %swap3A_962 = arith.index_cast %rem3A_71 : i32 to index
            %swap3A_963 = arith.index_cast %add3A_947 : i32 to index
            %swap3A_964 = arith.constant 16 : index
            %swap3A_965 = tpu.vector_load %arg10[%swap3A_962, %swap3A_963, %swap3A_964] {strides = array<i32>} : memref<2x80x144xf32, #tpu.memory_space<vmem>>, vector<16xf32>,
            tpu.vector_store %arg10[%swap3A_962, %swap3A_963, %swap3A_964], %mul3A_961 {strides = array<i32>} : memref<2x80x144xf32, #tpu.memory_space<vmem>>, vector<16xf32>,
            %get3A_966 = arith.index_cast %rem3A_71 : i32 to index
            %get3A_967 = arith.index_cast %add3A_947 : i32 to index
            %get3A_968 = arith.constant 32 : index
            %get3A_969 = tpu.vector_load %arg10[%get3A_966, %get3A_967, %get3A_968] {strides = array<i32>} : memref<2x80x144xf32, #tpu.memory_space<vmem>>, vector<16xf32>,
            %mul3A_970 = arith.mulf %get3A_969, %broadcast_in_dim3A_943 : vector<16xf32>
            %swap3A_971 = arith.index_cast %rem3A_71 : i32 to index
            %swap3A_972 = arith.index_cast %add3A_947 : i32 to index
            %swap3A_973 = arith.constant 32 : index
            %swap3A_974 = tpu.vector_load %arg10[%swap3A_971, %swap3A_972, %swap3A_973] {strides = array<i32>} : memref<2x80x144xf32, #tpu.memory_space<vmem>>, vector<16xf32>,
            tpu.vector_store %arg10[%swap3A_971, %swap3A_972, %swap3A_973], %mul3A_970 {strides = array<i32>} : memref<2x80x144xf32, #tpu.memory_space<vmem>>, vector<16xf32>,
            %get3A_975 = arith.index_cast %rem3A_71 : i32 to index
            %get3A_976 = arith.index_cast %add3A_947 : i32 to index
            %get3A_977 = arith.constant 48 : index
            %get3A_978 = tpu.vector_load %arg10[%get3A_975, %get3A_976, %get3A_977] {strides = array<i32>} : memref<2x80x144xf32, #tpu.memory_space<vmem>>, vector<16xf32>,
            %mul3A_979 = arith.mulf %get3A_978, %broadcast_in_dim3A_943 : vector<16xf32>
            %swap3A_980 = arith.index_cast %rem3A_71 : i32 to index
            %swap3A_981 = arith.index_cast %add3A_947 : i32 to index
            %swap3A_982 = arith.constant 48 : index
            %swap3A_983 = tpu.vector_load %arg10[%swap3A_980, %swap3A_981, %swap3A_982] {strides = array<i32>} : memref<2x80x144xf32, #tpu.memory_space<vmem>>, vector<16xf32>,
            tpu.vector_store %arg10[%swap3A_980, %swap3A_981, %swap3A_982], %mul3A_979 {strides = array<i32>} : memref<2x80x144xf32, #tpu.memory_space<vmem>>, vector<16xf32>,
            %get3A_984 = arith.index_cast %rem3A_71 : i32 to index
            %get3A_985 = arith.index_cast %add3A_947 : i32 to index
            %get3A_986 = arith.constant 64 : index
            %get3A_987 = tpu.vector_load %arg10[%get3A_984, %get3A_985, %get3A_986] {strides = array<i32>} : memref<2x80x144xf32, #tpu.memory_space<vmem>>, vector<16xf32>,
            %mul3A_988 = arith.mulf %get3A_987, %broadcast_in_dim3A_943 : vector<16xf32>
            %swap3A_989 = arith.index_cast %rem3A_71 : i32 to index
            %swap3A_990 = arith.index_cast %add3A_947 : i32 to index
            %swap3A_991 = arith.constant 64 : index
            %swap3A_992 = tpu.vector_load %arg10[%swap3A_989, %swap3A_990, %swap3A_991] {strides = array<i32>} : memref<2x80x144xf32, #tpu.memory_space<vmem>>, vector<16xf32>,
            tpu.vector_store %arg10[%swap3A_989, %swap3A_990, %swap3A_991], %mul3A_988 {strides = array<i32>} : memref<2x80x144xf32, #tpu.memory_space<vmem>>, vector<16xf32>,
            %get3A_993 = arith.index_cast %rem3A_71 : i32 to index
            %get3A_994 = arith.index_cast %add3A_947 : i32 to index
            %get3A_995 = arith.constant 80 : index
            %get3A_996 = tpu.vector_load %arg10[%get3A_993, %get3A_994, %get3A_995] {strides = array<i32>} : memref<2x80x144xf32, #tpu.memory_space<vmem>>, vector<16xf32>,
            %mul3A_997 = arith.mulf %get3A_996, %broadcast_in_dim3A_943 : vector<16xf32>
            %swap3A_998 = arith.index_cast %rem3A_71 : i32 to index
            %swap3A_999 = arith.index_cast %add3A_947 : i32 to index
            %swap3A_1000 = arith.constant 80 : index
            %swap3A_1001 = tpu.vector_load %arg10[%swap3A_998, %swap3A_999, %swap3A_1000] {strides = array<i32>} : memref<2x80x144xf32, #tpu.memory_space<vmem>>, vector<16xf32>,
            tpu.vector_store %arg10[%swap3A_998, %swap3A_999, %swap3A_1000], %mul3A_997 {strides = array<i32>} : memref<2x80x144xf32, #tpu.memory_space<vmem>>, vector<16xf32>,
            %get3A_1002 = arith.index_cast %rem3A_71 : i32 to index
            %get3A_1003 = arith.index_cast %add3A_947 : i32 to index
            %get3A_1004 = arith.constant 96 : index
            %get3A_1005 = tpu.vector_load %arg10[%get3A_1002, %get3A_1003, %get3A_1004] {strides = array<i32>} : memref<2x80x144xf32, #tpu.memory_space<vmem>>, vector<16xf32>,
            %mul3A_1006 = arith.mulf %get3A_1005, %broadcast_in_dim3A_943 : vector<16xf32>
            %swap3A_1007 = arith.index_cast %rem3A_71 : i32 to index
            %swap3A_1008 = arith.index_cast %add3A_947 : i32 to index
            %swap3A_1009 = arith.constant 96 : index
            %swap3A_1010 = tpu.vector_load %arg10[%swap3A_1007, %swap3A_1008, %swap3A_1009] {strides = array<i32>} : memref<2x80x144xf32, #tpu.memory_space<vmem>>, vector<16xf32>,
            tpu.vector_store %arg10[%swap3A_1007, %swap3A_1008, %swap3A_1009], %mul3A_1006 {strides = array<i32>} : memref<2x80x144xf32, #tpu.memory_space<vmem>>, vector<16xf32>,
            %get3A_1011 = arith.index_cast %rem3A_71 : i32 to index
            %get3A_1012 = arith.index_cast %add3A_947 : i32 to index
            %get3A_1013 = arith.constant 112 : index
            %get3A_1014 = tpu.vector_load %arg10[%get3A_1011, %get3A_1012, %get3A_1013] {strides = array<i32>} : memref<2x80x144xf32, #tpu.memory_space<vmem>>, vector<16xf32>,
            %mul3A_1015 = arith.mulf %get3A_1014, %broadcast_in_dim3A_943 : vector<16xf32>
            %swap3A_1016 = arith.index_cast %rem3A_71 : i32 to index
            %swap3A_1017 = arith.index_cast %add3A_947 : i32 to index
            %swap3A_1018 = arith.constant 112 : index
            %swap3A_1019 = tpu.vector_load %arg10[%swap3A_1016, %swap3A_1017, %swap3A_1018] {strides = array<i32>} : memref<2x80x144xf32, #tpu.memory_space<vmem>>, vector<16xf32>,
            tpu.vector_store %arg10[%swap3A_1016, %swap3A_1017, %swap3A_1018], %mul3A_1015 {strides = array<i32>} : memref<2x80x144xf32, #tpu.memory_space<vmem>>, vector<16xf32>,
            %swap3A_1020 = arith.index_cast %rem3A_71 : i32 to index
            %swap3A_1021 = arith.index_cast %add3A_947 : i32 to index
            %swap3A_1022 = arith.constant 128 : index
            %swap3A_1023 = tpu.vector_load %arg10[%swap3A_1020, %swap3A_1021, %swap3A_1022] {strides = array<i32>} : memref<2x80x144xf32, #tpu.memory_space<vmem>>, vector<16xf32>,
            tpu.vector_store %arg10[%swap3A_1020, %swap3A_1021, %swap3A_1022], %broadcast_in_dim3A_943 {strides = array<i32>} : memref<2x80x144xf32, #tpu.memory_space<vmem>>, vector<16xf32>,
            %slice3A_1024 = vector.extract_strided_slice %exp3A {offsets = [11], sizes = [1], strides = [1]} : vector<16xf32> to vector<1xf32>
            %squeeze3A_1025 = vector.extract %slice3A_1024[0] : f32 from vector<1xf32>
            %broadcast_in_dim3A_1026 = vector.broadcast %squeeze3A_1025 : f32 to vector<16xf32>
            %mul3A_1027 = arith.constant 16 : i32
            %mul3A_1028 = arith.muli %scan3A_97, %mul3A_1027 : i32
            %add3A_1029 = arith.constant 11 : i32
            %add3A_1030 = arith.addi %mul3A_1028, %add3A_1029 : i32
            %get3A_1031 = arith.index_cast %rem3A_71 : i32 to index
            %get3A_1032 = arith.index_cast %add3A_1030 : i32 to index
            %get3A_1033 = arith.constant 0 : index
            %get3A_1034 = tpu.vector_load %arg10[%get3A_1031, %get3A_1032, %get3A_1033] {strides = array<i32>} : memref<2x80x144xf32, #tpu.memory_space<vmem>>, vector<16xf32>,
            %mul3A_1035 = arith.mulf %get3A_1034, %broadcast_in_dim3A_1026 : vector<16xf32>
            %swap3A_1036 = arith.index_cast %rem3A_71 : i32 to index
            %swap3A_1037 = arith.index_cast %add3A_1030 : i32 to index
            %swap3A_1038 = arith.constant 0 : index
            %swap3A_1039 = tpu.vector_load %arg10[%swap3A_1036, %swap3A_1037, %swap3A_1038] {strides = array<i32>} : memref<2x80x144xf32, #tpu.memory_space<vmem>>, vector<16xf32>,
            tpu.vector_store %arg10[%swap3A_1036, %swap3A_1037, %swap3A_1038], %mul3A_1035 {strides = array<i32>} : memref<2x80x144xf32, #tpu.memory_space<vmem>>, vector<16xf32>,
            %get3A_1040 = arith.index_cast %rem3A_71 : i32 to index
            %get3A_1041 = arith.index_cast %add3A_1030 : i32 to index
            %get3A_1042 = arith.constant 16 : index
            %get3A_1043 = tpu.vector_load %arg10[%get3A_1040, %get3A_1041, %get3A_1042] {strides = array<i32>} : memref<2x80x144xf32, #tpu.memory_space<vmem>>, vector<16xf32>,
            %mul3A_1044 = arith.mulf %get3A_1043, %broadcast_in_dim3A_1026 : vector<16xf32>
            %swap3A_1045 = arith.index_cast %rem3A_71 : i32 to index
            %swap3A_1046 = arith.index_cast %add3A_1030 : i32 to index
            %swap3A_1047 = arith.constant 16 : index
            %swap3A_1048 = tpu.vector_load %arg10[%swap3A_1045, %swap3A_1046, %swap3A_1047] {strides = array<i32>} : memref<2x80x144xf32, #tpu.memory_space<vmem>>, vector<16xf32>,
            tpu.vector_store %arg10[%swap3A_1045, %swap3A_1046, %swap3A_1047], %mul3A_1044 {strides = array<i32>} : memref<2x80x144xf32, #tpu.memory_space<vmem>>, vector<16xf32>,
            %get3A_1049 = arith.index_cast %rem3A_71 : i32 to index
            %get3A_1050 = arith.index_cast %add3A_1030 : i32 to index
            %get3A_1051 = arith.constant 32 : index
            %get3A_1052 = tpu.vector_load %arg10[%get3A_1049, %get3A_1050, %get3A_1051] {strides = array<i32>} : memref<2x80x144xf32, #tpu.memory_space<vmem>>, vector<16xf32>,
            %mul3A_1053 = arith.mulf %get3A_1052, %broadcast_in_dim3A_1026 : vector<16xf32>
            %swap3A_1054 = arith.index_cast %rem3A_71 : i32 to index
            %swap3A_1055 = arith.index_cast %add3A_1030 : i32 to index
            %swap3A_1056 = arith.constant 32 : index
            %swap3A_1057 = tpu.vector_load %arg10[%swap3A_1054, %swap3A_1055, %swap3A_1056] {strides = array<i32>} : memref<2x80x144xf32, #tpu.memory_space<vmem>>, vector<16xf32>,
            tpu.vector_store %arg10[%swap3A_1054, %swap3A_1055, %swap3A_1056], %mul3A_1053 {strides = array<i32>} : memref<2x80x144xf32, #tpu.memory_space<vmem>>, vector<16xf32>,
            %get3A_1058 = arith.index_cast %rem3A_71 : i32 to index
            %get3A_1059 = arith.index_cast %add3A_1030 : i32 to index
            %get3A_1060 = arith.constant 48 : index
            %get3A_1061 = tpu.vector_load %arg10[%get3A_1058, %get3A_1059, %get3A_1060] {strides = array<i32>} : memref<2x80x144xf32, #tpu.memory_space<vmem>>, vector<16xf32>,
            %mul3A_1062 = arith.mulf %get3A_1061, %broadcast_in_dim3A_1026 : vector<16xf32>
            %swap3A_1063 = arith.index_cast %rem3A_71 : i32 to index
            %swap3A_1064 = arith.index_cast %add3A_1030 : i32 to index
            %swap3A_1065 = arith.constant 48 : index
            %swap3A_1066 = tpu.vector_load %arg10[%swap3A_1063, %swap3A_1064, %swap3A_1065] {strides = array<i32>} : memref<2x80x144xf32, #tpu.memory_space<vmem>>, vector<16xf32>,
            tpu.vector_store %arg10[%swap3A_1063, %swap3A_1064, %swap3A_1065], %mul3A_1062 {strides = array<i32>} : memref<2x80x144xf32, #tpu.memory_space<vmem>>, vector<16xf32>,
            %get3A_1067 = arith.index_cast %rem3A_71 : i32 to index
            %get3A_1068 = arith.index_cast %add3A_1030 : i32 to index
            %get3A_1069 = arith.constant 64 : index
            %get3A_1070 = tpu.vector_load %arg10[%get3A_1067, %get3A_1068, %get3A_1069] {strides = array<i32>} : memref<2x80x144xf32, #tpu.memory_space<vmem>>, vector<16xf32>,
            %mul3A_1071 = arith.mulf %get3A_1070, %broadcast_in_dim3A_1026 : vector<16xf32>
            %swap3A_1072 = arith.index_cast %rem3A_71 : i32 to index
            %swap3A_1073 = arith.index_cast %add3A_1030 : i32 to index
            %swap3A_1074 = arith.constant 64 : index
            %swap3A_1075 = tpu.vector_load %arg10[%swap3A_1072, %swap3A_1073, %swap3A_1074] {strides = array<i32>} : memref<2x80x144xf32, #tpu.memory_space<vmem>>, vector<16xf32>,
            tpu.vector_store %arg10[%swap3A_1072, %swap3A_1073, %swap3A_1074], %mul3A_1071 {strides = array<i32>} : memref<2x80x144xf32, #tpu.memory_space<vmem>>, vector<16xf32>,
            %get3A_1076 = arith.index_cast %rem3A_71 : i32 to index
            %get3A_1077 = arith.index_cast %add3A_1030 : i32 to index
            %get3A_1078 = arith.constant 80 : index
            %get3A_1079 = tpu.vector_load %arg10[%get3A_1076, %get3A_1077, %get3A_1078] {strides = array<i32>} : memref<2x80x144xf32, #tpu.memory_space<vmem>>, vector<16xf32>,
            %mul3A_1080 = arith.mulf %get3A_1079, %broadcast_in_dim3A_1026 : vector<16xf32>
            %swap3A_1081 = arith.index_cast %rem3A_71 : i32 to index
            %swap3A_1082 = arith.index_cast %add3A_1030 : i32 to index
            %swap3A_1083 = arith.constant 80 : index
            %swap3A_1084 = tpu.vector_load %arg10[%swap3A_1081, %swap3A_1082, %swap3A_1083] {strides = array<i32>} : memref<2x80x144xf32, #tpu.memory_space<vmem>>, vector<16xf32>,
            tpu.vector_store %arg10[%swap3A_1081, %swap3A_1082, %swap3A_1083], %mul3A_1080 {strides = array<i32>} : memref<2x80x144xf32, #tpu.memory_space<vmem>>, vector<16xf32>,
            %get3A_1085 = arith.index_cast %rem3A_71 : i32 to index
            %get3A_1086 = arith.index_cast %add3A_1030 : i32 to index
            %get3A_1087 = arith.constant 96 : index
            %get3A_1088 = tpu.vector_load %arg10[%get3A_1085, %get3A_1086, %get3A_1087] {strides = array<i32>} : memref<2x80x144xf32, #tpu.memory_space<vmem>>, vector<16xf32>,
            %mul3A_1089 = arith.mulf %get3A_1088, %broadcast_in_dim3A_1026 : vector<16xf32>
            %swap3A_1090 = arith.index_cast %rem3A_71 : i32 to index
            %swap3A_1091 = arith.index_cast %add3A_1030 : i32 to index
            %swap3A_1092 = arith.constant 96 : index
            %swap3A_1093 = tpu.vector_load %arg10[%swap3A_1090, %swap3A_1091, %swap3A_1092] {strides = array<i32>} : memref<2x80x144xf32, #tpu.memory_space<vmem>>, vector<16xf32>,
            tpu.vector_store %arg10[%swap3A_1090, %swap3A_1091, %swap3A_1092], %mul3A_1089 {strides = array<i32>} : memref<2x80x144xf32, #tpu.memory_space<vmem>>, vector<16xf32>,
            %get3A_1094 = arith.index_cast %rem3A_71 : i32 to index
            %get3A_1095 = arith.index_cast %add3A_1030 : i32 to index
            %get3A_1096 = arith.constant 112 : index
            %get3A_1097 = tpu.vector_load %arg10[%get3A_1094, %get3A_1095, %get3A_1096] {strides = array<i32>} : memref<2x80x144xf32, #tpu.memory_space<vmem>>, vector<16xf32>,
            %mul3A_1098 = arith.mulf %get3A_1097, %broadcast_in_dim3A_1026 : vector<16xf32>
            %swap3A_1099 = arith.index_cast %rem3A_71 : i32 to index
            %swap3A_1100 = arith.index_cast %add3A_1030 : i32 to index
            %swap3A_1101 = arith.constant 112 : index
            %swap3A_1102 = tpu.vector_load %arg10[%swap3A_1099, %swap3A_1100, %swap3A_1101] {strides = array<i32>} : memref<2x80x144xf32, #tpu.memory_space<vmem>>, vector<16xf32>,
            tpu.vector_store %arg10[%swap3A_1099, %swap3A_1100, %swap3A_1101], %mul3A_1098 {strides = array<i32>} : memref<2x80x144xf32, #tpu.memory_space<vmem>>, vector<16xf32>,
            %swap3A_1103 = arith.index_cast %rem3A_71 : i32 to index
            %swap3A_1104 = arith.index_cast %add3A_1030 : i32 to index
            %swap3A_1105 = arith.constant 128 : index
            %swap3A_1106 = tpu.vector_load %arg10[%swap3A_1103, %swap3A_1104, %swap3A_1105] {strides = array<i32>} : memref<2x80x144xf32, #tpu.memory_space<vmem>>, vector<16xf32>,
            tpu.vector_store %arg10[%swap3A_1103, %swap3A_1104, %swap3A_1105], %broadcast_in_dim3A_1026 {strides = array<i32>} : memref<2x80x144xf32, #tpu.memory_space<vmem>>, vector<16xf32>,
            %slice3A_1107 = vector.extract_strided_slice %exp3A {offsets = [12], sizes = [1], strides = [1]} : vector<16xf32> to vector<1xf32>
            %squeeze3A_1108 = vector.extract %slice3A_1107[0] : f32 from vector<1xf32>
            %broadcast_in_dim3A_1109 = vector.broadcast %squeeze3A_1108 : f32 to vector<16xf32>
            %mul3A_1110 = arith.constant 16 : i32
            %mul3A_1111 = arith.muli %scan3A_97, %mul3A_1110 : i32
            %add3A_1112 = arith.constant 12 : i32
            %add3A_1113 = arith.addi %mul3A_1111, %add3A_1112 : i32
            %get3A_1114 = arith.index_cast %rem3A_71 : i32 to index
            %get3A_1115 = arith.index_cast %add3A_1113 : i32 to index
            %get3A_1116 = arith.constant 0 : index
            %get3A_1117 = tpu.vector_load %arg10[%get3A_1114, %get3A_1115, %get3A_1116] {strides = array<i32>} : memref<2x80x144xf32, #tpu.memory_space<vmem>>, vector<16xf32>,
            %mul3A_1118 = arith.mulf %get3A_1117, %broadcast_in_dim3A_1109 : vector<16xf32>
            %swap3A_1119 = arith.index_cast %rem3A_71 : i32 to index
            %swap3A_1120 = arith.index_cast %add3A_1113 : i32 to index
            %swap3A_1121 = arith.constant 0 : index
            %swap3A_1122 = tpu.vector_load %arg10[%swap3A_1119, %swap3A_1120, %swap3A_1121] {strides = array<i32>} : memref<2x80x144xf32, #tpu.memory_space<vmem>>, vector<16xf32>,
            tpu.vector_store %arg10[%swap3A_1119, %swap3A_1120, %swap3A_1121], %mul3A_1118 {strides = array<i32>} : memref<2x80x144xf32, #tpu.memory_space<vmem>>, vector<16xf32>,
            %get3A_1123 = arith.index_cast %rem3A_71 : i32 to index
            %get3A_1124 = arith.index_cast %add3A_1113 : i32 to index
            %get3A_1125 = arith.constant 16 : index
            %get3A_1126 = tpu.vector_load %arg10[%get3A_1123, %get3A_1124, %get3A_1125] {strides = array<i32>} : memref<2x80x144xf32, #tpu.memory_space<vmem>>, vector<16xf32>,
            %mul3A_1127 = arith.mulf %get3A_1126, %broadcast_in_dim3A_1109 : vector<16xf32>
            %swap3A_1128 = arith.index_cast %rem3A_71 : i32 to index
            %swap3A_1129 = arith.index_cast %add3A_1113 : i32 to index
            %swap3A_1130 = arith.constant 16 : index
            %swap3A_1131 = tpu.vector_load %arg10[%swap3A_1128, %swap3A_1129, %swap3A_1130] {strides = array<i32>} : memref<2x80x144xf32, #tpu.memory_space<vmem>>, vector<16xf32>,
            tpu.vector_store %arg10[%swap3A_1128, %swap3A_1129, %swap3A_1130], %mul3A_1127 {strides = array<i32>} : memref<2x80x144xf32, #tpu.memory_space<vmem>>, vector<16xf32>,
            %get3A_1132 = arith.index_cast %rem3A_71 : i32 to index
            %get3A_1133 = arith.index_cast %add3A_1113 : i32 to index
            %get3A_1134 = arith.constant 32 : index
            %get3A_1135 = tpu.vector_load %arg10[%get3A_1132, %get3A_1133, %get3A_1134] {strides = array<i32>} : memref<2x80x144xf32, #tpu.memory_space<vmem>>, vector<16xf32>,
            %mul3A_1136 = arith.mulf %get3A_1135, %broadcast_in_dim3A_1109 : vector<16xf32>
            %swap3A_1137 = arith.index_cast %rem3A_71 : i32 to index
            %swap3A_1138 = arith.index_cast %add3A_1113 : i32 to index
            %swap3A_1139 = arith.constant 32 : index
            %swap3A_1140 = tpu.vector_load %arg10[%swap3A_1137, %swap3A_1138, %swap3A_1139] {strides = array<i32>} : memref<2x80x144xf32, #tpu.memory_space<vmem>>, vector<16xf32>,
            tpu.vector_store %arg10[%swap3A_1137, %swap3A_1138, %swap3A_1139], %mul3A_1136 {strides = array<i32>} : memref<2x80x144xf32, #tpu.memory_space<vmem>>, vector<16xf32>,
            %get3A_1141 = arith.index_cast %rem3A_71 : i32 to index
            %get3A_1142 = arith.index_cast %add3A_1113 : i32 to index
            %get3A_1143 = arith.constant 48 : index
            %get3A_1144 = tpu.vector_load %arg10[%get3A_1141, %get3A_1142, %get3A_1143] {strides = array<i32>} : memref<2x80x144xf32, #tpu.memory_space<vmem>>, vector<16xf32>,
            %mul3A_1145 = arith.mulf %get3A_1144, %broadcast_in_dim3A_1109 : vector<16xf32>
            %swap3A_1146 = arith.index_cast %rem3A_71 : i32 to index
            %swap3A_1147 = arith.index_cast %add3A_1113 : i32 to index
            %swap3A_1148 = arith.constant 48 : index
            %swap3A_1149 = tpu.vector_load %arg10[%swap3A_1146, %swap3A_1147, %swap3A_1148] {strides = array<i32>} : memref<2x80x144xf32, #tpu.memory_space<vmem>>, vector<16xf32>,
            tpu.vector_store %arg10[%swap3A_1146, %swap3A_1147, %swap3A_1148], %mul3A_1145 {strides = array<i32>} : memref<2x80x144xf32, #tpu.memory_space<vmem>>, vector<16xf32>,
            %get3A_1150 = arith.index_cast %rem3A_71 : i32 to index
            %get3A_1151 = arith.index_cast %add3A_1113 : i32 to index
            %get3A_1152 = arith.constant 64 : index
            %get3A_1153 = tpu.vector_load %arg10[%get3A_1150, %get3A_1151, %get3A_1152] {strides = array<i32>} : memref<2x80x144xf32, #tpu.memory_space<vmem>>, vector<16xf32>,
            %mul3A_1154 = arith.mulf %get3A_1153, %broadcast_in_dim3A_1109 : vector<16xf32>
            %swap3A_1155 = arith.index_cast %rem3A_71 : i32 to index
            %swap3A_1156 = arith.index_cast %add3A_1113 : i32 to index
            %swap3A_1157 = arith.constant 64 : index
            %swap3A_1158 = tpu.vector_load %arg10[%swap3A_1155, %swap3A_1156, %swap3A_1157] {strides = array<i32>} : memref<2x80x144xf32, #tpu.memory_space<vmem>>, vector<16xf32>,
            tpu.vector_store %arg10[%swap3A_1155, %swap3A_1156, %swap3A_1157], %mul3A_1154 {strides = array<i32>} : memref<2x80x144xf32, #tpu.memory_space<vmem>>, vector<16xf32>,
            %get3A_1159 = arith.index_cast %rem3A_71 : i32 to index
            %get3A_1160 = arith.index_cast %add3A_1113 : i32 to index
            %get3A_1161 = arith.constant 80 : index
            %get3A_1162 = tpu.vector_load %arg10[%get3A_1159, %get3A_1160, %get3A_1161] {strides = array<i32>} : memref<2x80x144xf32, #tpu.memory_space<vmem>>, vector<16xf32>,
            %mul3A_1163 = arith.mulf %get3A_1162, %broadcast_in_dim3A_1109 : vector<16xf32>
            %swap3A_1164 = arith.index_cast %rem3A_71 : i32 to index
            %swap3A_1165 = arith.index_cast %add3A_1113 : i32 to index
            %swap3A_1166 = arith.constant 80 : index
            %swap3A_1167 = tpu.vector_load %arg10[%swap3A_1164, %swap3A_1165, %swap3A_1166] {strides = array<i32>} : memref<2x80x144xf32, #tpu.memory_space<vmem>>, vector<16xf32>,
            tpu.vector_store %arg10[%swap3A_1164, %swap3A_1165, %swap3A_1166], %mul3A_1163 {strides = array<i32>} : memref<2x80x144xf32, #tpu.memory_space<vmem>>, vector<16xf32>,
            %get3A_1168 = arith.index_cast %rem3A_71 : i32 to index
            %get3A_1169 = arith.index_cast %add3A_1113 : i32 to index
            %get3A_1170 = arith.constant 96 : index
            %get3A_1171 = tpu.vector_load %arg10[%get3A_1168, %get3A_1169, %get3A_1170] {strides = array<i32>} : memref<2x80x144xf32, #tpu.memory_space<vmem>>, vector<16xf32>,
            %mul3A_1172 = arith.mulf %get3A_1171, %broadcast_in_dim3A_1109 : vector<16xf32>
            %swap3A_1173 = arith.index_cast %rem3A_71 : i32 to index
            %swap3A_1174 = arith.index_cast %add3A_1113 : i32 to index
            %swap3A_1175 = arith.constant 96 : index
            %swap3A_1176 = tpu.vector_load %arg10[%swap3A_1173, %swap3A_1174, %swap3A_1175] {strides = array<i32>} : memref<2x80x144xf32, #tpu.memory_space<vmem>>, vector<16xf32>,
            tpu.vector_store %arg10[%swap3A_1173, %swap3A_1174, %swap3A_1175], %mul3A_1172 {strides = array<i32>} : memref<2x80x144xf32, #tpu.memory_space<vmem>>, vector<16xf32>,
            %get3A_1177 = arith.index_cast %rem3A_71 : i32 to index
            %get3A_1178 = arith.index_cast %add3A_1113 : i32 to index
            %get3A_1179 = arith.constant 112 : index
            %get3A_1180 = tpu.vector_load %arg10[%get3A_1177, %get3A_1178, %get3A_1179] {strides = array<i32>} : memref<2x80x144xf32, #tpu.memory_space<vmem>>, vector<16xf32>,
            %mul3A_1181 = arith.mulf %get3A_1180, %broadcast_in_dim3A_1109 : vector<16xf32>
            %swap3A_1182 = arith.index_cast %rem3A_71 : i32 to index
            %swap3A_1183 = arith.index_cast %add3A_1113 : i32 to index
            %swap3A_1184 = arith.constant 112 : index
            %swap3A_1185 = tpu.vector_load %arg10[%swap3A_1182, %swap3A_1183, %swap3A_1184] {strides = array<i32>} : memref<2x80x144xf32, #tpu.memory_space<vmem>>, vector<16xf32>,
            tpu.vector_store %arg10[%swap3A_1182, %swap3A_1183, %swap3A_1184], %mul3A_1181 {strides = array<i32>} : memref<2x80x144xf32, #tpu.memory_space<vmem>>, vector<16xf32>,
            %swap3A_1186 = arith.index_cast %rem3A_71 : i32 to index
            %swap3A_1187 = arith.index_cast %add3A_1113 : i32 to index
            %swap3A_1188 = arith.constant 128 : index
            %swap3A_1189 = tpu.vector_load %arg10[%swap3A_1186, %swap3A_1187, %swap3A_1188] {strides = array<i32>} : memref<2x80x144xf32, #tpu.memory_space<vmem>>, vector<16xf32>,
            tpu.vector_store %arg10[%swap3A_1186, %swap3A_1187, %swap3A_1188], %broadcast_in_dim3A_1109 {strides = array<i32>} : memref<2x80x144xf32, #tpu.memory_space<vmem>>, vector<16xf32>,
            %slice3A_1190 = vector.extract_strided_slice %exp3A {offsets = [13], sizes = [1], strides = [1]} : vector<16xf32> to vector<1xf32>
            %squeeze3A_1191 = vector.extract %slice3A_1190[0] : f32 from vector<1xf32>
            %broadcast_in_dim3A_1192 = vector.broadcast %squeeze3A_1191 : f32 to vector<16xf32>
            %mul3A_1193 = arith.constant 16 : i32
            %mul3A_1194 = arith.muli %scan3A_97, %mul3A_1193 : i32
            %add3A_1195 = arith.constant 13 : i32
            %add3A_1196 = arith.addi %mul3A_1194, %add3A_1195 : i32
            %get3A_1197 = arith.index_cast %rem3A_71 : i32 to index
            %get3A_1198 = arith.index_cast %add3A_1196 : i32 to index
            %get3A_1199 = arith.constant 0 : index
            %get3A_1200 = tpu.vector_load %arg10[%get3A_1197, %get3A_1198, %get3A_1199] {strides = array<i32>} : memref<2x80x144xf32, #tpu.memory_space<vmem>>, vector<16xf32>,
            %mul3A_1201 = arith.mulf %get3A_1200, %broadcast_in_dim3A_1192 : vector<16xf32>
            %swap3A_1202 = arith.index_cast %rem3A_71 : i32 to index
            %swap3A_1203 = arith.index_cast %add3A_1196 : i32 to index
            %swap3A_1204 = arith.constant 0 : index
            %swap3A_1205 = tpu.vector_load %arg10[%swap3A_1202, %swap3A_1203, %swap3A_1204] {strides = array<i32>} : memref<2x80x144xf32, #tpu.memory_space<vmem>>, vector<16xf32>,
            tpu.vector_store %arg10[%swap3A_1202, %swap3A_1203, %swap3A_1204], %mul3A_1201 {strides = array<i32>} : memref<2x80x144xf32, #tpu.memory_space<vmem>>, vector<16xf32>,
            %get3A_1206 = arith.index_cast %rem3A_71 : i32 to index
            %get3A_1207 = arith.index_cast %add3A_1196 : i32 to index
            %get3A_1208 = arith.constant 16 : index
            %get3A_1209 = tpu.vector_load %arg10[%get3A_1206, %get3A_1207, %get3A_1208] {strides = array<i32>} : memref<2x80x144xf32, #tpu.memory_space<vmem>>, vector<16xf32>,
            %mul3A_1210 = arith.mulf %get3A_1209, %broadcast_in_dim3A_1192 : vector<16xf32>
            %swap3A_1211 = arith.index_cast %rem3A_71 : i32 to index
            %swap3A_1212 = arith.index_cast %add3A_1196 : i32 to index
            %swap3A_1213 = arith.constant 16 : index
            %swap3A_1214 = tpu.vector_load %arg10[%swap3A_1211, %swap3A_1212, %swap3A_1213] {strides = array<i32>} : memref<2x80x144xf32, #tpu.memory_space<vmem>>, vector<16xf32>,
            tpu.vector_store %arg10[%swap3A_1211, %swap3A_1212, %swap3A_1213], %mul3A_1210 {strides = array<i32>} : memref<2x80x144xf32, #tpu.memory_space<vmem>>, vector<16xf32>,
            %get3A_1215 = arith.index_cast %rem3A_71 : i32 to index
            %get3A_1216 = arith.index_cast %add3A_1196 : i32 to index
            %get3A_1217 = arith.constant 32 : index
            %get3A_1218 = tpu.vector_load %arg10[%get3A_1215, %get3A_1216, %get3A_1217] {strides = array<i32>} : memref<2x80x144xf32, #tpu.memory_space<vmem>>, vector<16xf32>,
            %mul3A_1219 = arith.mulf %get3A_1218, %broadcast_in_dim3A_1192 : vector<16xf32>
            %swap3A_1220 = arith.index_cast %rem3A_71 : i32 to index
            %swap3A_1221 = arith.index_cast %add3A_1196 : i32 to index
            %swap3A_1222 = arith.constant 32 : index
            %swap3A_1223 = tpu.vector_load %arg10[%swap3A_1220, %swap3A_1221, %swap3A_1222] {strides = array<i32>} : memref<2x80x144xf32, #tpu.memory_space<vmem>>, vector<16xf32>,
            tpu.vector_store %arg10[%swap3A_1220, %swap3A_1221, %swap3A_1222], %mul3A_1219 {strides = array<i32>} : memref<2x80x144xf32, #tpu.memory_space<vmem>>, vector<16xf32>,
            %get3A_1224 = arith.index_cast %rem3A_71 : i32 to index
            %get3A_1225 = arith.index_cast %add3A_1196 : i32 to index
            %get3A_1226 = arith.constant 48 : index
            %get3A_1227 = tpu.vector_load %arg10[%get3A_1224, %get3A_1225, %get3A_1226] {strides = array<i32>} : memref<2x80x144xf32, #tpu.memory_space<vmem>>, vector<16xf32>,
            %mul3A_1228 = arith.mulf %get3A_1227, %broadcast_in_dim3A_1192 : vector<16xf32>
            %swap3A_1229 = arith.index_cast %rem3A_71 : i32 to index
            %swap3A_1230 = arith.index_cast %add3A_1196 : i32 to index
            %swap3A_1231 = arith.constant 48 : index
            %swap3A_1232 = tpu.vector_load %arg10[%swap3A_1229, %swap3A_1230, %swap3A_1231] {strides = array<i32>} : memref<2x80x144xf32, #tpu.memory_space<vmem>>, vector<16xf32>,
            tpu.vector_store %arg10[%swap3A_1229, %swap3A_1230, %swap3A_1231], %mul3A_1228 {strides = array<i32>} : memref<2x80x144xf32, #tpu.memory_space<vmem>>, vector<16xf32>,
            %get3A_1233 = arith.index_cast %rem3A_71 : i32 to index
            %get3A_1234 = arith.index_cast %add3A_1196 : i32 to index
            %get3A_1235 = arith.constant 64 : index
            %get3A_1236 = tpu.vector_load %arg10[%get3A_1233, %get3A_1234, %get3A_1235] {strides = array<i32>} : memref<2x80x144xf32, #tpu.memory_space<vmem>>, vector<16xf32>,
            %mul3A_1237 = arith.mulf %get3A_1236, %broadcast_in_dim3A_1192 : vector<16xf32>
            %swap3A_1238 = arith.index_cast %rem3A_71 : i32 to index
            %swap3A_1239 = arith.index_cast %add3A_1196 : i32 to index
            %swap3A_1240 = arith.constant 64 : index
            %swap3A_1241 = tpu.vector_load %arg10[%swap3A_1238, %swap3A_1239, %swap3A_1240] {strides = array<i32>} : memref<2x80x144xf32, #tpu.memory_space<vmem>>, vector<16xf32>,
            tpu.vector_store %arg10[%swap3A_1238, %swap3A_1239, %swap3A_1240], %mul3A_1237 {strides = array<i32>} : memref<2x80x144xf32, #tpu.memory_space<vmem>>, vector<16xf32>,
            %get3A_1242 = arith.index_cast %rem3A_71 : i32 to index
            %get3A_1243 = arith.index_cast %add3A_1196 : i32 to index
            %get3A_1244 = arith.constant 80 : index
            %get3A_1245 = tpu.vector_load %arg10[%get3A_1242, %get3A_1243, %get3A_1244] {strides = array<i32>} : memref<2x80x144xf32, #tpu.memory_space<vmem>>, vector<16xf32>,
            %mul3A_1246 = arith.mulf %get3A_1245, %broadcast_in_dim3A_1192 : vector<16xf32>
            %swap3A_1247 = arith.index_cast %rem3A_71 : i32 to index
            %swap3A_1248 = arith.index_cast %add3A_1196 : i32 to index
            %swap3A_1249 = arith.constant 80 : index
            %swap3A_1250 = tpu.vector_load %arg10[%swap3A_1247, %swap3A_1248, %swap3A_1249] {strides = array<i32>} : memref<2x80x144xf32, #tpu.memory_space<vmem>>, vector<16xf32>,
            tpu.vector_store %arg10[%swap3A_1247, %swap3A_1248, %swap3A_1249], %mul3A_1246 {strides = array<i32>} : memref<2x80x144xf32, #tpu.memory_space<vmem>>, vector<16xf32>,
            %get3A_1251 = arith.index_cast %rem3A_71 : i32 to index
            %get3A_1252 = arith.index_cast %add3A_1196 : i32 to index
            %get3A_1253 = arith.constant 96 : index
            %get3A_1254 = tpu.vector_load %arg10[%get3A_1251, %get3A_1252, %get3A_1253] {strides = array<i32>} : memref<2x80x144xf32, #tpu.memory_space<vmem>>, vector<16xf32>,
            %mul3A_1255 = arith.mulf %get3A_1254, %broadcast_in_dim3A_1192 : vector<16xf32>
            %swap3A_1256 = arith.index_cast %rem3A_71 : i32 to index
            %swap3A_1257 = arith.index_cast %add3A_1196 : i32 to index
            %swap3A_1258 = arith.constant 96 : index
            %swap3A_1259 = tpu.vector_load %arg10[%swap3A_1256, %swap3A_1257, %swap3A_1258] {strides = array<i32>} : memref<2x80x144xf32, #tpu.memory_space<vmem>>, vector<16xf32>,
            tpu.vector_store %arg10[%swap3A_1256, %swap3A_1257, %swap3A_1258], %mul3A_1255 {strides = array<i32>} : memref<2x80x144xf32, #tpu.memory_space<vmem>>, vector<16xf32>,
            %get3A_1260 = arith.index_cast %rem3A_71 : i32 to index
            %get3A_1261 = arith.index_cast %add3A_1196 : i32 to index
            %get3A_1262 = arith.constant 112 : index
            %get3A_1263 = tpu.vector_load %arg10[%get3A_1260, %get3A_1261, %get3A_1262] {strides = array<i32>} : memref<2x80x144xf32, #tpu.memory_space<vmem>>, vector<16xf32>,
            %mul3A_1264 = arith.mulf %get3A_1263, %broadcast_in_dim3A_1192 : vector<16xf32>
            %swap3A_1265 = arith.index_cast %rem3A_71 : i32 to index
            %swap3A_1266 = arith.index_cast %add3A_1196 : i32 to index
            %swap3A_1267 = arith.constant 112 : index
            %swap3A_1268 = tpu.vector_load %arg10[%swap3A_1265, %swap3A_1266, %swap3A_1267] {strides = array<i32>} : memref<2x80x144xf32, #tpu.memory_space<vmem>>, vector<16xf32>,
            tpu.vector_store %arg10[%swap3A_1265, %swap3A_1266, %swap3A_1267], %mul3A_1264 {strides = array<i32>} : memref<2x80x144xf32, #tpu.memory_space<vmem>>, vector<16xf32>,
            %swap3A_1269 = arith.index_cast %rem3A_71 : i32 to index
            %swap3A_1270 = arith.index_cast %add3A_1196 : i32 to index
            %swap3A_1271 = arith.constant 128 : index
            %swap3A_1272 = tpu.vector_load %arg10[%swap3A_1269, %swap3A_1270, %swap3A_1271] {strides = array<i32>} : memref<2x80x144xf32, #tpu.memory_space<vmem>>, vector<16xf32>,
            tpu.vector_store %arg10[%swap3A_1269, %swap3A_1270, %swap3A_1271], %broadcast_in_dim3A_1192 {strides = array<i32>} : memref<2x80x144xf32, #tpu.memory_space<vmem>>, vector<16xf32>,
            %slice3A_1273 = vector.extract_strided_slice %exp3A {offsets = [14], sizes = [1], strides = [1]} : vector<16xf32> to vector<1xf32>
            %squeeze3A_1274 = vector.extract %slice3A_1273[0] : f32 from vector<1xf32>
            %broadcast_in_dim3A_1275 = vector.broadcast %squeeze3A_1274 : f32 to vector<16xf32>
            %mul3A_1276 = arith.constant 16 : i32
            %mul3A_1277 = arith.muli %scan3A_97, %mul3A_1276 : i32
            %add3A_1278 = arith.constant 14 : i32
            %add3A_1279 = arith.addi %mul3A_1277, %add3A_1278 : i32
            %get3A_1280 = arith.index_cast %rem3A_71 : i32 to index
            %get3A_1281 = arith.index_cast %add3A_1279 : i32 to index
            %get3A_1282 = arith.constant 0 : index
            %get3A_1283 = tpu.vector_load %arg10[%get3A_1280, %get3A_1281, %get3A_1282] {strides = array<i32>} : memref<2x80x144xf32, #tpu.memory_space<vmem>>, vector<16xf32>,
            %mul3A_1284 = arith.mulf %get3A_1283, %broadcast_in_dim3A_1275 : vector<16xf32>
            %swap3A_1285 = arith.index_cast %rem3A_71 : i32 to index
            %swap3A_1286 = arith.index_cast %add3A_1279 : i32 to index
            %swap3A_1287 = arith.constant 0 : index
            %swap3A_1288 = tpu.vector_load %arg10[%swap3A_1285, %swap3A_1286, %swap3A_1287] {strides = array<i32>} : memref<2x80x144xf32, #tpu.memory_space<vmem>>, vector<16xf32>,
            tpu.vector_store %arg10[%swap3A_1285, %swap3A_1286, %swap3A_1287], %mul3A_1284 {strides = array<i32>} : memref<2x80x144xf32, #tpu.memory_space<vmem>>, vector<16xf32>,
            %get3A_1289 = arith.index_cast %rem3A_71 : i32 to index
            %get3A_1290 = arith.index_cast %add3A_1279 : i32 to index
            %get3A_1291 = arith.constant 16 : index
            %get3A_1292 = tpu.vector_load %arg10[%get3A_1289, %get3A_1290, %get3A_1291] {strides = array<i32>} : memref<2x80x144xf32, #tpu.memory_space<vmem>>, vector<16xf32>,
            %mul3A_1293 = arith.mulf %get3A_1292, %broadcast_in_dim3A_1275 : vector<16xf32>
            %swap3A_1294 = arith.index_cast %rem3A_71 : i32 to index
            %swap3A_1295 = arith.index_cast %add3A_1279 : i32 to index
            %swap3A_1296 = arith.constant 16 : index
            %swap3A_1297 = tpu.vector_load %arg10[%swap3A_1294, %swap3A_1295, %swap3A_1296] {strides = array<i32>} : memref<2x80x144xf32, #tpu.memory_space<vmem>>, vector<16xf32>,
            tpu.vector_store %arg10[%swap3A_1294, %swap3A_1295, %swap3A_1296], %mul3A_1293 {strides = array<i32>} : memref<2x80x144xf32, #tpu.memory_space<vmem>>, vector<16xf32>,
            %get3A_1298 = arith.index_cast %rem3A_71 : i32 to index
            %get3A_1299 = arith.index_cast %add3A_1279 : i32 to index
            %get3A_1300 = arith.constant 32 : index
            %get3A_1301 = tpu.vector_load %arg10[%get3A_1298, %get3A_1299, %get3A_1300] {strides = array<i32>} : memref<2x80x144xf32, #tpu.memory_space<vmem>>, vector<16xf32>,
            %mul3A_1302 = arith.mulf %get3A_1301, %broadcast_in_dim3A_1275 : vector<16xf32>
            %swap3A_1303 = arith.index_cast %rem3A_71 : i32 to index
            %swap3A_1304 = arith.index_cast %add3A_1279 : i32 to index
            %swap3A_1305 = arith.constant 32 : index
            %swap3A_1306 = tpu.vector_load %arg10[%swap3A_1303, %swap3A_1304, %swap3A_1305] {strides = array<i32>} : memref<2x80x144xf32, #tpu.memory_space<vmem>>, vector<16xf32>,
            tpu.vector_store %arg10[%swap3A_1303, %swap3A_1304, %swap3A_1305], %mul3A_1302 {strides = array<i32>} : memref<2x80x144xf32, #tpu.memory_space<vmem>>, vector<16xf32>,
            %get3A_1307 = arith.index_cast %rem3A_71 : i32 to index
            %get3A_1308 = arith.index_cast %add3A_1279 : i32 to index
            %get3A_1309 = arith.constant 48 : index
            %get3A_1310 = tpu.vector_load %arg10[%get3A_1307, %get3A_1308, %get3A_1309] {strides = array<i32>} : memref<2x80x144xf32, #tpu.memory_space<vmem>>, vector<16xf32>,
            %mul3A_1311 = arith.mulf %get3A_1310, %broadcast_in_dim3A_1275 : vector<16xf32>
            %swap3A_1312 = arith.index_cast %rem3A_71 : i32 to index
            %swap3A_1313 = arith.index_cast %add3A_1279 : i32 to index
            %swap3A_1314 = arith.constant 48 : index
            %swap3A_1315 = tpu.vector_load %arg10[%swap3A_1312, %swap3A_1313, %swap3A_1314] {strides = array<i32>} : memref<2x80x144xf32, #tpu.memory_space<vmem>>, vector<16xf32>,
            tpu.vector_store %arg10[%swap3A_1312, %swap3A_1313, %swap3A_1314], %mul3A_1311 {strides = array<i32>} : memref<2x80x144xf32, #tpu.memory_space<vmem>>, vector<16xf32>,
            %get3A_1316 = arith.index_cast %rem3A_71 : i32 to index
            %get3A_1317 = arith.index_cast %add3A_1279 : i32 to index
            %get3A_1318 = arith.constant 64 : index
            %get3A_1319 = tpu.vector_load %arg10[%get3A_1316, %get3A_1317, %get3A_1318] {strides = array<i32>} : memref<2x80x144xf32, #tpu.memory_space<vmem>>, vector<16xf32>,
            %mul3A_1320 = arith.mulf %get3A_1319, %broadcast_in_dim3A_1275 : vector<16xf32>
            %swap3A_1321 = arith.index_cast %rem3A_71 : i32 to index
            %swap3A_1322 = arith.index_cast %add3A_1279 : i32 to index
            %swap3A_1323 = arith.constant 64 : index
            %swap3A_1324 = tpu.vector_load %arg10[%swap3A_1321, %swap3A_1322, %swap3A_1323] {strides = array<i32>} : memref<2x80x144xf32, #tpu.memory_space<vmem>>, vector<16xf32>,
            tpu.vector_store %arg10[%swap3A_1321, %swap3A_1322, %swap3A_1323], %mul3A_1320 {strides = array<i32>} : memref<2x80x144xf32, #tpu.memory_space<vmem>>, vector<16xf32>,
            %get3A_1325 = arith.index_cast %rem3A_71 : i32 to index
            %get3A_1326 = arith.index_cast %add3A_1279 : i32 to index
            %get3A_1327 = arith.constant 80 : index
            %get3A_1328 = tpu.vector_load %arg10[%get3A_1325, %get3A_1326, %get3A_1327] {strides = array<i32>} : memref<2x80x144xf32, #tpu.memory_space<vmem>>, vector<16xf32>,
            %mul3A_1329 = arith.mulf %get3A_1328, %broadcast_in_dim3A_1275 : vector<16xf32>
            %swap3A_1330 = arith.index_cast %rem3A_71 : i32 to index
            %swap3A_1331 = arith.index_cast %add3A_1279 : i32 to index
            %swap3A_1332 = arith.constant 80 : index
            %swap3A_1333 = tpu.vector_load %arg10[%swap3A_1330, %swap3A_1331, %swap3A_1332] {strides = array<i32>} : memref<2x80x144xf32, #tpu.memory_space<vmem>>, vector<16xf32>,
            tpu.vector_store %arg10[%swap3A_1330, %swap3A_1331, %swap3A_1332], %mul3A_1329 {strides = array<i32>} : memref<2x80x144xf32, #tpu.memory_space<vmem>>, vector<16xf32>,
            %get3A_1334 = arith.index_cast %rem3A_71 : i32 to index
            %get3A_1335 = arith.index_cast %add3A_1279 : i32 to index
            %get3A_1336 = arith.constant 96 : index
            %get3A_1337 = tpu.vector_load %arg10[%get3A_1334, %get3A_1335, %get3A_1336] {strides = array<i32>} : memref<2x80x144xf32, #tpu.memory_space<vmem>>, vector<16xf32>,
            %mul3A_1338 = arith.mulf %get3A_1337, %broadcast_in_dim3A_1275 : vector<16xf32>
            %swap3A_1339 = arith.index_cast %rem3A_71 : i32 to index
            %swap3A_1340 = arith.index_cast %add3A_1279 : i32 to index
            %swap3A_1341 = arith.constant 96 : index
            %swap3A_1342 = tpu.vector_load %arg10[%swap3A_1339, %swap3A_1340, %swap3A_1341] {strides = array<i32>} : memref<2x80x144xf32, #tpu.memory_space<vmem>>, vector<16xf32>,
            tpu.vector_store %arg10[%swap3A_1339, %swap3A_1340, %swap3A_1341], %mul3A_1338 {strides = array<i32>} : memref<2x80x144xf32, #tpu.memory_space<vmem>>, vector<16xf32>,
            %get3A_1343 = arith.index_cast %rem3A_71 : i32 to index
            %get3A_1344 = arith.index_cast %add3A_1279 : i32 to index
            %get3A_1345 = arith.constant 112 : index
            %get3A_1346 = tpu.vector_load %arg10[%get3A_1343, %get3A_1344, %get3A_1345] {strides = array<i32>} : memref<2x80x144xf32, #tpu.memory_space<vmem>>, vector<16xf32>,
            %mul3A_1347 = arith.mulf %get3A_1346, %broadcast_in_dim3A_1275 : vector<16xf32>
            %swap3A_1348 = arith.index_cast %rem3A_71 : i32 to index
            %swap3A_1349 = arith.index_cast %add3A_1279 : i32 to index
            %swap3A_1350 = arith.constant 112 : index
            %swap3A_1351 = tpu.vector_load %arg10[%swap3A_1348, %swap3A_1349, %swap3A_1350] {strides = array<i32>} : memref<2x80x144xf32, #tpu.memory_space<vmem>>, vector<16xf32>,
            tpu.vector_store %arg10[%swap3A_1348, %swap3A_1349, %swap3A_1350], %mul3A_1347 {strides = array<i32>} : memref<2x80x144xf32, #tpu.memory_space<vmem>>, vector<16xf32>,
            %swap3A_1352 = arith.index_cast %rem3A_71 : i32 to index
            %swap3A_1353 = arith.index_cast %add3A_1279 : i32 to index
            %swap3A_1354 = arith.constant 128 : index
            %swap3A_1355 = tpu.vector_load %arg10[%swap3A_1352, %swap3A_1353, %swap3A_1354] {strides = array<i32>} : memref<2x80x144xf32, #tpu.memory_space<vmem>>, vector<16xf32>,
            tpu.vector_store %arg10[%swap3A_1352, %swap3A_1353, %swap3A_1354], %broadcast_in_dim3A_1275 {strides = array<i32>} : memref<2x80x144xf32, #tpu.memory_space<vmem>>, vector<16xf32>,
            %slice3A_1356 = vector.extract_strided_slice %exp3A {offsets = [15], sizes = [1], strides = [1]} : vector<16xf32> to vector<1xf32>
            %squeeze3A_1357 = vector.extract %slice3A_1356[0] : f32 from vector<1xf32>
            %broadcast_in_dim3A_1358 = vector.broadcast %squeeze3A_1357 : f32 to vector<16xf32>
            %mul3A_1359 = arith.constant 16 : i32
            %mul3A_1360 = arith.muli %scan3A_97, %mul3A_1359 : i32
            %add3A_1361 = arith.constant 15 : i32
            %add3A_1362 = arith.addi %mul3A_1360, %add3A_1361 : i32
            %get3A_1363 = arith.index_cast %rem3A_71 : i32 to index
            %get3A_1364 = arith.index_cast %add3A_1362 : i32 to index
            %get3A_1365 = arith.constant 0 : index
            %get3A_1366 = tpu.vector_load %arg10[%get3A_1363, %get3A_1364, %get3A_1365] {strides = array<i32>} : memref<2x80x144xf32, #tpu.memory_space<vmem>>, vector<16xf32>,
            %mul3A_1367 = arith.mulf %get3A_1366, %broadcast_in_dim3A_1358 : vector<16xf32>
            %swap3A_1368 = arith.index_cast %rem3A_71 : i32 to index
            %swap3A_1369 = arith.index_cast %add3A_1362 : i32 to index
            %swap3A_1370 = arith.constant 0 : index
            %swap3A_1371 = tpu.vector_load %arg10[%swap3A_1368, %swap3A_1369, %swap3A_1370] {strides = array<i32>} : memref<2x80x144xf32, #tpu.memory_space<vmem>>, vector<16xf32>,
            tpu.vector_store %arg10[%swap3A_1368, %swap3A_1369, %swap3A_1370], %mul3A_1367 {strides = array<i32>} : memref<2x80x144xf32, #tpu.memory_space<vmem>>, vector<16xf32>,
            %get3A_1372 = arith.index_cast %rem3A_71 : i32 to index
            %get3A_1373 = arith.index_cast %add3A_1362 : i32 to index
            %get3A_1374 = arith.constant 16 : index
            %get3A_1375 = tpu.vector_load %arg10[%get3A_1372, %get3A_1373, %get3A_1374] {strides = array<i32>} : memref<2x80x144xf32, #tpu.memory_space<vmem>>, vector<16xf32>,
            %mul3A_1376 = arith.mulf %get3A_1375, %broadcast_in_dim3A_1358 : vector<16xf32>
            %swap3A_1377 = arith.index_cast %rem3A_71 : i32 to index
            %swap3A_1378 = arith.index_cast %add3A_1362 : i32 to index
            %swap3A_1379 = arith.constant 16 : index
            %swap3A_1380 = tpu.vector_load %arg10[%swap3A_1377, %swap3A_1378, %swap3A_1379] {strides = array<i32>} : memref<2x80x144xf32, #tpu.memory_space<vmem>>, vector<16xf32>,
            tpu.vector_store %arg10[%swap3A_1377, %swap3A_1378, %swap3A_1379], %mul3A_1376 {strides = array<i32>} : memref<2x80x144xf32, #tpu.memory_space<vmem>>, vector<16xf32>,
            %get3A_1381 = arith.index_cast %rem3A_71 : i32 to index
            %get3A_1382 = arith.index_cast %add3A_1362 : i32 to index
            %get3A_1383 = arith.constant 32 : index
            %get3A_1384 = tpu.vector_load %arg10[%get3A_1381, %get3A_1382, %get3A_1383] {strides = array<i32>} : memref<2x80x144xf32, #tpu.memory_space<vmem>>, vector<16xf32>,
            %mul3A_1385 = arith.mulf %get3A_1384, %broadcast_in_dim3A_1358 : vector<16xf32>
            %swap3A_1386 = arith.index_cast %rem3A_71 : i32 to index
            %swap3A_1387 = arith.index_cast %add3A_1362 : i32 to index
            %swap3A_1388 = arith.constant 32 : index
            %swap3A_1389 = tpu.vector_load %arg10[%swap3A_1386, %swap3A_1387, %swap3A_1388] {strides = array<i32>} : memref<2x80x144xf32, #tpu.memory_space<vmem>>, vector<16xf32>,
            tpu.vector_store %arg10[%swap3A_1386, %swap3A_1387, %swap3A_1388], %mul3A_1385 {strides = array<i32>} : memref<2x80x144xf32, #tpu.memory_space<vmem>>, vector<16xf32>,
            %get3A_1390 = arith.index_cast %rem3A_71 : i32 to index
            %get3A_1391 = arith.index_cast %add3A_1362 : i32 to index
            %get3A_1392 = arith.constant 48 : index
            %get3A_1393 = tpu.vector_load %arg10[%get3A_1390, %get3A_1391, %get3A_1392] {strides = array<i32>} : memref<2x80x144xf32, #tpu.memory_space<vmem>>, vector<16xf32>,
            %mul3A_1394 = arith.mulf %get3A_1393, %broadcast_in_dim3A_1358 : vector<16xf32>
            %swap3A_1395 = arith.index_cast %rem3A_71 : i32 to index
            %swap3A_1396 = arith.index_cast %add3A_1362 : i32 to index
            %swap3A_1397 = arith.constant 48 : index
            %swap3A_1398 = tpu.vector_load %arg10[%swap3A_1395, %swap3A_1396, %swap3A_1397] {strides = array<i32>} : memref<2x80x144xf32, #tpu.memory_space<vmem>>, vector<16xf32>,
            tpu.vector_store %arg10[%swap3A_1395, %swap3A_1396, %swap3A_1397], %mul3A_1394 {strides = array<i32>} : memref<2x80x144xf32, #tpu.memory_space<vmem>>, vector<16xf32>,
            %get3A_1399 = arith.index_cast %rem3A_71 : i32 to index
            %get3A_1400 = arith.index_cast %add3A_1362 : i32 to index
            %get3A_1401 = arith.constant 64 : index
            %get3A_1402 = tpu.vector_load %arg10[%get3A_1399, %get3A_1400, %get3A_1401] {strides = array<i32>} : memref<2x80x144xf32, #tpu.memory_space<vmem>>, vector<16xf32>,
            %mul3A_1403 = arith.mulf %get3A_1402, %broadcast_in_dim3A_1358 : vector<16xf32>
            %swap3A_1404 = arith.index_cast %rem3A_71 : i32 to index
            %swap3A_1405 = arith.index_cast %add3A_1362 : i32 to index
            %swap3A_1406 = arith.constant 64 : index
            %swap3A_1407 = tpu.vector_load %arg10[%swap3A_1404, %swap3A_1405, %swap3A_1406] {strides = array<i32>} : memref<2x80x144xf32, #tpu.memory_space<vmem>>, vector<16xf32>,
            tpu.vector_store %arg10[%swap3A_1404, %swap3A_1405, %swap3A_1406], %mul3A_1403 {strides = array<i32>} : memref<2x80x144xf32, #tpu.memory_space<vmem>>, vector<16xf32>,
            %get3A_1408 = arith.index_cast %rem3A_71 : i32 to index
            %get3A_1409 = arith.index_cast %add3A_1362 : i32 to index
            %get3A_1410 = arith.constant 80 : index
            %get3A_1411 = tpu.vector_load %arg10[%get3A_1408, %get3A_1409, %get3A_1410] {strides = array<i32>} : memref<2x80x144xf32, #tpu.memory_space<vmem>>, vector<16xf32>,
            %mul3A_1412 = arith.mulf %get3A_1411, %broadcast_in_dim3A_1358 : vector<16xf32>
            %swap3A_1413 = arith.index_cast %rem3A_71 : i32 to index
            %swap3A_1414 = arith.index_cast %add3A_1362 : i32 to index
            %swap3A_1415 = arith.constant 80 : index
            %swap3A_1416 = tpu.vector_load %arg10[%swap3A_1413, %swap3A_1414, %swap3A_1415] {strides = array<i32>} : memref<2x80x144xf32, #tpu.memory_space<vmem>>, vector<16xf32>,
            tpu.vector_store %arg10[%swap3A_1413, %swap3A_1414, %swap3A_1415], %mul3A_1412 {strides = array<i32>} : memref<2x80x144xf32, #tpu.memory_space<vmem>>, vector<16xf32>,
            %get3A_1417 = arith.index_cast %rem3A_71 : i32 to index
            %get3A_1418 = arith.index_cast %add3A_1362 : i32 to index
            %get3A_1419 = arith.constant 96 : index
            %get3A_1420 = tpu.vector_load %arg10[%get3A_1417, %get3A_1418, %get3A_1419] {strides = array<i32>} : memref<2x80x144xf32, #tpu.memory_space<vmem>>, vector<16xf32>,
            %mul3A_1421 = arith.mulf %get3A_1420, %broadcast_in_dim3A_1358 : vector<16xf32>
            %swap3A_1422 = arith.index_cast %rem3A_71 : i32 to index
            %swap3A_1423 = arith.index_cast %add3A_1362 : i32 to index
            %swap3A_1424 = arith.constant 96 : index
            %swap3A_1425 = tpu.vector_load %arg10[%swap3A_1422, %swap3A_1423, %swap3A_1424] {strides = array<i32>} : memref<2x80x144xf32, #tpu.memory_space<vmem>>, vector<16xf32>,
            tpu.vector_store %arg10[%swap3A_1422, %swap3A_1423, %swap3A_1424], %mul3A_1421 {strides = array<i32>} : memref<2x80x144xf32, #tpu.memory_space<vmem>>, vector<16xf32>,
            %get3A_1426 = arith.index_cast %rem3A_71 : i32 to index
            %get3A_1427 = arith.index_cast %add3A_1362 : i32 to index
            %get3A_1428 = arith.constant 112 : index
            %get3A_1429 = tpu.vector_load %arg10[%get3A_1426, %get3A_1427, %get3A_1428] {strides = array<i32>} : memref<2x80x144xf32, #tpu.memory_space<vmem>>, vector<16xf32>,
            %mul3A_1430 = arith.mulf %get3A_1429, %broadcast_in_dim3A_1358 : vector<16xf32>
            %swap3A_1431 = arith.index_cast %rem3A_71 : i32 to index
            %swap3A_1432 = arith.index_cast %add3A_1362 : i32 to index
            %swap3A_1433 = arith.constant 112 : index
            %swap3A_1434 = tpu.vector_load %arg10[%swap3A_1431, %swap3A_1432, %swap3A_1433] {strides = array<i32>} : memref<2x80x144xf32, #tpu.memory_space<vmem>>, vector<16xf32>,
            tpu.vector_store %arg10[%swap3A_1431, %swap3A_1432, %swap3A_1433], %mul3A_1430 {strides = array<i32>} : memref<2x80x144xf32, #tpu.memory_space<vmem>>, vector<16xf32>,
            %swap3A_1435 = arith.index_cast %rem3A_71 : i32 to index
            %swap3A_1436 = arith.index_cast %add3A_1362 : i32 to index
            %swap3A_1437 = arith.constant 128 : index
            %swap3A_1438 = tpu.vector_load %arg10[%swap3A_1435, %swap3A_1436, %swap3A_1437] {strides = array<i32>} : memref<2x80x144xf32, #tpu.memory_space<vmem>>, vector<16xf32>,
            tpu.vector_store %arg10[%swap3A_1435, %swap3A_1436, %swap3A_1437], %broadcast_in_dim3A_1358 {strides = array<i32>} : memref<2x80x144xf32, #tpu.memory_space<vmem>>, vector<16xf32>,
            %scan3A_1439 = arith.constant 0 : i32
            scf.yield %scan3A_1439 : i32
          }
          %scan3A_95 = arith.constant 5 : i32
          "tpu.region"() ({
            %run_scoped3A = tpu.sem_alloc : memref<!tpu.dma_semaphore, #tpu.memory_space<semaphore_mem>>
            %dma_start3A_97 = arith.constant 0 : i32
            %dma_start3A_98 = arith.constant 0 : i32
            %dma_start3A_99 = tpu.memref_slice %arg10[%rem3A_71, %dma_start3A_97, %dma_start3A_98] : memref<2x80x144xf32, #tpu.memory_space<vmem>> -> memref<1x80x144xf32, #tpu.memory_space<vmem>>
            %dma_start3A_100 = tpu.memref_squeeze %dma_start3A_99 : memref<1x80x144xf32, #tpu.memory_space<vmem>> -> memref<80x144xf32, #tpu.memory_space<vmem>>
            %dma_start3A_101 = arith.constant 0 : i32
            %dma_start3A_102 = tpu.memref_slice %arg9[%scan3A_69, %dma_start3A_101] : memref<25x80xi32, #tpu.memory_space<vmem>> -> memref<1x80xi32, #tpu.memory_space<vmem>>
            %dma_start3A_103 = tpu.memref_squeeze %dma_start3A_102 : memref<1x80xi32, #tpu.memory_space<vmem>> -> memref<80xi32, #tpu.memory_space<vmem>>
            %dma_start3A_104 = arith.constant 0 : i32
            %dma_start3A_105 = arith.constant 0 : i32
            %dma_start3A_106 = tpu.memref_slice %arg12[%dma_start3A_104, %dma_start3A_105] : memref<10240x144xf32, #tpu.memory_space<vmem_shared>> -> memref<10240x144xf32, #tpu.memory_space<vmem_shared>>
            tpu.enqueue_indirect_dma source(%dma_start3A_100 : memref<80x144xf32, #tpu.memory_space<vmem>>) target(%dma_start3A_106 : memref<10240x144xf32, #tpu.memory_space<vmem_shared>>) offsets(%dma_start3A_103 : memref<80xi32, #tpu.memory_space<vmem>>) semaphore(%run_scoped3A : memref<!tpu.dma_semaphore, #tpu.memory_space<semaphore_mem>>) {add = true}
            %dma_wait3A_107 = arith.constant 0 : i32
            %dma_wait3A_108 = arith.constant 0 : i32
            %dma_wait3A_109 = tpu.memref_slice %arg10[%rem3A_71, %dma_wait3A_107, %dma_wait3A_108] : memref<2x80x144xf32, #tpu.memory_space<vmem>> -> memref<1x80x144xf32, #tpu.memory_space<vmem>>
            %dma_wait3A_110 = tpu.memref_squeeze %dma_wait3A_109 : memref<1x80x144xf32, #tpu.memory_space<vmem>> -> memref<80x144xf32, #tpu.memory_space<vmem>>
            %dma_wait3A_111 = arith.constant 0 : i32
            %dma_wait3A_112 = tpu.memref_slice %arg9[%scan3A_69, %dma_wait3A_111] : memref<25x80xi32, #tpu.memory_space<vmem>> -> memref<1x80xi32, #tpu.memory_space<vmem>>
            %dma_wait3A_113 = tpu.memref_squeeze %dma_wait3A_112 : memref<1x80xi32, #tpu.memory_space<vmem>> -> memref<80xi32, #tpu.memory_space<vmem>>
            %dma_wait3A_114 = arith.constant 0 : i32
            %dma_wait3A_115 = arith.constant 0 : i32
            %dma_wait3A_116 = tpu.memref_slice %arg12[%dma_wait3A_114, %dma_wait3A_115] : memref<10240x144xf32, #tpu.memory_space<vmem_shared>> -> memref<10240x144xf32, #tpu.memory_space<vmem_shared>>
            tpu.wait_indirect_dma semaphore(%run_scoped3A : memref<!tpu.dma_semaphore, #tpu.memory_space<semaphore_mem>>) src(%dma_wait3A_110 : memref<80x144xf32, #tpu.memory_space<vmem>>) dst(%dma_wait3A_116 : memref<10240x144xf32, #tpu.memory_space<vmem_shared>>)
            tpu.yield
          }) : () -> ()
          %scan3A_96 = arith.constant 0 : i32
          scf.yield %scan3A_96 : i32
        }
        %scan3A_67 = arith.constant 25 : i32
        %scan3A_68 = arith.constant 0 : i32
        scf.yield %scan3A_68 : i32
      }
      %scan3A_22 = arith.constant 10 : i32
      %barrier3A_23 = arith.constant 0 : index
      tpu.barrier barrier_id(%barrier3A_23)
      %mul3A_24 = arith.constant 10240 : i32
      %mul3A_25 = arith.muli %add3A, %mul3A_24 : i32
      %mul3A_26 = arith.constant 640 : i32
      %mul3A_27 = arith.muli %arg1, %mul3A_26 : i32
      %mul3A_28 = arith.constant 640 : i32
      %mul3A_29 = arith.muli %arg1, %mul3A_28 : i32
      %add3A_30 = arith.addi %mul3A_25, %mul3A_29 : i32
      "tpu.region"() ({
        %run_scoped3A = tpu.sem_alloc : memref<!tpu.dma_semaphore, #tpu.memory_space<semaphore_mem>>
        %dma_start3A = arith.constant 0 : i32
        %dma_start3A_32 = tpu.memref_slice %arg7[%add3A_30, %dma_start3A] : memref<81920x144xf32, #tpu.memory_space<hbm>> -> memref<640x144xf32, #tpu.memory_space<hbm>>
        %dma_start3A_33 = arith.constant 0 : i32
        %dma_start3A_34 = tpu.memref_slice %arg12[%mul3A_27, %dma_start3A_33] : memref<10240x144xf32, #tpu.memory_space<vmem_shared>> -> memref<640x144xf32, #tpu.memory_space<vmem_shared>>
        tpu.enqueue_dma source(%dma_start3A_34 : memref<640x144xf32, #tpu.memory_space<vmem_shared>>) target(%dma_start3A_32 : memref<640x144xf32, #tpu.memory_space<hbm>>) target_semaphore(%run_scoped3A : memref<!tpu.dma_semaphore, #tpu.memory_space<semaphore_mem>>)
        %dma_wait3A = arith.constant 0 : i32
        %dma_wait3A_35 = tpu.memref_slice %arg7[%add3A_30, %dma_wait3A] : memref<81920x144xf32, #tpu.memory_space<hbm>> -> memref<640x144xf32, #tpu.memory_space<hbm>>
        %dma_wait3A_36 = arith.constant 0 : i32
        %dma_wait3A_37 = tpu.memref_slice %arg12[%mul3A_27, %dma_wait3A_36] : memref<10240x144xf32, #tpu.memory_space<vmem_shared>> -> memref<640x144xf32, #tpu.memory_space<vmem_shared>>
        tpu.wait_dma2 semaphore(%run_scoped3A : memref<!tpu.dma_semaphore, #tpu.memory_space<semaphore_mem>>) src(%dma_wait3A_37 : memref<640x144xf32, #tpu.memory_space<vmem_shared>>) dst(%dma_wait3A_35 : memref<640x144xf32, #tpu.memory_space<hbm>>)
        tpu.yield
      }) : () -> ()
      %scan3A_31 = arith.constant 0 : i32
      scf.yield %scan3A_31 : i32
    }
    %scan3A_6 = arith.constant 4 : i32
    return
  }
}

#map = affine_map<(d0, d1) -> (0, 0)>
#map1 = affine_map<(d0, d1) -> (0)>
module attributes {stable_mosaic.version = 14 : i64} {
  func.func @_sc_edge_body(%arg0: i32, %arg1: i32, %arg2: memref<10240x144xf32, #tpu.memory_space<hbm>>, %arg3: memref<20480xf32, #tpu.memory_space<hbm>>, %arg4: memref<4000x80xi32, #tpu.memory_space<hbm>>, %arg5: memref<4000x80xi32, #tpu.memory_space<hbm>>, %arg6: memref<10240x144xf32, #tpu.memory_space<hbm>>, %arg7: memref<20480x144xf32, #tpu.memory_space<hbm>>, %arg8: memref<25x80xi32, #tpu.memory_space<vmem>>, %arg9: memref<25x80xi32, #tpu.memory_space<vmem>>, %arg10: memref<2x80x144xf32, #tpu.memory_space<vmem>>, %arg11: memref<10240xf32, #tpu.memory_space<vmem>>, %arg12: memref<10240x144xf32, #tpu.memory_space<vmem_shared>>, %arg13: memref<2x!tpu.dma_semaphore, #tpu.memory_space<semaphore_mem>>) attributes {dimension_semantics = [#tpu.dimension_semantics<core_parallel>, #tpu.dimension_semantics<subcore_parallel>], iteration_bounds = array<i64: 2, 16>, scalar_prefetch = 0 : i64, scratch_operands = 6 : i64, tpu.core_type = #tpu.core_type<sc_vector_subcore>, window_params = [{transform_indices = #map}, {transform_indices = #map1}, {transform_indices = #map}, {transform_indices = #map}, {transform_indices = #map}, {transform_indices = #map}]} {
    %mul3A = arith.constant 16 : i32
    %mul3A_0 = arith.muli %arg0, %mul3A : i32
    %add3A = arith.addi %mul3A_0, %arg1 : i32
    %iota3A = tpu.iota {dimensions = array<i32: 0>} : vector<16xi32>
    %broadcast_in_dim3A = arith.constant 129 : i32
    %broadcast_in_dim3A_1 = vector.broadcast %broadcast_in_dim3A : i32 to vector<16xi32>
    %scan3A = arith.constant 0 : i32
    %scan3A_2 = arith.constant 0 : i32
    %mul3A_3 = arith.constant 640 : i32
    %mul3A_4 = arith.muli %arg1, %mul3A_3 : i32
    %mul3A_5 = arith.constant 640 : i32
    %mul3A_6 = arith.muli %arg1, %mul3A_5 : i32
    "tpu.region"() ({
      %run_scoped3A = tpu.sem_alloc : memref<!tpu.dma_semaphore, #tpu.memory_space<semaphore_mem>>
      %dma_start3A = arith.constant 0 : i32
      %dma_start3A_26 = tpu.memref_slice %arg12[%mul3A_6, %dma_start3A] : memref<10240x144xf32, #tpu.memory_space<vmem_shared>> -> memref<640x144xf32, #tpu.memory_space<vmem_shared>>
      %dma_start3A_27 = arith.constant 0 : i32
      %dma_start3A_28 = tpu.memref_slice %arg6[%mul3A_4, %dma_start3A_27] : memref<10240x144xf32, #tpu.memory_space<hbm>> -> memref<640x144xf32, #tpu.memory_space<hbm>>
      tpu.enqueue_dma source(%dma_start3A_28 : memref<640x144xf32, #tpu.memory_space<hbm>>) target(%dma_start3A_26 : memref<640x144xf32, #tpu.memory_space<vmem_shared>>) target_semaphore(%run_scoped3A : memref<!tpu.dma_semaphore, #tpu.memory_space<semaphore_mem>>)
      %dma_wait3A = arith.constant 0 : i32
      %dma_wait3A_29 = tpu.memref_slice %arg12[%mul3A_6, %dma_wait3A] : memref<10240x144xf32, #tpu.memory_space<vmem_shared>> -> memref<640x144xf32, #tpu.memory_space<vmem_shared>>
      %dma_wait3A_30 = arith.constant 0 : i32
      %dma_wait3A_31 = tpu.memref_slice %arg6[%mul3A_4, %dma_wait3A_30] : memref<10240x144xf32, #tpu.memory_space<hbm>> -> memref<640x144xf32, #tpu.memory_space<hbm>>
      tpu.wait_dma2 semaphore(%run_scoped3A : memref<!tpu.dma_semaphore, #tpu.memory_space<semaphore_mem>>) src(%dma_wait3A_31 : memref<640x144xf32, #tpu.memory_space<hbm>>) dst(%dma_wait3A_29 : memref<640x144xf32, #tpu.memory_space<vmem_shared>>)
      tpu.yield
    }) : () -> ()
    %mul3A_7 = arith.constant 10240 : i32
    %mul3A_8 = arith.muli %scan3A_2, %mul3A_7 : i32
    "tpu.region"() ({
      %run_scoped3A = tpu.sem_alloc : memref<!tpu.dma_semaphore, #tpu.memory_space<semaphore_mem>>
      %dma_start3A = tpu.memref_slice %arg3[%mul3A_8] : memref<20480xf32, #tpu.memory_space<hbm>> -> memref<10240xf32, #tpu.memory_space<hbm>>
      %dma_start3A_26 = tpu.memref_slice %arg3[%mul3A_8] : memref<20480xf32, #tpu.memory_space<hbm>> -> memref<10240xf32, #tpu.memory_space<hbm>>
      tpu.enqueue_dma source(%dma_start3A_26 : memref<10240xf32, #tpu.memory_space<hbm>>) target(%arg11 : memref<10240xf32, #tpu.memory_space<vmem>>) target_semaphore(%run_scoped3A : memref<!tpu.dma_semaphore, #tpu.memory_space<semaphore_mem>>)
      %dma_wait3A = tpu.memref_slice %arg3[%mul3A_8] : memref<20480xf32, #tpu.memory_space<hbm>> -> memref<10240xf32, #tpu.memory_space<hbm>>
      %dma_wait3A_27 = tpu.memref_slice %arg3[%mul3A_8] : memref<20480xf32, #tpu.memory_space<hbm>> -> memref<10240xf32, #tpu.memory_space<hbm>>
      tpu.wait_dma2 semaphore(%run_scoped3A : memref<!tpu.dma_semaphore, #tpu.memory_space<semaphore_mem>>) src(%dma_wait3A_27 : memref<10240xf32, #tpu.memory_space<hbm>>) dst(%arg11 : memref<10240xf32, #tpu.memory_space<vmem>>)
      tpu.yield
    }) : () -> ()
    %barrier3A = arith.constant 0 : index
    tpu.barrier barrier_id(%barrier3A)
    %scan3A_9 = arith.constant 0 : i32
    %scan3A_10 = arith.constant 0 : i32
    %scan3A_11 = arith.constant 5 : i32
    %scan3A_12 = arith.addi %scan3A_10, %scan3A_11 : i32
    %scan3A_13 = arith.constant 1 : i32
    %scan3A_14 = scf.for %scan3A_26 = %scan3A_10 to %scan3A_12 step %scan3A_13 iter_args(%scan3A_27 = %scan3A_9) -> (i32)  : i32 {
      %mul3A_28 = arith.constant 4000 : i32
      %mul3A_29 = arith.muli %scan3A_2, %mul3A_28 : i32
      %mul3A_30 = arith.constant 125 : i32
      %mul3A_31 = arith.muli %add3A, %mul3A_30 : i32
      %add3A_32 = arith.addi %mul3A_29, %mul3A_31 : i32
      %mul3A_33 = arith.constant 25 : i32
      %mul3A_34 = arith.muli %scan3A_26, %mul3A_33 : i32
      %add3A_35 = arith.addi %add3A_32, %mul3A_34 : i32
      "tpu.region"() ({
        %run_scoped3A = tpu.sem_alloc : memref<!tpu.dma_semaphore, #tpu.memory_space<semaphore_mem>>
        %dma_start3A_63 = arith.constant 0 : i32
        %dma_start3A_64 = tpu.memref_slice %arg4[%add3A_35, %dma_start3A_63] : memref<4000x80xi32, #tpu.memory_space<hbm>> -> memref<25x80xi32, #tpu.memory_space<hbm>>
        %dma_start3A_65 = arith.constant 0 : i32
        %dma_start3A_66 = tpu.memref_slice %arg4[%add3A_35, %dma_start3A_65] : memref<4000x80xi32, #tpu.memory_space<hbm>> -> memref<25x80xi32, #tpu.memory_space<hbm>>
        tpu.enqueue_dma source(%dma_start3A_66 : memref<25x80xi32, #tpu.memory_space<hbm>>) target(%arg8 : memref<25x80xi32, #tpu.memory_space<vmem>>) target_semaphore(%run_scoped3A : memref<!tpu.dma_semaphore, #tpu.memory_space<semaphore_mem>>)
        %dma_wait3A = arith.constant 0 : i32
        %dma_wait3A_67 = tpu.memref_slice %arg4[%add3A_35, %dma_wait3A] : memref<4000x80xi32, #tpu.memory_space<hbm>> -> memref<25x80xi32, #tpu.memory_space<hbm>>
        %dma_wait3A_68 = arith.constant 0 : i32
        %dma_wait3A_69 = tpu.memref_slice %arg4[%add3A_35, %dma_wait3A_68] : memref<4000x80xi32, #tpu.memory_space<hbm>> -> memref<25x80xi32, #tpu.memory_space<hbm>>
        tpu.wait_dma2 semaphore(%run_scoped3A : memref<!tpu.dma_semaphore, #tpu.memory_space<semaphore_mem>>) src(%dma_wait3A_69 : memref<25x80xi32, #tpu.memory_space<hbm>>) dst(%arg8 : memref<25x80xi32, #tpu.memory_space<vmem>>)
        tpu.yield
      }) : () -> ()
      %mul3A_36 = arith.constant 125 : i32
      %mul3A_37 = arith.muli %add3A, %mul3A_36 : i32
      %mul3A_38 = arith.constant 25 : i32
      %mul3A_39 = arith.muli %scan3A_26, %mul3A_38 : i32
      %add3A_40 = arith.addi %mul3A_37, %mul3A_39 : i32
      "tpu.region"() ({
        %run_scoped3A = tpu.sem_alloc : memref<!tpu.dma_semaphore, #tpu.memory_space<semaphore_mem>>
        %dma_start3A_63 = arith.constant 0 : i32
        %dma_start3A_64 = tpu.memref_slice %arg5[%add3A_40, %dma_start3A_63] : memref<4000x80xi32, #tpu.memory_space<hbm>> -> memref<25x80xi32, #tpu.memory_space<hbm>>
        %dma_start3A_65 = arith.constant 0 : i32
        %dma_start3A_66 = tpu.memref_slice %arg5[%add3A_40, %dma_start3A_65] : memref<4000x80xi32, #tpu.memory_space<hbm>> -> memref<25x80xi32, #tpu.memory_space<hbm>>
        tpu.enqueue_dma source(%dma_start3A_66 : memref<25x80xi32, #tpu.memory_space<hbm>>) target(%arg9 : memref<25x80xi32, #tpu.memory_space<vmem>>) target_semaphore(%run_scoped3A : memref<!tpu.dma_semaphore, #tpu.memory_space<semaphore_mem>>)
        %dma_wait3A = arith.constant 0 : i32
        %dma_wait3A_67 = tpu.memref_slice %arg5[%add3A_40, %dma_wait3A] : memref<4000x80xi32, #tpu.memory_space<hbm>> -> memref<25x80xi32, #tpu.memory_space<hbm>>
        %dma_wait3A_68 = arith.constant 0 : i32
        %dma_wait3A_69 = tpu.memref_slice %arg5[%add3A_40, %dma_wait3A_68] : memref<4000x80xi32, #tpu.memory_space<hbm>> -> memref<25x80xi32, #tpu.memory_space<hbm>>
        tpu.wait_dma2 semaphore(%run_scoped3A : memref<!tpu.dma_semaphore, #tpu.memory_space<semaphore_mem>>) src(%dma_wait3A_69 : memref<25x80xi32, #tpu.memory_space<hbm>>) dst(%arg9 : memref<25x80xi32, #tpu.memory_space<vmem>>)
        tpu.yield
      }) : () -> ()
      %dma_start3A = arith.constant 0 : i32
      %dma_start3A_41 = arith.constant 0 : i32
      %dma_start3A_42 = arith.constant 0 : i32
      %dma_start3A_43 = arith.constant 0 : i32
      %dma_start3A_44 = arith.constant 0 : i32
      %dma_start3A_45 = tpu.memref_slice %arg10[%dma_start3A_41, %dma_start3A_43, %dma_start3A_44] : memref<2x80x144xf32, #tpu.memory_space<vmem>> -> memref<1x80x144xf32, #tpu.memory_space<vmem>>
      %dma_start3A_46 = tpu.memref_squeeze %dma_start3A_45 : memref<1x80x144xf32, #tpu.memory_space<vmem>> -> memref<80x144xf32, #tpu.memory_space<vmem>>
      %dma_start3A_47 = arith.constant 0 : i32
      %dma_start3A_48 = tpu.memref_slice %arg8[%dma_start3A, %dma_start3A_47] : memref<25x80xi32, #tpu.memory_space<vmem>> -> memref<1x80xi32, #tpu.memory_space<vmem>>
      %dma_start3A_49 = tpu.memref_squeeze %dma_start3A_48 : memref<1x80xi32, #tpu.memory_space<vmem>> -> memref<80xi32, #tpu.memory_space<vmem>>
      %dma_start3A_50 = arith.constant 0 : i32
      %dma_start3A_51 = arith.constant 0 : i32
      %dma_start3A_52 = tpu.memref_slice %arg2[%dma_start3A_50, %dma_start3A_51] : memref<10240x144xf32, #tpu.memory_space<hbm>> -> memref<10240x144xf32, #tpu.memory_space<hbm>>
      %dma_start3A_53 = tpu.memref_slice %arg13[%dma_start3A_42] : memref<2x!tpu.dma_semaphore, #tpu.memory_space<semaphore_mem>> -> memref<1x!tpu.dma_semaphore, #tpu.memory_space<semaphore_mem>>
      %dma_start3A_54 = tpu.memref_squeeze %dma_start3A_53 : memref<1x!tpu.dma_semaphore, #tpu.memory_space<semaphore_mem>> -> memref<!tpu.dma_semaphore, #tpu.memory_space<semaphore_mem>>
      tpu.enqueue_indirect_dma source(%dma_start3A_52 : memref<10240x144xf32, #tpu.memory_space<hbm>>) target(%dma_start3A_46 : memref<80x144xf32, #tpu.memory_space<vmem>>) offsets(%dma_start3A_49 : memref<80xi32, #tpu.memory_space<vmem>>) semaphore(%dma_start3A_54 : memref<!tpu.dma_semaphore, #tpu.memory_space<semaphore_mem>>)
      %scan3A_55 = arith.constant 0 : i32
      %scan3A_56 = arith.constant 0 : i32
      %scan3A_57 = arith.constant 25 : i32
      %scan3A_58 = arith.addi %scan3A_56, %scan3A_57 : i32
      %scan3A_59 = arith.constant 1 : i32
      %scan3A_60 = scf.for %scan3A_63 = %scan3A_56 to %scan3A_58 step %scan3A_59 iter_args(%scan3A_64 = %scan3A_55) -> (i32)  : i32 {
        %rem3A = arith.constant 2 : i32
        %rem3A_65 = arith.remsi %scan3A_63, %rem3A : i32
        %sub3A = arith.constant 1 : i32
        %sub3A_66 = arith.subi %sub3A, %rem3A_65 : i32
        %dma_wait3A = arith.constant 0 : i32
        %dma_wait3A_67 = arith.constant 0 : i32
        %dma_wait3A_68 = tpu.memref_slice %arg10[%rem3A_65, %dma_wait3A, %dma_wait3A_67] : memref<2x80x144xf32, #tpu.memory_space<vmem>> -> memref<1x80x144xf32, #tpu.memory_space<vmem>>
        %dma_wait3A_69 = tpu.memref_squeeze %dma_wait3A_68 : memref<1x80x144xf32, #tpu.memory_space<vmem>> -> memref<80x144xf32, #tpu.memory_space<vmem>>
        %dma_wait3A_70 = arith.constant 0 : i32
        %dma_wait3A_71 = tpu.memref_slice %arg8[%scan3A_63, %dma_wait3A_70] : memref<25x80xi32, #tpu.memory_space<vmem>> -> memref<1x80xi32, #tpu.memory_space<vmem>>
        %dma_wait3A_72 = tpu.memref_squeeze %dma_wait3A_71 : memref<1x80xi32, #tpu.memory_space<vmem>> -> memref<80xi32, #tpu.memory_space<vmem>>
        %dma_wait3A_73 = arith.constant 0 : i32
        %dma_wait3A_74 = arith.constant 0 : i32
        %dma_wait3A_75 = tpu.memref_slice %arg2[%dma_wait3A_73, %dma_wait3A_74] : memref<10240x144xf32, #tpu.memory_space<hbm>> -> memref<10240x144xf32, #tpu.memory_space<hbm>>
        %dma_wait3A_76 = tpu.memref_slice %arg13[%rem3A_65] : memref<2x!tpu.dma_semaphore, #tpu.memory_space<semaphore_mem>> -> memref<1x!tpu.dma_semaphore, #tpu.memory_space<semaphore_mem>>
        %dma_wait3A_77 = tpu.memref_squeeze %dma_wait3A_76 : memref<1x!tpu.dma_semaphore, #tpu.memory_space<semaphore_mem>> -> memref<!tpu.dma_semaphore, #tpu.memory_space<semaphore_mem>>
        tpu.wait_indirect_dma semaphore(%dma_wait3A_77 : memref<!tpu.dma_semaphore, #tpu.memory_space<semaphore_mem>>) src(%dma_wait3A_75 : memref<10240x144xf32, #tpu.memory_space<hbm>>) dst(%dma_wait3A_69 : memref<80x144xf32, #tpu.memory_space<vmem>>)
        %add3A_78 = arith.constant 1 : i32
        %add3A_79 = arith.addi %scan3A_63, %add3A_78 : i32
        %lt3A = arith.constant 25 : i32
        %lt3A_80 = arith.cmpi slt, %add3A_79, %lt3A : i32
        %convert_element_type3A = arith.extui %lt3A_80 : i1 to i32
        %cond3A = arith.constant 0 : i32
        %cond3A_81 = arith.cmpi ne, %convert_element_type3A, %cond3A : i32
        scf.if %cond3A_81 {
          %add3A_91 = arith.constant 1 : i32
          %add3A_92 = arith.addi %scan3A_63, %add3A_91 : i32
          %dma_start3A_93 = arith.constant 0 : i32
          %dma_start3A_94 = arith.constant 0 : i32
          %dma_start3A_95 = tpu.memref_slice %arg10[%sub3A_66, %dma_start3A_93, %dma_start3A_94] : memref<2x80x144xf32, #tpu.memory_space<vmem>> -> memref<1x80x144xf32, #tpu.memory_space<vmem>>
          %dma_start3A_96 = tpu.memref_squeeze %dma_start3A_95 : memref<1x80x144xf32, #tpu.memory_space<vmem>> -> memref<80x144xf32, #tpu.memory_space<vmem>>
          %dma_start3A_97 = arith.constant 0 : i32
          %dma_start3A_98 = tpu.memref_slice %arg8[%add3A_92, %dma_start3A_97] : memref<25x80xi32, #tpu.memory_space<vmem>> -> memref<1x80xi32, #tpu.memory_space<vmem>>
          %dma_start3A_99 = tpu.memref_squeeze %dma_start3A_98 : memref<1x80xi32, #tpu.memory_space<vmem>> -> memref<80xi32, #tpu.memory_space<vmem>>
          %dma_start3A_100 = arith.constant 0 : i32
          %dma_start3A_101 = arith.constant 0 : i32
          %dma_start3A_102 = tpu.memref_slice %arg2[%dma_start3A_100, %dma_start3A_101] : memref<10240x144xf32, #tpu.memory_space<hbm>> -> memref<10240x144xf32, #tpu.memory_space<hbm>>
          %dma_start3A_103 = tpu.memref_slice %arg13[%sub3A_66] : memref<2x!tpu.dma_semaphore, #tpu.memory_space<semaphore_mem>> -> memref<1x!tpu.dma_semaphore, #tpu.memory_space<semaphore_mem>>
          %dma_start3A_104 = tpu.memref_squeeze %dma_start3A_103 : memref<1x!tpu.dma_semaphore, #tpu.memory_space<semaphore_mem>> -> memref<!tpu.dma_semaphore, #tpu.memory_space<semaphore_mem>>
          tpu.enqueue_indirect_dma source(%dma_start3A_102 : memref<10240x144xf32, #tpu.memory_space<hbm>>) target(%dma_start3A_96 : memref<80x144xf32, #tpu.memory_space<vmem>>) offsets(%dma_start3A_99 : memref<80xi32, #tpu.memory_space<vmem>>) semaphore(%dma_start3A_104 : memref<!tpu.dma_semaphore, #tpu.memory_space<semaphore_mem>>)
        } else {
        }
        %broadcast_in_dim3A_82 = vector.broadcast %rem3A_65 : i32 to vector<16xi32>
        %scan3A_83 = arith.constant 0 : i32
        %scan3A_84 = arith.constant 0 : i32
        %scan3A_85 = arith.constant 5 : i32
        %scan3A_86 = arith.addi %scan3A_84, %scan3A_85 : i32
        %scan3A_87 = arith.constant 1 : i32
        %scan3A_88 = scf.for %scan3A_91 = %scan3A_84 to %scan3A_86 step %scan3A_87 iter_args(%scan3A_92 = %scan3A_83) -> (i32)  : i32 {
          %mul3A_93 = arith.constant 16 : i32
          %mul3A_94 = arith.muli %scan3A_91, %mul3A_93 : i32
          %add3A_95 = vector.broadcast %mul3A_94 : i32 to vector<16xi32>
          %add3A_96 = arith.addi %iota3A, %add3A_95 : vector<16xi32>
          %gather3A = tpu.vector_load_idx %arg10[%broadcast_in_dim3A_82, %add3A_96, %broadcast_in_dim3A_1] : memref<2x80x144xf32, #tpu.memory_space<vmem>>[vector<16xi32>, vector<16xi32>, vector<16xi32>], vector<16xf32>,
          %mul3A_97 = arith.constant 16 : i32
          %mul3A_98 = arith.muli %scan3A_91, %mul3A_97 : i32
          %get3A = arith.index_cast %scan3A_63 : i32 to index
          %get3A_99 = arith.index_cast %mul3A_98 : i32 to index
          %get3A_100 = tpu.vector_load %arg9[%get3A, %get3A_99] {strides = array<i32>} : memref<25x80xi32, #tpu.memory_space<vmem>>, vector<16xi32>,
          %gather3A_101 = tpu.vector_load_idx %arg11[%get3A_100] : memref<10240xf32, #tpu.memory_space<vmem>>[vector<16xi32>], vector<16xf32>,
          %add3A_102 = arith.addf %gather3A, %gather3A_101 : vector<16xf32>
          %gt3A = arith.constant 0.000000e+00 : f32
          %gt3A_103 = vector.broadcast %gt3A : f32 to vector<16xf32>
          %gt3A_104 = arith.cmpf ogt, %add3A_102, %gt3A_103 : vector<16xf32>
          %mul3A_105 = arith.constant 2.000000e-01 : f32
          %mul3A_106 = vector.broadcast %mul3A_105 : f32 to vector<16xf32>
          %mul3A_107 = arith.mulf %mul3A_106, %add3A_102 : vector<16xf32>
          %select_n3A = arith.select %gt3A_104, %add3A_102, %mul3A_107 : vector<16xi1>, vector<16xf32>
          %exp3A = math.exp %select_n3A : vector<16xf32>
          %slice3A = vector.extract_strided_slice %exp3A {offsets = [0], sizes = [1], strides = [1]} : vector<16xf32> to vector<1xf32>
          %squeeze3A = vector.extract %slice3A[0] : f32 from vector<1xf32>
          %broadcast_in_dim3A_108 = vector.broadcast %squeeze3A : f32 to vector<16xf32>
          %mul3A_109 = arith.constant 16 : i32
          %mul3A_110 = arith.muli %scan3A_91, %mul3A_109 : i32
          %add3A_111 = arith.constant 0 : i32
          %add3A_112 = arith.addi %mul3A_110, %add3A_111 : i32
          %get3A_113 = arith.index_cast %rem3A_65 : i32 to index
          %get3A_114 = arith.index_cast %add3A_112 : i32 to index
          %get3A_115 = arith.constant 0 : index
          %get3A_116 = tpu.vector_load %arg10[%get3A_113, %get3A_114, %get3A_115] {strides = array<i32>} : memref<2x80x144xf32, #tpu.memory_space<vmem>>, vector<16xf32>,
          %mul3A_117 = arith.mulf %get3A_116, %broadcast_in_dim3A_108 : vector<16xf32>
          %swap3A = arith.index_cast %rem3A_65 : i32 to index
          %swap3A_118 = arith.index_cast %add3A_112 : i32 to index
          %swap3A_119 = arith.constant 0 : index
          %swap3A_120 = tpu.vector_load %arg10[%swap3A, %swap3A_118, %swap3A_119] {strides = array<i32>} : memref<2x80x144xf32, #tpu.memory_space<vmem>>, vector<16xf32>,
          tpu.vector_store %arg10[%swap3A, %swap3A_118, %swap3A_119], %mul3A_117 {strides = array<i32>} : memref<2x80x144xf32, #tpu.memory_space<vmem>>, vector<16xf32>,
          %get3A_121 = arith.index_cast %rem3A_65 : i32 to index
          %get3A_122 = arith.index_cast %add3A_112 : i32 to index
          %get3A_123 = arith.constant 16 : index
          %get3A_124 = tpu.vector_load %arg10[%get3A_121, %get3A_122, %get3A_123] {strides = array<i32>} : memref<2x80x144xf32, #tpu.memory_space<vmem>>, vector<16xf32>,
          %mul3A_125 = arith.mulf %get3A_124, %broadcast_in_dim3A_108 : vector<16xf32>
          %swap3A_126 = arith.index_cast %rem3A_65 : i32 to index
          %swap3A_127 = arith.index_cast %add3A_112 : i32 to index
          %swap3A_128 = arith.constant 16 : index
          %swap3A_129 = tpu.vector_load %arg10[%swap3A_126, %swap3A_127, %swap3A_128] {strides = array<i32>} : memref<2x80x144xf32, #tpu.memory_space<vmem>>, vector<16xf32>,
          tpu.vector_store %arg10[%swap3A_126, %swap3A_127, %swap3A_128], %mul3A_125 {strides = array<i32>} : memref<2x80x144xf32, #tpu.memory_space<vmem>>, vector<16xf32>,
          %get3A_130 = arith.index_cast %rem3A_65 : i32 to index
          %get3A_131 = arith.index_cast %add3A_112 : i32 to index
          %get3A_132 = arith.constant 32 : index
          %get3A_133 = tpu.vector_load %arg10[%get3A_130, %get3A_131, %get3A_132] {strides = array<i32>} : memref<2x80x144xf32, #tpu.memory_space<vmem>>, vector<16xf32>,
          %mul3A_134 = arith.mulf %get3A_133, %broadcast_in_dim3A_108 : vector<16xf32>
          %swap3A_135 = arith.index_cast %rem3A_65 : i32 to index
          %swap3A_136 = arith.index_cast %add3A_112 : i32 to index
          %swap3A_137 = arith.constant 32 : index
          %swap3A_138 = tpu.vector_load %arg10[%swap3A_135, %swap3A_136, %swap3A_137] {strides = array<i32>} : memref<2x80x144xf32, #tpu.memory_space<vmem>>, vector<16xf32>,
          tpu.vector_store %arg10[%swap3A_135, %swap3A_136, %swap3A_137], %mul3A_134 {strides = array<i32>} : memref<2x80x144xf32, #tpu.memory_space<vmem>>, vector<16xf32>,
          %get3A_139 = arith.index_cast %rem3A_65 : i32 to index
          %get3A_140 = arith.index_cast %add3A_112 : i32 to index
          %get3A_141 = arith.constant 48 : index
          %get3A_142 = tpu.vector_load %arg10[%get3A_139, %get3A_140, %get3A_141] {strides = array<i32>} : memref<2x80x144xf32, #tpu.memory_space<vmem>>, vector<16xf32>,
          %mul3A_143 = arith.mulf %get3A_142, %broadcast_in_dim3A_108 : vector<16xf32>
          %swap3A_144 = arith.index_cast %rem3A_65 : i32 to index
          %swap3A_145 = arith.index_cast %add3A_112 : i32 to index
          %swap3A_146 = arith.constant 48 : index
          %swap3A_147 = tpu.vector_load %arg10[%swap3A_144, %swap3A_145, %swap3A_146] {strides = array<i32>} : memref<2x80x144xf32, #tpu.memory_space<vmem>>, vector<16xf32>,
          tpu.vector_store %arg10[%swap3A_144, %swap3A_145, %swap3A_146], %mul3A_143 {strides = array<i32>} : memref<2x80x144xf32, #tpu.memory_space<vmem>>, vector<16xf32>,
          %get3A_148 = arith.index_cast %rem3A_65 : i32 to index
          %get3A_149 = arith.index_cast %add3A_112 : i32 to index
          %get3A_150 = arith.constant 64 : index
          %get3A_151 = tpu.vector_load %arg10[%get3A_148, %get3A_149, %get3A_150] {strides = array<i32>} : memref<2x80x144xf32, #tpu.memory_space<vmem>>, vector<16xf32>,
          %mul3A_152 = arith.mulf %get3A_151, %broadcast_in_dim3A_108 : vector<16xf32>
          %swap3A_153 = arith.index_cast %rem3A_65 : i32 to index
          %swap3A_154 = arith.index_cast %add3A_112 : i32 to index
          %swap3A_155 = arith.constant 64 : index
          %swap3A_156 = tpu.vector_load %arg10[%swap3A_153, %swap3A_154, %swap3A_155] {strides = array<i32>} : memref<2x80x144xf32, #tpu.memory_space<vmem>>, vector<16xf32>,
          tpu.vector_store %arg10[%swap3A_153, %swap3A_154, %swap3A_155], %mul3A_152 {strides = array<i32>} : memref<2x80x144xf32, #tpu.memory_space<vmem>>, vector<16xf32>,
          %get3A_157 = arith.index_cast %rem3A_65 : i32 to index
          %get3A_158 = arith.index_cast %add3A_112 : i32 to index
          %get3A_159 = arith.constant 80 : index
          %get3A_160 = tpu.vector_load %arg10[%get3A_157, %get3A_158, %get3A_159] {strides = array<i32>} : memref<2x80x144xf32, #tpu.memory_space<vmem>>, vector<16xf32>,
          %mul3A_161 = arith.mulf %get3A_160, %broadcast_in_dim3A_108 : vector<16xf32>
          %swap3A_162 = arith.index_cast %rem3A_65 : i32 to index
          %swap3A_163 = arith.index_cast %add3A_112 : i32 to index
          %swap3A_164 = arith.constant 80 : index
          %swap3A_165 = tpu.vector_load %arg10[%swap3A_162, %swap3A_163, %swap3A_164] {strides = array<i32>} : memref<2x80x144xf32, #tpu.memory_space<vmem>>, vector<16xf32>,
          tpu.vector_store %arg10[%swap3A_162, %swap3A_163, %swap3A_164], %mul3A_161 {strides = array<i32>} : memref<2x80x144xf32, #tpu.memory_space<vmem>>, vector<16xf32>,
          %get3A_166 = arith.index_cast %rem3A_65 : i32 to index
          %get3A_167 = arith.index_cast %add3A_112 : i32 to index
          %get3A_168 = arith.constant 96 : index
          %get3A_169 = tpu.vector_load %arg10[%get3A_166, %get3A_167, %get3A_168] {strides = array<i32>} : memref<2x80x144xf32, #tpu.memory_space<vmem>>, vector<16xf32>,
          %mul3A_170 = arith.mulf %get3A_169, %broadcast_in_dim3A_108 : vector<16xf32>
          %swap3A_171 = arith.index_cast %rem3A_65 : i32 to index
          %swap3A_172 = arith.index_cast %add3A_112 : i32 to index
          %swap3A_173 = arith.constant 96 : index
          %swap3A_174 = tpu.vector_load %arg10[%swap3A_171, %swap3A_172, %swap3A_173] {strides = array<i32>} : memref<2x80x144xf32, #tpu.memory_space<vmem>>, vector<16xf32>,
          tpu.vector_store %arg10[%swap3A_171, %swap3A_172, %swap3A_173], %mul3A_170 {strides = array<i32>} : memref<2x80x144xf32, #tpu.memory_space<vmem>>, vector<16xf32>,
          %get3A_175 = arith.index_cast %rem3A_65 : i32 to index
          %get3A_176 = arith.index_cast %add3A_112 : i32 to index
          %get3A_177 = arith.constant 112 : index
          %get3A_178 = tpu.vector_load %arg10[%get3A_175, %get3A_176, %get3A_177] {strides = array<i32>} : memref<2x80x144xf32, #tpu.memory_space<vmem>>, vector<16xf32>,
          %mul3A_179 = arith.mulf %get3A_178, %broadcast_in_dim3A_108 : vector<16xf32>
          %swap3A_180 = arith.index_cast %rem3A_65 : i32 to index
          %swap3A_181 = arith.index_cast %add3A_112 : i32 to index
          %swap3A_182 = arith.constant 112 : index
          %swap3A_183 = tpu.vector_load %arg10[%swap3A_180, %swap3A_181, %swap3A_182] {strides = array<i32>} : memref<2x80x144xf32, #tpu.memory_space<vmem>>, vector<16xf32>,
          tpu.vector_store %arg10[%swap3A_180, %swap3A_181, %swap3A_182], %mul3A_179 {strides = array<i32>} : memref<2x80x144xf32, #tpu.memory_space<vmem>>, vector<16xf32>,
          %swap3A_184 = arith.index_cast %rem3A_65 : i32 to index
          %swap3A_185 = arith.index_cast %add3A_112 : i32 to index
          %swap3A_186 = arith.constant 128 : index
          %swap3A_187 = tpu.vector_load %arg10[%swap3A_184, %swap3A_185, %swap3A_186] {strides = array<i32>} : memref<2x80x144xf32, #tpu.memory_space<vmem>>, vector<16xf32>,
          tpu.vector_store %arg10[%swap3A_184, %swap3A_185, %swap3A_186], %broadcast_in_dim3A_108 {strides = array<i32>} : memref<2x80x144xf32, #tpu.memory_space<vmem>>, vector<16xf32>,
          %slice3A_188 = vector.extract_strided_slice %exp3A {offsets = [1], sizes = [1], strides = [1]} : vector<16xf32> to vector<1xf32>
          %squeeze3A_189 = vector.extract %slice3A_188[0] : f32 from vector<1xf32>
          %broadcast_in_dim3A_190 = vector.broadcast %squeeze3A_189 : f32 to vector<16xf32>
          %mul3A_191 = arith.constant 16 : i32
          %mul3A_192 = arith.muli %scan3A_91, %mul3A_191 : i32
          %add3A_193 = arith.constant 1 : i32
          %add3A_194 = arith.addi %mul3A_192, %add3A_193 : i32
          %get3A_195 = arith.index_cast %rem3A_65 : i32 to index
          %get3A_196 = arith.index_cast %add3A_194 : i32 to index
          %get3A_197 = arith.constant 0 : index
          %get3A_198 = tpu.vector_load %arg10[%get3A_195, %get3A_196, %get3A_197] {strides = array<i32>} : memref<2x80x144xf32, #tpu.memory_space<vmem>>, vector<16xf32>,
          %mul3A_199 = arith.mulf %get3A_198, %broadcast_in_dim3A_190 : vector<16xf32>
          %swap3A_200 = arith.index_cast %rem3A_65 : i32 to index
          %swap3A_201 = arith.index_cast %add3A_194 : i32 to index
          %swap3A_202 = arith.constant 0 : index
          %swap3A_203 = tpu.vector_load %arg10[%swap3A_200, %swap3A_201, %swap3A_202] {strides = array<i32>} : memref<2x80x144xf32, #tpu.memory_space<vmem>>, vector<16xf32>,
          tpu.vector_store %arg10[%swap3A_200, %swap3A_201, %swap3A_202], %mul3A_199 {strides = array<i32>} : memref<2x80x144xf32, #tpu.memory_space<vmem>>, vector<16xf32>,
          %get3A_204 = arith.index_cast %rem3A_65 : i32 to index
          %get3A_205 = arith.index_cast %add3A_194 : i32 to index
          %get3A_206 = arith.constant 16 : index
          %get3A_207 = tpu.vector_load %arg10[%get3A_204, %get3A_205, %get3A_206] {strides = array<i32>} : memref<2x80x144xf32, #tpu.memory_space<vmem>>, vector<16xf32>,
          %mul3A_208 = arith.mulf %get3A_207, %broadcast_in_dim3A_190 : vector<16xf32>
          %swap3A_209 = arith.index_cast %rem3A_65 : i32 to index
          %swap3A_210 = arith.index_cast %add3A_194 : i32 to index
          %swap3A_211 = arith.constant 16 : index
          %swap3A_212 = tpu.vector_load %arg10[%swap3A_209, %swap3A_210, %swap3A_211] {strides = array<i32>} : memref<2x80x144xf32, #tpu.memory_space<vmem>>, vector<16xf32>,
          tpu.vector_store %arg10[%swap3A_209, %swap3A_210, %swap3A_211], %mul3A_208 {strides = array<i32>} : memref<2x80x144xf32, #tpu.memory_space<vmem>>, vector<16xf32>,
          %get3A_213 = arith.index_cast %rem3A_65 : i32 to index
          %get3A_214 = arith.index_cast %add3A_194 : i32 to index
          %get3A_215 = arith.constant 32 : index
          %get3A_216 = tpu.vector_load %arg10[%get3A_213, %get3A_214, %get3A_215] {strides = array<i32>} : memref<2x80x144xf32, #tpu.memory_space<vmem>>, vector<16xf32>,
          %mul3A_217 = arith.mulf %get3A_216, %broadcast_in_dim3A_190 : vector<16xf32>
          %swap3A_218 = arith.index_cast %rem3A_65 : i32 to index
          %swap3A_219 = arith.index_cast %add3A_194 : i32 to index
          %swap3A_220 = arith.constant 32 : index
          %swap3A_221 = tpu.vector_load %arg10[%swap3A_218, %swap3A_219, %swap3A_220] {strides = array<i32>} : memref<2x80x144xf32, #tpu.memory_space<vmem>>, vector<16xf32>,
          tpu.vector_store %arg10[%swap3A_218, %swap3A_219, %swap3A_220], %mul3A_217 {strides = array<i32>} : memref<2x80x144xf32, #tpu.memory_space<vmem>>, vector<16xf32>,
          %get3A_222 = arith.index_cast %rem3A_65 : i32 to index
          %get3A_223 = arith.index_cast %add3A_194 : i32 to index
          %get3A_224 = arith.constant 48 : index
          %get3A_225 = tpu.vector_load %arg10[%get3A_222, %get3A_223, %get3A_224] {strides = array<i32>} : memref<2x80x144xf32, #tpu.memory_space<vmem>>, vector<16xf32>,
          %mul3A_226 = arith.mulf %get3A_225, %broadcast_in_dim3A_190 : vector<16xf32>
          %swap3A_227 = arith.index_cast %rem3A_65 : i32 to index
          %swap3A_228 = arith.index_cast %add3A_194 : i32 to index
          %swap3A_229 = arith.constant 48 : index
          %swap3A_230 = tpu.vector_load %arg10[%swap3A_227, %swap3A_228, %swap3A_229] {strides = array<i32>} : memref<2x80x144xf32, #tpu.memory_space<vmem>>, vector<16xf32>,
          tpu.vector_store %arg10[%swap3A_227, %swap3A_228, %swap3A_229], %mul3A_226 {strides = array<i32>} : memref<2x80x144xf32, #tpu.memory_space<vmem>>, vector<16xf32>,
          %get3A_231 = arith.index_cast %rem3A_65 : i32 to index
          %get3A_232 = arith.index_cast %add3A_194 : i32 to index
          %get3A_233 = arith.constant 64 : index
          %get3A_234 = tpu.vector_load %arg10[%get3A_231, %get3A_232, %get3A_233] {strides = array<i32>} : memref<2x80x144xf32, #tpu.memory_space<vmem>>, vector<16xf32>,
          %mul3A_235 = arith.mulf %get3A_234, %broadcast_in_dim3A_190 : vector<16xf32>
          %swap3A_236 = arith.index_cast %rem3A_65 : i32 to index
          %swap3A_237 = arith.index_cast %add3A_194 : i32 to index
          %swap3A_238 = arith.constant 64 : index
          %swap3A_239 = tpu.vector_load %arg10[%swap3A_236, %swap3A_237, %swap3A_238] {strides = array<i32>} : memref<2x80x144xf32, #tpu.memory_space<vmem>>, vector<16xf32>,
          tpu.vector_store %arg10[%swap3A_236, %swap3A_237, %swap3A_238], %mul3A_235 {strides = array<i32>} : memref<2x80x144xf32, #tpu.memory_space<vmem>>, vector<16xf32>,
          %get3A_240 = arith.index_cast %rem3A_65 : i32 to index
          %get3A_241 = arith.index_cast %add3A_194 : i32 to index
          %get3A_242 = arith.constant 80 : index
          %get3A_243 = tpu.vector_load %arg10[%get3A_240, %get3A_241, %get3A_242] {strides = array<i32>} : memref<2x80x144xf32, #tpu.memory_space<vmem>>, vector<16xf32>,
          %mul3A_244 = arith.mulf %get3A_243, %broadcast_in_dim3A_190 : vector<16xf32>
          %swap3A_245 = arith.index_cast %rem3A_65 : i32 to index
          %swap3A_246 = arith.index_cast %add3A_194 : i32 to index
          %swap3A_247 = arith.constant 80 : index
          %swap3A_248 = tpu.vector_load %arg10[%swap3A_245, %swap3A_246, %swap3A_247] {strides = array<i32>} : memref<2x80x144xf32, #tpu.memory_space<vmem>>, vector<16xf32>,
          tpu.vector_store %arg10[%swap3A_245, %swap3A_246, %swap3A_247], %mul3A_244 {strides = array<i32>} : memref<2x80x144xf32, #tpu.memory_space<vmem>>, vector<16xf32>,
          %get3A_249 = arith.index_cast %rem3A_65 : i32 to index
          %get3A_250 = arith.index_cast %add3A_194 : i32 to index
          %get3A_251 = arith.constant 96 : index
          %get3A_252 = tpu.vector_load %arg10[%get3A_249, %get3A_250, %get3A_251] {strides = array<i32>} : memref<2x80x144xf32, #tpu.memory_space<vmem>>, vector<16xf32>,
          %mul3A_253 = arith.mulf %get3A_252, %broadcast_in_dim3A_190 : vector<16xf32>
          %swap3A_254 = arith.index_cast %rem3A_65 : i32 to index
          %swap3A_255 = arith.index_cast %add3A_194 : i32 to index
          %swap3A_256 = arith.constant 96 : index
          %swap3A_257 = tpu.vector_load %arg10[%swap3A_254, %swap3A_255, %swap3A_256] {strides = array<i32>} : memref<2x80x144xf32, #tpu.memory_space<vmem>>, vector<16xf32>,
          tpu.vector_store %arg10[%swap3A_254, %swap3A_255, %swap3A_256], %mul3A_253 {strides = array<i32>} : memref<2x80x144xf32, #tpu.memory_space<vmem>>, vector<16xf32>,
          %get3A_258 = arith.index_cast %rem3A_65 : i32 to index
          %get3A_259 = arith.index_cast %add3A_194 : i32 to index
          %get3A_260 = arith.constant 112 : index
          %get3A_261 = tpu.vector_load %arg10[%get3A_258, %get3A_259, %get3A_260] {strides = array<i32>} : memref<2x80x144xf32, #tpu.memory_space<vmem>>, vector<16xf32>,
          %mul3A_262 = arith.mulf %get3A_261, %broadcast_in_dim3A_190 : vector<16xf32>
          %swap3A_263 = arith.index_cast %rem3A_65 : i32 to index
          %swap3A_264 = arith.index_cast %add3A_194 : i32 to index
          %swap3A_265 = arith.constant 112 : index
          %swap3A_266 = tpu.vector_load %arg10[%swap3A_263, %swap3A_264, %swap3A_265] {strides = array<i32>} : memref<2x80x144xf32, #tpu.memory_space<vmem>>, vector<16xf32>,
          tpu.vector_store %arg10[%swap3A_263, %swap3A_264, %swap3A_265], %mul3A_262 {strides = array<i32>} : memref<2x80x144xf32, #tpu.memory_space<vmem>>, vector<16xf32>,
          %swap3A_267 = arith.index_cast %rem3A_65 : i32 to index
          %swap3A_268 = arith.index_cast %add3A_194 : i32 to index
          %swap3A_269 = arith.constant 128 : index
          %swap3A_270 = tpu.vector_load %arg10[%swap3A_267, %swap3A_268, %swap3A_269] {strides = array<i32>} : memref<2x80x144xf32, #tpu.memory_space<vmem>>, vector<16xf32>,
          tpu.vector_store %arg10[%swap3A_267, %swap3A_268, %swap3A_269], %broadcast_in_dim3A_190 {strides = array<i32>} : memref<2x80x144xf32, #tpu.memory_space<vmem>>, vector<16xf32>,
          %slice3A_271 = vector.extract_strided_slice %exp3A {offsets = [2], sizes = [1], strides = [1]} : vector<16xf32> to vector<1xf32>
          %squeeze3A_272 = vector.extract %slice3A_271[0] : f32 from vector<1xf32>
          %broadcast_in_dim3A_273 = vector.broadcast %squeeze3A_272 : f32 to vector<16xf32>
          %mul3A_274 = arith.constant 16 : i32
          %mul3A_275 = arith.muli %scan3A_91, %mul3A_274 : i32
          %add3A_276 = arith.constant 2 : i32
          %add3A_277 = arith.addi %mul3A_275, %add3A_276 : i32
          %get3A_278 = arith.index_cast %rem3A_65 : i32 to index
          %get3A_279 = arith.index_cast %add3A_277 : i32 to index
          %get3A_280 = arith.constant 0 : index
          %get3A_281 = tpu.vector_load %arg10[%get3A_278, %get3A_279, %get3A_280] {strides = array<i32>} : memref<2x80x144xf32, #tpu.memory_space<vmem>>, vector<16xf32>,
          %mul3A_282 = arith.mulf %get3A_281, %broadcast_in_dim3A_273 : vector<16xf32>
          %swap3A_283 = arith.index_cast %rem3A_65 : i32 to index
          %swap3A_284 = arith.index_cast %add3A_277 : i32 to index
          %swap3A_285 = arith.constant 0 : index
          %swap3A_286 = tpu.vector_load %arg10[%swap3A_283, %swap3A_284, %swap3A_285] {strides = array<i32>} : memref<2x80x144xf32, #tpu.memory_space<vmem>>, vector<16xf32>,
          tpu.vector_store %arg10[%swap3A_283, %swap3A_284, %swap3A_285], %mul3A_282 {strides = array<i32>} : memref<2x80x144xf32, #tpu.memory_space<vmem>>, vector<16xf32>,
          %get3A_287 = arith.index_cast %rem3A_65 : i32 to index
          %get3A_288 = arith.index_cast %add3A_277 : i32 to index
          %get3A_289 = arith.constant 16 : index
          %get3A_290 = tpu.vector_load %arg10[%get3A_287, %get3A_288, %get3A_289] {strides = array<i32>} : memref<2x80x144xf32, #tpu.memory_space<vmem>>, vector<16xf32>,
          %mul3A_291 = arith.mulf %get3A_290, %broadcast_in_dim3A_273 : vector<16xf32>
          %swap3A_292 = arith.index_cast %rem3A_65 : i32 to index
          %swap3A_293 = arith.index_cast %add3A_277 : i32 to index
          %swap3A_294 = arith.constant 16 : index
          %swap3A_295 = tpu.vector_load %arg10[%swap3A_292, %swap3A_293, %swap3A_294] {strides = array<i32>} : memref<2x80x144xf32, #tpu.memory_space<vmem>>, vector<16xf32>,
          tpu.vector_store %arg10[%swap3A_292, %swap3A_293, %swap3A_294], %mul3A_291 {strides = array<i32>} : memref<2x80x144xf32, #tpu.memory_space<vmem>>, vector<16xf32>,
          %get3A_296 = arith.index_cast %rem3A_65 : i32 to index
          %get3A_297 = arith.index_cast %add3A_277 : i32 to index
          %get3A_298 = arith.constant 32 : index
          %get3A_299 = tpu.vector_load %arg10[%get3A_296, %get3A_297, %get3A_298] {strides = array<i32>} : memref<2x80x144xf32, #tpu.memory_space<vmem>>, vector<16xf32>,
          %mul3A_300 = arith.mulf %get3A_299, %broadcast_in_dim3A_273 : vector<16xf32>
          %swap3A_301 = arith.index_cast %rem3A_65 : i32 to index
          %swap3A_302 = arith.index_cast %add3A_277 : i32 to index
          %swap3A_303 = arith.constant 32 : index
          %swap3A_304 = tpu.vector_load %arg10[%swap3A_301, %swap3A_302, %swap3A_303] {strides = array<i32>} : memref<2x80x144xf32, #tpu.memory_space<vmem>>, vector<16xf32>,
          tpu.vector_store %arg10[%swap3A_301, %swap3A_302, %swap3A_303], %mul3A_300 {strides = array<i32>} : memref<2x80x144xf32, #tpu.memory_space<vmem>>, vector<16xf32>,
          %get3A_305 = arith.index_cast %rem3A_65 : i32 to index
          %get3A_306 = arith.index_cast %add3A_277 : i32 to index
          %get3A_307 = arith.constant 48 : index
          %get3A_308 = tpu.vector_load %arg10[%get3A_305, %get3A_306, %get3A_307] {strides = array<i32>} : memref<2x80x144xf32, #tpu.memory_space<vmem>>, vector<16xf32>,
          %mul3A_309 = arith.mulf %get3A_308, %broadcast_in_dim3A_273 : vector<16xf32>
          %swap3A_310 = arith.index_cast %rem3A_65 : i32 to index
          %swap3A_311 = arith.index_cast %add3A_277 : i32 to index
          %swap3A_312 = arith.constant 48 : index
          %swap3A_313 = tpu.vector_load %arg10[%swap3A_310, %swap3A_311, %swap3A_312] {strides = array<i32>} : memref<2x80x144xf32, #tpu.memory_space<vmem>>, vector<16xf32>,
          tpu.vector_store %arg10[%swap3A_310, %swap3A_311, %swap3A_312], %mul3A_309 {strides = array<i32>} : memref<2x80x144xf32, #tpu.memory_space<vmem>>, vector<16xf32>,
          %get3A_314 = arith.index_cast %rem3A_65 : i32 to index
          %get3A_315 = arith.index_cast %add3A_277 : i32 to index
          %get3A_316 = arith.constant 64 : index
          %get3A_317 = tpu.vector_load %arg10[%get3A_314, %get3A_315, %get3A_316] {strides = array<i32>} : memref<2x80x144xf32, #tpu.memory_space<vmem>>, vector<16xf32>,
          %mul3A_318 = arith.mulf %get3A_317, %broadcast_in_dim3A_273 : vector<16xf32>
          %swap3A_319 = arith.index_cast %rem3A_65 : i32 to index
          %swap3A_320 = arith.index_cast %add3A_277 : i32 to index
          %swap3A_321 = arith.constant 64 : index
          %swap3A_322 = tpu.vector_load %arg10[%swap3A_319, %swap3A_320, %swap3A_321] {strides = array<i32>} : memref<2x80x144xf32, #tpu.memory_space<vmem>>, vector<16xf32>,
          tpu.vector_store %arg10[%swap3A_319, %swap3A_320, %swap3A_321], %mul3A_318 {strides = array<i32>} : memref<2x80x144xf32, #tpu.memory_space<vmem>>, vector<16xf32>,
          %get3A_323 = arith.index_cast %rem3A_65 : i32 to index
          %get3A_324 = arith.index_cast %add3A_277 : i32 to index
          %get3A_325 = arith.constant 80 : index
          %get3A_326 = tpu.vector_load %arg10[%get3A_323, %get3A_324, %get3A_325] {strides = array<i32>} : memref<2x80x144xf32, #tpu.memory_space<vmem>>, vector<16xf32>,
          %mul3A_327 = arith.mulf %get3A_326, %broadcast_in_dim3A_273 : vector<16xf32>
          %swap3A_328 = arith.index_cast %rem3A_65 : i32 to index
          %swap3A_329 = arith.index_cast %add3A_277 : i32 to index
          %swap3A_330 = arith.constant 80 : index
          %swap3A_331 = tpu.vector_load %arg10[%swap3A_328, %swap3A_329, %swap3A_330] {strides = array<i32>} : memref<2x80x144xf32, #tpu.memory_space<vmem>>, vector<16xf32>,
          tpu.vector_store %arg10[%swap3A_328, %swap3A_329, %swap3A_330], %mul3A_327 {strides = array<i32>} : memref<2x80x144xf32, #tpu.memory_space<vmem>>, vector<16xf32>,
          %get3A_332 = arith.index_cast %rem3A_65 : i32 to index
          %get3A_333 = arith.index_cast %add3A_277 : i32 to index
          %get3A_334 = arith.constant 96 : index
          %get3A_335 = tpu.vector_load %arg10[%get3A_332, %get3A_333, %get3A_334] {strides = array<i32>} : memref<2x80x144xf32, #tpu.memory_space<vmem>>, vector<16xf32>,
          %mul3A_336 = arith.mulf %get3A_335, %broadcast_in_dim3A_273 : vector<16xf32>
          %swap3A_337 = arith.index_cast %rem3A_65 : i32 to index
          %swap3A_338 = arith.index_cast %add3A_277 : i32 to index
          %swap3A_339 = arith.constant 96 : index
          %swap3A_340 = tpu.vector_load %arg10[%swap3A_337, %swap3A_338, %swap3A_339] {strides = array<i32>} : memref<2x80x144xf32, #tpu.memory_space<vmem>>, vector<16xf32>,
          tpu.vector_store %arg10[%swap3A_337, %swap3A_338, %swap3A_339], %mul3A_336 {strides = array<i32>} : memref<2x80x144xf32, #tpu.memory_space<vmem>>, vector<16xf32>,
          %get3A_341 = arith.index_cast %rem3A_65 : i32 to index
          %get3A_342 = arith.index_cast %add3A_277 : i32 to index
          %get3A_343 = arith.constant 112 : index
          %get3A_344 = tpu.vector_load %arg10[%get3A_341, %get3A_342, %get3A_343] {strides = array<i32>} : memref<2x80x144xf32, #tpu.memory_space<vmem>>, vector<16xf32>,
          %mul3A_345 = arith.mulf %get3A_344, %broadcast_in_dim3A_273 : vector<16xf32>
          %swap3A_346 = arith.index_cast %rem3A_65 : i32 to index
          %swap3A_347 = arith.index_cast %add3A_277 : i32 to index
          %swap3A_348 = arith.constant 112 : index
          %swap3A_349 = tpu.vector_load %arg10[%swap3A_346, %swap3A_347, %swap3A_348] {strides = array<i32>} : memref<2x80x144xf32, #tpu.memory_space<vmem>>, vector<16xf32>,
          tpu.vector_store %arg10[%swap3A_346, %swap3A_347, %swap3A_348], %mul3A_345 {strides = array<i32>} : memref<2x80x144xf32, #tpu.memory_space<vmem>>, vector<16xf32>,
          %swap3A_350 = arith.index_cast %rem3A_65 : i32 to index
          %swap3A_351 = arith.index_cast %add3A_277 : i32 to index
          %swap3A_352 = arith.constant 128 : index
          %swap3A_353 = tpu.vector_load %arg10[%swap3A_350, %swap3A_351, %swap3A_352] {strides = array<i32>} : memref<2x80x144xf32, #tpu.memory_space<vmem>>, vector<16xf32>,
          tpu.vector_store %arg10[%swap3A_350, %swap3A_351, %swap3A_352], %broadcast_in_dim3A_273 {strides = array<i32>} : memref<2x80x144xf32, #tpu.memory_space<vmem>>, vector<16xf32>,
          %slice3A_354 = vector.extract_strided_slice %exp3A {offsets = [3], sizes = [1], strides = [1]} : vector<16xf32> to vector<1xf32>
          %squeeze3A_355 = vector.extract %slice3A_354[0] : f32 from vector<1xf32>
          %broadcast_in_dim3A_356 = vector.broadcast %squeeze3A_355 : f32 to vector<16xf32>
          %mul3A_357 = arith.constant 16 : i32
          %mul3A_358 = arith.muli %scan3A_91, %mul3A_357 : i32
          %add3A_359 = arith.constant 3 : i32
          %add3A_360 = arith.addi %mul3A_358, %add3A_359 : i32
          %get3A_361 = arith.index_cast %rem3A_65 : i32 to index
          %get3A_362 = arith.index_cast %add3A_360 : i32 to index
          %get3A_363 = arith.constant 0 : index
          %get3A_364 = tpu.vector_load %arg10[%get3A_361, %get3A_362, %get3A_363] {strides = array<i32>} : memref<2x80x144xf32, #tpu.memory_space<vmem>>, vector<16xf32>,
          %mul3A_365 = arith.mulf %get3A_364, %broadcast_in_dim3A_356 : vector<16xf32>
          %swap3A_366 = arith.index_cast %rem3A_65 : i32 to index
          %swap3A_367 = arith.index_cast %add3A_360 : i32 to index
          %swap3A_368 = arith.constant 0 : index
          %swap3A_369 = tpu.vector_load %arg10[%swap3A_366, %swap3A_367, %swap3A_368] {strides = array<i32>} : memref<2x80x144xf32, #tpu.memory_space<vmem>>, vector<16xf32>,
          tpu.vector_store %arg10[%swap3A_366, %swap3A_367, %swap3A_368], %mul3A_365 {strides = array<i32>} : memref<2x80x144xf32, #tpu.memory_space<vmem>>, vector<16xf32>,
          %get3A_370 = arith.index_cast %rem3A_65 : i32 to index
          %get3A_371 = arith.index_cast %add3A_360 : i32 to index
          %get3A_372 = arith.constant 16 : index
          %get3A_373 = tpu.vector_load %arg10[%get3A_370, %get3A_371, %get3A_372] {strides = array<i32>} : memref<2x80x144xf32, #tpu.memory_space<vmem>>, vector<16xf32>,
          %mul3A_374 = arith.mulf %get3A_373, %broadcast_in_dim3A_356 : vector<16xf32>
          %swap3A_375 = arith.index_cast %rem3A_65 : i32 to index
          %swap3A_376 = arith.index_cast %add3A_360 : i32 to index
          %swap3A_377 = arith.constant 16 : index
          %swap3A_378 = tpu.vector_load %arg10[%swap3A_375, %swap3A_376, %swap3A_377] {strides = array<i32>} : memref<2x80x144xf32, #tpu.memory_space<vmem>>, vector<16xf32>,
          tpu.vector_store %arg10[%swap3A_375, %swap3A_376, %swap3A_377], %mul3A_374 {strides = array<i32>} : memref<2x80x144xf32, #tpu.memory_space<vmem>>, vector<16xf32>,
          %get3A_379 = arith.index_cast %rem3A_65 : i32 to index
          %get3A_380 = arith.index_cast %add3A_360 : i32 to index
          %get3A_381 = arith.constant 32 : index
          %get3A_382 = tpu.vector_load %arg10[%get3A_379, %get3A_380, %get3A_381] {strides = array<i32>} : memref<2x80x144xf32, #tpu.memory_space<vmem>>, vector<16xf32>,
          %mul3A_383 = arith.mulf %get3A_382, %broadcast_in_dim3A_356 : vector<16xf32>
          %swap3A_384 = arith.index_cast %rem3A_65 : i32 to index
          %swap3A_385 = arith.index_cast %add3A_360 : i32 to index
          %swap3A_386 = arith.constant 32 : index
          %swap3A_387 = tpu.vector_load %arg10[%swap3A_384, %swap3A_385, %swap3A_386] {strides = array<i32>} : memref<2x80x144xf32, #tpu.memory_space<vmem>>, vector<16xf32>,
          tpu.vector_store %arg10[%swap3A_384, %swap3A_385, %swap3A_386], %mul3A_383 {strides = array<i32>} : memref<2x80x144xf32, #tpu.memory_space<vmem>>, vector<16xf32>,
          %get3A_388 = arith.index_cast %rem3A_65 : i32 to index
          %get3A_389 = arith.index_cast %add3A_360 : i32 to index
          %get3A_390 = arith.constant 48 : index
          %get3A_391 = tpu.vector_load %arg10[%get3A_388, %get3A_389, %get3A_390] {strides = array<i32>} : memref<2x80x144xf32, #tpu.memory_space<vmem>>, vector<16xf32>,
          %mul3A_392 = arith.mulf %get3A_391, %broadcast_in_dim3A_356 : vector<16xf32>
          %swap3A_393 = arith.index_cast %rem3A_65 : i32 to index
          %swap3A_394 = arith.index_cast %add3A_360 : i32 to index
          %swap3A_395 = arith.constant 48 : index
          %swap3A_396 = tpu.vector_load %arg10[%swap3A_393, %swap3A_394, %swap3A_395] {strides = array<i32>} : memref<2x80x144xf32, #tpu.memory_space<vmem>>, vector<16xf32>,
          tpu.vector_store %arg10[%swap3A_393, %swap3A_394, %swap3A_395], %mul3A_392 {strides = array<i32>} : memref<2x80x144xf32, #tpu.memory_space<vmem>>, vector<16xf32>,
          %get3A_397 = arith.index_cast %rem3A_65 : i32 to index
          %get3A_398 = arith.index_cast %add3A_360 : i32 to index
          %get3A_399 = arith.constant 64 : index
          %get3A_400 = tpu.vector_load %arg10[%get3A_397, %get3A_398, %get3A_399] {strides = array<i32>} : memref<2x80x144xf32, #tpu.memory_space<vmem>>, vector<16xf32>,
          %mul3A_401 = arith.mulf %get3A_400, %broadcast_in_dim3A_356 : vector<16xf32>
          %swap3A_402 = arith.index_cast %rem3A_65 : i32 to index
          %swap3A_403 = arith.index_cast %add3A_360 : i32 to index
          %swap3A_404 = arith.constant 64 : index
          %swap3A_405 = tpu.vector_load %arg10[%swap3A_402, %swap3A_403, %swap3A_404] {strides = array<i32>} : memref<2x80x144xf32, #tpu.memory_space<vmem>>, vector<16xf32>,
          tpu.vector_store %arg10[%swap3A_402, %swap3A_403, %swap3A_404], %mul3A_401 {strides = array<i32>} : memref<2x80x144xf32, #tpu.memory_space<vmem>>, vector<16xf32>,
          %get3A_406 = arith.index_cast %rem3A_65 : i32 to index
          %get3A_407 = arith.index_cast %add3A_360 : i32 to index
          %get3A_408 = arith.constant 80 : index
          %get3A_409 = tpu.vector_load %arg10[%get3A_406, %get3A_407, %get3A_408] {strides = array<i32>} : memref<2x80x144xf32, #tpu.memory_space<vmem>>, vector<16xf32>,
          %mul3A_410 = arith.mulf %get3A_409, %broadcast_in_dim3A_356 : vector<16xf32>
          %swap3A_411 = arith.index_cast %rem3A_65 : i32 to index
          %swap3A_412 = arith.index_cast %add3A_360 : i32 to index
          %swap3A_413 = arith.constant 80 : index
          %swap3A_414 = tpu.vector_load %arg10[%swap3A_411, %swap3A_412, %swap3A_413] {strides = array<i32>} : memref<2x80x144xf32, #tpu.memory_space<vmem>>, vector<16xf32>,
          tpu.vector_store %arg10[%swap3A_411, %swap3A_412, %swap3A_413], %mul3A_410 {strides = array<i32>} : memref<2x80x144xf32, #tpu.memory_space<vmem>>, vector<16xf32>,
          %get3A_415 = arith.index_cast %rem3A_65 : i32 to index
          %get3A_416 = arith.index_cast %add3A_360 : i32 to index
          %get3A_417 = arith.constant 96 : index
          %get3A_418 = tpu.vector_load %arg10[%get3A_415, %get3A_416, %get3A_417] {strides = array<i32>} : memref<2x80x144xf32, #tpu.memory_space<vmem>>, vector<16xf32>,
          %mul3A_419 = arith.mulf %get3A_418, %broadcast_in_dim3A_356 : vector<16xf32>
          %swap3A_420 = arith.index_cast %rem3A_65 : i32 to index
          %swap3A_421 = arith.index_cast %add3A_360 : i32 to index
          %swap3A_422 = arith.constant 96 : index
          %swap3A_423 = tpu.vector_load %arg10[%swap3A_420, %swap3A_421, %swap3A_422] {strides = array<i32>} : memref<2x80x144xf32, #tpu.memory_space<vmem>>, vector<16xf32>,
          tpu.vector_store %arg10[%swap3A_420, %swap3A_421, %swap3A_422], %mul3A_419 {strides = array<i32>} : memref<2x80x144xf32, #tpu.memory_space<vmem>>, vector<16xf32>,
          %get3A_424 = arith.index_cast %rem3A_65 : i32 to index
          %get3A_425 = arith.index_cast %add3A_360 : i32 to index
          %get3A_426 = arith.constant 112 : index
          %get3A_427 = tpu.vector_load %arg10[%get3A_424, %get3A_425, %get3A_426] {strides = array<i32>} : memref<2x80x144xf32, #tpu.memory_space<vmem>>, vector<16xf32>,
          %mul3A_428 = arith.mulf %get3A_427, %broadcast_in_dim3A_356 : vector<16xf32>
          %swap3A_429 = arith.index_cast %rem3A_65 : i32 to index
          %swap3A_430 = arith.index_cast %add3A_360 : i32 to index
          %swap3A_431 = arith.constant 112 : index
          %swap3A_432 = tpu.vector_load %arg10[%swap3A_429, %swap3A_430, %swap3A_431] {strides = array<i32>} : memref<2x80x144xf32, #tpu.memory_space<vmem>>, vector<16xf32>,
          tpu.vector_store %arg10[%swap3A_429, %swap3A_430, %swap3A_431], %mul3A_428 {strides = array<i32>} : memref<2x80x144xf32, #tpu.memory_space<vmem>>, vector<16xf32>,
          %swap3A_433 = arith.index_cast %rem3A_65 : i32 to index
          %swap3A_434 = arith.index_cast %add3A_360 : i32 to index
          %swap3A_435 = arith.constant 128 : index
          %swap3A_436 = tpu.vector_load %arg10[%swap3A_433, %swap3A_434, %swap3A_435] {strides = array<i32>} : memref<2x80x144xf32, #tpu.memory_space<vmem>>, vector<16xf32>,
          tpu.vector_store %arg10[%swap3A_433, %swap3A_434, %swap3A_435], %broadcast_in_dim3A_356 {strides = array<i32>} : memref<2x80x144xf32, #tpu.memory_space<vmem>>, vector<16xf32>,
          %slice3A_437 = vector.extract_strided_slice %exp3A {offsets = [4], sizes = [1], strides = [1]} : vector<16xf32> to vector<1xf32>
          %squeeze3A_438 = vector.extract %slice3A_437[0] : f32 from vector<1xf32>
          %broadcast_in_dim3A_439 = vector.broadcast %squeeze3A_438 : f32 to vector<16xf32>
          %mul3A_440 = arith.constant 16 : i32
          %mul3A_441 = arith.muli %scan3A_91, %mul3A_440 : i32
          %add3A_442 = arith.constant 4 : i32
          %add3A_443 = arith.addi %mul3A_441, %add3A_442 : i32
          %get3A_444 = arith.index_cast %rem3A_65 : i32 to index
          %get3A_445 = arith.index_cast %add3A_443 : i32 to index
          %get3A_446 = arith.constant 0 : index
          %get3A_447 = tpu.vector_load %arg10[%get3A_444, %get3A_445, %get3A_446] {strides = array<i32>} : memref<2x80x144xf32, #tpu.memory_space<vmem>>, vector<16xf32>,
          %mul3A_448 = arith.mulf %get3A_447, %broadcast_in_dim3A_439 : vector<16xf32>
          %swap3A_449 = arith.index_cast %rem3A_65 : i32 to index
          %swap3A_450 = arith.index_cast %add3A_443 : i32 to index
          %swap3A_451 = arith.constant 0 : index
          %swap3A_452 = tpu.vector_load %arg10[%swap3A_449, %swap3A_450, %swap3A_451] {strides = array<i32>} : memref<2x80x144xf32, #tpu.memory_space<vmem>>, vector<16xf32>,
          tpu.vector_store %arg10[%swap3A_449, %swap3A_450, %swap3A_451], %mul3A_448 {strides = array<i32>} : memref<2x80x144xf32, #tpu.memory_space<vmem>>, vector<16xf32>,
          %get3A_453 = arith.index_cast %rem3A_65 : i32 to index
          %get3A_454 = arith.index_cast %add3A_443 : i32 to index
          %get3A_455 = arith.constant 16 : index
          %get3A_456 = tpu.vector_load %arg10[%get3A_453, %get3A_454, %get3A_455] {strides = array<i32>} : memref<2x80x144xf32, #tpu.memory_space<vmem>>, vector<16xf32>,
          %mul3A_457 = arith.mulf %get3A_456, %broadcast_in_dim3A_439 : vector<16xf32>
          %swap3A_458 = arith.index_cast %rem3A_65 : i32 to index
          %swap3A_459 = arith.index_cast %add3A_443 : i32 to index
          %swap3A_460 = arith.constant 16 : index
          %swap3A_461 = tpu.vector_load %arg10[%swap3A_458, %swap3A_459, %swap3A_460] {strides = array<i32>} : memref<2x80x144xf32, #tpu.memory_space<vmem>>, vector<16xf32>,
          tpu.vector_store %arg10[%swap3A_458, %swap3A_459, %swap3A_460], %mul3A_457 {strides = array<i32>} : memref<2x80x144xf32, #tpu.memory_space<vmem>>, vector<16xf32>,
          %get3A_462 = arith.index_cast %rem3A_65 : i32 to index
          %get3A_463 = arith.index_cast %add3A_443 : i32 to index
          %get3A_464 = arith.constant 32 : index
          %get3A_465 = tpu.vector_load %arg10[%get3A_462, %get3A_463, %get3A_464] {strides = array<i32>} : memref<2x80x144xf32, #tpu.memory_space<vmem>>, vector<16xf32>,
          %mul3A_466 = arith.mulf %get3A_465, %broadcast_in_dim3A_439 : vector<16xf32>
          %swap3A_467 = arith.index_cast %rem3A_65 : i32 to index
          %swap3A_468 = arith.index_cast %add3A_443 : i32 to index
          %swap3A_469 = arith.constant 32 : index
          %swap3A_470 = tpu.vector_load %arg10[%swap3A_467, %swap3A_468, %swap3A_469] {strides = array<i32>} : memref<2x80x144xf32, #tpu.memory_space<vmem>>, vector<16xf32>,
          tpu.vector_store %arg10[%swap3A_467, %swap3A_468, %swap3A_469], %mul3A_466 {strides = array<i32>} : memref<2x80x144xf32, #tpu.memory_space<vmem>>, vector<16xf32>,
          %get3A_471 = arith.index_cast %rem3A_65 : i32 to index
          %get3A_472 = arith.index_cast %add3A_443 : i32 to index
          %get3A_473 = arith.constant 48 : index
          %get3A_474 = tpu.vector_load %arg10[%get3A_471, %get3A_472, %get3A_473] {strides = array<i32>} : memref<2x80x144xf32, #tpu.memory_space<vmem>>, vector<16xf32>,
          %mul3A_475 = arith.mulf %get3A_474, %broadcast_in_dim3A_439 : vector<16xf32>
          %swap3A_476 = arith.index_cast %rem3A_65 : i32 to index
          %swap3A_477 = arith.index_cast %add3A_443 : i32 to index
          %swap3A_478 = arith.constant 48 : index
          %swap3A_479 = tpu.vector_load %arg10[%swap3A_476, %swap3A_477, %swap3A_478] {strides = array<i32>} : memref<2x80x144xf32, #tpu.memory_space<vmem>>, vector<16xf32>,
          tpu.vector_store %arg10[%swap3A_476, %swap3A_477, %swap3A_478], %mul3A_475 {strides = array<i32>} : memref<2x80x144xf32, #tpu.memory_space<vmem>>, vector<16xf32>,
          %get3A_480 = arith.index_cast %rem3A_65 : i32 to index
          %get3A_481 = arith.index_cast %add3A_443 : i32 to index
          %get3A_482 = arith.constant 64 : index
          %get3A_483 = tpu.vector_load %arg10[%get3A_480, %get3A_481, %get3A_482] {strides = array<i32>} : memref<2x80x144xf32, #tpu.memory_space<vmem>>, vector<16xf32>,
          %mul3A_484 = arith.mulf %get3A_483, %broadcast_in_dim3A_439 : vector<16xf32>
          %swap3A_485 = arith.index_cast %rem3A_65 : i32 to index
          %swap3A_486 = arith.index_cast %add3A_443 : i32 to index
          %swap3A_487 = arith.constant 64 : index
          %swap3A_488 = tpu.vector_load %arg10[%swap3A_485, %swap3A_486, %swap3A_487] {strides = array<i32>} : memref<2x80x144xf32, #tpu.memory_space<vmem>>, vector<16xf32>,
          tpu.vector_store %arg10[%swap3A_485, %swap3A_486, %swap3A_487], %mul3A_484 {strides = array<i32>} : memref<2x80x144xf32, #tpu.memory_space<vmem>>, vector<16xf32>,
          %get3A_489 = arith.index_cast %rem3A_65 : i32 to index
          %get3A_490 = arith.index_cast %add3A_443 : i32 to index
          %get3A_491 = arith.constant 80 : index
          %get3A_492 = tpu.vector_load %arg10[%get3A_489, %get3A_490, %get3A_491] {strides = array<i32>} : memref<2x80x144xf32, #tpu.memory_space<vmem>>, vector<16xf32>,
          %mul3A_493 = arith.mulf %get3A_492, %broadcast_in_dim3A_439 : vector<16xf32>
          %swap3A_494 = arith.index_cast %rem3A_65 : i32 to index
          %swap3A_495 = arith.index_cast %add3A_443 : i32 to index
          %swap3A_496 = arith.constant 80 : index
          %swap3A_497 = tpu.vector_load %arg10[%swap3A_494, %swap3A_495, %swap3A_496] {strides = array<i32>} : memref<2x80x144xf32, #tpu.memory_space<vmem>>, vector<16xf32>,
          tpu.vector_store %arg10[%swap3A_494, %swap3A_495, %swap3A_496], %mul3A_493 {strides = array<i32>} : memref<2x80x144xf32, #tpu.memory_space<vmem>>, vector<16xf32>,
          %get3A_498 = arith.index_cast %rem3A_65 : i32 to index
          %get3A_499 = arith.index_cast %add3A_443 : i32 to index
          %get3A_500 = arith.constant 96 : index
          %get3A_501 = tpu.vector_load %arg10[%get3A_498, %get3A_499, %get3A_500] {strides = array<i32>} : memref<2x80x144xf32, #tpu.memory_space<vmem>>, vector<16xf32>,
          %mul3A_502 = arith.mulf %get3A_501, %broadcast_in_dim3A_439 : vector<16xf32>
          %swap3A_503 = arith.index_cast %rem3A_65 : i32 to index
          %swap3A_504 = arith.index_cast %add3A_443 : i32 to index
          %swap3A_505 = arith.constant 96 : index
          %swap3A_506 = tpu.vector_load %arg10[%swap3A_503, %swap3A_504, %swap3A_505] {strides = array<i32>} : memref<2x80x144xf32, #tpu.memory_space<vmem>>, vector<16xf32>,
          tpu.vector_store %arg10[%swap3A_503, %swap3A_504, %swap3A_505], %mul3A_502 {strides = array<i32>} : memref<2x80x144xf32, #tpu.memory_space<vmem>>, vector<16xf32>,
          %get3A_507 = arith.index_cast %rem3A_65 : i32 to index
          %get3A_508 = arith.index_cast %add3A_443 : i32 to index
          %get3A_509 = arith.constant 112 : index
          %get3A_510 = tpu.vector_load %arg10[%get3A_507, %get3A_508, %get3A_509] {strides = array<i32>} : memref<2x80x144xf32, #tpu.memory_space<vmem>>, vector<16xf32>,
          %mul3A_511 = arith.mulf %get3A_510, %broadcast_in_dim3A_439 : vector<16xf32>
          %swap3A_512 = arith.index_cast %rem3A_65 : i32 to index
          %swap3A_513 = arith.index_cast %add3A_443 : i32 to index
          %swap3A_514 = arith.constant 112 : index
          %swap3A_515 = tpu.vector_load %arg10[%swap3A_512, %swap3A_513, %swap3A_514] {strides = array<i32>} : memref<2x80x144xf32, #tpu.memory_space<vmem>>, vector<16xf32>,
          tpu.vector_store %arg10[%swap3A_512, %swap3A_513, %swap3A_514], %mul3A_511 {strides = array<i32>} : memref<2x80x144xf32, #tpu.memory_space<vmem>>, vector<16xf32>,
          %swap3A_516 = arith.index_cast %rem3A_65 : i32 to index
          %swap3A_517 = arith.index_cast %add3A_443 : i32 to index
          %swap3A_518 = arith.constant 128 : index
          %swap3A_519 = tpu.vector_load %arg10[%swap3A_516, %swap3A_517, %swap3A_518] {strides = array<i32>} : memref<2x80x144xf32, #tpu.memory_space<vmem>>, vector<16xf32>,
          tpu.vector_store %arg10[%swap3A_516, %swap3A_517, %swap3A_518], %broadcast_in_dim3A_439 {strides = array<i32>} : memref<2x80x144xf32, #tpu.memory_space<vmem>>, vector<16xf32>,
          %slice3A_520 = vector.extract_strided_slice %exp3A {offsets = [5], sizes = [1], strides = [1]} : vector<16xf32> to vector<1xf32>
          %squeeze3A_521 = vector.extract %slice3A_520[0] : f32 from vector<1xf32>
          %broadcast_in_dim3A_522 = vector.broadcast %squeeze3A_521 : f32 to vector<16xf32>
          %mul3A_523 = arith.constant 16 : i32
          %mul3A_524 = arith.muli %scan3A_91, %mul3A_523 : i32
          %add3A_525 = arith.constant 5 : i32
          %add3A_526 = arith.addi %mul3A_524, %add3A_525 : i32
          %get3A_527 = arith.index_cast %rem3A_65 : i32 to index
          %get3A_528 = arith.index_cast %add3A_526 : i32 to index
          %get3A_529 = arith.constant 0 : index
          %get3A_530 = tpu.vector_load %arg10[%get3A_527, %get3A_528, %get3A_529] {strides = array<i32>} : memref<2x80x144xf32, #tpu.memory_space<vmem>>, vector<16xf32>,
          %mul3A_531 = arith.mulf %get3A_530, %broadcast_in_dim3A_522 : vector<16xf32>
          %swap3A_532 = arith.index_cast %rem3A_65 : i32 to index
          %swap3A_533 = arith.index_cast %add3A_526 : i32 to index
          %swap3A_534 = arith.constant 0 : index
          %swap3A_535 = tpu.vector_load %arg10[%swap3A_532, %swap3A_533, %swap3A_534] {strides = array<i32>} : memref<2x80x144xf32, #tpu.memory_space<vmem>>, vector<16xf32>,
          tpu.vector_store %arg10[%swap3A_532, %swap3A_533, %swap3A_534], %mul3A_531 {strides = array<i32>} : memref<2x80x144xf32, #tpu.memory_space<vmem>>, vector<16xf32>,
          %get3A_536 = arith.index_cast %rem3A_65 : i32 to index
          %get3A_537 = arith.index_cast %add3A_526 : i32 to index
          %get3A_538 = arith.constant 16 : index
          %get3A_539 = tpu.vector_load %arg10[%get3A_536, %get3A_537, %get3A_538] {strides = array<i32>} : memref<2x80x144xf32, #tpu.memory_space<vmem>>, vector<16xf32>,
          %mul3A_540 = arith.mulf %get3A_539, %broadcast_in_dim3A_522 : vector<16xf32>
          %swap3A_541 = arith.index_cast %rem3A_65 : i32 to index
          %swap3A_542 = arith.index_cast %add3A_526 : i32 to index
          %swap3A_543 = arith.constant 16 : index
          %swap3A_544 = tpu.vector_load %arg10[%swap3A_541, %swap3A_542, %swap3A_543] {strides = array<i32>} : memref<2x80x144xf32, #tpu.memory_space<vmem>>, vector<16xf32>,
          tpu.vector_store %arg10[%swap3A_541, %swap3A_542, %swap3A_543], %mul3A_540 {strides = array<i32>} : memref<2x80x144xf32, #tpu.memory_space<vmem>>, vector<16xf32>,
          %get3A_545 = arith.index_cast %rem3A_65 : i32 to index
          %get3A_546 = arith.index_cast %add3A_526 : i32 to index
          %get3A_547 = arith.constant 32 : index
          %get3A_548 = tpu.vector_load %arg10[%get3A_545, %get3A_546, %get3A_547] {strides = array<i32>} : memref<2x80x144xf32, #tpu.memory_space<vmem>>, vector<16xf32>,
          %mul3A_549 = arith.mulf %get3A_548, %broadcast_in_dim3A_522 : vector<16xf32>
          %swap3A_550 = arith.index_cast %rem3A_65 : i32 to index
          %swap3A_551 = arith.index_cast %add3A_526 : i32 to index
          %swap3A_552 = arith.constant 32 : index
          %swap3A_553 = tpu.vector_load %arg10[%swap3A_550, %swap3A_551, %swap3A_552] {strides = array<i32>} : memref<2x80x144xf32, #tpu.memory_space<vmem>>, vector<16xf32>,
          tpu.vector_store %arg10[%swap3A_550, %swap3A_551, %swap3A_552], %mul3A_549 {strides = array<i32>} : memref<2x80x144xf32, #tpu.memory_space<vmem>>, vector<16xf32>,
          %get3A_554 = arith.index_cast %rem3A_65 : i32 to index
          %get3A_555 = arith.index_cast %add3A_526 : i32 to index
          %get3A_556 = arith.constant 48 : index
          %get3A_557 = tpu.vector_load %arg10[%get3A_554, %get3A_555, %get3A_556] {strides = array<i32>} : memref<2x80x144xf32, #tpu.memory_space<vmem>>, vector<16xf32>,
          %mul3A_558 = arith.mulf %get3A_557, %broadcast_in_dim3A_522 : vector<16xf32>
          %swap3A_559 = arith.index_cast %rem3A_65 : i32 to index
          %swap3A_560 = arith.index_cast %add3A_526 : i32 to index
          %swap3A_561 = arith.constant 48 : index
          %swap3A_562 = tpu.vector_load %arg10[%swap3A_559, %swap3A_560, %swap3A_561] {strides = array<i32>} : memref<2x80x144xf32, #tpu.memory_space<vmem>>, vector<16xf32>,
          tpu.vector_store %arg10[%swap3A_559, %swap3A_560, %swap3A_561], %mul3A_558 {strides = array<i32>} : memref<2x80x144xf32, #tpu.memory_space<vmem>>, vector<16xf32>,
          %get3A_563 = arith.index_cast %rem3A_65 : i32 to index
          %get3A_564 = arith.index_cast %add3A_526 : i32 to index
          %get3A_565 = arith.constant 64 : index
          %get3A_566 = tpu.vector_load %arg10[%get3A_563, %get3A_564, %get3A_565] {strides = array<i32>} : memref<2x80x144xf32, #tpu.memory_space<vmem>>, vector<16xf32>,
          %mul3A_567 = arith.mulf %get3A_566, %broadcast_in_dim3A_522 : vector<16xf32>
          %swap3A_568 = arith.index_cast %rem3A_65 : i32 to index
          %swap3A_569 = arith.index_cast %add3A_526 : i32 to index
          %swap3A_570 = arith.constant 64 : index
          %swap3A_571 = tpu.vector_load %arg10[%swap3A_568, %swap3A_569, %swap3A_570] {strides = array<i32>} : memref<2x80x144xf32, #tpu.memory_space<vmem>>, vector<16xf32>,
          tpu.vector_store %arg10[%swap3A_568, %swap3A_569, %swap3A_570], %mul3A_567 {strides = array<i32>} : memref<2x80x144xf32, #tpu.memory_space<vmem>>, vector<16xf32>,
          %get3A_572 = arith.index_cast %rem3A_65 : i32 to index
          %get3A_573 = arith.index_cast %add3A_526 : i32 to index
          %get3A_574 = arith.constant 80 : index
          %get3A_575 = tpu.vector_load %arg10[%get3A_572, %get3A_573, %get3A_574] {strides = array<i32>} : memref<2x80x144xf32, #tpu.memory_space<vmem>>, vector<16xf32>,
          %mul3A_576 = arith.mulf %get3A_575, %broadcast_in_dim3A_522 : vector<16xf32>
          %swap3A_577 = arith.index_cast %rem3A_65 : i32 to index
          %swap3A_578 = arith.index_cast %add3A_526 : i32 to index
          %swap3A_579 = arith.constant 80 : index
          %swap3A_580 = tpu.vector_load %arg10[%swap3A_577, %swap3A_578, %swap3A_579] {strides = array<i32>} : memref<2x80x144xf32, #tpu.memory_space<vmem>>, vector<16xf32>,
          tpu.vector_store %arg10[%swap3A_577, %swap3A_578, %swap3A_579], %mul3A_576 {strides = array<i32>} : memref<2x80x144xf32, #tpu.memory_space<vmem>>, vector<16xf32>,
          %get3A_581 = arith.index_cast %rem3A_65 : i32 to index
          %get3A_582 = arith.index_cast %add3A_526 : i32 to index
          %get3A_583 = arith.constant 96 : index
          %get3A_584 = tpu.vector_load %arg10[%get3A_581, %get3A_582, %get3A_583] {strides = array<i32>} : memref<2x80x144xf32, #tpu.memory_space<vmem>>, vector<16xf32>,
          %mul3A_585 = arith.mulf %get3A_584, %broadcast_in_dim3A_522 : vector<16xf32>
          %swap3A_586 = arith.index_cast %rem3A_65 : i32 to index
          %swap3A_587 = arith.index_cast %add3A_526 : i32 to index
          %swap3A_588 = arith.constant 96 : index
          %swap3A_589 = tpu.vector_load %arg10[%swap3A_586, %swap3A_587, %swap3A_588] {strides = array<i32>} : memref<2x80x144xf32, #tpu.memory_space<vmem>>, vector<16xf32>,
          tpu.vector_store %arg10[%swap3A_586, %swap3A_587, %swap3A_588], %mul3A_585 {strides = array<i32>} : memref<2x80x144xf32, #tpu.memory_space<vmem>>, vector<16xf32>,
          %get3A_590 = arith.index_cast %rem3A_65 : i32 to index
          %get3A_591 = arith.index_cast %add3A_526 : i32 to index
          %get3A_592 = arith.constant 112 : index
          %get3A_593 = tpu.vector_load %arg10[%get3A_590, %get3A_591, %get3A_592] {strides = array<i32>} : memref<2x80x144xf32, #tpu.memory_space<vmem>>, vector<16xf32>,
          %mul3A_594 = arith.mulf %get3A_593, %broadcast_in_dim3A_522 : vector<16xf32>
          %swap3A_595 = arith.index_cast %rem3A_65 : i32 to index
          %swap3A_596 = arith.index_cast %add3A_526 : i32 to index
          %swap3A_597 = arith.constant 112 : index
          %swap3A_598 = tpu.vector_load %arg10[%swap3A_595, %swap3A_596, %swap3A_597] {strides = array<i32>} : memref<2x80x144xf32, #tpu.memory_space<vmem>>, vector<16xf32>,
          tpu.vector_store %arg10[%swap3A_595, %swap3A_596, %swap3A_597], %mul3A_594 {strides = array<i32>} : memref<2x80x144xf32, #tpu.memory_space<vmem>>, vector<16xf32>,
          %swap3A_599 = arith.index_cast %rem3A_65 : i32 to index
          %swap3A_600 = arith.index_cast %add3A_526 : i32 to index
          %swap3A_601 = arith.constant 128 : index
          %swap3A_602 = tpu.vector_load %arg10[%swap3A_599, %swap3A_600, %swap3A_601] {strides = array<i32>} : memref<2x80x144xf32, #tpu.memory_space<vmem>>, vector<16xf32>,
          tpu.vector_store %arg10[%swap3A_599, %swap3A_600, %swap3A_601], %broadcast_in_dim3A_522 {strides = array<i32>} : memref<2x80x144xf32, #tpu.memory_space<vmem>>, vector<16xf32>,
          %slice3A_603 = vector.extract_strided_slice %exp3A {offsets = [6], sizes = [1], strides = [1]} : vector<16xf32> to vector<1xf32>
          %squeeze3A_604 = vector.extract %slice3A_603[0] : f32 from vector<1xf32>
          %broadcast_in_dim3A_605 = vector.broadcast %squeeze3A_604 : f32 to vector<16xf32>
          %mul3A_606 = arith.constant 16 : i32
          %mul3A_607 = arith.muli %scan3A_91, %mul3A_606 : i32
          %add3A_608 = arith.constant 6 : i32
          %add3A_609 = arith.addi %mul3A_607, %add3A_608 : i32
          %get3A_610 = arith.index_cast %rem3A_65 : i32 to index
          %get3A_611 = arith.index_cast %add3A_609 : i32 to index
          %get3A_612 = arith.constant 0 : index
          %get3A_613 = tpu.vector_load %arg10[%get3A_610, %get3A_611, %get3A_612] {strides = array<i32>} : memref<2x80x144xf32, #tpu.memory_space<vmem>>, vector<16xf32>,
          %mul3A_614 = arith.mulf %get3A_613, %broadcast_in_dim3A_605 : vector<16xf32>
          %swap3A_615 = arith.index_cast %rem3A_65 : i32 to index
          %swap3A_616 = arith.index_cast %add3A_609 : i32 to index
          %swap3A_617 = arith.constant 0 : index
          %swap3A_618 = tpu.vector_load %arg10[%swap3A_615, %swap3A_616, %swap3A_617] {strides = array<i32>} : memref<2x80x144xf32, #tpu.memory_space<vmem>>, vector<16xf32>,
          tpu.vector_store %arg10[%swap3A_615, %swap3A_616, %swap3A_617], %mul3A_614 {strides = array<i32>} : memref<2x80x144xf32, #tpu.memory_space<vmem>>, vector<16xf32>,
          %get3A_619 = arith.index_cast %rem3A_65 : i32 to index
          %get3A_620 = arith.index_cast %add3A_609 : i32 to index
          %get3A_621 = arith.constant 16 : index
          %get3A_622 = tpu.vector_load %arg10[%get3A_619, %get3A_620, %get3A_621] {strides = array<i32>} : memref<2x80x144xf32, #tpu.memory_space<vmem>>, vector<16xf32>,
          %mul3A_623 = arith.mulf %get3A_622, %broadcast_in_dim3A_605 : vector<16xf32>
          %swap3A_624 = arith.index_cast %rem3A_65 : i32 to index
          %swap3A_625 = arith.index_cast %add3A_609 : i32 to index
          %swap3A_626 = arith.constant 16 : index
          %swap3A_627 = tpu.vector_load %arg10[%swap3A_624, %swap3A_625, %swap3A_626] {strides = array<i32>} : memref<2x80x144xf32, #tpu.memory_space<vmem>>, vector<16xf32>,
          tpu.vector_store %arg10[%swap3A_624, %swap3A_625, %swap3A_626], %mul3A_623 {strides = array<i32>} : memref<2x80x144xf32, #tpu.memory_space<vmem>>, vector<16xf32>,
          %get3A_628 = arith.index_cast %rem3A_65 : i32 to index
          %get3A_629 = arith.index_cast %add3A_609 : i32 to index
          %get3A_630 = arith.constant 32 : index
          %get3A_631 = tpu.vector_load %arg10[%get3A_628, %get3A_629, %get3A_630] {strides = array<i32>} : memref<2x80x144xf32, #tpu.memory_space<vmem>>, vector<16xf32>,
          %mul3A_632 = arith.mulf %get3A_631, %broadcast_in_dim3A_605 : vector<16xf32>
          %swap3A_633 = arith.index_cast %rem3A_65 : i32 to index
          %swap3A_634 = arith.index_cast %add3A_609 : i32 to index
          %swap3A_635 = arith.constant 32 : index
          %swap3A_636 = tpu.vector_load %arg10[%swap3A_633, %swap3A_634, %swap3A_635] {strides = array<i32>} : memref<2x80x144xf32, #tpu.memory_space<vmem>>, vector<16xf32>,
          tpu.vector_store %arg10[%swap3A_633, %swap3A_634, %swap3A_635], %mul3A_632 {strides = array<i32>} : memref<2x80x144xf32, #tpu.memory_space<vmem>>, vector<16xf32>,
          %get3A_637 = arith.index_cast %rem3A_65 : i32 to index
          %get3A_638 = arith.index_cast %add3A_609 : i32 to index
          %get3A_639 = arith.constant 48 : index
          %get3A_640 = tpu.vector_load %arg10[%get3A_637, %get3A_638, %get3A_639] {strides = array<i32>} : memref<2x80x144xf32, #tpu.memory_space<vmem>>, vector<16xf32>,
          %mul3A_641 = arith.mulf %get3A_640, %broadcast_in_dim3A_605 : vector<16xf32>
          %swap3A_642 = arith.index_cast %rem3A_65 : i32 to index
          %swap3A_643 = arith.index_cast %add3A_609 : i32 to index
          %swap3A_644 = arith.constant 48 : index
          %swap3A_645 = tpu.vector_load %arg10[%swap3A_642, %swap3A_643, %swap3A_644] {strides = array<i32>} : memref<2x80x144xf32, #tpu.memory_space<vmem>>, vector<16xf32>,
          tpu.vector_store %arg10[%swap3A_642, %swap3A_643, %swap3A_644], %mul3A_641 {strides = array<i32>} : memref<2x80x144xf32, #tpu.memory_space<vmem>>, vector<16xf32>,
          %get3A_646 = arith.index_cast %rem3A_65 : i32 to index
          %get3A_647 = arith.index_cast %add3A_609 : i32 to index
          %get3A_648 = arith.constant 64 : index
          %get3A_649 = tpu.vector_load %arg10[%get3A_646, %get3A_647, %get3A_648] {strides = array<i32>} : memref<2x80x144xf32, #tpu.memory_space<vmem>>, vector<16xf32>,
          %mul3A_650 = arith.mulf %get3A_649, %broadcast_in_dim3A_605 : vector<16xf32>
          %swap3A_651 = arith.index_cast %rem3A_65 : i32 to index
          %swap3A_652 = arith.index_cast %add3A_609 : i32 to index
          %swap3A_653 = arith.constant 64 : index
          %swap3A_654 = tpu.vector_load %arg10[%swap3A_651, %swap3A_652, %swap3A_653] {strides = array<i32>} : memref<2x80x144xf32, #tpu.memory_space<vmem>>, vector<16xf32>,
          tpu.vector_store %arg10[%swap3A_651, %swap3A_652, %swap3A_653], %mul3A_650 {strides = array<i32>} : memref<2x80x144xf32, #tpu.memory_space<vmem>>, vector<16xf32>,
          %get3A_655 = arith.index_cast %rem3A_65 : i32 to index
          %get3A_656 = arith.index_cast %add3A_609 : i32 to index
          %get3A_657 = arith.constant 80 : index
          %get3A_658 = tpu.vector_load %arg10[%get3A_655, %get3A_656, %get3A_657] {strides = array<i32>} : memref<2x80x144xf32, #tpu.memory_space<vmem>>, vector<16xf32>,
          %mul3A_659 = arith.mulf %get3A_658, %broadcast_in_dim3A_605 : vector<16xf32>
          %swap3A_660 = arith.index_cast %rem3A_65 : i32 to index
          %swap3A_661 = arith.index_cast %add3A_609 : i32 to index
          %swap3A_662 = arith.constant 80 : index
          %swap3A_663 = tpu.vector_load %arg10[%swap3A_660, %swap3A_661, %swap3A_662] {strides = array<i32>} : memref<2x80x144xf32, #tpu.memory_space<vmem>>, vector<16xf32>,
          tpu.vector_store %arg10[%swap3A_660, %swap3A_661, %swap3A_662], %mul3A_659 {strides = array<i32>} : memref<2x80x144xf32, #tpu.memory_space<vmem>>, vector<16xf32>,
          %get3A_664 = arith.index_cast %rem3A_65 : i32 to index
          %get3A_665 = arith.index_cast %add3A_609 : i32 to index
          %get3A_666 = arith.constant 96 : index
          %get3A_667 = tpu.vector_load %arg10[%get3A_664, %get3A_665, %get3A_666] {strides = array<i32>} : memref<2x80x144xf32, #tpu.memory_space<vmem>>, vector<16xf32>,
          %mul3A_668 = arith.mulf %get3A_667, %broadcast_in_dim3A_605 : vector<16xf32>
          %swap3A_669 = arith.index_cast %rem3A_65 : i32 to index
          %swap3A_670 = arith.index_cast %add3A_609 : i32 to index
          %swap3A_671 = arith.constant 96 : index
          %swap3A_672 = tpu.vector_load %arg10[%swap3A_669, %swap3A_670, %swap3A_671] {strides = array<i32>} : memref<2x80x144xf32, #tpu.memory_space<vmem>>, vector<16xf32>,
          tpu.vector_store %arg10[%swap3A_669, %swap3A_670, %swap3A_671], %mul3A_668 {strides = array<i32>} : memref<2x80x144xf32, #tpu.memory_space<vmem>>, vector<16xf32>,
          %get3A_673 = arith.index_cast %rem3A_65 : i32 to index
          %get3A_674 = arith.index_cast %add3A_609 : i32 to index
          %get3A_675 = arith.constant 112 : index
          %get3A_676 = tpu.vector_load %arg10[%get3A_673, %get3A_674, %get3A_675] {strides = array<i32>} : memref<2x80x144xf32, #tpu.memory_space<vmem>>, vector<16xf32>,
          %mul3A_677 = arith.mulf %get3A_676, %broadcast_in_dim3A_605 : vector<16xf32>
          %swap3A_678 = arith.index_cast %rem3A_65 : i32 to index
          %swap3A_679 = arith.index_cast %add3A_609 : i32 to index
          %swap3A_680 = arith.constant 112 : index
          %swap3A_681 = tpu.vector_load %arg10[%swap3A_678, %swap3A_679, %swap3A_680] {strides = array<i32>} : memref<2x80x144xf32, #tpu.memory_space<vmem>>, vector<16xf32>,
          tpu.vector_store %arg10[%swap3A_678, %swap3A_679, %swap3A_680], %mul3A_677 {strides = array<i32>} : memref<2x80x144xf32, #tpu.memory_space<vmem>>, vector<16xf32>,
          %swap3A_682 = arith.index_cast %rem3A_65 : i32 to index
          %swap3A_683 = arith.index_cast %add3A_609 : i32 to index
          %swap3A_684 = arith.constant 128 : index
          %swap3A_685 = tpu.vector_load %arg10[%swap3A_682, %swap3A_683, %swap3A_684] {strides = array<i32>} : memref<2x80x144xf32, #tpu.memory_space<vmem>>, vector<16xf32>,
          tpu.vector_store %arg10[%swap3A_682, %swap3A_683, %swap3A_684], %broadcast_in_dim3A_605 {strides = array<i32>} : memref<2x80x144xf32, #tpu.memory_space<vmem>>, vector<16xf32>,
          %slice3A_686 = vector.extract_strided_slice %exp3A {offsets = [7], sizes = [1], strides = [1]} : vector<16xf32> to vector<1xf32>
          %squeeze3A_687 = vector.extract %slice3A_686[0] : f32 from vector<1xf32>
          %broadcast_in_dim3A_688 = vector.broadcast %squeeze3A_687 : f32 to vector<16xf32>
          %mul3A_689 = arith.constant 16 : i32
          %mul3A_690 = arith.muli %scan3A_91, %mul3A_689 : i32
          %add3A_691 = arith.constant 7 : i32
          %add3A_692 = arith.addi %mul3A_690, %add3A_691 : i32
          %get3A_693 = arith.index_cast %rem3A_65 : i32 to index
          %get3A_694 = arith.index_cast %add3A_692 : i32 to index
          %get3A_695 = arith.constant 0 : index
          %get3A_696 = tpu.vector_load %arg10[%get3A_693, %get3A_694, %get3A_695] {strides = array<i32>} : memref<2x80x144xf32, #tpu.memory_space<vmem>>, vector<16xf32>,
          %mul3A_697 = arith.mulf %get3A_696, %broadcast_in_dim3A_688 : vector<16xf32>
          %swap3A_698 = arith.index_cast %rem3A_65 : i32 to index
          %swap3A_699 = arith.index_cast %add3A_692 : i32 to index
          %swap3A_700 = arith.constant 0 : index
          %swap3A_701 = tpu.vector_load %arg10[%swap3A_698, %swap3A_699, %swap3A_700] {strides = array<i32>} : memref<2x80x144xf32, #tpu.memory_space<vmem>>, vector<16xf32>,
          tpu.vector_store %arg10[%swap3A_698, %swap3A_699, %swap3A_700], %mul3A_697 {strides = array<i32>} : memref<2x80x144xf32, #tpu.memory_space<vmem>>, vector<16xf32>,
          %get3A_702 = arith.index_cast %rem3A_65 : i32 to index
          %get3A_703 = arith.index_cast %add3A_692 : i32 to index
          %get3A_704 = arith.constant 16 : index
          %get3A_705 = tpu.vector_load %arg10[%get3A_702, %get3A_703, %get3A_704] {strides = array<i32>} : memref<2x80x144xf32, #tpu.memory_space<vmem>>, vector<16xf32>,
          %mul3A_706 = arith.mulf %get3A_705, %broadcast_in_dim3A_688 : vector<16xf32>
          %swap3A_707 = arith.index_cast %rem3A_65 : i32 to index
          %swap3A_708 = arith.index_cast %add3A_692 : i32 to index
          %swap3A_709 = arith.constant 16 : index
          %swap3A_710 = tpu.vector_load %arg10[%swap3A_707, %swap3A_708, %swap3A_709] {strides = array<i32>} : memref<2x80x144xf32, #tpu.memory_space<vmem>>, vector<16xf32>,
          tpu.vector_store %arg10[%swap3A_707, %swap3A_708, %swap3A_709], %mul3A_706 {strides = array<i32>} : memref<2x80x144xf32, #tpu.memory_space<vmem>>, vector<16xf32>,
          %get3A_711 = arith.index_cast %rem3A_65 : i32 to index
          %get3A_712 = arith.index_cast %add3A_692 : i32 to index
          %get3A_713 = arith.constant 32 : index
          %get3A_714 = tpu.vector_load %arg10[%get3A_711, %get3A_712, %get3A_713] {strides = array<i32>} : memref<2x80x144xf32, #tpu.memory_space<vmem>>, vector<16xf32>,
          %mul3A_715 = arith.mulf %get3A_714, %broadcast_in_dim3A_688 : vector<16xf32>
          %swap3A_716 = arith.index_cast %rem3A_65 : i32 to index
          %swap3A_717 = arith.index_cast %add3A_692 : i32 to index
          %swap3A_718 = arith.constant 32 : index
          %swap3A_719 = tpu.vector_load %arg10[%swap3A_716, %swap3A_717, %swap3A_718] {strides = array<i32>} : memref<2x80x144xf32, #tpu.memory_space<vmem>>, vector<16xf32>,
          tpu.vector_store %arg10[%swap3A_716, %swap3A_717, %swap3A_718], %mul3A_715 {strides = array<i32>} : memref<2x80x144xf32, #tpu.memory_space<vmem>>, vector<16xf32>,
          %get3A_720 = arith.index_cast %rem3A_65 : i32 to index
          %get3A_721 = arith.index_cast %add3A_692 : i32 to index
          %get3A_722 = arith.constant 48 : index
          %get3A_723 = tpu.vector_load %arg10[%get3A_720, %get3A_721, %get3A_722] {strides = array<i32>} : memref<2x80x144xf32, #tpu.memory_space<vmem>>, vector<16xf32>,
          %mul3A_724 = arith.mulf %get3A_723, %broadcast_in_dim3A_688 : vector<16xf32>
          %swap3A_725 = arith.index_cast %rem3A_65 : i32 to index
          %swap3A_726 = arith.index_cast %add3A_692 : i32 to index
          %swap3A_727 = arith.constant 48 : index
          %swap3A_728 = tpu.vector_load %arg10[%swap3A_725, %swap3A_726, %swap3A_727] {strides = array<i32>} : memref<2x80x144xf32, #tpu.memory_space<vmem>>, vector<16xf32>,
          tpu.vector_store %arg10[%swap3A_725, %swap3A_726, %swap3A_727], %mul3A_724 {strides = array<i32>} : memref<2x80x144xf32, #tpu.memory_space<vmem>>, vector<16xf32>,
          %get3A_729 = arith.index_cast %rem3A_65 : i32 to index
          %get3A_730 = arith.index_cast %add3A_692 : i32 to index
          %get3A_731 = arith.constant 64 : index
          %get3A_732 = tpu.vector_load %arg10[%get3A_729, %get3A_730, %get3A_731] {strides = array<i32>} : memref<2x80x144xf32, #tpu.memory_space<vmem>>, vector<16xf32>,
          %mul3A_733 = arith.mulf %get3A_732, %broadcast_in_dim3A_688 : vector<16xf32>
          %swap3A_734 = arith.index_cast %rem3A_65 : i32 to index
          %swap3A_735 = arith.index_cast %add3A_692 : i32 to index
          %swap3A_736 = arith.constant 64 : index
          %swap3A_737 = tpu.vector_load %arg10[%swap3A_734, %swap3A_735, %swap3A_736] {strides = array<i32>} : memref<2x80x144xf32, #tpu.memory_space<vmem>>, vector<16xf32>,
          tpu.vector_store %arg10[%swap3A_734, %swap3A_735, %swap3A_736], %mul3A_733 {strides = array<i32>} : memref<2x80x144xf32, #tpu.memory_space<vmem>>, vector<16xf32>,
          %get3A_738 = arith.index_cast %rem3A_65 : i32 to index
          %get3A_739 = arith.index_cast %add3A_692 : i32 to index
          %get3A_740 = arith.constant 80 : index
          %get3A_741 = tpu.vector_load %arg10[%get3A_738, %get3A_739, %get3A_740] {strides = array<i32>} : memref<2x80x144xf32, #tpu.memory_space<vmem>>, vector<16xf32>,
          %mul3A_742 = arith.mulf %get3A_741, %broadcast_in_dim3A_688 : vector<16xf32>
          %swap3A_743 = arith.index_cast %rem3A_65 : i32 to index
          %swap3A_744 = arith.index_cast %add3A_692 : i32 to index
          %swap3A_745 = arith.constant 80 : index
          %swap3A_746 = tpu.vector_load %arg10[%swap3A_743, %swap3A_744, %swap3A_745] {strides = array<i32>} : memref<2x80x144xf32, #tpu.memory_space<vmem>>, vector<16xf32>,
          tpu.vector_store %arg10[%swap3A_743, %swap3A_744, %swap3A_745], %mul3A_742 {strides = array<i32>} : memref<2x80x144xf32, #tpu.memory_space<vmem>>, vector<16xf32>,
          %get3A_747 = arith.index_cast %rem3A_65 : i32 to index
          %get3A_748 = arith.index_cast %add3A_692 : i32 to index
          %get3A_749 = arith.constant 96 : index
          %get3A_750 = tpu.vector_load %arg10[%get3A_747, %get3A_748, %get3A_749] {strides = array<i32>} : memref<2x80x144xf32, #tpu.memory_space<vmem>>, vector<16xf32>,
          %mul3A_751 = arith.mulf %get3A_750, %broadcast_in_dim3A_688 : vector<16xf32>
          %swap3A_752 = arith.index_cast %rem3A_65 : i32 to index
          %swap3A_753 = arith.index_cast %add3A_692 : i32 to index
          %swap3A_754 = arith.constant 96 : index
          %swap3A_755 = tpu.vector_load %arg10[%swap3A_752, %swap3A_753, %swap3A_754] {strides = array<i32>} : memref<2x80x144xf32, #tpu.memory_space<vmem>>, vector<16xf32>,
          tpu.vector_store %arg10[%swap3A_752, %swap3A_753, %swap3A_754], %mul3A_751 {strides = array<i32>} : memref<2x80x144xf32, #tpu.memory_space<vmem>>, vector<16xf32>,
          %get3A_756 = arith.index_cast %rem3A_65 : i32 to index
          %get3A_757 = arith.index_cast %add3A_692 : i32 to index
          %get3A_758 = arith.constant 112 : index
          %get3A_759 = tpu.vector_load %arg10[%get3A_756, %get3A_757, %get3A_758] {strides = array<i32>} : memref<2x80x144xf32, #tpu.memory_space<vmem>>, vector<16xf32>,
          %mul3A_760 = arith.mulf %get3A_759, %broadcast_in_dim3A_688 : vector<16xf32>
          %swap3A_761 = arith.index_cast %rem3A_65 : i32 to index
          %swap3A_762 = arith.index_cast %add3A_692 : i32 to index
          %swap3A_763 = arith.constant 112 : index
          %swap3A_764 = tpu.vector_load %arg10[%swap3A_761, %swap3A_762, %swap3A_763] {strides = array<i32>} : memref<2x80x144xf32, #tpu.memory_space<vmem>>, vector<16xf32>,
          tpu.vector_store %arg10[%swap3A_761, %swap3A_762, %swap3A_763], %mul3A_760 {strides = array<i32>} : memref<2x80x144xf32, #tpu.memory_space<vmem>>, vector<16xf32>,
          %swap3A_765 = arith.index_cast %rem3A_65 : i32 to index
          %swap3A_766 = arith.index_cast %add3A_692 : i32 to index
          %swap3A_767 = arith.constant 128 : index
          %swap3A_768 = tpu.vector_load %arg10[%swap3A_765, %swap3A_766, %swap3A_767] {strides = array<i32>} : memref<2x80x144xf32, #tpu.memory_space<vmem>>, vector<16xf32>,
          tpu.vector_store %arg10[%swap3A_765, %swap3A_766, %swap3A_767], %broadcast_in_dim3A_688 {strides = array<i32>} : memref<2x80x144xf32, #tpu.memory_space<vmem>>, vector<16xf32>,
          %slice3A_769 = vector.extract_strided_slice %exp3A {offsets = [8], sizes = [1], strides = [1]} : vector<16xf32> to vector<1xf32>
          %squeeze3A_770 = vector.extract %slice3A_769[0] : f32 from vector<1xf32>
          %broadcast_in_dim3A_771 = vector.broadcast %squeeze3A_770 : f32 to vector<16xf32>
          %mul3A_772 = arith.constant 16 : i32
          %mul3A_773 = arith.muli %scan3A_91, %mul3A_772 : i32
          %add3A_774 = arith.constant 8 : i32
          %add3A_775 = arith.addi %mul3A_773, %add3A_774 : i32
          %get3A_776 = arith.index_cast %rem3A_65 : i32 to index
          %get3A_777 = arith.index_cast %add3A_775 : i32 to index
          %get3A_778 = arith.constant 0 : index
          %get3A_779 = tpu.vector_load %arg10[%get3A_776, %get3A_777, %get3A_778] {strides = array<i32>} : memref<2x80x144xf32, #tpu.memory_space<vmem>>, vector<16xf32>,
          %mul3A_780 = arith.mulf %get3A_779, %broadcast_in_dim3A_771 : vector<16xf32>
          %swap3A_781 = arith.index_cast %rem3A_65 : i32 to index
          %swap3A_782 = arith.index_cast %add3A_775 : i32 to index
          %swap3A_783 = arith.constant 0 : index
          %swap3A_784 = tpu.vector_load %arg10[%swap3A_781, %swap3A_782, %swap3A_783] {strides = array<i32>} : memref<2x80x144xf32, #tpu.memory_space<vmem>>, vector<16xf32>,
          tpu.vector_store %arg10[%swap3A_781, %swap3A_782, %swap3A_783], %mul3A_780 {strides = array<i32>} : memref<2x80x144xf32, #tpu.memory_space<vmem>>, vector<16xf32>,
          %get3A_785 = arith.index_cast %rem3A_65 : i32 to index
          %get3A_786 = arith.index_cast %add3A_775 : i32 to index
          %get3A_787 = arith.constant 16 : index
          %get3A_788 = tpu.vector_load %arg10[%get3A_785, %get3A_786, %get3A_787] {strides = array<i32>} : memref<2x80x144xf32, #tpu.memory_space<vmem>>, vector<16xf32>,
          %mul3A_789 = arith.mulf %get3A_788, %broadcast_in_dim3A_771 : vector<16xf32>
          %swap3A_790 = arith.index_cast %rem3A_65 : i32 to index
          %swap3A_791 = arith.index_cast %add3A_775 : i32 to index
          %swap3A_792 = arith.constant 16 : index
          %swap3A_793 = tpu.vector_load %arg10[%swap3A_790, %swap3A_791, %swap3A_792] {strides = array<i32>} : memref<2x80x144xf32, #tpu.memory_space<vmem>>, vector<16xf32>,
          tpu.vector_store %arg10[%swap3A_790, %swap3A_791, %swap3A_792], %mul3A_789 {strides = array<i32>} : memref<2x80x144xf32, #tpu.memory_space<vmem>>, vector<16xf32>,
          %get3A_794 = arith.index_cast %rem3A_65 : i32 to index
          %get3A_795 = arith.index_cast %add3A_775 : i32 to index
          %get3A_796 = arith.constant 32 : index
          %get3A_797 = tpu.vector_load %arg10[%get3A_794, %get3A_795, %get3A_796] {strides = array<i32>} : memref<2x80x144xf32, #tpu.memory_space<vmem>>, vector<16xf32>,
          %mul3A_798 = arith.mulf %get3A_797, %broadcast_in_dim3A_771 : vector<16xf32>
          %swap3A_799 = arith.index_cast %rem3A_65 : i32 to index
          %swap3A_800 = arith.index_cast %add3A_775 : i32 to index
          %swap3A_801 = arith.constant 32 : index
          %swap3A_802 = tpu.vector_load %arg10[%swap3A_799, %swap3A_800, %swap3A_801] {strides = array<i32>} : memref<2x80x144xf32, #tpu.memory_space<vmem>>, vector<16xf32>,
          tpu.vector_store %arg10[%swap3A_799, %swap3A_800, %swap3A_801], %mul3A_798 {strides = array<i32>} : memref<2x80x144xf32, #tpu.memory_space<vmem>>, vector<16xf32>,
          %get3A_803 = arith.index_cast %rem3A_65 : i32 to index
          %get3A_804 = arith.index_cast %add3A_775 : i32 to index
          %get3A_805 = arith.constant 48 : index
          %get3A_806 = tpu.vector_load %arg10[%get3A_803, %get3A_804, %get3A_805] {strides = array<i32>} : memref<2x80x144xf32, #tpu.memory_space<vmem>>, vector<16xf32>,
          %mul3A_807 = arith.mulf %get3A_806, %broadcast_in_dim3A_771 : vector<16xf32>
          %swap3A_808 = arith.index_cast %rem3A_65 : i32 to index
          %swap3A_809 = arith.index_cast %add3A_775 : i32 to index
          %swap3A_810 = arith.constant 48 : index
          %swap3A_811 = tpu.vector_load %arg10[%swap3A_808, %swap3A_809, %swap3A_810] {strides = array<i32>} : memref<2x80x144xf32, #tpu.memory_space<vmem>>, vector<16xf32>,
          tpu.vector_store %arg10[%swap3A_808, %swap3A_809, %swap3A_810], %mul3A_807 {strides = array<i32>} : memref<2x80x144xf32, #tpu.memory_space<vmem>>, vector<16xf32>,
          %get3A_812 = arith.index_cast %rem3A_65 : i32 to index
          %get3A_813 = arith.index_cast %add3A_775 : i32 to index
          %get3A_814 = arith.constant 64 : index
          %get3A_815 = tpu.vector_load %arg10[%get3A_812, %get3A_813, %get3A_814] {strides = array<i32>} : memref<2x80x144xf32, #tpu.memory_space<vmem>>, vector<16xf32>,
          %mul3A_816 = arith.mulf %get3A_815, %broadcast_in_dim3A_771 : vector<16xf32>
          %swap3A_817 = arith.index_cast %rem3A_65 : i32 to index
          %swap3A_818 = arith.index_cast %add3A_775 : i32 to index
          %swap3A_819 = arith.constant 64 : index
          %swap3A_820 = tpu.vector_load %arg10[%swap3A_817, %swap3A_818, %swap3A_819] {strides = array<i32>} : memref<2x80x144xf32, #tpu.memory_space<vmem>>, vector<16xf32>,
          tpu.vector_store %arg10[%swap3A_817, %swap3A_818, %swap3A_819], %mul3A_816 {strides = array<i32>} : memref<2x80x144xf32, #tpu.memory_space<vmem>>, vector<16xf32>,
          %get3A_821 = arith.index_cast %rem3A_65 : i32 to index
          %get3A_822 = arith.index_cast %add3A_775 : i32 to index
          %get3A_823 = arith.constant 80 : index
          %get3A_824 = tpu.vector_load %arg10[%get3A_821, %get3A_822, %get3A_823] {strides = array<i32>} : memref<2x80x144xf32, #tpu.memory_space<vmem>>, vector<16xf32>,
          %mul3A_825 = arith.mulf %get3A_824, %broadcast_in_dim3A_771 : vector<16xf32>
          %swap3A_826 = arith.index_cast %rem3A_65 : i32 to index
          %swap3A_827 = arith.index_cast %add3A_775 : i32 to index
          %swap3A_828 = arith.constant 80 : index
          %swap3A_829 = tpu.vector_load %arg10[%swap3A_826, %swap3A_827, %swap3A_828] {strides = array<i32>} : memref<2x80x144xf32, #tpu.memory_space<vmem>>, vector<16xf32>,
          tpu.vector_store %arg10[%swap3A_826, %swap3A_827, %swap3A_828], %mul3A_825 {strides = array<i32>} : memref<2x80x144xf32, #tpu.memory_space<vmem>>, vector<16xf32>,
          %get3A_830 = arith.index_cast %rem3A_65 : i32 to index
          %get3A_831 = arith.index_cast %add3A_775 : i32 to index
          %get3A_832 = arith.constant 96 : index
          %get3A_833 = tpu.vector_load %arg10[%get3A_830, %get3A_831, %get3A_832] {strides = array<i32>} : memref<2x80x144xf32, #tpu.memory_space<vmem>>, vector<16xf32>,
          %mul3A_834 = arith.mulf %get3A_833, %broadcast_in_dim3A_771 : vector<16xf32>
          %swap3A_835 = arith.index_cast %rem3A_65 : i32 to index
          %swap3A_836 = arith.index_cast %add3A_775 : i32 to index
          %swap3A_837 = arith.constant 96 : index
          %swap3A_838 = tpu.vector_load %arg10[%swap3A_835, %swap3A_836, %swap3A_837] {strides = array<i32>} : memref<2x80x144xf32, #tpu.memory_space<vmem>>, vector<16xf32>,
          tpu.vector_store %arg10[%swap3A_835, %swap3A_836, %swap3A_837], %mul3A_834 {strides = array<i32>} : memref<2x80x144xf32, #tpu.memory_space<vmem>>, vector<16xf32>,
          %get3A_839 = arith.index_cast %rem3A_65 : i32 to index
          %get3A_840 = arith.index_cast %add3A_775 : i32 to index
          %get3A_841 = arith.constant 112 : index
          %get3A_842 = tpu.vector_load %arg10[%get3A_839, %get3A_840, %get3A_841] {strides = array<i32>} : memref<2x80x144xf32, #tpu.memory_space<vmem>>, vector<16xf32>,
          %mul3A_843 = arith.mulf %get3A_842, %broadcast_in_dim3A_771 : vector<16xf32>
          %swap3A_844 = arith.index_cast %rem3A_65 : i32 to index
          %swap3A_845 = arith.index_cast %add3A_775 : i32 to index
          %swap3A_846 = arith.constant 112 : index
          %swap3A_847 = tpu.vector_load %arg10[%swap3A_844, %swap3A_845, %swap3A_846] {strides = array<i32>} : memref<2x80x144xf32, #tpu.memory_space<vmem>>, vector<16xf32>,
          tpu.vector_store %arg10[%swap3A_844, %swap3A_845, %swap3A_846], %mul3A_843 {strides = array<i32>} : memref<2x80x144xf32, #tpu.memory_space<vmem>>, vector<16xf32>,
          %swap3A_848 = arith.index_cast %rem3A_65 : i32 to index
          %swap3A_849 = arith.index_cast %add3A_775 : i32 to index
          %swap3A_850 = arith.constant 128 : index
          %swap3A_851 = tpu.vector_load %arg10[%swap3A_848, %swap3A_849, %swap3A_850] {strides = array<i32>} : memref<2x80x144xf32, #tpu.memory_space<vmem>>, vector<16xf32>,
          tpu.vector_store %arg10[%swap3A_848, %swap3A_849, %swap3A_850], %broadcast_in_dim3A_771 {strides = array<i32>} : memref<2x80x144xf32, #tpu.memory_space<vmem>>, vector<16xf32>,
          %slice3A_852 = vector.extract_strided_slice %exp3A {offsets = [9], sizes = [1], strides = [1]} : vector<16xf32> to vector<1xf32>
          %squeeze3A_853 = vector.extract %slice3A_852[0] : f32 from vector<1xf32>
          %broadcast_in_dim3A_854 = vector.broadcast %squeeze3A_853 : f32 to vector<16xf32>
          %mul3A_855 = arith.constant 16 : i32
          %mul3A_856 = arith.muli %scan3A_91, %mul3A_855 : i32
          %add3A_857 = arith.constant 9 : i32
          %add3A_858 = arith.addi %mul3A_856, %add3A_857 : i32
          %get3A_859 = arith.index_cast %rem3A_65 : i32 to index
          %get3A_860 = arith.index_cast %add3A_858 : i32 to index
          %get3A_861 = arith.constant 0 : index
          %get3A_862 = tpu.vector_load %arg10[%get3A_859, %get3A_860, %get3A_861] {strides = array<i32>} : memref<2x80x144xf32, #tpu.memory_space<vmem>>, vector<16xf32>,
          %mul3A_863 = arith.mulf %get3A_862, %broadcast_in_dim3A_854 : vector<16xf32>
          %swap3A_864 = arith.index_cast %rem3A_65 : i32 to index
          %swap3A_865 = arith.index_cast %add3A_858 : i32 to index
          %swap3A_866 = arith.constant 0 : index
          %swap3A_867 = tpu.vector_load %arg10[%swap3A_864, %swap3A_865, %swap3A_866] {strides = array<i32>} : memref<2x80x144xf32, #tpu.memory_space<vmem>>, vector<16xf32>,
          tpu.vector_store %arg10[%swap3A_864, %swap3A_865, %swap3A_866], %mul3A_863 {strides = array<i32>} : memref<2x80x144xf32, #tpu.memory_space<vmem>>, vector<16xf32>,
          %get3A_868 = arith.index_cast %rem3A_65 : i32 to index
          %get3A_869 = arith.index_cast %add3A_858 : i32 to index
          %get3A_870 = arith.constant 16 : index
          %get3A_871 = tpu.vector_load %arg10[%get3A_868, %get3A_869, %get3A_870] {strides = array<i32>} : memref<2x80x144xf32, #tpu.memory_space<vmem>>, vector<16xf32>,
          %mul3A_872 = arith.mulf %get3A_871, %broadcast_in_dim3A_854 : vector<16xf32>
          %swap3A_873 = arith.index_cast %rem3A_65 : i32 to index
          %swap3A_874 = arith.index_cast %add3A_858 : i32 to index
          %swap3A_875 = arith.constant 16 : index
          %swap3A_876 = tpu.vector_load %arg10[%swap3A_873, %swap3A_874, %swap3A_875] {strides = array<i32>} : memref<2x80x144xf32, #tpu.memory_space<vmem>>, vector<16xf32>,
          tpu.vector_store %arg10[%swap3A_873, %swap3A_874, %swap3A_875], %mul3A_872 {strides = array<i32>} : memref<2x80x144xf32, #tpu.memory_space<vmem>>, vector<16xf32>,
          %get3A_877 = arith.index_cast %rem3A_65 : i32 to index
          %get3A_878 = arith.index_cast %add3A_858 : i32 to index
          %get3A_879 = arith.constant 32 : index
          %get3A_880 = tpu.vector_load %arg10[%get3A_877, %get3A_878, %get3A_879] {strides = array<i32>} : memref<2x80x144xf32, #tpu.memory_space<vmem>>, vector<16xf32>,
          %mul3A_881 = arith.mulf %get3A_880, %broadcast_in_dim3A_854 : vector<16xf32>
          %swap3A_882 = arith.index_cast %rem3A_65 : i32 to index
          %swap3A_883 = arith.index_cast %add3A_858 : i32 to index
          %swap3A_884 = arith.constant 32 : index
          %swap3A_885 = tpu.vector_load %arg10[%swap3A_882, %swap3A_883, %swap3A_884] {strides = array<i32>} : memref<2x80x144xf32, #tpu.memory_space<vmem>>, vector<16xf32>,
          tpu.vector_store %arg10[%swap3A_882, %swap3A_883, %swap3A_884], %mul3A_881 {strides = array<i32>} : memref<2x80x144xf32, #tpu.memory_space<vmem>>, vector<16xf32>,
          %get3A_886 = arith.index_cast %rem3A_65 : i32 to index
          %get3A_887 = arith.index_cast %add3A_858 : i32 to index
          %get3A_888 = arith.constant 48 : index
          %get3A_889 = tpu.vector_load %arg10[%get3A_886, %get3A_887, %get3A_888] {strides = array<i32>} : memref<2x80x144xf32, #tpu.memory_space<vmem>>, vector<16xf32>,
          %mul3A_890 = arith.mulf %get3A_889, %broadcast_in_dim3A_854 : vector<16xf32>
          %swap3A_891 = arith.index_cast %rem3A_65 : i32 to index
          %swap3A_892 = arith.index_cast %add3A_858 : i32 to index
          %swap3A_893 = arith.constant 48 : index
          %swap3A_894 = tpu.vector_load %arg10[%swap3A_891, %swap3A_892, %swap3A_893] {strides = array<i32>} : memref<2x80x144xf32, #tpu.memory_space<vmem>>, vector<16xf32>,
          tpu.vector_store %arg10[%swap3A_891, %swap3A_892, %swap3A_893], %mul3A_890 {strides = array<i32>} : memref<2x80x144xf32, #tpu.memory_space<vmem>>, vector<16xf32>,
          %get3A_895 = arith.index_cast %rem3A_65 : i32 to index
          %get3A_896 = arith.index_cast %add3A_858 : i32 to index
          %get3A_897 = arith.constant 64 : index
          %get3A_898 = tpu.vector_load %arg10[%get3A_895, %get3A_896, %get3A_897] {strides = array<i32>} : memref<2x80x144xf32, #tpu.memory_space<vmem>>, vector<16xf32>,
          %mul3A_899 = arith.mulf %get3A_898, %broadcast_in_dim3A_854 : vector<16xf32>
          %swap3A_900 = arith.index_cast %rem3A_65 : i32 to index
          %swap3A_901 = arith.index_cast %add3A_858 : i32 to index
          %swap3A_902 = arith.constant 64 : index
          %swap3A_903 = tpu.vector_load %arg10[%swap3A_900, %swap3A_901, %swap3A_902] {strides = array<i32>} : memref<2x80x144xf32, #tpu.memory_space<vmem>>, vector<16xf32>,
          tpu.vector_store %arg10[%swap3A_900, %swap3A_901, %swap3A_902], %mul3A_899 {strides = array<i32>} : memref<2x80x144xf32, #tpu.memory_space<vmem>>, vector<16xf32>,
          %get3A_904 = arith.index_cast %rem3A_65 : i32 to index
          %get3A_905 = arith.index_cast %add3A_858 : i32 to index
          %get3A_906 = arith.constant 80 : index
          %get3A_907 = tpu.vector_load %arg10[%get3A_904, %get3A_905, %get3A_906] {strides = array<i32>} : memref<2x80x144xf32, #tpu.memory_space<vmem>>, vector<16xf32>,
          %mul3A_908 = arith.mulf %get3A_907, %broadcast_in_dim3A_854 : vector<16xf32>
          %swap3A_909 = arith.index_cast %rem3A_65 : i32 to index
          %swap3A_910 = arith.index_cast %add3A_858 : i32 to index
          %swap3A_911 = arith.constant 80 : index
          %swap3A_912 = tpu.vector_load %arg10[%swap3A_909, %swap3A_910, %swap3A_911] {strides = array<i32>} : memref<2x80x144xf32, #tpu.memory_space<vmem>>, vector<16xf32>,
          tpu.vector_store %arg10[%swap3A_909, %swap3A_910, %swap3A_911], %mul3A_908 {strides = array<i32>} : memref<2x80x144xf32, #tpu.memory_space<vmem>>, vector<16xf32>,
          %get3A_913 = arith.index_cast %rem3A_65 : i32 to index
          %get3A_914 = arith.index_cast %add3A_858 : i32 to index
          %get3A_915 = arith.constant 96 : index
          %get3A_916 = tpu.vector_load %arg10[%get3A_913, %get3A_914, %get3A_915] {strides = array<i32>} : memref<2x80x144xf32, #tpu.memory_space<vmem>>, vector<16xf32>,
          %mul3A_917 = arith.mulf %get3A_916, %broadcast_in_dim3A_854 : vector<16xf32>
          %swap3A_918 = arith.index_cast %rem3A_65 : i32 to index
          %swap3A_919 = arith.index_cast %add3A_858 : i32 to index
          %swap3A_920 = arith.constant 96 : index
          %swap3A_921 = tpu.vector_load %arg10[%swap3A_918, %swap3A_919, %swap3A_920] {strides = array<i32>} : memref<2x80x144xf32, #tpu.memory_space<vmem>>, vector<16xf32>,
          tpu.vector_store %arg10[%swap3A_918, %swap3A_919, %swap3A_920], %mul3A_917 {strides = array<i32>} : memref<2x80x144xf32, #tpu.memory_space<vmem>>, vector<16xf32>,
          %get3A_922 = arith.index_cast %rem3A_65 : i32 to index
          %get3A_923 = arith.index_cast %add3A_858 : i32 to index
          %get3A_924 = arith.constant 112 : index
          %get3A_925 = tpu.vector_load %arg10[%get3A_922, %get3A_923, %get3A_924] {strides = array<i32>} : memref<2x80x144xf32, #tpu.memory_space<vmem>>, vector<16xf32>,
          %mul3A_926 = arith.mulf %get3A_925, %broadcast_in_dim3A_854 : vector<16xf32>
          %swap3A_927 = arith.index_cast %rem3A_65 : i32 to index
          %swap3A_928 = arith.index_cast %add3A_858 : i32 to index
          %swap3A_929 = arith.constant 112 : index
          %swap3A_930 = tpu.vector_load %arg10[%swap3A_927, %swap3A_928, %swap3A_929] {strides = array<i32>} : memref<2x80x144xf32, #tpu.memory_space<vmem>>, vector<16xf32>,
          tpu.vector_store %arg10[%swap3A_927, %swap3A_928, %swap3A_929], %mul3A_926 {strides = array<i32>} : memref<2x80x144xf32, #tpu.memory_space<vmem>>, vector<16xf32>,
          %swap3A_931 = arith.index_cast %rem3A_65 : i32 to index
          %swap3A_932 = arith.index_cast %add3A_858 : i32 to index
          %swap3A_933 = arith.constant 128 : index
          %swap3A_934 = tpu.vector_load %arg10[%swap3A_931, %swap3A_932, %swap3A_933] {strides = array<i32>} : memref<2x80x144xf32, #tpu.memory_space<vmem>>, vector<16xf32>,
          tpu.vector_store %arg10[%swap3A_931, %swap3A_932, %swap3A_933], %broadcast_in_dim3A_854 {strides = array<i32>} : memref<2x80x144xf32, #tpu.memory_space<vmem>>, vector<16xf32>,
          %slice3A_935 = vector.extract_strided_slice %exp3A {offsets = [10], sizes = [1], strides = [1]} : vector<16xf32> to vector<1xf32>
          %squeeze3A_936 = vector.extract %slice3A_935[0] : f32 from vector<1xf32>
          %broadcast_in_dim3A_937 = vector.broadcast %squeeze3A_936 : f32 to vector<16xf32>
          %mul3A_938 = arith.constant 16 : i32
          %mul3A_939 = arith.muli %scan3A_91, %mul3A_938 : i32
          %add3A_940 = arith.constant 10 : i32
          %add3A_941 = arith.addi %mul3A_939, %add3A_940 : i32
          %get3A_942 = arith.index_cast %rem3A_65 : i32 to index
          %get3A_943 = arith.index_cast %add3A_941 : i32 to index
          %get3A_944 = arith.constant 0 : index
          %get3A_945 = tpu.vector_load %arg10[%get3A_942, %get3A_943, %get3A_944] {strides = array<i32>} : memref<2x80x144xf32, #tpu.memory_space<vmem>>, vector<16xf32>,
          %mul3A_946 = arith.mulf %get3A_945, %broadcast_in_dim3A_937 : vector<16xf32>
          %swap3A_947 = arith.index_cast %rem3A_65 : i32 to index
          %swap3A_948 = arith.index_cast %add3A_941 : i32 to index
          %swap3A_949 = arith.constant 0 : index
          %swap3A_950 = tpu.vector_load %arg10[%swap3A_947, %swap3A_948, %swap3A_949] {strides = array<i32>} : memref<2x80x144xf32, #tpu.memory_space<vmem>>, vector<16xf32>,
          tpu.vector_store %arg10[%swap3A_947, %swap3A_948, %swap3A_949], %mul3A_946 {strides = array<i32>} : memref<2x80x144xf32, #tpu.memory_space<vmem>>, vector<16xf32>,
          %get3A_951 = arith.index_cast %rem3A_65 : i32 to index
          %get3A_952 = arith.index_cast %add3A_941 : i32 to index
          %get3A_953 = arith.constant 16 : index
          %get3A_954 = tpu.vector_load %arg10[%get3A_951, %get3A_952, %get3A_953] {strides = array<i32>} : memref<2x80x144xf32, #tpu.memory_space<vmem>>, vector<16xf32>,
          %mul3A_955 = arith.mulf %get3A_954, %broadcast_in_dim3A_937 : vector<16xf32>
          %swap3A_956 = arith.index_cast %rem3A_65 : i32 to index
          %swap3A_957 = arith.index_cast %add3A_941 : i32 to index
          %swap3A_958 = arith.constant 16 : index
          %swap3A_959 = tpu.vector_load %arg10[%swap3A_956, %swap3A_957, %swap3A_958] {strides = array<i32>} : memref<2x80x144xf32, #tpu.memory_space<vmem>>, vector<16xf32>,
          tpu.vector_store %arg10[%swap3A_956, %swap3A_957, %swap3A_958], %mul3A_955 {strides = array<i32>} : memref<2x80x144xf32, #tpu.memory_space<vmem>>, vector<16xf32>,
          %get3A_960 = arith.index_cast %rem3A_65 : i32 to index
          %get3A_961 = arith.index_cast %add3A_941 : i32 to index
          %get3A_962 = arith.constant 32 : index
          %get3A_963 = tpu.vector_load %arg10[%get3A_960, %get3A_961, %get3A_962] {strides = array<i32>} : memref<2x80x144xf32, #tpu.memory_space<vmem>>, vector<16xf32>,
          %mul3A_964 = arith.mulf %get3A_963, %broadcast_in_dim3A_937 : vector<16xf32>
          %swap3A_965 = arith.index_cast %rem3A_65 : i32 to index
          %swap3A_966 = arith.index_cast %add3A_941 : i32 to index
          %swap3A_967 = arith.constant 32 : index
          %swap3A_968 = tpu.vector_load %arg10[%swap3A_965, %swap3A_966, %swap3A_967] {strides = array<i32>} : memref<2x80x144xf32, #tpu.memory_space<vmem>>, vector<16xf32>,
          tpu.vector_store %arg10[%swap3A_965, %swap3A_966, %swap3A_967], %mul3A_964 {strides = array<i32>} : memref<2x80x144xf32, #tpu.memory_space<vmem>>, vector<16xf32>,
          %get3A_969 = arith.index_cast %rem3A_65 : i32 to index
          %get3A_970 = arith.index_cast %add3A_941 : i32 to index
          %get3A_971 = arith.constant 48 : index
          %get3A_972 = tpu.vector_load %arg10[%get3A_969, %get3A_970, %get3A_971] {strides = array<i32>} : memref<2x80x144xf32, #tpu.memory_space<vmem>>, vector<16xf32>,
          %mul3A_973 = arith.mulf %get3A_972, %broadcast_in_dim3A_937 : vector<16xf32>
          %swap3A_974 = arith.index_cast %rem3A_65 : i32 to index
          %swap3A_975 = arith.index_cast %add3A_941 : i32 to index
          %swap3A_976 = arith.constant 48 : index
          %swap3A_977 = tpu.vector_load %arg10[%swap3A_974, %swap3A_975, %swap3A_976] {strides = array<i32>} : memref<2x80x144xf32, #tpu.memory_space<vmem>>, vector<16xf32>,
          tpu.vector_store %arg10[%swap3A_974, %swap3A_975, %swap3A_976], %mul3A_973 {strides = array<i32>} : memref<2x80x144xf32, #tpu.memory_space<vmem>>, vector<16xf32>,
          %get3A_978 = arith.index_cast %rem3A_65 : i32 to index
          %get3A_979 = arith.index_cast %add3A_941 : i32 to index
          %get3A_980 = arith.constant 64 : index
          %get3A_981 = tpu.vector_load %arg10[%get3A_978, %get3A_979, %get3A_980] {strides = array<i32>} : memref<2x80x144xf32, #tpu.memory_space<vmem>>, vector<16xf32>,
          %mul3A_982 = arith.mulf %get3A_981, %broadcast_in_dim3A_937 : vector<16xf32>
          %swap3A_983 = arith.index_cast %rem3A_65 : i32 to index
          %swap3A_984 = arith.index_cast %add3A_941 : i32 to index
          %swap3A_985 = arith.constant 64 : index
          %swap3A_986 = tpu.vector_load %arg10[%swap3A_983, %swap3A_984, %swap3A_985] {strides = array<i32>} : memref<2x80x144xf32, #tpu.memory_space<vmem>>, vector<16xf32>,
          tpu.vector_store %arg10[%swap3A_983, %swap3A_984, %swap3A_985], %mul3A_982 {strides = array<i32>} : memref<2x80x144xf32, #tpu.memory_space<vmem>>, vector<16xf32>,
          %get3A_987 = arith.index_cast %rem3A_65 : i32 to index
          %get3A_988 = arith.index_cast %add3A_941 : i32 to index
          %get3A_989 = arith.constant 80 : index
          %get3A_990 = tpu.vector_load %arg10[%get3A_987, %get3A_988, %get3A_989] {strides = array<i32>} : memref<2x80x144xf32, #tpu.memory_space<vmem>>, vector<16xf32>,
          %mul3A_991 = arith.mulf %get3A_990, %broadcast_in_dim3A_937 : vector<16xf32>
          %swap3A_992 = arith.index_cast %rem3A_65 : i32 to index
          %swap3A_993 = arith.index_cast %add3A_941 : i32 to index
          %swap3A_994 = arith.constant 80 : index
          %swap3A_995 = tpu.vector_load %arg10[%swap3A_992, %swap3A_993, %swap3A_994] {strides = array<i32>} : memref<2x80x144xf32, #tpu.memory_space<vmem>>, vector<16xf32>,
          tpu.vector_store %arg10[%swap3A_992, %swap3A_993, %swap3A_994], %mul3A_991 {strides = array<i32>} : memref<2x80x144xf32, #tpu.memory_space<vmem>>, vector<16xf32>,
          %get3A_996 = arith.index_cast %rem3A_65 : i32 to index
          %get3A_997 = arith.index_cast %add3A_941 : i32 to index
          %get3A_998 = arith.constant 96 : index
          %get3A_999 = tpu.vector_load %arg10[%get3A_996, %get3A_997, %get3A_998] {strides = array<i32>} : memref<2x80x144xf32, #tpu.memory_space<vmem>>, vector<16xf32>,
          %mul3A_1000 = arith.mulf %get3A_999, %broadcast_in_dim3A_937 : vector<16xf32>
          %swap3A_1001 = arith.index_cast %rem3A_65 : i32 to index
          %swap3A_1002 = arith.index_cast %add3A_941 : i32 to index
          %swap3A_1003 = arith.constant 96 : index
          %swap3A_1004 = tpu.vector_load %arg10[%swap3A_1001, %swap3A_1002, %swap3A_1003] {strides = array<i32>} : memref<2x80x144xf32, #tpu.memory_space<vmem>>, vector<16xf32>,
          tpu.vector_store %arg10[%swap3A_1001, %swap3A_1002, %swap3A_1003], %mul3A_1000 {strides = array<i32>} : memref<2x80x144xf32, #tpu.memory_space<vmem>>, vector<16xf32>,
          %get3A_1005 = arith.index_cast %rem3A_65 : i32 to index
          %get3A_1006 = arith.index_cast %add3A_941 : i32 to index
          %get3A_1007 = arith.constant 112 : index
          %get3A_1008 = tpu.vector_load %arg10[%get3A_1005, %get3A_1006, %get3A_1007] {strides = array<i32>} : memref<2x80x144xf32, #tpu.memory_space<vmem>>, vector<16xf32>,
          %mul3A_1009 = arith.mulf %get3A_1008, %broadcast_in_dim3A_937 : vector<16xf32>
          %swap3A_1010 = arith.index_cast %rem3A_65 : i32 to index
          %swap3A_1011 = arith.index_cast %add3A_941 : i32 to index
          %swap3A_1012 = arith.constant 112 : index
          %swap3A_1013 = tpu.vector_load %arg10[%swap3A_1010, %swap3A_1011, %swap3A_1012] {strides = array<i32>} : memref<2x80x144xf32, #tpu.memory_space<vmem>>, vector<16xf32>,
          tpu.vector_store %arg10[%swap3A_1010, %swap3A_1011, %swap3A_1012], %mul3A_1009 {strides = array<i32>} : memref<2x80x144xf32, #tpu.memory_space<vmem>>, vector<16xf32>,
          %swap3A_1014 = arith.index_cast %rem3A_65 : i32 to index
          %swap3A_1015 = arith.index_cast %add3A_941 : i32 to index
          %swap3A_1016 = arith.constant 128 : index
          %swap3A_1017 = tpu.vector_load %arg10[%swap3A_1014, %swap3A_1015, %swap3A_1016] {strides = array<i32>} : memref<2x80x144xf32, #tpu.memory_space<vmem>>, vector<16xf32>,
          tpu.vector_store %arg10[%swap3A_1014, %swap3A_1015, %swap3A_1016], %broadcast_in_dim3A_937 {strides = array<i32>} : memref<2x80x144xf32, #tpu.memory_space<vmem>>, vector<16xf32>,
          %slice3A_1018 = vector.extract_strided_slice %exp3A {offsets = [11], sizes = [1], strides = [1]} : vector<16xf32> to vector<1xf32>
          %squeeze3A_1019 = vector.extract %slice3A_1018[0] : f32 from vector<1xf32>
          %broadcast_in_dim3A_1020 = vector.broadcast %squeeze3A_1019 : f32 to vector<16xf32>
          %mul3A_1021 = arith.constant 16 : i32
          %mul3A_1022 = arith.muli %scan3A_91, %mul3A_1021 : i32
          %add3A_1023 = arith.constant 11 : i32
          %add3A_1024 = arith.addi %mul3A_1022, %add3A_1023 : i32
          %get3A_1025 = arith.index_cast %rem3A_65 : i32 to index
          %get3A_1026 = arith.index_cast %add3A_1024 : i32 to index
          %get3A_1027 = arith.constant 0 : index
          %get3A_1028 = tpu.vector_load %arg10[%get3A_1025, %get3A_1026, %get3A_1027] {strides = array<i32>} : memref<2x80x144xf32, #tpu.memory_space<vmem>>, vector<16xf32>,
          %mul3A_1029 = arith.mulf %get3A_1028, %broadcast_in_dim3A_1020 : vector<16xf32>
          %swap3A_1030 = arith.index_cast %rem3A_65 : i32 to index
          %swap3A_1031 = arith.index_cast %add3A_1024 : i32 to index
          %swap3A_1032 = arith.constant 0 : index
          %swap3A_1033 = tpu.vector_load %arg10[%swap3A_1030, %swap3A_1031, %swap3A_1032] {strides = array<i32>} : memref<2x80x144xf32, #tpu.memory_space<vmem>>, vector<16xf32>,
          tpu.vector_store %arg10[%swap3A_1030, %swap3A_1031, %swap3A_1032], %mul3A_1029 {strides = array<i32>} : memref<2x80x144xf32, #tpu.memory_space<vmem>>, vector<16xf32>,
          %get3A_1034 = arith.index_cast %rem3A_65 : i32 to index
          %get3A_1035 = arith.index_cast %add3A_1024 : i32 to index
          %get3A_1036 = arith.constant 16 : index
          %get3A_1037 = tpu.vector_load %arg10[%get3A_1034, %get3A_1035, %get3A_1036] {strides = array<i32>} : memref<2x80x144xf32, #tpu.memory_space<vmem>>, vector<16xf32>,
          %mul3A_1038 = arith.mulf %get3A_1037, %broadcast_in_dim3A_1020 : vector<16xf32>
          %swap3A_1039 = arith.index_cast %rem3A_65 : i32 to index
          %swap3A_1040 = arith.index_cast %add3A_1024 : i32 to index
          %swap3A_1041 = arith.constant 16 : index
          %swap3A_1042 = tpu.vector_load %arg10[%swap3A_1039, %swap3A_1040, %swap3A_1041] {strides = array<i32>} : memref<2x80x144xf32, #tpu.memory_space<vmem>>, vector<16xf32>,
          tpu.vector_store %arg10[%swap3A_1039, %swap3A_1040, %swap3A_1041], %mul3A_1038 {strides = array<i32>} : memref<2x80x144xf32, #tpu.memory_space<vmem>>, vector<16xf32>,
          %get3A_1043 = arith.index_cast %rem3A_65 : i32 to index
          %get3A_1044 = arith.index_cast %add3A_1024 : i32 to index
          %get3A_1045 = arith.constant 32 : index
          %get3A_1046 = tpu.vector_load %arg10[%get3A_1043, %get3A_1044, %get3A_1045] {strides = array<i32>} : memref<2x80x144xf32, #tpu.memory_space<vmem>>, vector<16xf32>,
          %mul3A_1047 = arith.mulf %get3A_1046, %broadcast_in_dim3A_1020 : vector<16xf32>
          %swap3A_1048 = arith.index_cast %rem3A_65 : i32 to index
          %swap3A_1049 = arith.index_cast %add3A_1024 : i32 to index
          %swap3A_1050 = arith.constant 32 : index
          %swap3A_1051 = tpu.vector_load %arg10[%swap3A_1048, %swap3A_1049, %swap3A_1050] {strides = array<i32>} : memref<2x80x144xf32, #tpu.memory_space<vmem>>, vector<16xf32>,
          tpu.vector_store %arg10[%swap3A_1048, %swap3A_1049, %swap3A_1050], %mul3A_1047 {strides = array<i32>} : memref<2x80x144xf32, #tpu.memory_space<vmem>>, vector<16xf32>,
          %get3A_1052 = arith.index_cast %rem3A_65 : i32 to index
          %get3A_1053 = arith.index_cast %add3A_1024 : i32 to index
          %get3A_1054 = arith.constant 48 : index
          %get3A_1055 = tpu.vector_load %arg10[%get3A_1052, %get3A_1053, %get3A_1054] {strides = array<i32>} : memref<2x80x144xf32, #tpu.memory_space<vmem>>, vector<16xf32>,
          %mul3A_1056 = arith.mulf %get3A_1055, %broadcast_in_dim3A_1020 : vector<16xf32>
          %swap3A_1057 = arith.index_cast %rem3A_65 : i32 to index
          %swap3A_1058 = arith.index_cast %add3A_1024 : i32 to index
          %swap3A_1059 = arith.constant 48 : index
          %swap3A_1060 = tpu.vector_load %arg10[%swap3A_1057, %swap3A_1058, %swap3A_1059] {strides = array<i32>} : memref<2x80x144xf32, #tpu.memory_space<vmem>>, vector<16xf32>,
          tpu.vector_store %arg10[%swap3A_1057, %swap3A_1058, %swap3A_1059], %mul3A_1056 {strides = array<i32>} : memref<2x80x144xf32, #tpu.memory_space<vmem>>, vector<16xf32>,
          %get3A_1061 = arith.index_cast %rem3A_65 : i32 to index
          %get3A_1062 = arith.index_cast %add3A_1024 : i32 to index
          %get3A_1063 = arith.constant 64 : index
          %get3A_1064 = tpu.vector_load %arg10[%get3A_1061, %get3A_1062, %get3A_1063] {strides = array<i32>} : memref<2x80x144xf32, #tpu.memory_space<vmem>>, vector<16xf32>,
          %mul3A_1065 = arith.mulf %get3A_1064, %broadcast_in_dim3A_1020 : vector<16xf32>
          %swap3A_1066 = arith.index_cast %rem3A_65 : i32 to index
          %swap3A_1067 = arith.index_cast %add3A_1024 : i32 to index
          %swap3A_1068 = arith.constant 64 : index
          %swap3A_1069 = tpu.vector_load %arg10[%swap3A_1066, %swap3A_1067, %swap3A_1068] {strides = array<i32>} : memref<2x80x144xf32, #tpu.memory_space<vmem>>, vector<16xf32>,
          tpu.vector_store %arg10[%swap3A_1066, %swap3A_1067, %swap3A_1068], %mul3A_1065 {strides = array<i32>} : memref<2x80x144xf32, #tpu.memory_space<vmem>>, vector<16xf32>,
          %get3A_1070 = arith.index_cast %rem3A_65 : i32 to index
          %get3A_1071 = arith.index_cast %add3A_1024 : i32 to index
          %get3A_1072 = arith.constant 80 : index
          %get3A_1073 = tpu.vector_load %arg10[%get3A_1070, %get3A_1071, %get3A_1072] {strides = array<i32>} : memref<2x80x144xf32, #tpu.memory_space<vmem>>, vector<16xf32>,
          %mul3A_1074 = arith.mulf %get3A_1073, %broadcast_in_dim3A_1020 : vector<16xf32>
          %swap3A_1075 = arith.index_cast %rem3A_65 : i32 to index
          %swap3A_1076 = arith.index_cast %add3A_1024 : i32 to index
          %swap3A_1077 = arith.constant 80 : index
          %swap3A_1078 = tpu.vector_load %arg10[%swap3A_1075, %swap3A_1076, %swap3A_1077] {strides = array<i32>} : memref<2x80x144xf32, #tpu.memory_space<vmem>>, vector<16xf32>,
          tpu.vector_store %arg10[%swap3A_1075, %swap3A_1076, %swap3A_1077], %mul3A_1074 {strides = array<i32>} : memref<2x80x144xf32, #tpu.memory_space<vmem>>, vector<16xf32>,
          %get3A_1079 = arith.index_cast %rem3A_65 : i32 to index
          %get3A_1080 = arith.index_cast %add3A_1024 : i32 to index
          %get3A_1081 = arith.constant 96 : index
          %get3A_1082 = tpu.vector_load %arg10[%get3A_1079, %get3A_1080, %get3A_1081] {strides = array<i32>} : memref<2x80x144xf32, #tpu.memory_space<vmem>>, vector<16xf32>,
          %mul3A_1083 = arith.mulf %get3A_1082, %broadcast_in_dim3A_1020 : vector<16xf32>
          %swap3A_1084 = arith.index_cast %rem3A_65 : i32 to index
          %swap3A_1085 = arith.index_cast %add3A_1024 : i32 to index
          %swap3A_1086 = arith.constant 96 : index
          %swap3A_1087 = tpu.vector_load %arg10[%swap3A_1084, %swap3A_1085, %swap3A_1086] {strides = array<i32>} : memref<2x80x144xf32, #tpu.memory_space<vmem>>, vector<16xf32>,
          tpu.vector_store %arg10[%swap3A_1084, %swap3A_1085, %swap3A_1086], %mul3A_1083 {strides = array<i32>} : memref<2x80x144xf32, #tpu.memory_space<vmem>>, vector<16xf32>,
          %get3A_1088 = arith.index_cast %rem3A_65 : i32 to index
          %get3A_1089 = arith.index_cast %add3A_1024 : i32 to index
          %get3A_1090 = arith.constant 112 : index
          %get3A_1091 = tpu.vector_load %arg10[%get3A_1088, %get3A_1089, %get3A_1090] {strides = array<i32>} : memref<2x80x144xf32, #tpu.memory_space<vmem>>, vector<16xf32>,
          %mul3A_1092 = arith.mulf %get3A_1091, %broadcast_in_dim3A_1020 : vector<16xf32>
          %swap3A_1093 = arith.index_cast %rem3A_65 : i32 to index
          %swap3A_1094 = arith.index_cast %add3A_1024 : i32 to index
          %swap3A_1095 = arith.constant 112 : index
          %swap3A_1096 = tpu.vector_load %arg10[%swap3A_1093, %swap3A_1094, %swap3A_1095] {strides = array<i32>} : memref<2x80x144xf32, #tpu.memory_space<vmem>>, vector<16xf32>,
          tpu.vector_store %arg10[%swap3A_1093, %swap3A_1094, %swap3A_1095], %mul3A_1092 {strides = array<i32>} : memref<2x80x144xf32, #tpu.memory_space<vmem>>, vector<16xf32>,
          %swap3A_1097 = arith.index_cast %rem3A_65 : i32 to index
          %swap3A_1098 = arith.index_cast %add3A_1024 : i32 to index
          %swap3A_1099 = arith.constant 128 : index
          %swap3A_1100 = tpu.vector_load %arg10[%swap3A_1097, %swap3A_1098, %swap3A_1099] {strides = array<i32>} : memref<2x80x144xf32, #tpu.memory_space<vmem>>, vector<16xf32>,
          tpu.vector_store %arg10[%swap3A_1097, %swap3A_1098, %swap3A_1099], %broadcast_in_dim3A_1020 {strides = array<i32>} : memref<2x80x144xf32, #tpu.memory_space<vmem>>, vector<16xf32>,
          %slice3A_1101 = vector.extract_strided_slice %exp3A {offsets = [12], sizes = [1], strides = [1]} : vector<16xf32> to vector<1xf32>
          %squeeze3A_1102 = vector.extract %slice3A_1101[0] : f32 from vector<1xf32>
          %broadcast_in_dim3A_1103 = vector.broadcast %squeeze3A_1102 : f32 to vector<16xf32>
          %mul3A_1104 = arith.constant 16 : i32
          %mul3A_1105 = arith.muli %scan3A_91, %mul3A_1104 : i32
          %add3A_1106 = arith.constant 12 : i32
          %add3A_1107 = arith.addi %mul3A_1105, %add3A_1106 : i32
          %get3A_1108 = arith.index_cast %rem3A_65 : i32 to index
          %get3A_1109 = arith.index_cast %add3A_1107 : i32 to index
          %get3A_1110 = arith.constant 0 : index
          %get3A_1111 = tpu.vector_load %arg10[%get3A_1108, %get3A_1109, %get3A_1110] {strides = array<i32>} : memref<2x80x144xf32, #tpu.memory_space<vmem>>, vector<16xf32>,
          %mul3A_1112 = arith.mulf %get3A_1111, %broadcast_in_dim3A_1103 : vector<16xf32>
          %swap3A_1113 = arith.index_cast %rem3A_65 : i32 to index
          %swap3A_1114 = arith.index_cast %add3A_1107 : i32 to index
          %swap3A_1115 = arith.constant 0 : index
          %swap3A_1116 = tpu.vector_load %arg10[%swap3A_1113, %swap3A_1114, %swap3A_1115] {strides = array<i32>} : memref<2x80x144xf32, #tpu.memory_space<vmem>>, vector<16xf32>,
          tpu.vector_store %arg10[%swap3A_1113, %swap3A_1114, %swap3A_1115], %mul3A_1112 {strides = array<i32>} : memref<2x80x144xf32, #tpu.memory_space<vmem>>, vector<16xf32>,
          %get3A_1117 = arith.index_cast %rem3A_65 : i32 to index
          %get3A_1118 = arith.index_cast %add3A_1107 : i32 to index
          %get3A_1119 = arith.constant 16 : index
          %get3A_1120 = tpu.vector_load %arg10[%get3A_1117, %get3A_1118, %get3A_1119] {strides = array<i32>} : memref<2x80x144xf32, #tpu.memory_space<vmem>>, vector<16xf32>,
          %mul3A_1121 = arith.mulf %get3A_1120, %broadcast_in_dim3A_1103 : vector<16xf32>
          %swap3A_1122 = arith.index_cast %rem3A_65 : i32 to index
          %swap3A_1123 = arith.index_cast %add3A_1107 : i32 to index
          %swap3A_1124 = arith.constant 16 : index
          %swap3A_1125 = tpu.vector_load %arg10[%swap3A_1122, %swap3A_1123, %swap3A_1124] {strides = array<i32>} : memref<2x80x144xf32, #tpu.memory_space<vmem>>, vector<16xf32>,
          tpu.vector_store %arg10[%swap3A_1122, %swap3A_1123, %swap3A_1124], %mul3A_1121 {strides = array<i32>} : memref<2x80x144xf32, #tpu.memory_space<vmem>>, vector<16xf32>,
          %get3A_1126 = arith.index_cast %rem3A_65 : i32 to index
          %get3A_1127 = arith.index_cast %add3A_1107 : i32 to index
          %get3A_1128 = arith.constant 32 : index
          %get3A_1129 = tpu.vector_load %arg10[%get3A_1126, %get3A_1127, %get3A_1128] {strides = array<i32>} : memref<2x80x144xf32, #tpu.memory_space<vmem>>, vector<16xf32>,
          %mul3A_1130 = arith.mulf %get3A_1129, %broadcast_in_dim3A_1103 : vector<16xf32>
          %swap3A_1131 = arith.index_cast %rem3A_65 : i32 to index
          %swap3A_1132 = arith.index_cast %add3A_1107 : i32 to index
          %swap3A_1133 = arith.constant 32 : index
          %swap3A_1134 = tpu.vector_load %arg10[%swap3A_1131, %swap3A_1132, %swap3A_1133] {strides = array<i32>} : memref<2x80x144xf32, #tpu.memory_space<vmem>>, vector<16xf32>,
          tpu.vector_store %arg10[%swap3A_1131, %swap3A_1132, %swap3A_1133], %mul3A_1130 {strides = array<i32>} : memref<2x80x144xf32, #tpu.memory_space<vmem>>, vector<16xf32>,
          %get3A_1135 = arith.index_cast %rem3A_65 : i32 to index
          %get3A_1136 = arith.index_cast %add3A_1107 : i32 to index
          %get3A_1137 = arith.constant 48 : index
          %get3A_1138 = tpu.vector_load %arg10[%get3A_1135, %get3A_1136, %get3A_1137] {strides = array<i32>} : memref<2x80x144xf32, #tpu.memory_space<vmem>>, vector<16xf32>,
          %mul3A_1139 = arith.mulf %get3A_1138, %broadcast_in_dim3A_1103 : vector<16xf32>
          %swap3A_1140 = arith.index_cast %rem3A_65 : i32 to index
          %swap3A_1141 = arith.index_cast %add3A_1107 : i32 to index
          %swap3A_1142 = arith.constant 48 : index
          %swap3A_1143 = tpu.vector_load %arg10[%swap3A_1140, %swap3A_1141, %swap3A_1142] {strides = array<i32>} : memref<2x80x144xf32, #tpu.memory_space<vmem>>, vector<16xf32>,
          tpu.vector_store %arg10[%swap3A_1140, %swap3A_1141, %swap3A_1142], %mul3A_1139 {strides = array<i32>} : memref<2x80x144xf32, #tpu.memory_space<vmem>>, vector<16xf32>,
          %get3A_1144 = arith.index_cast %rem3A_65 : i32 to index
          %get3A_1145 = arith.index_cast %add3A_1107 : i32 to index
          %get3A_1146 = arith.constant 64 : index
          %get3A_1147 = tpu.vector_load %arg10[%get3A_1144, %get3A_1145, %get3A_1146] {strides = array<i32>} : memref<2x80x144xf32, #tpu.memory_space<vmem>>, vector<16xf32>,
          %mul3A_1148 = arith.mulf %get3A_1147, %broadcast_in_dim3A_1103 : vector<16xf32>
          %swap3A_1149 = arith.index_cast %rem3A_65 : i32 to index
          %swap3A_1150 = arith.index_cast %add3A_1107 : i32 to index
          %swap3A_1151 = arith.constant 64 : index
          %swap3A_1152 = tpu.vector_load %arg10[%swap3A_1149, %swap3A_1150, %swap3A_1151] {strides = array<i32>} : memref<2x80x144xf32, #tpu.memory_space<vmem>>, vector<16xf32>,
          tpu.vector_store %arg10[%swap3A_1149, %swap3A_1150, %swap3A_1151], %mul3A_1148 {strides = array<i32>} : memref<2x80x144xf32, #tpu.memory_space<vmem>>, vector<16xf32>,
          %get3A_1153 = arith.index_cast %rem3A_65 : i32 to index
          %get3A_1154 = arith.index_cast %add3A_1107 : i32 to index
          %get3A_1155 = arith.constant 80 : index
          %get3A_1156 = tpu.vector_load %arg10[%get3A_1153, %get3A_1154, %get3A_1155] {strides = array<i32>} : memref<2x80x144xf32, #tpu.memory_space<vmem>>, vector<16xf32>,
          %mul3A_1157 = arith.mulf %get3A_1156, %broadcast_in_dim3A_1103 : vector<16xf32>
          %swap3A_1158 = arith.index_cast %rem3A_65 : i32 to index
          %swap3A_1159 = arith.index_cast %add3A_1107 : i32 to index
          %swap3A_1160 = arith.constant 80 : index
          %swap3A_1161 = tpu.vector_load %arg10[%swap3A_1158, %swap3A_1159, %swap3A_1160] {strides = array<i32>} : memref<2x80x144xf32, #tpu.memory_space<vmem>>, vector<16xf32>,
          tpu.vector_store %arg10[%swap3A_1158, %swap3A_1159, %swap3A_1160], %mul3A_1157 {strides = array<i32>} : memref<2x80x144xf32, #tpu.memory_space<vmem>>, vector<16xf32>,
          %get3A_1162 = arith.index_cast %rem3A_65 : i32 to index
          %get3A_1163 = arith.index_cast %add3A_1107 : i32 to index
          %get3A_1164 = arith.constant 96 : index
          %get3A_1165 = tpu.vector_load %arg10[%get3A_1162, %get3A_1163, %get3A_1164] {strides = array<i32>} : memref<2x80x144xf32, #tpu.memory_space<vmem>>, vector<16xf32>,
          %mul3A_1166 = arith.mulf %get3A_1165, %broadcast_in_dim3A_1103 : vector<16xf32>
          %swap3A_1167 = arith.index_cast %rem3A_65 : i32 to index
          %swap3A_1168 = arith.index_cast %add3A_1107 : i32 to index
          %swap3A_1169 = arith.constant 96 : index
          %swap3A_1170 = tpu.vector_load %arg10[%swap3A_1167, %swap3A_1168, %swap3A_1169] {strides = array<i32>} : memref<2x80x144xf32, #tpu.memory_space<vmem>>, vector<16xf32>,
          tpu.vector_store %arg10[%swap3A_1167, %swap3A_1168, %swap3A_1169], %mul3A_1166 {strides = array<i32>} : memref<2x80x144xf32, #tpu.memory_space<vmem>>, vector<16xf32>,
          %get3A_1171 = arith.index_cast %rem3A_65 : i32 to index
          %get3A_1172 = arith.index_cast %add3A_1107 : i32 to index
          %get3A_1173 = arith.constant 112 : index
          %get3A_1174 = tpu.vector_load %arg10[%get3A_1171, %get3A_1172, %get3A_1173] {strides = array<i32>} : memref<2x80x144xf32, #tpu.memory_space<vmem>>, vector<16xf32>,
          %mul3A_1175 = arith.mulf %get3A_1174, %broadcast_in_dim3A_1103 : vector<16xf32>
          %swap3A_1176 = arith.index_cast %rem3A_65 : i32 to index
          %swap3A_1177 = arith.index_cast %add3A_1107 : i32 to index
          %swap3A_1178 = arith.constant 112 : index
          %swap3A_1179 = tpu.vector_load %arg10[%swap3A_1176, %swap3A_1177, %swap3A_1178] {strides = array<i32>} : memref<2x80x144xf32, #tpu.memory_space<vmem>>, vector<16xf32>,
          tpu.vector_store %arg10[%swap3A_1176, %swap3A_1177, %swap3A_1178], %mul3A_1175 {strides = array<i32>} : memref<2x80x144xf32, #tpu.memory_space<vmem>>, vector<16xf32>,
          %swap3A_1180 = arith.index_cast %rem3A_65 : i32 to index
          %swap3A_1181 = arith.index_cast %add3A_1107 : i32 to index
          %swap3A_1182 = arith.constant 128 : index
          %swap3A_1183 = tpu.vector_load %arg10[%swap3A_1180, %swap3A_1181, %swap3A_1182] {strides = array<i32>} : memref<2x80x144xf32, #tpu.memory_space<vmem>>, vector<16xf32>,
          tpu.vector_store %arg10[%swap3A_1180, %swap3A_1181, %swap3A_1182], %broadcast_in_dim3A_1103 {strides = array<i32>} : memref<2x80x144xf32, #tpu.memory_space<vmem>>, vector<16xf32>,
          %slice3A_1184 = vector.extract_strided_slice %exp3A {offsets = [13], sizes = [1], strides = [1]} : vector<16xf32> to vector<1xf32>
          %squeeze3A_1185 = vector.extract %slice3A_1184[0] : f32 from vector<1xf32>
          %broadcast_in_dim3A_1186 = vector.broadcast %squeeze3A_1185 : f32 to vector<16xf32>
          %mul3A_1187 = arith.constant 16 : i32
          %mul3A_1188 = arith.muli %scan3A_91, %mul3A_1187 : i32
          %add3A_1189 = arith.constant 13 : i32
          %add3A_1190 = arith.addi %mul3A_1188, %add3A_1189 : i32
          %get3A_1191 = arith.index_cast %rem3A_65 : i32 to index
          %get3A_1192 = arith.index_cast %add3A_1190 : i32 to index
          %get3A_1193 = arith.constant 0 : index
          %get3A_1194 = tpu.vector_load %arg10[%get3A_1191, %get3A_1192, %get3A_1193] {strides = array<i32>} : memref<2x80x144xf32, #tpu.memory_space<vmem>>, vector<16xf32>,
          %mul3A_1195 = arith.mulf %get3A_1194, %broadcast_in_dim3A_1186 : vector<16xf32>
          %swap3A_1196 = arith.index_cast %rem3A_65 : i32 to index
          %swap3A_1197 = arith.index_cast %add3A_1190 : i32 to index
          %swap3A_1198 = arith.constant 0 : index
          %swap3A_1199 = tpu.vector_load %arg10[%swap3A_1196, %swap3A_1197, %swap3A_1198] {strides = array<i32>} : memref<2x80x144xf32, #tpu.memory_space<vmem>>, vector<16xf32>,
          tpu.vector_store %arg10[%swap3A_1196, %swap3A_1197, %swap3A_1198], %mul3A_1195 {strides = array<i32>} : memref<2x80x144xf32, #tpu.memory_space<vmem>>, vector<16xf32>,
          %get3A_1200 = arith.index_cast %rem3A_65 : i32 to index
          %get3A_1201 = arith.index_cast %add3A_1190 : i32 to index
          %get3A_1202 = arith.constant 16 : index
          %get3A_1203 = tpu.vector_load %arg10[%get3A_1200, %get3A_1201, %get3A_1202] {strides = array<i32>} : memref<2x80x144xf32, #tpu.memory_space<vmem>>, vector<16xf32>,
          %mul3A_1204 = arith.mulf %get3A_1203, %broadcast_in_dim3A_1186 : vector<16xf32>
          %swap3A_1205 = arith.index_cast %rem3A_65 : i32 to index
          %swap3A_1206 = arith.index_cast %add3A_1190 : i32 to index
          %swap3A_1207 = arith.constant 16 : index
          %swap3A_1208 = tpu.vector_load %arg10[%swap3A_1205, %swap3A_1206, %swap3A_1207] {strides = array<i32>} : memref<2x80x144xf32, #tpu.memory_space<vmem>>, vector<16xf32>,
          tpu.vector_store %arg10[%swap3A_1205, %swap3A_1206, %swap3A_1207], %mul3A_1204 {strides = array<i32>} : memref<2x80x144xf32, #tpu.memory_space<vmem>>, vector<16xf32>,
          %get3A_1209 = arith.index_cast %rem3A_65 : i32 to index
          %get3A_1210 = arith.index_cast %add3A_1190 : i32 to index
          %get3A_1211 = arith.constant 32 : index
          %get3A_1212 = tpu.vector_load %arg10[%get3A_1209, %get3A_1210, %get3A_1211] {strides = array<i32>} : memref<2x80x144xf32, #tpu.memory_space<vmem>>, vector<16xf32>,
          %mul3A_1213 = arith.mulf %get3A_1212, %broadcast_in_dim3A_1186 : vector<16xf32>
          %swap3A_1214 = arith.index_cast %rem3A_65 : i32 to index
          %swap3A_1215 = arith.index_cast %add3A_1190 : i32 to index
          %swap3A_1216 = arith.constant 32 : index
          %swap3A_1217 = tpu.vector_load %arg10[%swap3A_1214, %swap3A_1215, %swap3A_1216] {strides = array<i32>} : memref<2x80x144xf32, #tpu.memory_space<vmem>>, vector<16xf32>,
          tpu.vector_store %arg10[%swap3A_1214, %swap3A_1215, %swap3A_1216], %mul3A_1213 {strides = array<i32>} : memref<2x80x144xf32, #tpu.memory_space<vmem>>, vector<16xf32>,
          %get3A_1218 = arith.index_cast %rem3A_65 : i32 to index
          %get3A_1219 = arith.index_cast %add3A_1190 : i32 to index
          %get3A_1220 = arith.constant 48 : index
          %get3A_1221 = tpu.vector_load %arg10[%get3A_1218, %get3A_1219, %get3A_1220] {strides = array<i32>} : memref<2x80x144xf32, #tpu.memory_space<vmem>>, vector<16xf32>,
          %mul3A_1222 = arith.mulf %get3A_1221, %broadcast_in_dim3A_1186 : vector<16xf32>
          %swap3A_1223 = arith.index_cast %rem3A_65 : i32 to index
          %swap3A_1224 = arith.index_cast %add3A_1190 : i32 to index
          %swap3A_1225 = arith.constant 48 : index
          %swap3A_1226 = tpu.vector_load %arg10[%swap3A_1223, %swap3A_1224, %swap3A_1225] {strides = array<i32>} : memref<2x80x144xf32, #tpu.memory_space<vmem>>, vector<16xf32>,
          tpu.vector_store %arg10[%swap3A_1223, %swap3A_1224, %swap3A_1225], %mul3A_1222 {strides = array<i32>} : memref<2x80x144xf32, #tpu.memory_space<vmem>>, vector<16xf32>,
          %get3A_1227 = arith.index_cast %rem3A_65 : i32 to index
          %get3A_1228 = arith.index_cast %add3A_1190 : i32 to index
          %get3A_1229 = arith.constant 64 : index
          %get3A_1230 = tpu.vector_load %arg10[%get3A_1227, %get3A_1228, %get3A_1229] {strides = array<i32>} : memref<2x80x144xf32, #tpu.memory_space<vmem>>, vector<16xf32>,
          %mul3A_1231 = arith.mulf %get3A_1230, %broadcast_in_dim3A_1186 : vector<16xf32>
          %swap3A_1232 = arith.index_cast %rem3A_65 : i32 to index
          %swap3A_1233 = arith.index_cast %add3A_1190 : i32 to index
          %swap3A_1234 = arith.constant 64 : index
          %swap3A_1235 = tpu.vector_load %arg10[%swap3A_1232, %swap3A_1233, %swap3A_1234] {strides = array<i32>} : memref<2x80x144xf32, #tpu.memory_space<vmem>>, vector<16xf32>,
          tpu.vector_store %arg10[%swap3A_1232, %swap3A_1233, %swap3A_1234], %mul3A_1231 {strides = array<i32>} : memref<2x80x144xf32, #tpu.memory_space<vmem>>, vector<16xf32>,
          %get3A_1236 = arith.index_cast %rem3A_65 : i32 to index
          %get3A_1237 = arith.index_cast %add3A_1190 : i32 to index
          %get3A_1238 = arith.constant 80 : index
          %get3A_1239 = tpu.vector_load %arg10[%get3A_1236, %get3A_1237, %get3A_1238] {strides = array<i32>} : memref<2x80x144xf32, #tpu.memory_space<vmem>>, vector<16xf32>,
          %mul3A_1240 = arith.mulf %get3A_1239, %broadcast_in_dim3A_1186 : vector<16xf32>
          %swap3A_1241 = arith.index_cast %rem3A_65 : i32 to index
          %swap3A_1242 = arith.index_cast %add3A_1190 : i32 to index
          %swap3A_1243 = arith.constant 80 : index
          %swap3A_1244 = tpu.vector_load %arg10[%swap3A_1241, %swap3A_1242, %swap3A_1243] {strides = array<i32>} : memref<2x80x144xf32, #tpu.memory_space<vmem>>, vector<16xf32>,
          tpu.vector_store %arg10[%swap3A_1241, %swap3A_1242, %swap3A_1243], %mul3A_1240 {strides = array<i32>} : memref<2x80x144xf32, #tpu.memory_space<vmem>>, vector<16xf32>,
          %get3A_1245 = arith.index_cast %rem3A_65 : i32 to index
          %get3A_1246 = arith.index_cast %add3A_1190 : i32 to index
          %get3A_1247 = arith.constant 96 : index
          %get3A_1248 = tpu.vector_load %arg10[%get3A_1245, %get3A_1246, %get3A_1247] {strides = array<i32>} : memref<2x80x144xf32, #tpu.memory_space<vmem>>, vector<16xf32>,
          %mul3A_1249 = arith.mulf %get3A_1248, %broadcast_in_dim3A_1186 : vector<16xf32>
          %swap3A_1250 = arith.index_cast %rem3A_65 : i32 to index
          %swap3A_1251 = arith.index_cast %add3A_1190 : i32 to index
          %swap3A_1252 = arith.constant 96 : index
          %swap3A_1253 = tpu.vector_load %arg10[%swap3A_1250, %swap3A_1251, %swap3A_1252] {strides = array<i32>} : memref<2x80x144xf32, #tpu.memory_space<vmem>>, vector<16xf32>,
          tpu.vector_store %arg10[%swap3A_1250, %swap3A_1251, %swap3A_1252], %mul3A_1249 {strides = array<i32>} : memref<2x80x144xf32, #tpu.memory_space<vmem>>, vector<16xf32>,
          %get3A_1254 = arith.index_cast %rem3A_65 : i32 to index
          %get3A_1255 = arith.index_cast %add3A_1190 : i32 to index
          %get3A_1256 = arith.constant 112 : index
          %get3A_1257 = tpu.vector_load %arg10[%get3A_1254, %get3A_1255, %get3A_1256] {strides = array<i32>} : memref<2x80x144xf32, #tpu.memory_space<vmem>>, vector<16xf32>,
          %mul3A_1258 = arith.mulf %get3A_1257, %broadcast_in_dim3A_1186 : vector<16xf32>
          %swap3A_1259 = arith.index_cast %rem3A_65 : i32 to index
          %swap3A_1260 = arith.index_cast %add3A_1190 : i32 to index
          %swap3A_1261 = arith.constant 112 : index
          %swap3A_1262 = tpu.vector_load %arg10[%swap3A_1259, %swap3A_1260, %swap3A_1261] {strides = array<i32>} : memref<2x80x144xf32, #tpu.memory_space<vmem>>, vector<16xf32>,
          tpu.vector_store %arg10[%swap3A_1259, %swap3A_1260, %swap3A_1261], %mul3A_1258 {strides = array<i32>} : memref<2x80x144xf32, #tpu.memory_space<vmem>>, vector<16xf32>,
          %swap3A_1263 = arith.index_cast %rem3A_65 : i32 to index
          %swap3A_1264 = arith.index_cast %add3A_1190 : i32 to index
          %swap3A_1265 = arith.constant 128 : index
          %swap3A_1266 = tpu.vector_load %arg10[%swap3A_1263, %swap3A_1264, %swap3A_1265] {strides = array<i32>} : memref<2x80x144xf32, #tpu.memory_space<vmem>>, vector<16xf32>,
          tpu.vector_store %arg10[%swap3A_1263, %swap3A_1264, %swap3A_1265], %broadcast_in_dim3A_1186 {strides = array<i32>} : memref<2x80x144xf32, #tpu.memory_space<vmem>>, vector<16xf32>,
          %slice3A_1267 = vector.extract_strided_slice %exp3A {offsets = [14], sizes = [1], strides = [1]} : vector<16xf32> to vector<1xf32>
          %squeeze3A_1268 = vector.extract %slice3A_1267[0] : f32 from vector<1xf32>
          %broadcast_in_dim3A_1269 = vector.broadcast %squeeze3A_1268 : f32 to vector<16xf32>
          %mul3A_1270 = arith.constant 16 : i32
          %mul3A_1271 = arith.muli %scan3A_91, %mul3A_1270 : i32
          %add3A_1272 = arith.constant 14 : i32
          %add3A_1273 = arith.addi %mul3A_1271, %add3A_1272 : i32
          %get3A_1274 = arith.index_cast %rem3A_65 : i32 to index
          %get3A_1275 = arith.index_cast %add3A_1273 : i32 to index
          %get3A_1276 = arith.constant 0 : index
          %get3A_1277 = tpu.vector_load %arg10[%get3A_1274, %get3A_1275, %get3A_1276] {strides = array<i32>} : memref<2x80x144xf32, #tpu.memory_space<vmem>>, vector<16xf32>,
          %mul3A_1278 = arith.mulf %get3A_1277, %broadcast_in_dim3A_1269 : vector<16xf32>
          %swap3A_1279 = arith.index_cast %rem3A_65 : i32 to index
          %swap3A_1280 = arith.index_cast %add3A_1273 : i32 to index
          %swap3A_1281 = arith.constant 0 : index
          %swap3A_1282 = tpu.vector_load %arg10[%swap3A_1279, %swap3A_1280, %swap3A_1281] {strides = array<i32>} : memref<2x80x144xf32, #tpu.memory_space<vmem>>, vector<16xf32>,
          tpu.vector_store %arg10[%swap3A_1279, %swap3A_1280, %swap3A_1281], %mul3A_1278 {strides = array<i32>} : memref<2x80x144xf32, #tpu.memory_space<vmem>>, vector<16xf32>,
          %get3A_1283 = arith.index_cast %rem3A_65 : i32 to index
          %get3A_1284 = arith.index_cast %add3A_1273 : i32 to index
          %get3A_1285 = arith.constant 16 : index
          %get3A_1286 = tpu.vector_load %arg10[%get3A_1283, %get3A_1284, %get3A_1285] {strides = array<i32>} : memref<2x80x144xf32, #tpu.memory_space<vmem>>, vector<16xf32>,
          %mul3A_1287 = arith.mulf %get3A_1286, %broadcast_in_dim3A_1269 : vector<16xf32>
          %swap3A_1288 = arith.index_cast %rem3A_65 : i32 to index
          %swap3A_1289 = arith.index_cast %add3A_1273 : i32 to index
          %swap3A_1290 = arith.constant 16 : index
          %swap3A_1291 = tpu.vector_load %arg10[%swap3A_1288, %swap3A_1289, %swap3A_1290] {strides = array<i32>} : memref<2x80x144xf32, #tpu.memory_space<vmem>>, vector<16xf32>,
          tpu.vector_store %arg10[%swap3A_1288, %swap3A_1289, %swap3A_1290], %mul3A_1287 {strides = array<i32>} : memref<2x80x144xf32, #tpu.memory_space<vmem>>, vector<16xf32>,
          %get3A_1292 = arith.index_cast %rem3A_65 : i32 to index
          %get3A_1293 = arith.index_cast %add3A_1273 : i32 to index
          %get3A_1294 = arith.constant 32 : index
          %get3A_1295 = tpu.vector_load %arg10[%get3A_1292, %get3A_1293, %get3A_1294] {strides = array<i32>} : memref<2x80x144xf32, #tpu.memory_space<vmem>>, vector<16xf32>,
          %mul3A_1296 = arith.mulf %get3A_1295, %broadcast_in_dim3A_1269 : vector<16xf32>
          %swap3A_1297 = arith.index_cast %rem3A_65 : i32 to index
          %swap3A_1298 = arith.index_cast %add3A_1273 : i32 to index
          %swap3A_1299 = arith.constant 32 : index
          %swap3A_1300 = tpu.vector_load %arg10[%swap3A_1297, %swap3A_1298, %swap3A_1299] {strides = array<i32>} : memref<2x80x144xf32, #tpu.memory_space<vmem>>, vector<16xf32>,
          tpu.vector_store %arg10[%swap3A_1297, %swap3A_1298, %swap3A_1299], %mul3A_1296 {strides = array<i32>} : memref<2x80x144xf32, #tpu.memory_space<vmem>>, vector<16xf32>,
          %get3A_1301 = arith.index_cast %rem3A_65 : i32 to index
          %get3A_1302 = arith.index_cast %add3A_1273 : i32 to index
          %get3A_1303 = arith.constant 48 : index
          %get3A_1304 = tpu.vector_load %arg10[%get3A_1301, %get3A_1302, %get3A_1303] {strides = array<i32>} : memref<2x80x144xf32, #tpu.memory_space<vmem>>, vector<16xf32>,
          %mul3A_1305 = arith.mulf %get3A_1304, %broadcast_in_dim3A_1269 : vector<16xf32>
          %swap3A_1306 = arith.index_cast %rem3A_65 : i32 to index
          %swap3A_1307 = arith.index_cast %add3A_1273 : i32 to index
          %swap3A_1308 = arith.constant 48 : index
          %swap3A_1309 = tpu.vector_load %arg10[%swap3A_1306, %swap3A_1307, %swap3A_1308] {strides = array<i32>} : memref<2x80x144xf32, #tpu.memory_space<vmem>>, vector<16xf32>,
          tpu.vector_store %arg10[%swap3A_1306, %swap3A_1307, %swap3A_1308], %mul3A_1305 {strides = array<i32>} : memref<2x80x144xf32, #tpu.memory_space<vmem>>, vector<16xf32>,
          %get3A_1310 = arith.index_cast %rem3A_65 : i32 to index
          %get3A_1311 = arith.index_cast %add3A_1273 : i32 to index
          %get3A_1312 = arith.constant 64 : index
          %get3A_1313 = tpu.vector_load %arg10[%get3A_1310, %get3A_1311, %get3A_1312] {strides = array<i32>} : memref<2x80x144xf32, #tpu.memory_space<vmem>>, vector<16xf32>,
          %mul3A_1314 = arith.mulf %get3A_1313, %broadcast_in_dim3A_1269 : vector<16xf32>
          %swap3A_1315 = arith.index_cast %rem3A_65 : i32 to index
          %swap3A_1316 = arith.index_cast %add3A_1273 : i32 to index
          %swap3A_1317 = arith.constant 64 : index
          %swap3A_1318 = tpu.vector_load %arg10[%swap3A_1315, %swap3A_1316, %swap3A_1317] {strides = array<i32>} : memref<2x80x144xf32, #tpu.memory_space<vmem>>, vector<16xf32>,
          tpu.vector_store %arg10[%swap3A_1315, %swap3A_1316, %swap3A_1317], %mul3A_1314 {strides = array<i32>} : memref<2x80x144xf32, #tpu.memory_space<vmem>>, vector<16xf32>,
          %get3A_1319 = arith.index_cast %rem3A_65 : i32 to index
          %get3A_1320 = arith.index_cast %add3A_1273 : i32 to index
          %get3A_1321 = arith.constant 80 : index
          %get3A_1322 = tpu.vector_load %arg10[%get3A_1319, %get3A_1320, %get3A_1321] {strides = array<i32>} : memref<2x80x144xf32, #tpu.memory_space<vmem>>, vector<16xf32>,
          %mul3A_1323 = arith.mulf %get3A_1322, %broadcast_in_dim3A_1269 : vector<16xf32>
          %swap3A_1324 = arith.index_cast %rem3A_65 : i32 to index
          %swap3A_1325 = arith.index_cast %add3A_1273 : i32 to index
          %swap3A_1326 = arith.constant 80 : index
          %swap3A_1327 = tpu.vector_load %arg10[%swap3A_1324, %swap3A_1325, %swap3A_1326] {strides = array<i32>} : memref<2x80x144xf32, #tpu.memory_space<vmem>>, vector<16xf32>,
          tpu.vector_store %arg10[%swap3A_1324, %swap3A_1325, %swap3A_1326], %mul3A_1323 {strides = array<i32>} : memref<2x80x144xf32, #tpu.memory_space<vmem>>, vector<16xf32>,
          %get3A_1328 = arith.index_cast %rem3A_65 : i32 to index
          %get3A_1329 = arith.index_cast %add3A_1273 : i32 to index
          %get3A_1330 = arith.constant 96 : index
          %get3A_1331 = tpu.vector_load %arg10[%get3A_1328, %get3A_1329, %get3A_1330] {strides = array<i32>} : memref<2x80x144xf32, #tpu.memory_space<vmem>>, vector<16xf32>,
          %mul3A_1332 = arith.mulf %get3A_1331, %broadcast_in_dim3A_1269 : vector<16xf32>
          %swap3A_1333 = arith.index_cast %rem3A_65 : i32 to index
          %swap3A_1334 = arith.index_cast %add3A_1273 : i32 to index
          %swap3A_1335 = arith.constant 96 : index
          %swap3A_1336 = tpu.vector_load %arg10[%swap3A_1333, %swap3A_1334, %swap3A_1335] {strides = array<i32>} : memref<2x80x144xf32, #tpu.memory_space<vmem>>, vector<16xf32>,
          tpu.vector_store %arg10[%swap3A_1333, %swap3A_1334, %swap3A_1335], %mul3A_1332 {strides = array<i32>} : memref<2x80x144xf32, #tpu.memory_space<vmem>>, vector<16xf32>,
          %get3A_1337 = arith.index_cast %rem3A_65 : i32 to index
          %get3A_1338 = arith.index_cast %add3A_1273 : i32 to index
          %get3A_1339 = arith.constant 112 : index
          %get3A_1340 = tpu.vector_load %arg10[%get3A_1337, %get3A_1338, %get3A_1339] {strides = array<i32>} : memref<2x80x144xf32, #tpu.memory_space<vmem>>, vector<16xf32>,
          %mul3A_1341 = arith.mulf %get3A_1340, %broadcast_in_dim3A_1269 : vector<16xf32>
          %swap3A_1342 = arith.index_cast %rem3A_65 : i32 to index
          %swap3A_1343 = arith.index_cast %add3A_1273 : i32 to index
          %swap3A_1344 = arith.constant 112 : index
          %swap3A_1345 = tpu.vector_load %arg10[%swap3A_1342, %swap3A_1343, %swap3A_1344] {strides = array<i32>} : memref<2x80x144xf32, #tpu.memory_space<vmem>>, vector<16xf32>,
          tpu.vector_store %arg10[%swap3A_1342, %swap3A_1343, %swap3A_1344], %mul3A_1341 {strides = array<i32>} : memref<2x80x144xf32, #tpu.memory_space<vmem>>, vector<16xf32>,
          %swap3A_1346 = arith.index_cast %rem3A_65 : i32 to index
          %swap3A_1347 = arith.index_cast %add3A_1273 : i32 to index
          %swap3A_1348 = arith.constant 128 : index
          %swap3A_1349 = tpu.vector_load %arg10[%swap3A_1346, %swap3A_1347, %swap3A_1348] {strides = array<i32>} : memref<2x80x144xf32, #tpu.memory_space<vmem>>, vector<16xf32>,
          tpu.vector_store %arg10[%swap3A_1346, %swap3A_1347, %swap3A_1348], %broadcast_in_dim3A_1269 {strides = array<i32>} : memref<2x80x144xf32, #tpu.memory_space<vmem>>, vector<16xf32>,
          %slice3A_1350 = vector.extract_strided_slice %exp3A {offsets = [15], sizes = [1], strides = [1]} : vector<16xf32> to vector<1xf32>
          %squeeze3A_1351 = vector.extract %slice3A_1350[0] : f32 from vector<1xf32>
          %broadcast_in_dim3A_1352 = vector.broadcast %squeeze3A_1351 : f32 to vector<16xf32>
          %mul3A_1353 = arith.constant 16 : i32
          %mul3A_1354 = arith.muli %scan3A_91, %mul3A_1353 : i32
          %add3A_1355 = arith.constant 15 : i32
          %add3A_1356 = arith.addi %mul3A_1354, %add3A_1355 : i32
          %get3A_1357 = arith.index_cast %rem3A_65 : i32 to index
          %get3A_1358 = arith.index_cast %add3A_1356 : i32 to index
          %get3A_1359 = arith.constant 0 : index
          %get3A_1360 = tpu.vector_load %arg10[%get3A_1357, %get3A_1358, %get3A_1359] {strides = array<i32>} : memref<2x80x144xf32, #tpu.memory_space<vmem>>, vector<16xf32>,
          %mul3A_1361 = arith.mulf %get3A_1360, %broadcast_in_dim3A_1352 : vector<16xf32>
          %swap3A_1362 = arith.index_cast %rem3A_65 : i32 to index
          %swap3A_1363 = arith.index_cast %add3A_1356 : i32 to index
          %swap3A_1364 = arith.constant 0 : index
          %swap3A_1365 = tpu.vector_load %arg10[%swap3A_1362, %swap3A_1363, %swap3A_1364] {strides = array<i32>} : memref<2x80x144xf32, #tpu.memory_space<vmem>>, vector<16xf32>,
          tpu.vector_store %arg10[%swap3A_1362, %swap3A_1363, %swap3A_1364], %mul3A_1361 {strides = array<i32>} : memref<2x80x144xf32, #tpu.memory_space<vmem>>, vector<16xf32>,
          %get3A_1366 = arith.index_cast %rem3A_65 : i32 to index
          %get3A_1367 = arith.index_cast %add3A_1356 : i32 to index
          %get3A_1368 = arith.constant 16 : index
          %get3A_1369 = tpu.vector_load %arg10[%get3A_1366, %get3A_1367, %get3A_1368] {strides = array<i32>} : memref<2x80x144xf32, #tpu.memory_space<vmem>>, vector<16xf32>,
          %mul3A_1370 = arith.mulf %get3A_1369, %broadcast_in_dim3A_1352 : vector<16xf32>
          %swap3A_1371 = arith.index_cast %rem3A_65 : i32 to index
          %swap3A_1372 = arith.index_cast %add3A_1356 : i32 to index
          %swap3A_1373 = arith.constant 16 : index
          %swap3A_1374 = tpu.vector_load %arg10[%swap3A_1371, %swap3A_1372, %swap3A_1373] {strides = array<i32>} : memref<2x80x144xf32, #tpu.memory_space<vmem>>, vector<16xf32>,
          tpu.vector_store %arg10[%swap3A_1371, %swap3A_1372, %swap3A_1373], %mul3A_1370 {strides = array<i32>} : memref<2x80x144xf32, #tpu.memory_space<vmem>>, vector<16xf32>,
          %get3A_1375 = arith.index_cast %rem3A_65 : i32 to index
          %get3A_1376 = arith.index_cast %add3A_1356 : i32 to index
          %get3A_1377 = arith.constant 32 : index
          %get3A_1378 = tpu.vector_load %arg10[%get3A_1375, %get3A_1376, %get3A_1377] {strides = array<i32>} : memref<2x80x144xf32, #tpu.memory_space<vmem>>, vector<16xf32>,
          %mul3A_1379 = arith.mulf %get3A_1378, %broadcast_in_dim3A_1352 : vector<16xf32>
          %swap3A_1380 = arith.index_cast %rem3A_65 : i32 to index
          %swap3A_1381 = arith.index_cast %add3A_1356 : i32 to index
          %swap3A_1382 = arith.constant 32 : index
          %swap3A_1383 = tpu.vector_load %arg10[%swap3A_1380, %swap3A_1381, %swap3A_1382] {strides = array<i32>} : memref<2x80x144xf32, #tpu.memory_space<vmem>>, vector<16xf32>,
          tpu.vector_store %arg10[%swap3A_1380, %swap3A_1381, %swap3A_1382], %mul3A_1379 {strides = array<i32>} : memref<2x80x144xf32, #tpu.memory_space<vmem>>, vector<16xf32>,
          %get3A_1384 = arith.index_cast %rem3A_65 : i32 to index
          %get3A_1385 = arith.index_cast %add3A_1356 : i32 to index
          %get3A_1386 = arith.constant 48 : index
          %get3A_1387 = tpu.vector_load %arg10[%get3A_1384, %get3A_1385, %get3A_1386] {strides = array<i32>} : memref<2x80x144xf32, #tpu.memory_space<vmem>>, vector<16xf32>,
          %mul3A_1388 = arith.mulf %get3A_1387, %broadcast_in_dim3A_1352 : vector<16xf32>
          %swap3A_1389 = arith.index_cast %rem3A_65 : i32 to index
          %swap3A_1390 = arith.index_cast %add3A_1356 : i32 to index
          %swap3A_1391 = arith.constant 48 : index
          %swap3A_1392 = tpu.vector_load %arg10[%swap3A_1389, %swap3A_1390, %swap3A_1391] {strides = array<i32>} : memref<2x80x144xf32, #tpu.memory_space<vmem>>, vector<16xf32>,
          tpu.vector_store %arg10[%swap3A_1389, %swap3A_1390, %swap3A_1391], %mul3A_1388 {strides = array<i32>} : memref<2x80x144xf32, #tpu.memory_space<vmem>>, vector<16xf32>,
          %get3A_1393 = arith.index_cast %rem3A_65 : i32 to index
          %get3A_1394 = arith.index_cast %add3A_1356 : i32 to index
          %get3A_1395 = arith.constant 64 : index
          %get3A_1396 = tpu.vector_load %arg10[%get3A_1393, %get3A_1394, %get3A_1395] {strides = array<i32>} : memref<2x80x144xf32, #tpu.memory_space<vmem>>, vector<16xf32>,
          %mul3A_1397 = arith.mulf %get3A_1396, %broadcast_in_dim3A_1352 : vector<16xf32>
          %swap3A_1398 = arith.index_cast %rem3A_65 : i32 to index
          %swap3A_1399 = arith.index_cast %add3A_1356 : i32 to index
          %swap3A_1400 = arith.constant 64 : index
          %swap3A_1401 = tpu.vector_load %arg10[%swap3A_1398, %swap3A_1399, %swap3A_1400] {strides = array<i32>} : memref<2x80x144xf32, #tpu.memory_space<vmem>>, vector<16xf32>,
          tpu.vector_store %arg10[%swap3A_1398, %swap3A_1399, %swap3A_1400], %mul3A_1397 {strides = array<i32>} : memref<2x80x144xf32, #tpu.memory_space<vmem>>, vector<16xf32>,
          %get3A_1402 = arith.index_cast %rem3A_65 : i32 to index
          %get3A_1403 = arith.index_cast %add3A_1356 : i32 to index
          %get3A_1404 = arith.constant 80 : index
          %get3A_1405 = tpu.vector_load %arg10[%get3A_1402, %get3A_1403, %get3A_1404] {strides = array<i32>} : memref<2x80x144xf32, #tpu.memory_space<vmem>>, vector<16xf32>,
          %mul3A_1406 = arith.mulf %get3A_1405, %broadcast_in_dim3A_1352 : vector<16xf32>
          %swap3A_1407 = arith.index_cast %rem3A_65 : i32 to index
          %swap3A_1408 = arith.index_cast %add3A_1356 : i32 to index
          %swap3A_1409 = arith.constant 80 : index
          %swap3A_1410 = tpu.vector_load %arg10[%swap3A_1407, %swap3A_1408, %swap3A_1409] {strides = array<i32>} : memref<2x80x144xf32, #tpu.memory_space<vmem>>, vector<16xf32>,
          tpu.vector_store %arg10[%swap3A_1407, %swap3A_1408, %swap3A_1409], %mul3A_1406 {strides = array<i32>} : memref<2x80x144xf32, #tpu.memory_space<vmem>>, vector<16xf32>,
          %get3A_1411 = arith.index_cast %rem3A_65 : i32 to index
          %get3A_1412 = arith.index_cast %add3A_1356 : i32 to index
          %get3A_1413 = arith.constant 96 : index
          %get3A_1414 = tpu.vector_load %arg10[%get3A_1411, %get3A_1412, %get3A_1413] {strides = array<i32>} : memref<2x80x144xf32, #tpu.memory_space<vmem>>, vector<16xf32>,
          %mul3A_1415 = arith.mulf %get3A_1414, %broadcast_in_dim3A_1352 : vector<16xf32>
          %swap3A_1416 = arith.index_cast %rem3A_65 : i32 to index
          %swap3A_1417 = arith.index_cast %add3A_1356 : i32 to index
          %swap3A_1418 = arith.constant 96 : index
          %swap3A_1419 = tpu.vector_load %arg10[%swap3A_1416, %swap3A_1417, %swap3A_1418] {strides = array<i32>} : memref<2x80x144xf32, #tpu.memory_space<vmem>>, vector<16xf32>,
          tpu.vector_store %arg10[%swap3A_1416, %swap3A_1417, %swap3A_1418], %mul3A_1415 {strides = array<i32>} : memref<2x80x144xf32, #tpu.memory_space<vmem>>, vector<16xf32>,
          %get3A_1420 = arith.index_cast %rem3A_65 : i32 to index
          %get3A_1421 = arith.index_cast %add3A_1356 : i32 to index
          %get3A_1422 = arith.constant 112 : index
          %get3A_1423 = tpu.vector_load %arg10[%get3A_1420, %get3A_1421, %get3A_1422] {strides = array<i32>} : memref<2x80x144xf32, #tpu.memory_space<vmem>>, vector<16xf32>,
          %mul3A_1424 = arith.mulf %get3A_1423, %broadcast_in_dim3A_1352 : vector<16xf32>
          %swap3A_1425 = arith.index_cast %rem3A_65 : i32 to index
          %swap3A_1426 = arith.index_cast %add3A_1356 : i32 to index
          %swap3A_1427 = arith.constant 112 : index
          %swap3A_1428 = tpu.vector_load %arg10[%swap3A_1425, %swap3A_1426, %swap3A_1427] {strides = array<i32>} : memref<2x80x144xf32, #tpu.memory_space<vmem>>, vector<16xf32>,
          tpu.vector_store %arg10[%swap3A_1425, %swap3A_1426, %swap3A_1427], %mul3A_1424 {strides = array<i32>} : memref<2x80x144xf32, #tpu.memory_space<vmem>>, vector<16xf32>,
          %swap3A_1429 = arith.index_cast %rem3A_65 : i32 to index
          %swap3A_1430 = arith.index_cast %add3A_1356 : i32 to index
          %swap3A_1431 = arith.constant 128 : index
          %swap3A_1432 = tpu.vector_load %arg10[%swap3A_1429, %swap3A_1430, %swap3A_1431] {strides = array<i32>} : memref<2x80x144xf32, #tpu.memory_space<vmem>>, vector<16xf32>,
          tpu.vector_store %arg10[%swap3A_1429, %swap3A_1430, %swap3A_1431], %broadcast_in_dim3A_1352 {strides = array<i32>} : memref<2x80x144xf32, #tpu.memory_space<vmem>>, vector<16xf32>,
          %scan3A_1433 = arith.constant 0 : i32
          scf.yield %scan3A_1433 : i32
        }
        %scan3A_89 = arith.constant 5 : i32
        "tpu.region"() ({
          %run_scoped3A = tpu.sem_alloc : memref<!tpu.dma_semaphore, #tpu.memory_space<semaphore_mem>>
          %dma_start3A_91 = arith.constant 0 : i32
          %dma_start3A_92 = arith.constant 0 : i32
          %dma_start3A_93 = tpu.memref_slice %arg10[%rem3A_65, %dma_start3A_91, %dma_start3A_92] : memref<2x80x144xf32, #tpu.memory_space<vmem>> -> memref<1x80x144xf32, #tpu.memory_space<vmem>>
          %dma_start3A_94 = tpu.memref_squeeze %dma_start3A_93 : memref<1x80x144xf32, #tpu.memory_space<vmem>> -> memref<80x144xf32, #tpu.memory_space<vmem>>
          %dma_start3A_95 = arith.constant 0 : i32
          %dma_start3A_96 = tpu.memref_slice %arg9[%scan3A_63, %dma_start3A_95] : memref<25x80xi32, #tpu.memory_space<vmem>> -> memref<1x80xi32, #tpu.memory_space<vmem>>
          %dma_start3A_97 = tpu.memref_squeeze %dma_start3A_96 : memref<1x80xi32, #tpu.memory_space<vmem>> -> memref<80xi32, #tpu.memory_space<vmem>>
          %dma_start3A_98 = arith.constant 0 : i32
          %dma_start3A_99 = arith.constant 0 : i32
          %dma_start3A_100 = tpu.memref_slice %arg12[%dma_start3A_98, %dma_start3A_99] : memref<10240x144xf32, #tpu.memory_space<vmem_shared>> -> memref<10240x144xf32, #tpu.memory_space<vmem_shared>>
          tpu.enqueue_indirect_dma source(%dma_start3A_94 : memref<80x144xf32, #tpu.memory_space<vmem>>) target(%dma_start3A_100 : memref<10240x144xf32, #tpu.memory_space<vmem_shared>>) offsets(%dma_start3A_97 : memref<80xi32, #tpu.memory_space<vmem>>) semaphore(%run_scoped3A : memref<!tpu.dma_semaphore, #tpu.memory_space<semaphore_mem>>) {add = true}
          %dma_wait3A_101 = arith.constant 0 : i32
          %dma_wait3A_102 = arith.constant 0 : i32
          %dma_wait3A_103 = tpu.memref_slice %arg10[%rem3A_65, %dma_wait3A_101, %dma_wait3A_102] : memref<2x80x144xf32, #tpu.memory_space<vmem>> -> memref<1x80x144xf32, #tpu.memory_space<vmem>>
          %dma_wait3A_104 = tpu.memref_squeeze %dma_wait3A_103 : memref<1x80x144xf32, #tpu.memory_space<vmem>> -> memref<80x144xf32, #tpu.memory_space<vmem>>
          %dma_wait3A_105 = arith.constant 0 : i32
          %dma_wait3A_106 = tpu.memref_slice %arg9[%scan3A_63, %dma_wait3A_105] : memref<25x80xi32, #tpu.memory_space<vmem>> -> memref<1x80xi32, #tpu.memory_space<vmem>>
          %dma_wait3A_107 = tpu.memref_squeeze %dma_wait3A_106 : memref<1x80xi32, #tpu.memory_space<vmem>> -> memref<80xi32, #tpu.memory_space<vmem>>
          %dma_wait3A_108 = arith.constant 0 : i32
          %dma_wait3A_109 = arith.constant 0 : i32
          %dma_wait3A_110 = tpu.memref_slice %arg12[%dma_wait3A_108, %dma_wait3A_109] : memref<10240x144xf32, #tpu.memory_space<vmem_shared>> -> memref<10240x144xf32, #tpu.memory_space<vmem_shared>>
          tpu.wait_indirect_dma semaphore(%run_scoped3A : memref<!tpu.dma_semaphore, #tpu.memory_space<semaphore_mem>>) src(%dma_wait3A_104 : memref<80x144xf32, #tpu.memory_space<vmem>>) dst(%dma_wait3A_110 : memref<10240x144xf32, #tpu.memory_space<vmem_shared>>)
          tpu.yield
        }) : () -> ()
        %scan3A_90 = arith.constant 0 : i32
        scf.yield %scan3A_90 : i32
      }
      %scan3A_61 = arith.constant 25 : i32
      %scan3A_62 = arith.constant 0 : i32
      scf.yield %scan3A_62 : i32
    }
    %scan3A_15 = arith.constant 5 : i32
    %barrier3A_16 = arith.constant 0 : index
    tpu.barrier barrier_id(%barrier3A_16)
    %mul3A_17 = arith.constant 10240 : i32
    %mul3A_18 = arith.muli %arg0, %mul3A_17 : i32
    %mul3A_19 = arith.constant 640 : i32
    %mul3A_20 = arith.muli %arg1, %mul3A_19 : i32
    %mul3A_21 = arith.constant 640 : i32
    %mul3A_22 = arith.muli %arg1, %mul3A_21 : i32
    %add3A_23 = arith.addi %mul3A_18, %mul3A_22 : i32
    "tpu.region"() ({
      %run_scoped3A = tpu.sem_alloc : memref<!tpu.dma_semaphore, #tpu.memory_space<semaphore_mem>>
      %dma_start3A = arith.constant 0 : i32
      %dma_start3A_26 = tpu.memref_slice %arg7[%add3A_23, %dma_start3A] : memref<20480x144xf32, #tpu.memory_space<hbm>> -> memref<640x144xf32, #tpu.memory_space<hbm>>
      %dma_start3A_27 = arith.constant 0 : i32
      %dma_start3A_28 = tpu.memref_slice %arg12[%mul3A_20, %dma_start3A_27] : memref<10240x144xf32, #tpu.memory_space<vmem_shared>> -> memref<640x144xf32, #tpu.memory_space<vmem_shared>>
      tpu.enqueue_dma source(%dma_start3A_28 : memref<640x144xf32, #tpu.memory_space<vmem_shared>>) target(%dma_start3A_26 : memref<640x144xf32, #tpu.memory_space<hbm>>) target_semaphore(%run_scoped3A : memref<!tpu.dma_semaphore, #tpu.memory_space<semaphore_mem>>)
      %dma_wait3A = arith.constant 0 : i32
      %dma_wait3A_29 = tpu.memref_slice %arg7[%add3A_23, %dma_wait3A] : memref<20480x144xf32, #tpu.memory_space<hbm>> -> memref<640x144xf32, #tpu.memory_space<hbm>>
      %dma_wait3A_30 = arith.constant 0 : i32
      %dma_wait3A_31 = tpu.memref_slice %arg12[%mul3A_20, %dma_wait3A_30] : memref<10240x144xf32, #tpu.memory_space<vmem_shared>> -> memref<640x144xf32, #tpu.memory_space<vmem_shared>>
      tpu.wait_dma2 semaphore(%run_scoped3A : memref<!tpu.dma_semaphore, #tpu.memory_space<semaphore_mem>>) src(%dma_wait3A_31 : memref<640x144xf32, #tpu.memory_space<vmem_shared>>) dst(%dma_wait3A_29 : memref<640x144xf32, #tpu.memory_space<hbm>>)
      tpu.yield
    }) : () -> ()
    %scan3A_24 = arith.constant 0 : i32
    %scan3A_25 = arith.constant 1 : i32
    return
  }
}

module attributes {stable_mosaic.version = 14 : i64} {
  func.func @_a_body(%arg0: i32, %arg1: memref<256x128xf32, #tpu.memory_space<vmem>>, %arg2: memref<128x1024xf32, #tpu.memory_space<vmem>>, %arg3: memref<8x128xf32, #tpu.memory_space<vmem>>, %arg4: memref<8x128xf32, #tpu.memory_space<vmem>>, %arg5: memref<8x256x144xf32, #tpu.memory_space<vmem>>, %arg6: memref<8x256xf32, #tpu.memory_space<vmem>>) attributes {dimension_semantics = [#tpu.dimension_semantics<arbitrary>], iteration_bounds = array<i64: 40>, scalar_prefetch = 0 : i64, scratch_operands = 0 : i64, tpu.core_type = #tpu.core_type<tc>, window_params = [{transform_indices = @transform_0, window_bounds = array<i64: 256, 128>}, {pipeline_mode = #tpu.pipeline_mode<synchronous>, transform_indices = @transform_1, window_bounds = array<i64: 128, 1024>}, {pipeline_mode = #tpu.pipeline_mode<synchronous>, transform_indices = @transform_2, window_bounds = array<i64: 8, 128>}, {pipeline_mode = #tpu.pipeline_mode<synchronous>, transform_indices = @transform_3, window_bounds = array<i64: 8, 128>}, {transform_indices = @transform_4, window_bounds = array<i64: 8, 256, 144>}, {transform_indices = @transform_5, window_bounds = array<i64: 8, 256>}]} {
    %get3A = arith.constant 0 : index
    %get3A_0 = arith.constant 0 : index
    %get3A_1 = vector.load %arg1[%get3A, %get3A_0] : memref<256x128xf32, #tpu.memory_space<vmem>>, vector<256x128xf32>
    %get3A_2 = arith.constant 0 : index
    %get3A_3 = arith.constant 0 : index
    %get3A_4 = vector.load %arg2[%get3A_2, %get3A_3] : memref<128x1024xf32, #tpu.memory_space<vmem>>, vector<128x1024xf32>
    %dot_general3A = arith.constant dense<0.000000e+00> : vector<256x1024xf32>
    %dot_general3A_5 = tpu.matmul %get3A_1, %get3A_4, %dot_general3A {dimension_numbers = #tpu.dot_dimension_numbers<[1], [0], [0], [1], [0, 0, 1, 1], [], []>, transpose_lhs_hint = false} : vector<256x128xf32>, vector<128x1024xf32>, vector<256x1024xf32> -> vector<256x1024xf32>
    %iota3A = tpu.iota {dimensions = array<i32: 1>} : vector<256x16xi32>
    %eq3A = arith.constant 0 : i32
    %eq3A_6 = vector.broadcast %eq3A : i32 to vector<256x16xi32>
    %eq3A_7 = arith.cmpi eq, %iota3A, %eq3A_6 : vector<256x16xi32>
    %convert_element_type3A = arith.extui %eq3A_7 : vector<256x16xi1> to vector<256x16xi32>
    %convert_element_type3A_8 = arith.sitofp %convert_element_type3A : vector<256x16xi32> to vector<256x16xf32>
    %eq3A_9 = arith.constant 1 : i32
    %eq3A_10 = vector.broadcast %eq3A_9 : i32 to vector<256x16xi32>
    %eq3A_11 = arith.cmpi eq, %iota3A, %eq3A_10 : vector<256x16xi32>
    %convert_element_type3A_12 = arith.extui %eq3A_11 : vector<256x16xi1> to vector<256x16xi32>
    %convert_element_type3A_13 = arith.sitofp %convert_element_type3A_12 : vector<256x16xi32> to vector<256x16xf32>
    %slice3A = vector.extract_strided_slice %dot_general3A_5 {offsets = [0, 0], sizes = [256, 128], strides = [1, 1]} : vector<256x1024xf32> to vector<256x128xf32>
    %get3A_14 = arith.constant 0 : index
    %get3A_15 = arith.constant 0 : index
    %get3A_16 = vector.load %arg3[%get3A_14, %get3A_15] : memref<8x128xf32, #tpu.memory_space<vmem>>, vector<1x128xf32>
    %get3A_17 = vector.shape_cast %get3A_16 : vector<1x128xf32> to vector<128xf32>
    %broadcast_in_dim3A = vector.shape_cast %get3A_17 : vector<128xf32> to vector<1x128xf32>
    %mul3A = vector.broadcast %broadcast_in_dim3A : vector<1x128xf32> to vector<256x128xf32>
    %mul3A_18 = arith.mulf %slice3A, %mul3A : vector<256x128xf32>
    %reduce_sum3A = arith.constant dense<0.000000e+00> : vector<256xf32>
    %reduce_sum3A_19 = vector.multi_reduction <add>, %mul3A_18, %reduce_sum3A [1] : vector<256x128xf32> to vector<256xf32>
    %swap3A = arith.constant 0 : index
    %swap3A_20 = arith.constant 0 : index
    %swap3A_21 = arith.constant 0 : index
    %swap3A_22 = vector.load %arg5[%swap3A, %swap3A_20, %swap3A_21] : memref<8x256x144xf32, #tpu.memory_space<vmem>>, vector<1x256x128xf32>
    %swap3A_23 = vector.shape_cast %swap3A_22 : vector<1x256x128xf32> to vector<256x128xf32>
    %swap3A_24 = vector.shape_cast %slice3A : vector<256x128xf32> to vector<1x256x128xf32>
    tpu.vector_store %arg5[%swap3A, %swap3A_20, %swap3A_21], %swap3A_24 {strides = array<i32>} : memref<8x256x144xf32, #tpu.memory_space<vmem>>, vector<1x256x128xf32>,
    %broadcast_in_dim3A_25 = vector.shape_cast %reduce_sum3A_19 : vector<256xf32> to vector<256x1xf32>
    %mul3A_26 = vector.broadcast %broadcast_in_dim3A_25 : vector<256x1xf32> to vector<256x16xf32>
    %mul3A_27 = arith.mulf %convert_element_type3A_13, %mul3A_26 : vector<256x16xf32>
    %add3A = arith.addf %convert_element_type3A_8, %mul3A_27 : vector<256x16xf32>
    %swap3A_28 = arith.constant 0 : index
    %swap3A_29 = arith.constant 0 : index
    %swap3A_30 = arith.constant 128 : index
    %swap3A_31 = vector.load %arg5[%swap3A_28, %swap3A_29, %swap3A_30] : memref<8x256x144xf32, #tpu.memory_space<vmem>>, vector<1x256x16xf32>
    %swap3A_32 = vector.shape_cast %swap3A_31 : vector<1x256x16xf32> to vector<256x16xf32>
    %swap3A_33 = vector.shape_cast %add3A : vector<256x16xf32> to vector<1x256x16xf32>
    tpu.vector_store %arg5[%swap3A_28, %swap3A_29, %swap3A_30], %swap3A_33 {strides = array<i32>} : memref<8x256x144xf32, #tpu.memory_space<vmem>>, vector<1x256x16xf32>,
    %get3A_34 = arith.constant 0 : index
    %get3A_35 = arith.constant 0 : index
    %get3A_36 = vector.load %arg4[%get3A_34, %get3A_35] : memref<8x128xf32, #tpu.memory_space<vmem>>, vector<1x128xf32>
    %get3A_37 = vector.shape_cast %get3A_36 : vector<1x128xf32> to vector<128xf32>
    %broadcast_in_dim3A_38 = vector.shape_cast %get3A_37 : vector<128xf32> to vector<1x128xf32>
    %mul3A_39 = vector.broadcast %broadcast_in_dim3A_38 : vector<1x128xf32> to vector<256x128xf32>
    %mul3A_40 = arith.mulf %slice3A, %mul3A_39 : vector<256x128xf32>
    %reduce_sum3A_41 = arith.constant dense<0.000000e+00> : vector<256xf32>
    %reduce_sum3A_42 = vector.multi_reduction <add>, %mul3A_40, %reduce_sum3A_41 [1] : vector<256x128xf32> to vector<256xf32>
    %swap3A_43 = arith.constant 0 : index
    %swap3A_44 = arith.constant 0 : index
    %swap3A_45 = vector.load %arg6[%swap3A_43, %swap3A_44] : memref<8x256xf32, #tpu.memory_space<vmem>>, vector<1x256xf32>
    %swap3A_46 = vector.shape_cast %swap3A_45 : vector<1x256xf32> to vector<256xf32>
    %swap3A_47 = vector.shape_cast %reduce_sum3A_42 : vector<256xf32> to vector<1x256xf32>
    tpu.vector_store %arg6[%swap3A_43, %swap3A_44], %swap3A_47 {strides = array<i32>} : memref<8x256xf32, #tpu.memory_space<vmem>>, vector<1x256xf32>,
    %slice3A_48 = vector.extract_strided_slice %dot_general3A_5 {offsets = [0, 128], sizes = [256, 128], strides = [1, 1]} : vector<256x1024xf32> to vector<256x128xf32>
    %get3A_49 = arith.constant 1 : index
    %get3A_50 = arith.constant 0 : index
    %get3A_51 = vector.load %arg3[%get3A_49, %get3A_50] : memref<8x128xf32, #tpu.memory_space<vmem>>, vector<1x128xf32>
    %get3A_52 = vector.shape_cast %get3A_51 : vector<1x128xf32> to vector<128xf32>
    %broadcast_in_dim3A_53 = vector.shape_cast %get3A_52 : vector<128xf32> to vector<1x128xf32>
    %mul3A_54 = vector.broadcast %broadcast_in_dim3A_53 : vector<1x128xf32> to vector<256x128xf32>
    %mul3A_55 = arith.mulf %slice3A_48, %mul3A_54 : vector<256x128xf32>
    %reduce_sum3A_56 = arith.constant dense<0.000000e+00> : vector<256xf32>
    %reduce_sum3A_57 = vector.multi_reduction <add>, %mul3A_55, %reduce_sum3A_56 [1] : vector<256x128xf32> to vector<256xf32>
    %swap3A_58 = arith.constant 1 : index
    %swap3A_59 = arith.constant 0 : index
    %swap3A_60 = arith.constant 0 : index
    %swap3A_61 = vector.load %arg5[%swap3A_58, %swap3A_59, %swap3A_60] : memref<8x256x144xf32, #tpu.memory_space<vmem>>, vector<1x256x128xf32>
    %swap3A_62 = vector.shape_cast %swap3A_61 : vector<1x256x128xf32> to vector<256x128xf32>
    %swap3A_63 = vector.shape_cast %slice3A_48 : vector<256x128xf32> to vector<1x256x128xf32>
    tpu.vector_store %arg5[%swap3A_58, %swap3A_59, %swap3A_60], %swap3A_63 {strides = array<i32>} : memref<8x256x144xf32, #tpu.memory_space<vmem>>, vector<1x256x128xf32>,
    %broadcast_in_dim3A_64 = vector.shape_cast %reduce_sum3A_57 : vector<256xf32> to vector<256x1xf32>
    %mul3A_65 = vector.broadcast %broadcast_in_dim3A_64 : vector<256x1xf32> to vector<256x16xf32>
    %mul3A_66 = arith.mulf %convert_element_type3A_13, %mul3A_65 : vector<256x16xf32>
    %add3A_67 = arith.addf %convert_element_type3A_8, %mul3A_66 : vector<256x16xf32>
    %swap3A_68 = arith.constant 1 : index
    %swap3A_69 = arith.constant 0 : index
    %swap3A_70 = arith.constant 128 : index
    %swap3A_71 = vector.load %arg5[%swap3A_68, %swap3A_69, %swap3A_70] : memref<8x256x144xf32, #tpu.memory_space<vmem>>, vector<1x256x16xf32>
    %swap3A_72 = vector.shape_cast %swap3A_71 : vector<1x256x16xf32> to vector<256x16xf32>
    %swap3A_73 = vector.shape_cast %add3A_67 : vector<256x16xf32> to vector<1x256x16xf32>
    tpu.vector_store %arg5[%swap3A_68, %swap3A_69, %swap3A_70], %swap3A_73 {strides = array<i32>} : memref<8x256x144xf32, #tpu.memory_space<vmem>>, vector<1x256x16xf32>,
    %get3A_74 = arith.constant 1 : index
    %get3A_75 = arith.constant 0 : index
    %get3A_76 = vector.load %arg4[%get3A_74, %get3A_75] : memref<8x128xf32, #tpu.memory_space<vmem>>, vector<1x128xf32>
    %get3A_77 = vector.shape_cast %get3A_76 : vector<1x128xf32> to vector<128xf32>
    %broadcast_in_dim3A_78 = vector.shape_cast %get3A_77 : vector<128xf32> to vector<1x128xf32>
    %mul3A_79 = vector.broadcast %broadcast_in_dim3A_78 : vector<1x128xf32> to vector<256x128xf32>
    %mul3A_80 = arith.mulf %slice3A_48, %mul3A_79 : vector<256x128xf32>
    %reduce_sum3A_81 = arith.constant dense<0.000000e+00> : vector<256xf32>
    %reduce_sum3A_82 = vector.multi_reduction <add>, %mul3A_80, %reduce_sum3A_81 [1] : vector<256x128xf32> to vector<256xf32>
    %swap3A_83 = arith.constant 1 : index
    %swap3A_84 = arith.constant 0 : index
    %swap3A_85 = vector.load %arg6[%swap3A_83, %swap3A_84] : memref<8x256xf32, #tpu.memory_space<vmem>>, vector<1x256xf32>
    %swap3A_86 = vector.shape_cast %swap3A_85 : vector<1x256xf32> to vector<256xf32>
    %swap3A_87 = vector.shape_cast %reduce_sum3A_82 : vector<256xf32> to vector<1x256xf32>
    tpu.vector_store %arg6[%swap3A_83, %swap3A_84], %swap3A_87 {strides = array<i32>} : memref<8x256xf32, #tpu.memory_space<vmem>>, vector<1x256xf32>,
    %slice3A_88 = vector.extract_strided_slice %dot_general3A_5 {offsets = [0, 256], sizes = [256, 128], strides = [1, 1]} : vector<256x1024xf32> to vector<256x128xf32>
    %get3A_89 = arith.constant 2 : index
    %get3A_90 = arith.constant 0 : index
    %get3A_91 = vector.load %arg3[%get3A_89, %get3A_90] : memref<8x128xf32, #tpu.memory_space<vmem>>, vector<1x128xf32>
    %get3A_92 = vector.shape_cast %get3A_91 : vector<1x128xf32> to vector<128xf32>
    %broadcast_in_dim3A_93 = vector.shape_cast %get3A_92 : vector<128xf32> to vector<1x128xf32>
    %mul3A_94 = vector.broadcast %broadcast_in_dim3A_93 : vector<1x128xf32> to vector<256x128xf32>
    %mul3A_95 = arith.mulf %slice3A_88, %mul3A_94 : vector<256x128xf32>
    %reduce_sum3A_96 = arith.constant dense<0.000000e+00> : vector<256xf32>
    %reduce_sum3A_97 = vector.multi_reduction <add>, %mul3A_95, %reduce_sum3A_96 [1] : vector<256x128xf32> to vector<256xf32>
    %swap3A_98 = arith.constant 2 : index
    %swap3A_99 = arith.constant 0 : index
    %swap3A_100 = arith.constant 0 : index
    %swap3A_101 = vector.load %arg5[%swap3A_98, %swap3A_99, %swap3A_100] : memref<8x256x144xf32, #tpu.memory_space<vmem>>, vector<1x256x128xf32>
    %swap3A_102 = vector.shape_cast %swap3A_101 : vector<1x256x128xf32> to vector<256x128xf32>
    %swap3A_103 = vector.shape_cast %slice3A_88 : vector<256x128xf32> to vector<1x256x128xf32>
    tpu.vector_store %arg5[%swap3A_98, %swap3A_99, %swap3A_100], %swap3A_103 {strides = array<i32>} : memref<8x256x144xf32, #tpu.memory_space<vmem>>, vector<1x256x128xf32>,
    %broadcast_in_dim3A_104 = vector.shape_cast %reduce_sum3A_97 : vector<256xf32> to vector<256x1xf32>
    %mul3A_105 = vector.broadcast %broadcast_in_dim3A_104 : vector<256x1xf32> to vector<256x16xf32>
    %mul3A_106 = arith.mulf %convert_element_type3A_13, %mul3A_105 : vector<256x16xf32>
    %add3A_107 = arith.addf %convert_element_type3A_8, %mul3A_106 : vector<256x16xf32>
    %swap3A_108 = arith.constant 2 : index
    %swap3A_109 = arith.constant 0 : index
    %swap3A_110 = arith.constant 128 : index
    %swap3A_111 = vector.load %arg5[%swap3A_108, %swap3A_109, %swap3A_110] : memref<8x256x144xf32, #tpu.memory_space<vmem>>, vector<1x256x16xf32>
    %swap3A_112 = vector.shape_cast %swap3A_111 : vector<1x256x16xf32> to vector<256x16xf32>
    %swap3A_113 = vector.shape_cast %add3A_107 : vector<256x16xf32> to vector<1x256x16xf32>
    tpu.vector_store %arg5[%swap3A_108, %swap3A_109, %swap3A_110], %swap3A_113 {strides = array<i32>} : memref<8x256x144xf32, #tpu.memory_space<vmem>>, vector<1x256x16xf32>,
    %get3A_114 = arith.constant 2 : index
    %get3A_115 = arith.constant 0 : index
    %get3A_116 = vector.load %arg4[%get3A_114, %get3A_115] : memref<8x128xf32, #tpu.memory_space<vmem>>, vector<1x128xf32>
    %get3A_117 = vector.shape_cast %get3A_116 : vector<1x128xf32> to vector<128xf32>
    %broadcast_in_dim3A_118 = vector.shape_cast %get3A_117 : vector<128xf32> to vector<1x128xf32>
    %mul3A_119 = vector.broadcast %broadcast_in_dim3A_118 : vector<1x128xf32> to vector<256x128xf32>
    %mul3A_120 = arith.mulf %slice3A_88, %mul3A_119 : vector<256x128xf32>
    %reduce_sum3A_121 = arith.constant dense<0.000000e+00> : vector<256xf32>
    %reduce_sum3A_122 = vector.multi_reduction <add>, %mul3A_120, %reduce_sum3A_121 [1] : vector<256x128xf32> to vector<256xf32>
    %swap3A_123 = arith.constant 2 : index
    %swap3A_124 = arith.constant 0 : index
    %swap3A_125 = vector.load %arg6[%swap3A_123, %swap3A_124] : memref<8x256xf32, #tpu.memory_space<vmem>>, vector<1x256xf32>
    %swap3A_126 = vector.shape_cast %swap3A_125 : vector<1x256xf32> to vector<256xf32>
    %swap3A_127 = vector.shape_cast %reduce_sum3A_122 : vector<256xf32> to vector<1x256xf32>
    tpu.vector_store %arg6[%swap3A_123, %swap3A_124], %swap3A_127 {strides = array<i32>} : memref<8x256xf32, #tpu.memory_space<vmem>>, vector<1x256xf32>,
    %slice3A_128 = vector.extract_strided_slice %dot_general3A_5 {offsets = [0, 384], sizes = [256, 128], strides = [1, 1]} : vector<256x1024xf32> to vector<256x128xf32>
    %get3A_129 = arith.constant 3 : index
    %get3A_130 = arith.constant 0 : index
    %get3A_131 = vector.load %arg3[%get3A_129, %get3A_130] : memref<8x128xf32, #tpu.memory_space<vmem>>, vector<1x128xf32>
    %get3A_132 = vector.shape_cast %get3A_131 : vector<1x128xf32> to vector<128xf32>
    %broadcast_in_dim3A_133 = vector.shape_cast %get3A_132 : vector<128xf32> to vector<1x128xf32>
    %mul3A_134 = vector.broadcast %broadcast_in_dim3A_133 : vector<1x128xf32> to vector<256x128xf32>
    %mul3A_135 = arith.mulf %slice3A_128, %mul3A_134 : vector<256x128xf32>
    %reduce_sum3A_136 = arith.constant dense<0.000000e+00> : vector<256xf32>
    %reduce_sum3A_137 = vector.multi_reduction <add>, %mul3A_135, %reduce_sum3A_136 [1] : vector<256x128xf32> to vector<256xf32>
    %swap3A_138 = arith.constant 3 : index
    %swap3A_139 = arith.constant 0 : index
    %swap3A_140 = arith.constant 0 : index
    %swap3A_141 = vector.load %arg5[%swap3A_138, %swap3A_139, %swap3A_140] : memref<8x256x144xf32, #tpu.memory_space<vmem>>, vector<1x256x128xf32>
    %swap3A_142 = vector.shape_cast %swap3A_141 : vector<1x256x128xf32> to vector<256x128xf32>
    %swap3A_143 = vector.shape_cast %slice3A_128 : vector<256x128xf32> to vector<1x256x128xf32>
    tpu.vector_store %arg5[%swap3A_138, %swap3A_139, %swap3A_140], %swap3A_143 {strides = array<i32>} : memref<8x256x144xf32, #tpu.memory_space<vmem>>, vector<1x256x128xf32>,
    %broadcast_in_dim3A_144 = vector.shape_cast %reduce_sum3A_137 : vector<256xf32> to vector<256x1xf32>
    %mul3A_145 = vector.broadcast %broadcast_in_dim3A_144 : vector<256x1xf32> to vector<256x16xf32>
    %mul3A_146 = arith.mulf %convert_element_type3A_13, %mul3A_145 : vector<256x16xf32>
    %add3A_147 = arith.addf %convert_element_type3A_8, %mul3A_146 : vector<256x16xf32>
    %swap3A_148 = arith.constant 3 : index
    %swap3A_149 = arith.constant 0 : index
    %swap3A_150 = arith.constant 128 : index
    %swap3A_151 = vector.load %arg5[%swap3A_148, %swap3A_149, %swap3A_150] : memref<8x256x144xf32, #tpu.memory_space<vmem>>, vector<1x256x16xf32>
    %swap3A_152 = vector.shape_cast %swap3A_151 : vector<1x256x16xf32> to vector<256x16xf32>
    %swap3A_153 = vector.shape_cast %add3A_147 : vector<256x16xf32> to vector<1x256x16xf32>
    tpu.vector_store %arg5[%swap3A_148, %swap3A_149, %swap3A_150], %swap3A_153 {strides = array<i32>} : memref<8x256x144xf32, #tpu.memory_space<vmem>>, vector<1x256x16xf32>,
    %get3A_154 = arith.constant 3 : index
    %get3A_155 = arith.constant 0 : index
    %get3A_156 = vector.load %arg4[%get3A_154, %get3A_155] : memref<8x128xf32, #tpu.memory_space<vmem>>, vector<1x128xf32>
    %get3A_157 = vector.shape_cast %get3A_156 : vector<1x128xf32> to vector<128xf32>
    %broadcast_in_dim3A_158 = vector.shape_cast %get3A_157 : vector<128xf32> to vector<1x128xf32>
    %mul3A_159 = vector.broadcast %broadcast_in_dim3A_158 : vector<1x128xf32> to vector<256x128xf32>
    %mul3A_160 = arith.mulf %slice3A_128, %mul3A_159 : vector<256x128xf32>
    %reduce_sum3A_161 = arith.constant dense<0.000000e+00> : vector<256xf32>
    %reduce_sum3A_162 = vector.multi_reduction <add>, %mul3A_160, %reduce_sum3A_161 [1] : vector<256x128xf32> to vector<256xf32>
    %swap3A_163 = arith.constant 3 : index
    %swap3A_164 = arith.constant 0 : index
    %swap3A_165 = vector.load %arg6[%swap3A_163, %swap3A_164] : memref<8x256xf32, #tpu.memory_space<vmem>>, vector<1x256xf32>
    %swap3A_166 = vector.shape_cast %swap3A_165 : vector<1x256xf32> to vector<256xf32>
    %swap3A_167 = vector.shape_cast %reduce_sum3A_162 : vector<256xf32> to vector<1x256xf32>
    tpu.vector_store %arg6[%swap3A_163, %swap3A_164], %swap3A_167 {strides = array<i32>} : memref<8x256xf32, #tpu.memory_space<vmem>>, vector<1x256xf32>,
    %slice3A_168 = vector.extract_strided_slice %dot_general3A_5 {offsets = [0, 512], sizes = [256, 128], strides = [1, 1]} : vector<256x1024xf32> to vector<256x128xf32>
    %get3A_169 = arith.constant 4 : index
    %get3A_170 = arith.constant 0 : index
    %get3A_171 = vector.load %arg3[%get3A_169, %get3A_170] : memref<8x128xf32, #tpu.memory_space<vmem>>, vector<1x128xf32>
    %get3A_172 = vector.shape_cast %get3A_171 : vector<1x128xf32> to vector<128xf32>
    %broadcast_in_dim3A_173 = vector.shape_cast %get3A_172 : vector<128xf32> to vector<1x128xf32>
    %mul3A_174 = vector.broadcast %broadcast_in_dim3A_173 : vector<1x128xf32> to vector<256x128xf32>
    %mul3A_175 = arith.mulf %slice3A_168, %mul3A_174 : vector<256x128xf32>
    %reduce_sum3A_176 = arith.constant dense<0.000000e+00> : vector<256xf32>
    %reduce_sum3A_177 = vector.multi_reduction <add>, %mul3A_175, %reduce_sum3A_176 [1] : vector<256x128xf32> to vector<256xf32>
    %swap3A_178 = arith.constant 4 : index
    %swap3A_179 = arith.constant 0 : index
    %swap3A_180 = arith.constant 0 : index
    %swap3A_181 = vector.load %arg5[%swap3A_178, %swap3A_179, %swap3A_180] : memref<8x256x144xf32, #tpu.memory_space<vmem>>, vector<1x256x128xf32>
    %swap3A_182 = vector.shape_cast %swap3A_181 : vector<1x256x128xf32> to vector<256x128xf32>
    %swap3A_183 = vector.shape_cast %slice3A_168 : vector<256x128xf32> to vector<1x256x128xf32>
    tpu.vector_store %arg5[%swap3A_178, %swap3A_179, %swap3A_180], %swap3A_183 {strides = array<i32>} : memref<8x256x144xf32, #tpu.memory_space<vmem>>, vector<1x256x128xf32>,
    %broadcast_in_dim3A_184 = vector.shape_cast %reduce_sum3A_177 : vector<256xf32> to vector<256x1xf32>
    %mul3A_185 = vector.broadcast %broadcast_in_dim3A_184 : vector<256x1xf32> to vector<256x16xf32>
    %mul3A_186 = arith.mulf %convert_element_type3A_13, %mul3A_185 : vector<256x16xf32>
    %add3A_187 = arith.addf %convert_element_type3A_8, %mul3A_186 : vector<256x16xf32>
    %swap3A_188 = arith.constant 4 : index
    %swap3A_189 = arith.constant 0 : index
    %swap3A_190 = arith.constant 128 : index
    %swap3A_191 = vector.load %arg5[%swap3A_188, %swap3A_189, %swap3A_190] : memref<8x256x144xf32, #tpu.memory_space<vmem>>, vector<1x256x16xf32>
    %swap3A_192 = vector.shape_cast %swap3A_191 : vector<1x256x16xf32> to vector<256x16xf32>
    %swap3A_193 = vector.shape_cast %add3A_187 : vector<256x16xf32> to vector<1x256x16xf32>
    tpu.vector_store %arg5[%swap3A_188, %swap3A_189, %swap3A_190], %swap3A_193 {strides = array<i32>} : memref<8x256x144xf32, #tpu.memory_space<vmem>>, vector<1x256x16xf32>,
    %get3A_194 = arith.constant 4 : index
    %get3A_195 = arith.constant 0 : index
    %get3A_196 = vector.load %arg4[%get3A_194, %get3A_195] : memref<8x128xf32, #tpu.memory_space<vmem>>, vector<1x128xf32>
    %get3A_197 = vector.shape_cast %get3A_196 : vector<1x128xf32> to vector<128xf32>
    %broadcast_in_dim3A_198 = vector.shape_cast %get3A_197 : vector<128xf32> to vector<1x128xf32>
    %mul3A_199 = vector.broadcast %broadcast_in_dim3A_198 : vector<1x128xf32> to vector<256x128xf32>
    %mul3A_200 = arith.mulf %slice3A_168, %mul3A_199 : vector<256x128xf32>
    %reduce_sum3A_201 = arith.constant dense<0.000000e+00> : vector<256xf32>
    %reduce_sum3A_202 = vector.multi_reduction <add>, %mul3A_200, %reduce_sum3A_201 [1] : vector<256x128xf32> to vector<256xf32>
    %swap3A_203 = arith.constant 4 : index
    %swap3A_204 = arith.constant 0 : index
    %swap3A_205 = vector.load %arg6[%swap3A_203, %swap3A_204] : memref<8x256xf32, #tpu.memory_space<vmem>>, vector<1x256xf32>
    %swap3A_206 = vector.shape_cast %swap3A_205 : vector<1x256xf32> to vector<256xf32>
    %swap3A_207 = vector.shape_cast %reduce_sum3A_202 : vector<256xf32> to vector<1x256xf32>
    tpu.vector_store %arg6[%swap3A_203, %swap3A_204], %swap3A_207 {strides = array<i32>} : memref<8x256xf32, #tpu.memory_space<vmem>>, vector<1x256xf32>,
    %slice3A_208 = vector.extract_strided_slice %dot_general3A_5 {offsets = [0, 640], sizes = [256, 128], strides = [1, 1]} : vector<256x1024xf32> to vector<256x128xf32>
    %get3A_209 = arith.constant 5 : index
    %get3A_210 = arith.constant 0 : index
    %get3A_211 = vector.load %arg3[%get3A_209, %get3A_210] : memref<8x128xf32, #tpu.memory_space<vmem>>, vector<1x128xf32>
    %get3A_212 = vector.shape_cast %get3A_211 : vector<1x128xf32> to vector<128xf32>
    %broadcast_in_dim3A_213 = vector.shape_cast %get3A_212 : vector<128xf32> to vector<1x128xf32>
    %mul3A_214 = vector.broadcast %broadcast_in_dim3A_213 : vector<1x128xf32> to vector<256x128xf32>
    %mul3A_215 = arith.mulf %slice3A_208, %mul3A_214 : vector<256x128xf32>
    %reduce_sum3A_216 = arith.constant dense<0.000000e+00> : vector<256xf32>
    %reduce_sum3A_217 = vector.multi_reduction <add>, %mul3A_215, %reduce_sum3A_216 [1] : vector<256x128xf32> to vector<256xf32>
    %swap3A_218 = arith.constant 5 : index
    %swap3A_219 = arith.constant 0 : index
    %swap3A_220 = arith.constant 0 : index
    %swap3A_221 = vector.load %arg5[%swap3A_218, %swap3A_219, %swap3A_220] : memref<8x256x144xf32, #tpu.memory_space<vmem>>, vector<1x256x128xf32>
    %swap3A_222 = vector.shape_cast %swap3A_221 : vector<1x256x128xf32> to vector<256x128xf32>
    %swap3A_223 = vector.shape_cast %slice3A_208 : vector<256x128xf32> to vector<1x256x128xf32>
    tpu.vector_store %arg5[%swap3A_218, %swap3A_219, %swap3A_220], %swap3A_223 {strides = array<i32>} : memref<8x256x144xf32, #tpu.memory_space<vmem>>, vector<1x256x128xf32>,
    %broadcast_in_dim3A_224 = vector.shape_cast %reduce_sum3A_217 : vector<256xf32> to vector<256x1xf32>
    %mul3A_225 = vector.broadcast %broadcast_in_dim3A_224 : vector<256x1xf32> to vector<256x16xf32>
    %mul3A_226 = arith.mulf %convert_element_type3A_13, %mul3A_225 : vector<256x16xf32>
    %add3A_227 = arith.addf %convert_element_type3A_8, %mul3A_226 : vector<256x16xf32>
    %swap3A_228 = arith.constant 5 : index
    %swap3A_229 = arith.constant 0 : index
    %swap3A_230 = arith.constant 128 : index
    %swap3A_231 = vector.load %arg5[%swap3A_228, %swap3A_229, %swap3A_230] : memref<8x256x144xf32, #tpu.memory_space<vmem>>, vector<1x256x16xf32>
    %swap3A_232 = vector.shape_cast %swap3A_231 : vector<1x256x16xf32> to vector<256x16xf32>
    %swap3A_233 = vector.shape_cast %add3A_227 : vector<256x16xf32> to vector<1x256x16xf32>
    tpu.vector_store %arg5[%swap3A_228, %swap3A_229, %swap3A_230], %swap3A_233 {strides = array<i32>} : memref<8x256x144xf32, #tpu.memory_space<vmem>>, vector<1x256x16xf32>,
    %get3A_234 = arith.constant 5 : index
    %get3A_235 = arith.constant 0 : index
    %get3A_236 = vector.load %arg4[%get3A_234, %get3A_235] : memref<8x128xf32, #tpu.memory_space<vmem>>, vector<1x128xf32>
    %get3A_237 = vector.shape_cast %get3A_236 : vector<1x128xf32> to vector<128xf32>
    %broadcast_in_dim3A_238 = vector.shape_cast %get3A_237 : vector<128xf32> to vector<1x128xf32>
    %mul3A_239 = vector.broadcast %broadcast_in_dim3A_238 : vector<1x128xf32> to vector<256x128xf32>
    %mul3A_240 = arith.mulf %slice3A_208, %mul3A_239 : vector<256x128xf32>
    %reduce_sum3A_241 = arith.constant dense<0.000000e+00> : vector<256xf32>
    %reduce_sum3A_242 = vector.multi_reduction <add>, %mul3A_240, %reduce_sum3A_241 [1] : vector<256x128xf32> to vector<256xf32>
    %swap3A_243 = arith.constant 5 : index
    %swap3A_244 = arith.constant 0 : index
    %swap3A_245 = vector.load %arg6[%swap3A_243, %swap3A_244] : memref<8x256xf32, #tpu.memory_space<vmem>>, vector<1x256xf32>
    %swap3A_246 = vector.shape_cast %swap3A_245 : vector<1x256xf32> to vector<256xf32>
    %swap3A_247 = vector.shape_cast %reduce_sum3A_242 : vector<256xf32> to vector<1x256xf32>
    tpu.vector_store %arg6[%swap3A_243, %swap3A_244], %swap3A_247 {strides = array<i32>} : memref<8x256xf32, #tpu.memory_space<vmem>>, vector<1x256xf32>,
    %slice3A_248 = vector.extract_strided_slice %dot_general3A_5 {offsets = [0, 768], sizes = [256, 128], strides = [1, 1]} : vector<256x1024xf32> to vector<256x128xf32>
    %get3A_249 = arith.constant 6 : index
    %get3A_250 = arith.constant 0 : index
    %get3A_251 = vector.load %arg3[%get3A_249, %get3A_250] : memref<8x128xf32, #tpu.memory_space<vmem>>, vector<1x128xf32>
    %get3A_252 = vector.shape_cast %get3A_251 : vector<1x128xf32> to vector<128xf32>
    %broadcast_in_dim3A_253 = vector.shape_cast %get3A_252 : vector<128xf32> to vector<1x128xf32>
    %mul3A_254 = vector.broadcast %broadcast_in_dim3A_253 : vector<1x128xf32> to vector<256x128xf32>
    %mul3A_255 = arith.mulf %slice3A_248, %mul3A_254 : vector<256x128xf32>
    %reduce_sum3A_256 = arith.constant dense<0.000000e+00> : vector<256xf32>
    %reduce_sum3A_257 = vector.multi_reduction <add>, %mul3A_255, %reduce_sum3A_256 [1] : vector<256x128xf32> to vector<256xf32>
    %swap3A_258 = arith.constant 6 : index
    %swap3A_259 = arith.constant 0 : index
    %swap3A_260 = arith.constant 0 : index
    %swap3A_261 = vector.load %arg5[%swap3A_258, %swap3A_259, %swap3A_260] : memref<8x256x144xf32, #tpu.memory_space<vmem>>, vector<1x256x128xf32>
    %swap3A_262 = vector.shape_cast %swap3A_261 : vector<1x256x128xf32> to vector<256x128xf32>
    %swap3A_263 = vector.shape_cast %slice3A_248 : vector<256x128xf32> to vector<1x256x128xf32>
    tpu.vector_store %arg5[%swap3A_258, %swap3A_259, %swap3A_260], %swap3A_263 {strides = array<i32>} : memref<8x256x144xf32, #tpu.memory_space<vmem>>, vector<1x256x128xf32>,
    %broadcast_in_dim3A_264 = vector.shape_cast %reduce_sum3A_257 : vector<256xf32> to vector<256x1xf32>
    %mul3A_265 = vector.broadcast %broadcast_in_dim3A_264 : vector<256x1xf32> to vector<256x16xf32>
    %mul3A_266 = arith.mulf %convert_element_type3A_13, %mul3A_265 : vector<256x16xf32>
    %add3A_267 = arith.addf %convert_element_type3A_8, %mul3A_266 : vector<256x16xf32>
    %swap3A_268 = arith.constant 6 : index
    %swap3A_269 = arith.constant 0 : index
    %swap3A_270 = arith.constant 128 : index
    %swap3A_271 = vector.load %arg5[%swap3A_268, %swap3A_269, %swap3A_270] : memref<8x256x144xf32, #tpu.memory_space<vmem>>, vector<1x256x16xf32>
    %swap3A_272 = vector.shape_cast %swap3A_271 : vector<1x256x16xf32> to vector<256x16xf32>
    %swap3A_273 = vector.shape_cast %add3A_267 : vector<256x16xf32> to vector<1x256x16xf32>
    tpu.vector_store %arg5[%swap3A_268, %swap3A_269, %swap3A_270], %swap3A_273 {strides = array<i32>} : memref<8x256x144xf32, #tpu.memory_space<vmem>>, vector<1x256x16xf32>,
    %get3A_274 = arith.constant 6 : index
    %get3A_275 = arith.constant 0 : index
    %get3A_276 = vector.load %arg4[%get3A_274, %get3A_275] : memref<8x128xf32, #tpu.memory_space<vmem>>, vector<1x128xf32>
    %get3A_277 = vector.shape_cast %get3A_276 : vector<1x128xf32> to vector<128xf32>
    %broadcast_in_dim3A_278 = vector.shape_cast %get3A_277 : vector<128xf32> to vector<1x128xf32>
    %mul3A_279 = vector.broadcast %broadcast_in_dim3A_278 : vector<1x128xf32> to vector<256x128xf32>
    %mul3A_280 = arith.mulf %slice3A_248, %mul3A_279 : vector<256x128xf32>
    %reduce_sum3A_281 = arith.constant dense<0.000000e+00> : vector<256xf32>
    %reduce_sum3A_282 = vector.multi_reduction <add>, %mul3A_280, %reduce_sum3A_281 [1] : vector<256x128xf32> to vector<256xf32>
    %swap3A_283 = arith.constant 6 : index
    %swap3A_284 = arith.constant 0 : index
    %swap3A_285 = vector.load %arg6[%swap3A_283, %swap3A_284] : memref<8x256xf32, #tpu.memory_space<vmem>>, vector<1x256xf32>
    %swap3A_286 = vector.shape_cast %swap3A_285 : vector<1x256xf32> to vector<256xf32>
    %swap3A_287 = vector.shape_cast %reduce_sum3A_282 : vector<256xf32> to vector<1x256xf32>
    tpu.vector_store %arg6[%swap3A_283, %swap3A_284], %swap3A_287 {strides = array<i32>} : memref<8x256xf32, #tpu.memory_space<vmem>>, vector<1x256xf32>,
    %slice3A_288 = vector.extract_strided_slice %dot_general3A_5 {offsets = [0, 896], sizes = [256, 128], strides = [1, 1]} : vector<256x1024xf32> to vector<256x128xf32>
    %get3A_289 = arith.constant 7 : index
    %get3A_290 = arith.constant 0 : index
    %get3A_291 = vector.load %arg3[%get3A_289, %get3A_290] : memref<8x128xf32, #tpu.memory_space<vmem>>, vector<1x128xf32>
    %get3A_292 = vector.shape_cast %get3A_291 : vector<1x128xf32> to vector<128xf32>
    %broadcast_in_dim3A_293 = vector.shape_cast %get3A_292 : vector<128xf32> to vector<1x128xf32>
    %mul3A_294 = vector.broadcast %broadcast_in_dim3A_293 : vector<1x128xf32> to vector<256x128xf32>
    %mul3A_295 = arith.mulf %slice3A_288, %mul3A_294 : vector<256x128xf32>
    %reduce_sum3A_296 = arith.constant dense<0.000000e+00> : vector<256xf32>
    %reduce_sum3A_297 = vector.multi_reduction <add>, %mul3A_295, %reduce_sum3A_296 [1] : vector<256x128xf32> to vector<256xf32>
    %swap3A_298 = arith.constant 7 : index
    %swap3A_299 = arith.constant 0 : index
    %swap3A_300 = arith.constant 0 : index
    %swap3A_301 = vector.load %arg5[%swap3A_298, %swap3A_299, %swap3A_300] : memref<8x256x144xf32, #tpu.memory_space<vmem>>, vector<1x256x128xf32>
    %swap3A_302 = vector.shape_cast %swap3A_301 : vector<1x256x128xf32> to vector<256x128xf32>
    %swap3A_303 = vector.shape_cast %slice3A_288 : vector<256x128xf32> to vector<1x256x128xf32>
    tpu.vector_store %arg5[%swap3A_298, %swap3A_299, %swap3A_300], %swap3A_303 {strides = array<i32>} : memref<8x256x144xf32, #tpu.memory_space<vmem>>, vector<1x256x128xf32>,
    %broadcast_in_dim3A_304 = vector.shape_cast %reduce_sum3A_297 : vector<256xf32> to vector<256x1xf32>
    %mul3A_305 = vector.broadcast %broadcast_in_dim3A_304 : vector<256x1xf32> to vector<256x16xf32>
    %mul3A_306 = arith.mulf %convert_element_type3A_13, %mul3A_305 : vector<256x16xf32>
    %add3A_307 = arith.addf %convert_element_type3A_8, %mul3A_306 : vector<256x16xf32>
    %swap3A_308 = arith.constant 7 : index
    %swap3A_309 = arith.constant 0 : index
    %swap3A_310 = arith.constant 128 : index
    %swap3A_311 = vector.load %arg5[%swap3A_308, %swap3A_309, %swap3A_310] : memref<8x256x144xf32, #tpu.memory_space<vmem>>, vector<1x256x16xf32>
    %swap3A_312 = vector.shape_cast %swap3A_311 : vector<1x256x16xf32> to vector<256x16xf32>
    %swap3A_313 = vector.shape_cast %add3A_307 : vector<256x16xf32> to vector<1x256x16xf32>
    tpu.vector_store %arg5[%swap3A_308, %swap3A_309, %swap3A_310], %swap3A_313 {strides = array<i32>} : memref<8x256x144xf32, #tpu.memory_space<vmem>>, vector<1x256x16xf32>,
    %get3A_314 = arith.constant 7 : index
    %get3A_315 = arith.constant 0 : index
    %get3A_316 = vector.load %arg4[%get3A_314, %get3A_315] : memref<8x128xf32, #tpu.memory_space<vmem>>, vector<1x128xf32>
    %get3A_317 = vector.shape_cast %get3A_316 : vector<1x128xf32> to vector<128xf32>
    %broadcast_in_dim3A_318 = vector.shape_cast %get3A_317 : vector<128xf32> to vector<1x128xf32>
    %mul3A_319 = vector.broadcast %broadcast_in_dim3A_318 : vector<1x128xf32> to vector<256x128xf32>
    %mul3A_320 = arith.mulf %slice3A_288, %mul3A_319 : vector<256x128xf32>
    %reduce_sum3A_321 = arith.constant dense<0.000000e+00> : vector<256xf32>
    %reduce_sum3A_322 = vector.multi_reduction <add>, %mul3A_320, %reduce_sum3A_321 [1] : vector<256x128xf32> to vector<256xf32>
    %swap3A_323 = arith.constant 7 : index
    %swap3A_324 = arith.constant 0 : index
    %swap3A_325 = vector.load %arg6[%swap3A_323, %swap3A_324] : memref<8x256xf32, #tpu.memory_space<vmem>>, vector<1x256xf32>
    %swap3A_326 = vector.shape_cast %swap3A_325 : vector<1x256xf32> to vector<256xf32>
    %swap3A_327 = vector.shape_cast %reduce_sum3A_322 : vector<256xf32> to vector<1x256xf32>
    tpu.vector_store %arg6[%swap3A_323, %swap3A_324], %swap3A_327 {strides = array<i32>} : memref<8x256xf32, #tpu.memory_space<vmem>>, vector<1x256xf32>,
    return
  }
  func.func @transform_0(%arg0: i32) -> (i32, i32) {
    %c0_i32 = arith.constant 0 : i32
    %c0_i32_0 = arith.constant 0 : i32
    return %arg0, %c0_i32 : i32, i32
  }
  func.func @transform_1(%arg0: i32) -> (i32, i32) {
    %c0_i32 = arith.constant 0 : i32
    %c0_i32_0 = arith.constant 0 : i32
    %c0_i32_1 = arith.constant 0 : i32
    return %c0_i32, %c0_i32_0 : i32, i32
  }
  func.func @transform_2(%arg0: i32) -> (i32, i32) {
    %c0_i32 = arith.constant 0 : i32
    %c0_i32_0 = arith.constant 0 : i32
    %c0_i32_1 = arith.constant 0 : i32
    return %c0_i32, %c0_i32_0 : i32, i32
  }
  func.func @transform_3(%arg0: i32) -> (i32, i32) {
    %c0_i32 = arith.constant 0 : i32
    %c0_i32_0 = arith.constant 0 : i32
    %c0_i32_1 = arith.constant 0 : i32
    return %c0_i32, %c0_i32_0 : i32, i32
  }
  func.func @transform_4(%arg0: i32) -> (i32, i32, i32) {
    %c0_i32 = arith.constant 0 : i32
    %c0_i32_0 = arith.constant 0 : i32
    %c0_i32_1 = arith.constant 0 : i32
    return %c0_i32, %arg0, %c0_i32_0 : i32, i32, i32
  }
  func.func @transform_5(%arg0: i32) -> (i32, i32) {
    %c0_i32 = arith.constant 0 : i32
    %c0_i32_0 = arith.constant 0 : i32
    return %c0_i32, %arg0 : i32, i32
  }
}

module attributes {stable_mosaic.version = 14 : i64} {
  func.func @_c_body(%arg0: i32, %arg1: memref<8x256x144xf32, #tpu.memory_space<vmem>>, %arg2: memref<1024x128xf32, #tpu.memory_space<vmem>>, %arg3: memref<1x1024xf32, #tpu.memory_space<vmem>>, %arg4: memref<1x128xf32, #tpu.memory_space<vmem>>, %arg5: memref<1x128xf32, #tpu.memory_space<vmem>>, %arg6: memref<256x144xf32, #tpu.memory_space<vmem>>, %arg7: memref<2x256xf32, #tpu.memory_space<vmem>>) attributes {dimension_semantics = [#tpu.dimension_semantics<arbitrary>], iteration_bounds = array<i64: 40>, scalar_prefetch = 0 : i64, scratch_operands = 0 : i64, tpu.core_type = #tpu.core_type<tc>, window_params = [{transform_indices = @transform_0, window_bounds = array<i64: 8, 256, 144>}, {pipeline_mode = #tpu.pipeline_mode<synchronous>, transform_indices = @transform_1, window_bounds = array<i64: 1024, 128>}, {pipeline_mode = #tpu.pipeline_mode<synchronous>, transform_indices = @transform_2, window_bounds = array<i64: 1, 1024>}, {pipeline_mode = #tpu.pipeline_mode<synchronous>, transform_indices = @transform_3, window_bounds = array<i64: 1, 128>}, {pipeline_mode = #tpu.pipeline_mode<synchronous>, transform_indices = @transform_4, window_bounds = array<i64: 1, 128>}, {transform_indices = @transform_5, window_bounds = array<i64: 256, 144>}, {transform_indices = @transform_6, window_bounds = array<i64: 2, 256>}]} {
    %broadcast_in_dim3A = arith.constant 0.000000e+00 : f32
    %broadcast_in_dim3A_0 = vector.broadcast %broadcast_in_dim3A : f32 to vector<256x128xf32>
    %get3A = arith.constant 0 : index
    %get3A_1 = arith.constant 0 : index
    %get3A_2 = arith.constant 0 : index
    %get3A_3 = vector.load %arg1[%get3A, %get3A_1, %get3A_2] : memref<8x256x144xf32, #tpu.memory_space<vmem>>, vector<1x256x128xf32>
    %get3A_4 = vector.shape_cast %get3A_3 : vector<1x256x128xf32> to vector<256x128xf32>
    %get3A_5 = arith.constant 0 : index
    %get3A_6 = arith.constant 0 : index
    %get3A_7 = arith.constant 128 : index
    %get3A_8 = vector.load %arg1[%get3A_5, %get3A_6, %get3A_7] : memref<8x256x144xf32, #tpu.memory_space<vmem>>, vector<1x256x1xf32>
    %get3A_9 = vector.shape_cast %get3A_8 : vector<1x256x1xf32> to vector<256x1xf32>
    %add3A = arith.constant 1.000000e-16 : f32
    %add3A_10 = vector.broadcast %add3A : f32 to vector<256x1xf32>
    %add3A_11 = arith.addf %get3A_9, %add3A_10 : vector<256x1xf32>
    %div3A = vector.broadcast %add3A_11 : vector<256x1xf32> to vector<256x128xf32>
    %div3A_12 = arith.divf %get3A_4, %div3A : vector<256x128xf32>
    %get3A_13 = arith.constant 0 : index
    %get3A_14 = arith.constant 0 : index
    %get3A_15 = vector.load %arg3[%get3A_13, %get3A_14] : memref<1x1024xf32, #tpu.memory_space<vmem>>, vector<1x128xf32>
    %get3A_16 = vector.shape_cast %get3A_15 : vector<1x128xf32> to vector<128xf32>
    %broadcast_in_dim3A_17 = vector.shape_cast %get3A_16 : vector<128xf32> to vector<1x128xf32>
    %add3A_18 = vector.broadcast %broadcast_in_dim3A_17 : vector<1x128xf32> to vector<256x128xf32>
    %add3A_19 = arith.addf %div3A_12, %add3A_18 : vector<256x128xf32>
    %max3A = arith.constant 0.000000e+00 : f32
    %max3A_20 = vector.broadcast %max3A : f32 to vector<256x128xf32>
    %max3A_21 = arith.maximumf %add3A_19, %max3A_20 : vector<256x128xf32>
    %get3A_22 = arith.constant 0 : index
    %get3A_23 = arith.constant 0 : index
    %get3A_24 = vector.load %arg2[%get3A_22, %get3A_23] : memref<1024x128xf32, #tpu.memory_space<vmem>>, vector<128x128xf32>
    %dot_general3A = arith.constant dense<0.000000e+00> : vector<256x128xf32>
    %dot_general3A_25 = tpu.matmul %max3A_21, %get3A_24, %dot_general3A {dimension_numbers = #tpu.dot_dimension_numbers<[1], [0], [0], [1], [0, 0, 1, 1], [], []>, transpose_lhs_hint = false} : vector<256x128xf32>, vector<128x128xf32>, vector<256x128xf32> -> vector<256x128xf32>
    %add3A_26 = arith.addf %broadcast_in_dim3A_0, %dot_general3A_25 : vector<256x128xf32>
    %get3A_27 = arith.constant 1 : index
    %get3A_28 = arith.constant 0 : index
    %get3A_29 = arith.constant 0 : index
    %get3A_30 = vector.load %arg1[%get3A_27, %get3A_28, %get3A_29] : memref<8x256x144xf32, #tpu.memory_space<vmem>>, vector<1x256x128xf32>
    %get3A_31 = vector.shape_cast %get3A_30 : vector<1x256x128xf32> to vector<256x128xf32>
    %get3A_32 = arith.constant 1 : index
    %get3A_33 = arith.constant 0 : index
    %get3A_34 = arith.constant 128 : index
    %get3A_35 = vector.load %arg1[%get3A_32, %get3A_33, %get3A_34] : memref<8x256x144xf32, #tpu.memory_space<vmem>>, vector<1x256x1xf32>
    %get3A_36 = vector.shape_cast %get3A_35 : vector<1x256x1xf32> to vector<256x1xf32>
    %add3A_37 = arith.constant 1.000000e-16 : f32
    %add3A_38 = vector.broadcast %add3A_37 : f32 to vector<256x1xf32>
    %add3A_39 = arith.addf %get3A_36, %add3A_38 : vector<256x1xf32>
    %div3A_40 = vector.broadcast %add3A_39 : vector<256x1xf32> to vector<256x128xf32>
    %div3A_41 = arith.divf %get3A_31, %div3A_40 : vector<256x128xf32>
    %get3A_42 = arith.constant 0 : index
    %get3A_43 = arith.constant 128 : index
    %get3A_44 = vector.load %arg3[%get3A_42, %get3A_43] : memref<1x1024xf32, #tpu.memory_space<vmem>>, vector<1x128xf32>
    %get3A_45 = vector.shape_cast %get3A_44 : vector<1x128xf32> to vector<128xf32>
    %broadcast_in_dim3A_46 = vector.shape_cast %get3A_45 : vector<128xf32> to vector<1x128xf32>
    %add3A_47 = vector.broadcast %broadcast_in_dim3A_46 : vector<1x128xf32> to vector<256x128xf32>
    %add3A_48 = arith.addf %div3A_41, %add3A_47 : vector<256x128xf32>
    %max3A_49 = arith.constant 0.000000e+00 : f32
    %max3A_50 = vector.broadcast %max3A_49 : f32 to vector<256x128xf32>
    %max3A_51 = arith.maximumf %add3A_48, %max3A_50 : vector<256x128xf32>
    %get3A_52 = arith.constant 128 : index
    %get3A_53 = arith.constant 0 : index
    %get3A_54 = vector.load %arg2[%get3A_52, %get3A_53] : memref<1024x128xf32, #tpu.memory_space<vmem>>, vector<128x128xf32>
    %dot_general3A_55 = arith.constant dense<0.000000e+00> : vector<256x128xf32>
    %dot_general3A_56 = tpu.matmul %max3A_51, %get3A_54, %dot_general3A_55 {dimension_numbers = #tpu.dot_dimension_numbers<[1], [0], [0], [1], [0, 0, 1, 1], [], []>, transpose_lhs_hint = false} : vector<256x128xf32>, vector<128x128xf32>, vector<256x128xf32> -> vector<256x128xf32>
    %add3A_57 = arith.addf %add3A_26, %dot_general3A_56 : vector<256x128xf32>
    %get3A_58 = arith.constant 2 : index
    %get3A_59 = arith.constant 0 : index
    %get3A_60 = arith.constant 0 : index
    %get3A_61 = vector.load %arg1[%get3A_58, %get3A_59, %get3A_60] : memref<8x256x144xf32, #tpu.memory_space<vmem>>, vector<1x256x128xf32>
    %get3A_62 = vector.shape_cast %get3A_61 : vector<1x256x128xf32> to vector<256x128xf32>
    %get3A_63 = arith.constant 2 : index
    %get3A_64 = arith.constant 0 : index
    %get3A_65 = arith.constant 128 : index
    %get3A_66 = vector.load %arg1[%get3A_63, %get3A_64, %get3A_65] : memref<8x256x144xf32, #tpu.memory_space<vmem>>, vector<1x256x1xf32>
    %get3A_67 = vector.shape_cast %get3A_66 : vector<1x256x1xf32> to vector<256x1xf32>
    %add3A_68 = arith.constant 1.000000e-16 : f32
    %add3A_69 = vector.broadcast %add3A_68 : f32 to vector<256x1xf32>
    %add3A_70 = arith.addf %get3A_67, %add3A_69 : vector<256x1xf32>
    %div3A_71 = vector.broadcast %add3A_70 : vector<256x1xf32> to vector<256x128xf32>
    %div3A_72 = arith.divf %get3A_62, %div3A_71 : vector<256x128xf32>
    %get3A_73 = arith.constant 0 : index
    %get3A_74 = arith.constant 256 : index
    %get3A_75 = vector.load %arg3[%get3A_73, %get3A_74] : memref<1x1024xf32, #tpu.memory_space<vmem>>, vector<1x128xf32>
    %get3A_76 = vector.shape_cast %get3A_75 : vector<1x128xf32> to vector<128xf32>
    %broadcast_in_dim3A_77 = vector.shape_cast %get3A_76 : vector<128xf32> to vector<1x128xf32>
    %add3A_78 = vector.broadcast %broadcast_in_dim3A_77 : vector<1x128xf32> to vector<256x128xf32>
    %add3A_79 = arith.addf %div3A_72, %add3A_78 : vector<256x128xf32>
    %max3A_80 = arith.constant 0.000000e+00 : f32
    %max3A_81 = vector.broadcast %max3A_80 : f32 to vector<256x128xf32>
    %max3A_82 = arith.maximumf %add3A_79, %max3A_81 : vector<256x128xf32>
    %get3A_83 = arith.constant 256 : index
    %get3A_84 = arith.constant 0 : index
    %get3A_85 = vector.load %arg2[%get3A_83, %get3A_84] : memref<1024x128xf32, #tpu.memory_space<vmem>>, vector<128x128xf32>
    %dot_general3A_86 = arith.constant dense<0.000000e+00> : vector<256x128xf32>
    %dot_general3A_87 = tpu.matmul %max3A_82, %get3A_85, %dot_general3A_86 {dimension_numbers = #tpu.dot_dimension_numbers<[1], [0], [0], [1], [0, 0, 1, 1], [], []>, transpose_lhs_hint = false} : vector<256x128xf32>, vector<128x128xf32>, vector<256x128xf32> -> vector<256x128xf32>
    %add3A_88 = arith.addf %add3A_57, %dot_general3A_87 : vector<256x128xf32>
    %get3A_89 = arith.constant 3 : index
    %get3A_90 = arith.constant 0 : index
    %get3A_91 = arith.constant 0 : index
    %get3A_92 = vector.load %arg1[%get3A_89, %get3A_90, %get3A_91] : memref<8x256x144xf32, #tpu.memory_space<vmem>>, vector<1x256x128xf32>
    %get3A_93 = vector.shape_cast %get3A_92 : vector<1x256x128xf32> to vector<256x128xf32>
    %get3A_94 = arith.constant 3 : index
    %get3A_95 = arith.constant 0 : index
    %get3A_96 = arith.constant 128 : index
    %get3A_97 = vector.load %arg1[%get3A_94, %get3A_95, %get3A_96] : memref<8x256x144xf32, #tpu.memory_space<vmem>>, vector<1x256x1xf32>
    %get3A_98 = vector.shape_cast %get3A_97 : vector<1x256x1xf32> to vector<256x1xf32>
    %add3A_99 = arith.constant 1.000000e-16 : f32
    %add3A_100 = vector.broadcast %add3A_99 : f32 to vector<256x1xf32>
    %add3A_101 = arith.addf %get3A_98, %add3A_100 : vector<256x1xf32>
    %div3A_102 = vector.broadcast %add3A_101 : vector<256x1xf32> to vector<256x128xf32>
    %div3A_103 = arith.divf %get3A_93, %div3A_102 : vector<256x128xf32>
    %get3A_104 = arith.constant 0 : index
    %get3A_105 = arith.constant 384 : index
    %get3A_106 = vector.load %arg3[%get3A_104, %get3A_105] : memref<1x1024xf32, #tpu.memory_space<vmem>>, vector<1x128xf32>
    %get3A_107 = vector.shape_cast %get3A_106 : vector<1x128xf32> to vector<128xf32>
    %broadcast_in_dim3A_108 = vector.shape_cast %get3A_107 : vector<128xf32> to vector<1x128xf32>
    %add3A_109 = vector.broadcast %broadcast_in_dim3A_108 : vector<1x128xf32> to vector<256x128xf32>
    %add3A_110 = arith.addf %div3A_103, %add3A_109 : vector<256x128xf32>
    %max3A_111 = arith.constant 0.000000e+00 : f32
    %max3A_112 = vector.broadcast %max3A_111 : f32 to vector<256x128xf32>
    %max3A_113 = arith.maximumf %add3A_110, %max3A_112 : vector<256x128xf32>
    %get3A_114 = arith.constant 384 : index
    %get3A_115 = arith.constant 0 : index
    %get3A_116 = vector.load %arg2[%get3A_114, %get3A_115] : memref<1024x128xf32, #tpu.memory_space<vmem>>, vector<128x128xf32>
    %dot_general3A_117 = arith.constant dense<0.000000e+00> : vector<256x128xf32>
    %dot_general3A_118 = tpu.matmul %max3A_113, %get3A_116, %dot_general3A_117 {dimension_numbers = #tpu.dot_dimension_numbers<[1], [0], [0], [1], [0, 0, 1, 1], [], []>, transpose_lhs_hint = false} : vector<256x128xf32>, vector<128x128xf32>, vector<256x128xf32> -> vector<256x128xf32>
    %add3A_119 = arith.addf %add3A_88, %dot_general3A_118 : vector<256x128xf32>
    %get3A_120 = arith.constant 4 : index
    %get3A_121 = arith.constant 0 : index
    %get3A_122 = arith.constant 0 : index
    %get3A_123 = vector.load %arg1[%get3A_120, %get3A_121, %get3A_122] : memref<8x256x144xf32, #tpu.memory_space<vmem>>, vector<1x256x128xf32>
    %get3A_124 = vector.shape_cast %get3A_123 : vector<1x256x128xf32> to vector<256x128xf32>
    %get3A_125 = arith.constant 4 : index
    %get3A_126 = arith.constant 0 : index
    %get3A_127 = arith.constant 128 : index
    %get3A_128 = vector.load %arg1[%get3A_125, %get3A_126, %get3A_127] : memref<8x256x144xf32, #tpu.memory_space<vmem>>, vector<1x256x1xf32>
    %get3A_129 = vector.shape_cast %get3A_128 : vector<1x256x1xf32> to vector<256x1xf32>
    %add3A_130 = arith.constant 1.000000e-16 : f32
    %add3A_131 = vector.broadcast %add3A_130 : f32 to vector<256x1xf32>
    %add3A_132 = arith.addf %get3A_129, %add3A_131 : vector<256x1xf32>
    %div3A_133 = vector.broadcast %add3A_132 : vector<256x1xf32> to vector<256x128xf32>
    %div3A_134 = arith.divf %get3A_124, %div3A_133 : vector<256x128xf32>
    %get3A_135 = arith.constant 0 : index
    %get3A_136 = arith.constant 512 : index
    %get3A_137 = vector.load %arg3[%get3A_135, %get3A_136] : memref<1x1024xf32, #tpu.memory_space<vmem>>, vector<1x128xf32>
    %get3A_138 = vector.shape_cast %get3A_137 : vector<1x128xf32> to vector<128xf32>
    %broadcast_in_dim3A_139 = vector.shape_cast %get3A_138 : vector<128xf32> to vector<1x128xf32>
    %add3A_140 = vector.broadcast %broadcast_in_dim3A_139 : vector<1x128xf32> to vector<256x128xf32>
    %add3A_141 = arith.addf %div3A_134, %add3A_140 : vector<256x128xf32>
    %max3A_142 = arith.constant 0.000000e+00 : f32
    %max3A_143 = vector.broadcast %max3A_142 : f32 to vector<256x128xf32>
    %max3A_144 = arith.maximumf %add3A_141, %max3A_143 : vector<256x128xf32>
    %get3A_145 = arith.constant 512 : index
    %get3A_146 = arith.constant 0 : index
    %get3A_147 = vector.load %arg2[%get3A_145, %get3A_146] : memref<1024x128xf32, #tpu.memory_space<vmem>>, vector<128x128xf32>
    %dot_general3A_148 = arith.constant dense<0.000000e+00> : vector<256x128xf32>
    %dot_general3A_149 = tpu.matmul %max3A_144, %get3A_147, %dot_general3A_148 {dimension_numbers = #tpu.dot_dimension_numbers<[1], [0], [0], [1], [0, 0, 1, 1], [], []>, transpose_lhs_hint = false} : vector<256x128xf32>, vector<128x128xf32>, vector<256x128xf32> -> vector<256x128xf32>
    %add3A_150 = arith.addf %add3A_119, %dot_general3A_149 : vector<256x128xf32>
    %get3A_151 = arith.constant 5 : index
    %get3A_152 = arith.constant 0 : index
    %get3A_153 = arith.constant 0 : index
    %get3A_154 = vector.load %arg1[%get3A_151, %get3A_152, %get3A_153] : memref<8x256x144xf32, #tpu.memory_space<vmem>>, vector<1x256x128xf32>
    %get3A_155 = vector.shape_cast %get3A_154 : vector<1x256x128xf32> to vector<256x128xf32>
    %get3A_156 = arith.constant 5 : index
    %get3A_157 = arith.constant 0 : index
    %get3A_158 = arith.constant 128 : index
    %get3A_159 = vector.load %arg1[%get3A_156, %get3A_157, %get3A_158] : memref<8x256x144xf32, #tpu.memory_space<vmem>>, vector<1x256x1xf32>
    %get3A_160 = vector.shape_cast %get3A_159 : vector<1x256x1xf32> to vector<256x1xf32>
    %add3A_161 = arith.constant 1.000000e-16 : f32
    %add3A_162 = vector.broadcast %add3A_161 : f32 to vector<256x1xf32>
    %add3A_163 = arith.addf %get3A_160, %add3A_162 : vector<256x1xf32>
    %div3A_164 = vector.broadcast %add3A_163 : vector<256x1xf32> to vector<256x128xf32>
    %div3A_165 = arith.divf %get3A_155, %div3A_164 : vector<256x128xf32>
    %get3A_166 = arith.constant 0 : index
    %get3A_167 = arith.constant 640 : index
    %get3A_168 = vector.load %arg3[%get3A_166, %get3A_167] : memref<1x1024xf32, #tpu.memory_space<vmem>>, vector<1x128xf32>
    %get3A_169 = vector.shape_cast %get3A_168 : vector<1x128xf32> to vector<128xf32>
    %broadcast_in_dim3A_170 = vector.shape_cast %get3A_169 : vector<128xf32> to vector<1x128xf32>
    %add3A_171 = vector.broadcast %broadcast_in_dim3A_170 : vector<1x128xf32> to vector<256x128xf32>
    %add3A_172 = arith.addf %div3A_165, %add3A_171 : vector<256x128xf32>
    %max3A_173 = arith.constant 0.000000e+00 : f32
    %max3A_174 = vector.broadcast %max3A_173 : f32 to vector<256x128xf32>
    %max3A_175 = arith.maximumf %add3A_172, %max3A_174 : vector<256x128xf32>
    %get3A_176 = arith.constant 640 : index
    %get3A_177 = arith.constant 0 : index
    %get3A_178 = vector.load %arg2[%get3A_176, %get3A_177] : memref<1024x128xf32, #tpu.memory_space<vmem>>, vector<128x128xf32>
    %dot_general3A_179 = arith.constant dense<0.000000e+00> : vector<256x128xf32>
    %dot_general3A_180 = tpu.matmul %max3A_175, %get3A_178, %dot_general3A_179 {dimension_numbers = #tpu.dot_dimension_numbers<[1], [0], [0], [1], [0, 0, 1, 1], [], []>, transpose_lhs_hint = false} : vector<256x128xf32>, vector<128x128xf32>, vector<256x128xf32> -> vector<256x128xf32>
    %add3A_181 = arith.addf %add3A_150, %dot_general3A_180 : vector<256x128xf32>
    %get3A_182 = arith.constant 6 : index
    %get3A_183 = arith.constant 0 : index
    %get3A_184 = arith.constant 0 : index
    %get3A_185 = vector.load %arg1[%get3A_182, %get3A_183, %get3A_184] : memref<8x256x144xf32, #tpu.memory_space<vmem>>, vector<1x256x128xf32>
    %get3A_186 = vector.shape_cast %get3A_185 : vector<1x256x128xf32> to vector<256x128xf32>
    %get3A_187 = arith.constant 6 : index
    %get3A_188 = arith.constant 0 : index
    %get3A_189 = arith.constant 128 : index
    %get3A_190 = vector.load %arg1[%get3A_187, %get3A_188, %get3A_189] : memref<8x256x144xf32, #tpu.memory_space<vmem>>, vector<1x256x1xf32>
    %get3A_191 = vector.shape_cast %get3A_190 : vector<1x256x1xf32> to vector<256x1xf32>
    %add3A_192 = arith.constant 1.000000e-16 : f32
    %add3A_193 = vector.broadcast %add3A_192 : f32 to vector<256x1xf32>
    %add3A_194 = arith.addf %get3A_191, %add3A_193 : vector<256x1xf32>
    %div3A_195 = vector.broadcast %add3A_194 : vector<256x1xf32> to vector<256x128xf32>
    %div3A_196 = arith.divf %get3A_186, %div3A_195 : vector<256x128xf32>
    %get3A_197 = arith.constant 0 : index
    %get3A_198 = arith.constant 768 : index
    %get3A_199 = vector.load %arg3[%get3A_197, %get3A_198] : memref<1x1024xf32, #tpu.memory_space<vmem>>, vector<1x128xf32>
    %get3A_200 = vector.shape_cast %get3A_199 : vector<1x128xf32> to vector<128xf32>
    %broadcast_in_dim3A_201 = vector.shape_cast %get3A_200 : vector<128xf32> to vector<1x128xf32>
    %add3A_202 = vector.broadcast %broadcast_in_dim3A_201 : vector<1x128xf32> to vector<256x128xf32>
    %add3A_203 = arith.addf %div3A_196, %add3A_202 : vector<256x128xf32>
    %max3A_204 = arith.constant 0.000000e+00 : f32
    %max3A_205 = vector.broadcast %max3A_204 : f32 to vector<256x128xf32>
    %max3A_206 = arith.maximumf %add3A_203, %max3A_205 : vector<256x128xf32>
    %get3A_207 = arith.constant 768 : index
    %get3A_208 = arith.constant 0 : index
    %get3A_209 = vector.load %arg2[%get3A_207, %get3A_208] : memref<1024x128xf32, #tpu.memory_space<vmem>>, vector<128x128xf32>
    %dot_general3A_210 = arith.constant dense<0.000000e+00> : vector<256x128xf32>
    %dot_general3A_211 = tpu.matmul %max3A_206, %get3A_209, %dot_general3A_210 {dimension_numbers = #tpu.dot_dimension_numbers<[1], [0], [0], [1], [0, 0, 1, 1], [], []>, transpose_lhs_hint = false} : vector<256x128xf32>, vector<128x128xf32>, vector<256x128xf32> -> vector<256x128xf32>
    %add3A_212 = arith.addf %add3A_181, %dot_general3A_211 : vector<256x128xf32>
    %get3A_213 = arith.constant 7 : index
    %get3A_214 = arith.constant 0 : index
    %get3A_215 = arith.constant 0 : index
    %get3A_216 = vector.load %arg1[%get3A_213, %get3A_214, %get3A_215] : memref<8x256x144xf32, #tpu.memory_space<vmem>>, vector<1x256x128xf32>
    %get3A_217 = vector.shape_cast %get3A_216 : vector<1x256x128xf32> to vector<256x128xf32>
    %get3A_218 = arith.constant 7 : index
    %get3A_219 = arith.constant 0 : index
    %get3A_220 = arith.constant 128 : index
    %get3A_221 = vector.load %arg1[%get3A_218, %get3A_219, %get3A_220] : memref<8x256x144xf32, #tpu.memory_space<vmem>>, vector<1x256x1xf32>
    %get3A_222 = vector.shape_cast %get3A_221 : vector<1x256x1xf32> to vector<256x1xf32>
    %add3A_223 = arith.constant 1.000000e-16 : f32
    %add3A_224 = vector.broadcast %add3A_223 : f32 to vector<256x1xf32>
    %add3A_225 = arith.addf %get3A_222, %add3A_224 : vector<256x1xf32>
    %div3A_226 = vector.broadcast %add3A_225 : vector<256x1xf32> to vector<256x128xf32>
    %div3A_227 = arith.divf %get3A_217, %div3A_226 : vector<256x128xf32>
    %get3A_228 = arith.constant 0 : index
    %get3A_229 = arith.constant 896 : index
    %get3A_230 = vector.load %arg3[%get3A_228, %get3A_229] : memref<1x1024xf32, #tpu.memory_space<vmem>>, vector<1x128xf32>
    %get3A_231 = vector.shape_cast %get3A_230 : vector<1x128xf32> to vector<128xf32>
    %broadcast_in_dim3A_232 = vector.shape_cast %get3A_231 : vector<128xf32> to vector<1x128xf32>
    %add3A_233 = vector.broadcast %broadcast_in_dim3A_232 : vector<1x128xf32> to vector<256x128xf32>
    %add3A_234 = arith.addf %div3A_227, %add3A_233 : vector<256x128xf32>
    %max3A_235 = arith.constant 0.000000e+00 : f32
    %max3A_236 = vector.broadcast %max3A_235 : f32 to vector<256x128xf32>
    %max3A_237 = arith.maximumf %add3A_234, %max3A_236 : vector<256x128xf32>
    %get3A_238 = arith.constant 896 : index
    %get3A_239 = arith.constant 0 : index
    %get3A_240 = vector.load %arg2[%get3A_238, %get3A_239] : memref<1024x128xf32, #tpu.memory_space<vmem>>, vector<128x128xf32>
    %dot_general3A_241 = arith.constant dense<0.000000e+00> : vector<256x128xf32>
    %dot_general3A_242 = tpu.matmul %max3A_237, %get3A_240, %dot_general3A_241 {dimension_numbers = #tpu.dot_dimension_numbers<[1], [0], [0], [1], [0, 0, 1, 1], [], []>, transpose_lhs_hint = false} : vector<256x128xf32>, vector<128x128xf32>, vector<256x128xf32> -> vector<256x128xf32>
    %add3A_243 = arith.addf %add3A_212, %dot_general3A_242 : vector<256x128xf32>
    %iota3A = tpu.iota {dimensions = array<i32: 1>} : vector<256x16xi32>
    %eq3A = arith.constant 0 : i32
    %eq3A_244 = vector.broadcast %eq3A : i32 to vector<256x16xi32>
    %eq3A_245 = arith.cmpi eq, %iota3A, %eq3A_244 : vector<256x16xi32>
    %convert_element_type3A = arith.extui %eq3A_245 : vector<256x16xi1> to vector<256x16xi32>
    %convert_element_type3A_246 = arith.sitofp %convert_element_type3A : vector<256x16xi32> to vector<256x16xf32>
    %eq3A_247 = arith.constant 1 : i32
    %eq3A_248 = vector.broadcast %eq3A_247 : i32 to vector<256x16xi32>
    %eq3A_249 = arith.cmpi eq, %iota3A, %eq3A_248 : vector<256x16xi32>
    %convert_element_type3A_250 = arith.extui %eq3A_249 : vector<256x16xi1> to vector<256x16xi32>
    %convert_element_type3A_251 = arith.sitofp %convert_element_type3A_250 : vector<256x16xi32> to vector<256x16xf32>
    %get3A_252 = arith.constant 0 : index
    %get3A_253 = arith.constant 0 : index
    %get3A_254 = vector.load %arg4[%get3A_252, %get3A_253] : memref<1x128xf32, #tpu.memory_space<vmem>>, vector<1x128xf32>
    %get3A_255 = vector.shape_cast %get3A_254 : vector<1x128xf32> to vector<128xf32>
    %broadcast_in_dim3A_256 = vector.shape_cast %get3A_255 : vector<128xf32> to vector<1x128xf32>
    %mul3A = vector.broadcast %broadcast_in_dim3A_256 : vector<1x128xf32> to vector<256x128xf32>
    %mul3A_257 = arith.mulf %add3A_243, %mul3A : vector<256x128xf32>
    %reduce_sum3A = arith.constant dense<0.000000e+00> : vector<256xf32>
    %reduce_sum3A_258 = vector.multi_reduction <add>, %mul3A_257, %reduce_sum3A [1] : vector<256x128xf32> to vector<256xf32>
    %swap3A = arith.constant 0 : index
    %swap3A_259 = arith.constant 0 : index
    %swap3A_260 = vector.load %arg6[%swap3A, %swap3A_259] : memref<256x144xf32, #tpu.memory_space<vmem>>, vector<256x128xf32>
    tpu.vector_store %arg6[%swap3A, %swap3A_259], %add3A_243 {strides = array<i32>} : memref<256x144xf32, #tpu.memory_space<vmem>>, vector<256x128xf32>,
    %broadcast_in_dim3A_261 = vector.shape_cast %reduce_sum3A_258 : vector<256xf32> to vector<256x1xf32>
    %mul3A_262 = vector.broadcast %broadcast_in_dim3A_261 : vector<256x1xf32> to vector<256x16xf32>
    %mul3A_263 = arith.mulf %convert_element_type3A_251, %mul3A_262 : vector<256x16xf32>
    %add3A_264 = arith.addf %convert_element_type3A_246, %mul3A_263 : vector<256x16xf32>
    %swap3A_265 = arith.constant 0 : index
    %swap3A_266 = arith.constant 128 : index
    %swap3A_267 = vector.load %arg6[%swap3A_265, %swap3A_266] : memref<256x144xf32, #tpu.memory_space<vmem>>, vector<256x16xf32>
    tpu.vector_store %arg6[%swap3A_265, %swap3A_266], %add3A_264 {strides = array<i32>} : memref<256x144xf32, #tpu.memory_space<vmem>>, vector<256x16xf32>,
    %get3A_268 = arith.constant 0 : index
    %get3A_269 = arith.constant 0 : index
    %get3A_270 = vector.load %arg5[%get3A_268, %get3A_269] : memref<1x128xf32, #tpu.memory_space<vmem>>, vector<1x128xf32>
    %get3A_271 = vector.shape_cast %get3A_270 : vector<1x128xf32> to vector<128xf32>
    %broadcast_in_dim3A_272 = vector.shape_cast %get3A_271 : vector<128xf32> to vector<1x128xf32>
    %mul3A_273 = vector.broadcast %broadcast_in_dim3A_272 : vector<1x128xf32> to vector<256x128xf32>
    %mul3A_274 = arith.mulf %add3A_243, %mul3A_273 : vector<256x128xf32>
    %reduce_sum3A_275 = arith.constant dense<0.000000e+00> : vector<256xf32>
    %reduce_sum3A_276 = vector.multi_reduction <add>, %mul3A_274, %reduce_sum3A_275 [1] : vector<256x128xf32> to vector<256xf32>
    %swap3A_277 = arith.constant 0 : index
    %swap3A_278 = arith.constant 0 : index
    %swap3A_279 = vector.load %arg7[%swap3A_277, %swap3A_278] : memref<2x256xf32, #tpu.memory_space<vmem>>, vector<1x256xf32>
    %swap3A_280 = vector.shape_cast %swap3A_279 : vector<1x256xf32> to vector<256xf32>
    %swap3A_281 = vector.shape_cast %reduce_sum3A_276 : vector<256xf32> to vector<1x256xf32>
    tpu.vector_store %arg7[%swap3A_277, %swap3A_278], %swap3A_281 {strides = array<i32>} : memref<2x256xf32, #tpu.memory_space<vmem>>, vector<1x256xf32>,
    %swap3A_282 = arith.constant 1 : index
    %swap3A_283 = arith.constant 0 : index
    %swap3A_284 = vector.load %arg7[%swap3A_282, %swap3A_283] : memref<2x256xf32, #tpu.memory_space<vmem>>, vector<1x256xf32>
    %swap3A_285 = vector.shape_cast %swap3A_284 : vector<1x256xf32> to vector<256xf32>
    %swap3A_286 = vector.shape_cast %reduce_sum3A_258 : vector<256xf32> to vector<1x256xf32>
    tpu.vector_store %arg7[%swap3A_282, %swap3A_283], %swap3A_286 {strides = array<i32>} : memref<2x256xf32, #tpu.memory_space<vmem>>, vector<1x256xf32>,
    return
  }
  func.func @transform_0(%arg0: i32) -> (i32, i32, i32) {
    %c0_i32 = arith.constant 0 : i32
    %c0_i32_0 = arith.constant 0 : i32
    %c0_i32_1 = arith.constant 0 : i32
    return %c0_i32, %arg0, %c0_i32_0 : i32, i32, i32
  }
  func.func @transform_1(%arg0: i32) -> (i32, i32) {
    %c0_i32 = arith.constant 0 : i32
    %c0_i32_0 = arith.constant 0 : i32
    %c0_i32_1 = arith.constant 0 : i32
    return %c0_i32, %c0_i32_0 : i32, i32
  }
  func.func @transform_2(%arg0: i32) -> (i32, i32) {
    %c0_i32 = arith.constant 0 : i32
    %c0_i32_0 = arith.constant 0 : i32
    %c0_i32_1 = arith.constant 0 : i32
    return %c0_i32, %c0_i32_0 : i32, i32
  }
  func.func @transform_3(%arg0: i32) -> (i32, i32) {
    %c0_i32 = arith.constant 0 : i32
    %c0_i32_0 = arith.constant 0 : i32
    %c0_i32_1 = arith.constant 0 : i32
    return %c0_i32, %c0_i32_0 : i32, i32
  }
  func.func @transform_4(%arg0: i32) -> (i32, i32) {
    %c0_i32 = arith.constant 0 : i32
    %c0_i32_0 = arith.constant 0 : i32
    %c0_i32_1 = arith.constant 0 : i32
    return %c0_i32, %c0_i32_0 : i32, i32
  }
  func.func @transform_5(%arg0: i32) -> (i32, i32) {
    %c0_i32 = arith.constant 0 : i32
    %c0_i32_0 = arith.constant 0 : i32
    return %arg0, %c0_i32 : i32, i32
  }
  func.func @transform_6(%arg0: i32) -> (i32, i32) {
    %c0_i32 = arith.constant 0 : i32
    %c0_i32_0 = arith.constant 0 : i32
    return %c0_i32, %arg0 : i32, i32
  }
}

module attributes {stable_mosaic.version = 14 : i64} {
  func.func @_d_body(%arg0: i32, %arg1: memref<2x256x144xf32, #tpu.memory_space<vmem>>, %arg2: memref<1x1x256xi32, #tpu.memory_space<vmem>>, %arg3: memref<1x128xf32, #tpu.memory_space<vmem>>, %arg4: memref<1x128xf32, #tpu.memory_space<vmem>>, %arg5: memref<1x128xf32, #tpu.memory_space<vmem>>, %arg6: memref<1x1xf32, #tpu.memory_space<vmem>>, %arg7: memref<1x1xf32, #tpu.memory_space<vmem>>, %arg8: memref<128x10xf32, #tpu.memory_space<vmem>>, %arg9: memref<1x10xf32, #tpu.memory_space<vmem>>, %arg10: memref<64x10xf32, #tpu.memory_space<vmem>>, %arg11: memref<64x128xf32, #tpu.memory_space<vmem>>) attributes {dimension_semantics = [#tpu.dimension_semantics<arbitrary>], iteration_bounds = array<i64: 40>, scalar_prefetch = 0 : i64, scratch_operands = 1 : i64, tpu.core_type = #tpu.core_type<tc>, window_params = [{transform_indices = @transform_0, window_bounds = array<i64: 2, 256, 144>}, {transform_indices = @transform_1, window_bounds = array<i64: 1, 1, 256>}, {pipeline_mode = #tpu.pipeline_mode<synchronous>, transform_indices = @transform_2, window_bounds = array<i64: 1, 128>}, {pipeline_mode = #tpu.pipeline_mode<synchronous>, transform_indices = @transform_3, window_bounds = array<i64: 1, 128>}, {pipeline_mode = #tpu.pipeline_mode<synchronous>, transform_indices = @transform_4, window_bounds = array<i64: 1, 128>}, {pipeline_mode = #tpu.pipeline_mode<synchronous>, transform_indices = @transform_5, window_bounds = array<i64: 1, 1>}, {pipeline_mode = #tpu.pipeline_mode<synchronous>, transform_indices = @transform_6, window_bounds = array<i64: 1, 1>}, {pipeline_mode = #tpu.pipeline_mode<synchronous>, transform_indices = @transform_7, window_bounds = array<i64: 128, 10>}, {pipeline_mode = #tpu.pipeline_mode<synchronous>, transform_indices = @transform_8, window_bounds = array<i64: 1, 10>}, {pipeline_mode = #tpu.pipeline_mode<synchronous>, transform_indices = @transform_9, window_bounds = array<i64: 64, 10>}]} {
    %get3A = arith.constant 0 : index
    %get3A_0 = arith.constant 0 : index
    %get3A_1 = arith.constant 0 : index
    %get3A_2 = vector.load %arg1[%get3A, %get3A_0, %get3A_1] : memref<2x256x144xf32, #tpu.memory_space<vmem>>, vector<1x256x128xf32>
    %get3A_3 = vector.shape_cast %get3A_2 : vector<1x256x128xf32> to vector<256x128xf32>
    %get3A_4 = arith.constant 1 : index
    %get3A_5 = arith.constant 0 : index
    %get3A_6 = arith.constant 0 : index
    %get3A_7 = vector.load %arg1[%get3A_4, %get3A_5, %get3A_6] : memref<2x256x144xf32, #tpu.memory_space<vmem>>, vector<1x256x128xf32>
    %get3A_8 = vector.shape_cast %get3A_7 : vector<1x256x128xf32> to vector<256x128xf32>
    %add3A = arith.addf %get3A_3, %get3A_8 : vector<256x128xf32>
    %get3A_9 = arith.constant 0 : index
    %get3A_10 = arith.constant 0 : index
    %get3A_11 = arith.constant 128 : index
    %get3A_12 = vector.load %arg1[%get3A_9, %get3A_10, %get3A_11] : memref<2x256x144xf32, #tpu.memory_space<vmem>>, vector<1x256x1xf32>
    %get3A_13 = vector.shape_cast %get3A_12 : vector<1x256x1xf32> to vector<256x1xf32>
    %get3A_14 = arith.constant 1 : index
    %get3A_15 = arith.constant 0 : index
    %get3A_16 = arith.constant 128 : index
    %get3A_17 = vector.load %arg1[%get3A_14, %get3A_15, %get3A_16] : memref<2x256x144xf32, #tpu.memory_space<vmem>>, vector<1x256x1xf32>
    %get3A_18 = vector.shape_cast %get3A_17 : vector<1x256x1xf32> to vector<256x1xf32>
    %add3A_19 = arith.addf %get3A_13, %get3A_18 : vector<256x1xf32>
    %add3A_20 = arith.constant 1.000000e-16 : f32
    %add3A_21 = vector.broadcast %add3A_20 : f32 to vector<256x1xf32>
    %add3A_22 = arith.addf %add3A_19, %add3A_21 : vector<256x1xf32>
    %div3A = vector.broadcast %add3A_22 : vector<256x1xf32> to vector<256x128xf32>
    %div3A_23 = arith.divf %add3A, %div3A : vector<256x128xf32>
    %get3A_24 = arith.constant 0 : index
    %get3A_25 = arith.constant 0 : index
    %get3A_26 = vector.load %arg3[%get3A_24, %get3A_25] : memref<1x128xf32, #tpu.memory_space<vmem>>, vector<1x128xf32>
    %get3A_27 = vector.shape_cast %get3A_26 : vector<1x128xf32> to vector<128xf32>
    %broadcast_in_dim3A = vector.shape_cast %get3A_27 : vector<128xf32> to vector<1x128xf32>
    %add3A_28 = vector.broadcast %broadcast_in_dim3A : vector<1x128xf32> to vector<256x128xf32>
    %add3A_29 = arith.addf %div3A_23, %add3A_28 : vector<256x128xf32>
    %max3A = arith.constant 0.000000e+00 : f32
    %max3A_30 = vector.broadcast %max3A : f32 to vector<256x128xf32>
    %max3A_31 = arith.maximumf %add3A_29, %max3A_30 : vector<256x128xf32>
    %get3A_32 = arith.constant 0 : index
    %get3A_33 = arith.constant 0 : index
    %get3A_34 = vector.load %arg4[%get3A_32, %get3A_33] : memref<1x128xf32, #tpu.memory_space<vmem>>, vector<1x128xf32>
    %get3A_35 = vector.shape_cast %get3A_34 : vector<1x128xf32> to vector<128xf32>
    %broadcast_in_dim3A_36 = vector.shape_cast %get3A_35 : vector<128xf32> to vector<1x128xf32>
    %mul3A = vector.broadcast %broadcast_in_dim3A_36 : vector<1x128xf32> to vector<256x128xf32>
    %mul3A_37 = arith.mulf %max3A_31, %mul3A : vector<256x128xf32>
    %reduce_sum3A = arith.constant dense<0.000000e+00> : vector<256xf32>
    %reduce_sum3A_38 = vector.multi_reduction <add>, %mul3A_37, %reduce_sum3A [1] : vector<256x128xf32> to vector<256xf32>
    %get3A_39 = arith.constant 0 : index
    %get3A_40 = arith.constant 0 : index
    %get3A_41 = vector.load %arg6[%get3A_39, %get3A_40] : memref<1x1xf32, #tpu.memory_space<vmem>>, vector<1x1xf32>
    %get3A_42 = vector.extract %get3A_41[0, 0] : f32 from vector<1x1xf32>
    %add3A_43 = vector.broadcast %get3A_42 : f32 to vector<256xf32>
    %add3A_44 = arith.addf %reduce_sum3A_38, %add3A_43 : vector<256xf32>
    %get3A_45 = arith.constant 0 : index
    %get3A_46 = arith.constant 0 : index
    %get3A_47 = vector.load %arg5[%get3A_45, %get3A_46] : memref<1x128xf32, #tpu.memory_space<vmem>>, vector<1x128xf32>
    %get3A_48 = vector.shape_cast %get3A_47 : vector<1x128xf32> to vector<128xf32>
    %broadcast_in_dim3A_49 = vector.shape_cast %get3A_48 : vector<128xf32> to vector<1x128xf32>
    %mul3A_50 = vector.broadcast %broadcast_in_dim3A_49 : vector<1x128xf32> to vector<256x128xf32>
    %mul3A_51 = arith.mulf %max3A_31, %mul3A_50 : vector<256x128xf32>
    %reduce_sum3A_52 = arith.constant dense<0.000000e+00> : vector<256xf32>
    %reduce_sum3A_53 = vector.multi_reduction <add>, %mul3A_51, %reduce_sum3A_52 [1] : vector<256x128xf32> to vector<256xf32>
    %get3A_54 = arith.constant 0 : index
    %get3A_55 = arith.constant 0 : index
    %get3A_56 = vector.load %arg7[%get3A_54, %get3A_55] : memref<1x1xf32, #tpu.memory_space<vmem>>, vector<1x1xf32>
    %get3A_57 = vector.extract %get3A_56[0, 0] : f32 from vector<1x1xf32>
    %add3A_58 = vector.broadcast %get3A_57 : f32 to vector<256xf32>
    %add3A_59 = arith.addf %reduce_sum3A_53, %add3A_58 : vector<256xf32>
    %logistic3A = arith.negf %add3A_59 : vector<256xf32>
    %logistic3A_60 = math.exp %logistic3A : vector<256xf32>
    %logistic3A_61 = arith.constant 1.000000e+00 : f32
    %logistic3A_62 = vector.broadcast %logistic3A_61 : f32 to vector<256xf32>
    %logistic3A_63 = arith.addf %logistic3A_62, %logistic3A_60 : vector<256xf32>
    %logistic3A_64 = arith.divf %logistic3A_62, %logistic3A_63 : vector<256xf32>
    %mul3A_65 = arith.mulf %add3A_44, %logistic3A_64 : vector<256xf32>
    %broadcast_in_dim3A_66 = vector.shape_cast %mul3A_65 : vector<256xf32> to vector<256x1xf32>
    %mul3A_67 = vector.broadcast %broadcast_in_dim3A_66 : vector<256x1xf32> to vector<256x128xf32>
    %mul3A_68 = arith.mulf %max3A_31, %mul3A_67 : vector<256x128xf32>
    %get3A_69 = arith.constant 0 : index
    %get3A_70 = arith.constant 0 : index
    %get3A_71 = arith.constant 0 : index
    %get3A_72 = vector.load %arg2[%get3A_69, %get3A_70, %get3A_71] : memref<1x1x256xi32, #tpu.memory_space<vmem>>, vector<1x1x256xi32>
    %get3A_73 = vector.shape_cast %get3A_72 : vector<1x1x256xi32> to vector<256xi32>
    %iota3A = tpu.iota {dimensions = array<i32: 0>} : vector<64x256xi32>
    %broadcast_in_dim3A_74 = vector.shape_cast %get3A_73 : vector<256xi32> to vector<1x256xi32>
    %eq3A = vector.broadcast %broadcast_in_dim3A_74 : vector<1x256xi32> to vector<64x256xi32>
    %eq3A_75 = arith.cmpi eq, %iota3A, %eq3A : vector<64x256xi32>
    %convert_element_type3A = arith.extui %eq3A_75 : vector<64x256xi1> to vector<64x256xi32>
    %convert_element_type3A_76 = arith.sitofp %convert_element_type3A : vector<64x256xi32> to vector<64x256xf32>
    %dot_general3A = arith.constant dense<0.000000e+00> : vector<64x128xf32>
    %dot_general3A_77 = tpu.matmul %convert_element_type3A_76, %mul3A_68, %dot_general3A {dimension_numbers = #tpu.dot_dimension_numbers<[1], [0], [0], [1], [0, 0, 1, 1], [], []>, transpose_lhs_hint = false} : vector<64x256xf32>, vector<256x128xf32>, vector<64x128xf32> -> vector<64x128xf32>
    %eq3A_78 = arith.constant 0 : i32
    %eq3A_79 = arith.cmpi eq, %arg0, %eq3A_78 : i32
    %convert_element_type3A_80 = arith.extui %eq3A_79 : i1 to i32
    %cond3A = arith.constant 0 : i32
    %cond3A_81 = arith.cmpi ne, %convert_element_type3A_80, %cond3A : i32
    scf.if %cond3A_81 {
      %swap3A = arith.constant 0 : index
      %swap3A_91 = arith.constant 0 : index
      %swap3A_92 = vector.load %arg11[%swap3A, %swap3A_91] : memref<64x128xf32, #tpu.memory_space<vmem>>, vector<64x128xf32>
      tpu.vector_store %arg11[%swap3A, %swap3A_91], %dot_general3A_77 {strides = array<i32>} : memref<64x128xf32, #tpu.memory_space<vmem>>, vector<64x128xf32>,
    } else {
    }
    %gt3A = arith.constant 0 : i32
    %gt3A_82 = arith.cmpi sgt, %arg0, %gt3A : i32
    %convert_element_type3A_83 = arith.extui %gt3A_82 : i1 to i32
    %cond3A_84 = arith.constant 0 : i32
    %cond3A_85 = arith.cmpi ne, %convert_element_type3A_83, %cond3A_84 : i32
    scf.if %cond3A_85 {
      %get3A_91 = arith.constant 0 : index
      %get3A_92 = arith.constant 0 : index
      %get3A_93 = vector.load %arg11[%get3A_91, %get3A_92] : memref<64x128xf32, #tpu.memory_space<vmem>>, vector<64x128xf32>
      %add3A_94 = arith.addf %get3A_93, %dot_general3A_77 : vector<64x128xf32>
      %swap3A = arith.constant 0 : index
      %swap3A_95 = arith.constant 0 : index
      %swap3A_96 = vector.load %arg11[%swap3A, %swap3A_95] : memref<64x128xf32, #tpu.memory_space<vmem>>, vector<64x128xf32>
      tpu.vector_store %arg11[%swap3A, %swap3A_95], %add3A_94 {strides = array<i32>} : memref<64x128xf32, #tpu.memory_space<vmem>>, vector<64x128xf32>,
    } else {
    }
    %eq3A_86 = arith.constant 39 : i32
    %eq3A_87 = arith.cmpi eq, %arg0, %eq3A_86 : i32
    %convert_element_type3A_88 = arith.extui %eq3A_87 : i1 to i32
    %cond3A_89 = arith.constant 0 : i32
    %cond3A_90 = arith.cmpi ne, %convert_element_type3A_88, %cond3A_89 : i32
    scf.if %cond3A_90 {
      %get3A_91 = arith.constant 0 : index
      %get3A_92 = arith.constant 0 : index
      %get3A_93 = vector.load %arg11[%get3A_91, %get3A_92] : memref<64x128xf32, #tpu.memory_space<vmem>>, vector<64x128xf32>
      %get3A_94 = arith.constant 0 : index
      %get3A_95 = arith.constant 0 : index
      %get3A_96 = vector.load %arg8[%get3A_94, %get3A_95] : memref<128x10xf32, #tpu.memory_space<vmem>>, vector<128x10xf32>
      %dot_general3A_97 = arith.constant dense<0.000000e+00> : vector<64x10xf32>
      %dot_general3A_98 = tpu.matmul %get3A_93, %get3A_96, %dot_general3A_97 {dimension_numbers = #tpu.dot_dimension_numbers<[1], [0], [0], [1], [0, 0, 1, 1], [], []>, transpose_lhs_hint = false} : vector<64x128xf32>, vector<128x10xf32>, vector<64x10xf32> -> vector<64x10xf32>
      %get3A_99 = arith.constant 0 : index
      %get3A_100 = arith.constant 0 : index
      %get3A_101 = vector.load %arg9[%get3A_99, %get3A_100] : memref<1x10xf32, #tpu.memory_space<vmem>>, vector<1x10xf32>
      %get3A_102 = vector.shape_cast %get3A_101 : vector<1x10xf32> to vector<10xf32>
      %broadcast_in_dim3A_103 = vector.shape_cast %get3A_102 : vector<10xf32> to vector<1x10xf32>
      %add3A_104 = vector.broadcast %broadcast_in_dim3A_103 : vector<1x10xf32> to vector<64x10xf32>
      %add3A_105 = arith.addf %dot_general3A_98, %add3A_104 : vector<64x10xf32>
      %swap3A = arith.constant 0 : index
      %swap3A_106 = arith.constant 0 : index
      %swap3A_107 = vector.load %arg10[%swap3A, %swap3A_106] : memref<64x10xf32, #tpu.memory_space<vmem>>, vector<64x10xf32>
      tpu.vector_store %arg10[%swap3A, %swap3A_106], %add3A_105 {strides = array<i32>} : memref<64x10xf32, #tpu.memory_space<vmem>>, vector<64x10xf32>,
    } else {
    }
    return
  }
  func.func @transform_0(%arg0: i32) -> (i32, i32, i32) {
    %c0_i32 = arith.constant 0 : i32
    %c0_i32_0 = arith.constant 0 : i32
    %c0_i32_1 = arith.constant 0 : i32
    return %c0_i32, %arg0, %c0_i32_0 : i32, i32, i32
  }
  func.func @transform_1(%arg0: i32) -> (i32, i32, i32) {
    %c0_i32 = arith.constant 0 : i32
    %c0_i32_0 = arith.constant 0 : i32
    %c0_i32_1 = arith.constant 0 : i32
    return %arg0, %c0_i32, %c0_i32_0 : i32, i32, i32
  }
  func.func @transform_2(%arg0: i32) -> (i32, i32) {
    %c0_i32 = arith.constant 0 : i32
    %c0_i32_0 = arith.constant 0 : i32
    %c0_i32_1 = arith.constant 0 : i32
    return %c0_i32, %c0_i32_0 : i32, i32
  }
  func.func @transform_3(%arg0: i32) -> (i32, i32) {
    %c0_i32 = arith.constant 0 : i32
    %c0_i32_0 = arith.constant 0 : i32
    %c0_i32_1 = arith.constant 0 : i32
    return %c0_i32, %c0_i32_0 : i32, i32
  }
  func.func @transform_4(%arg0: i32) -> (i32, i32) {
    %c0_i32 = arith.constant 0 : i32
    %c0_i32_0 = arith.constant 0 : i32
    %c0_i32_1 = arith.constant 0 : i32
    return %c0_i32, %c0_i32_0 : i32, i32
  }
  func.func @transform_5(%arg0: i32) -> (i32, i32) {
    %c0_i32 = arith.constant 0 : i32
    %c0_i32_0 = arith.constant 0 : i32
    %c0_i32_1 = arith.constant 0 : i32
    return %c0_i32, %c0_i32_0 : i32, i32
  }
  func.func @transform_6(%arg0: i32) -> (i32, i32) {
    %c0_i32 = arith.constant 0 : i32
    %c0_i32_0 = arith.constant 0 : i32
    %c0_i32_1 = arith.constant 0 : i32
    return %c0_i32, %c0_i32_0 : i32, i32
  }
  func.func @transform_7(%arg0: i32) -> (i32, i32) {
    %c0_i32 = arith.constant 0 : i32
    %c0_i32_0 = arith.constant 0 : i32
    %c0_i32_1 = arith.constant 0 : i32
    return %c0_i32, %c0_i32_0 : i32, i32
  }
  func.func @transform_8(%arg0: i32) -> (i32, i32) {
    %c0_i32 = arith.constant 0 : i32
    %c0_i32_0 = arith.constant 0 : i32
    %c0_i32_1 = arith.constant 0 : i32
    return %c0_i32, %c0_i32_0 : i32, i32
  }
  func.func @transform_9(%arg0: i32) -> (i32, i32) {
    %c0_i32 = arith.constant 0 : i32
    %c0_i32_0 = arith.constant 0 : i32
    %c0_i32_1 = arith.constant 0 : i32
    return %c0_i32, %c0_i32_0 : i32, i32
  }
}

</mosaic_0001>

<sc_bundles>
// kernel: kernel.10.cloned.1.call-start
scs
__scs_entry_jumppad:
0x0: {  	(pc) =	sbr.rel $0x88, $3  }
0x1: {  	(tag) =	ssettag $0x0;
	lr =	simm.s32 $0x1  }
0x2: {  	[smem:$0x3F90] =	sst lr;
	_ =	strace $0xD0000000  }
0x3: {  	_ = 	snop  }
0x4: {  	_ = 	snop  }
0x5: {  	_ = 	snop  }
0x6: {  	_ = 	snop  }
0x7: {  	_ = 	snop  }
__scs_overlays_trampoline_lowered:
0x8: {  	[smem:$0x3F9F] =	sst s0  }
0x9: {  	[smem:$0x3FA0] =	sst s1  }
0xa: {  	[smem:$0x3FA1] =	sst s2  }
0xb: {  	[smem:$0x3FA2] =	sst s3  }
0xc: {  	[smem:$0x3FA3] =	sst s4  }
0xd: {  	[smem:$0x3FA4] =	sst s5  }
0xe: {  	[smem:$0x3FA5] =	sst s6  }
0xf: {  	[smem:$0x3FA6] =	sst s7  }
0x10: {  	[smem:$0x3FA7] =	sst s8  }
0x11: {  	[smem:$0x3FA8] =	sst s9;
	s0 =	simm.s32 @!p0 $0x0  }
0x12: {  	s1 =	sld [smem:$0x3F8E];
	s0 =	simm.s32 @p0 $0x1  }
0x13: {  	[smem:$0x3FA9] =	sst s0;
	s0 =	simm.s32 @!p1 $0x0  }
0x14: {  	s2 =	sld [smem:$0x3F8D];
	s0 =	simm.s32 @p1 $0x1  }
0x15: {  	[smem:$0x3FAA] =	sst s0;
	s0 =	simm.s32 @!p2 $0x0  }
0x16: {  	s3 =	sld [smem:$0x3FDB];
	s0 =	simm.s32 @p2 $0x1  }
0x17: {  	s4 =	simm.s32 $0x1BF5;
	[smem:$0x3FAC] =	sst s0  }
0x18: {  	s0 =	sld [smem:$0x3F8F];
	_ =	swait.ge [sflag:s4], $0x0  }
0x19: {  	s7 =	sld [smem:$0x3F90]  }
0x1a: {  	s8 =	sadd.s32 $0xFFFFE003, lr  }
0x1b: {  	s9 =	sadd.s32 $0xFFFFFEF7, lr;
	s5 =	simm.s32 $0xFFFFFFFF;
	p2 =	slt.u32 s8, $0xFFFFF086  }
0x1c: {  	p1 =	slt.u32 s9, $0xF7A;
	s5 =	simm.s32 @!p2 $0x0  }
0x1d: {  	s5 =	simm.s32 @p1 $0x1;
	p0 =	seq.s32 s7, s2  }
0x1e: {  	s7 =	smul.u32 @!p0 $0xF7A, s2;
	p2 =	seq.s32 @!p0 s5, $0x0  }
0x1f: {  	s9 =	smul.u32 $0xF7A, s1;
	s8 =	simm.s32 @!p0 $0x1BF5;
	p2 =	por !p2, p0  }
0x20: {  	[sflag:s8] =	ssyncset.s32 @!p0 $0xFFFFF086;
	s6 =	sadd.s32 @!p0 s3, s7;
	s7 =	simm.s32 @!p0 $0x108  }
0x21: {  	s3 =	sadd.s32 s3, s9;
	s6 =	sadd.s32 @!p0 $0x88, s6;
	s7 =	simm.s32 @p2 $0x1082  }
0x22: {  	[simem:s7], [sflag:s8] =	dma.local @!p0 [hbm:s6], $0xF7A  }
0x23: {  	s9 =	sor.u32 $0xD0000000, s2;
	s6 =	simm.s32 $0x108;
	_ =	swait.ge @!p0 [sflag:s8], $0x0  }
0x24: {  	s3 =	sadd.s32 $0x88, s3;
	s6 =	simm.s32 @!p1 $0x1082;
	[sflag:s4] =	ssyncset.s32 $0xFFFFF086  }
0x25: {  	[simem:s6], [sflag:s4] =	dma.local [hbm:s3], $0xF7A  }
0x26: {  	[smem:$0x3F90] =	sst s1;
	(tag) =	ssettag s2;
	_ =	strace s9  }
0x27: {  	s1 =	sld [smem:$0x3FA0]  }
0x28: {  	s2 =	sld [smem:$0x3FA1]  }
0x29: {  	s4 =	sld [smem:$0x3FA3]  }
0x2a: {  	p0 =	seq.s32 s5, $0x0;
	s5 =	sld [smem:$0x3FA4]  }
0x2b: {  	s6 =	sld [smem:$0x3FA5]  }
0x2c: {  	s7 =	sld [smem:$0x3FA6]  }
0x2d: {  	s3 =	simm.s32 $0x108;
	s8 =	sld [smem:$0x3FA7]  }
0x2e: {  	s3 =	simm.s32 @!p0 $0x1082;
	s9 =	sld [smem:$0x3FA8]  }
0x2f: {  	lr =	sadd.s32 s0, s3;
	s0 =	sld [smem:$0x3F9F]  }
0x30: {  	s3 =	sld [smem:$0x3FA2]  }
0x31: {  	[smem:$0x3FAB] =	sst s10  }
0x32: {  	s10 =	sld [smem:$0x3FA9];
	_ =	sdelay $0x3  }
0x33: {  	p0 =	seq.s32 s10, $0x1;
	s10 =	sld [smem:$0x3FAB];
	_ =	sdelay $0x3  }
0x34: {  	[smem:$0x3FAB] =	sst s10  }
0x35: {  	s10 =	sld [smem:$0x3FAA];
	_ =	sdelay $0x3  }
0x36: {  	p1 =	seq.s32 s10, $0x1;
	s10 =	sld [smem:$0x3FAB];
	_ =	sdelay $0x3  }
0x37: {  	[smem:$0x3FAB] =	sst s10  }
0x38: {  	s10 =	sld [smem:$0x3FAC]  }
0x39: {  	_ = 	snop;
	(pc) =	sbr.ind lr, $3  }
0x3a: {  	_ = 	snop  }
0x3b: {  	_ = 	snop  }
0x3c: {  	p2 =	seq.s32 s10, $0x1;
	s10 =	sld [smem:$0x3FAB]  }
0x3d: {  	_ =	shalt  }
0x3e: {  	_ =	shalt  }
0x3f: {  	_ =	shalt  }
0x40: {  	_ =	shalt  }
0x41: {  	_ =	shalt  }
0x42: {  	_ =	shalt  }
0x43: {  	_ =	shalt  }
0x44: {  	_ =	shalt  }
0x45: {  	_ =	shalt  }
0x46: {  	_ =	shalt  }
0x47: {  	_ =	shalt  }
0x48: {  	_ =	shalt  }
0x49: {  	_ =	shalt  }
0x4a: {  	_ =	shalt  }
0x4b: {  	_ =	shalt  }
0x4c: {  	_ =	shalt  }
0x4d: {  	_ =	shalt  }
0x4e: {  	_ =	shalt  }
0x4f: {  	_ =	shalt  }
0x50: {  	_ =	shalt  }
0x51: {  	_ =	shalt  }
0x52: {  	_ =	shalt  }
0x53: {  	_ =	shalt  }
0x54: {  	_ =	shalt  }
0x55: {  	_ =	shalt  }
0x56: {  	_ =	shalt  }
0x57: {  	_ =	shalt  }
0x58: {  	_ =	shalt  }
0x59: {  	_ =	shalt  }
0x5a: {  	_ =	shalt  }
0x5b: {  	_ =	shalt  }
0x5c: {  	_ =	shalt  }
0x5d: {  	_ =	shalt  }
0x5e: {  	_ =	shalt  }
0x5f: {  	_ =	shalt  }
0x60: {  	_ =	shalt  }
0x61: {  	_ =	shalt  }
0x62: {  	_ =	shalt  }
0x63: {  	_ =	shalt  }
0x64: {  	_ =	shalt  }
0x65: {  	_ =	shalt  }
0x66: {  	_ =	shalt  }
0x67: {  	_ =	shalt  }
0x68: {  	_ =	shalt  }
0x69: {  	_ =	shalt  }
0x6a: {  	_ =	shalt  }
0x6b: {  	_ =	shalt  }
0x6c: {  	_ =	shalt  }
0x6d: {  	_ =	shalt  }
0x6e: {  	_ =	shalt  }
0x6f: {  	_ =	shalt  }
0x70: {  	_ =	shalt  }
0x71: {  	_ =	shalt  }
0x72: {  	_ =	shalt  }
0x73: {  	_ =	shalt  }
0x74: {  	_ =	shalt  }
0x75: {  	_ =	shalt  }
0x76: {  	_ =	shalt  }
0x77: {  	_ =	shalt  }
0x78: {  	_ =	shalt  }
0x79: {  	_ =	shalt  }
0x7a: {  	_ =	shalt  }
0x7b: {  	_ =	shalt  }
0x7c: {  	_ =	shalt  }
0x7d: {  	_ =	shalt  }
0x7e: {  	_ =	shalt  }
0x7f: {  	_ =	shalt  }
0x80: {  	_ =	shalt  }
0x81: {  	_ =	shalt  }
0x82: {  	_ =	shalt  }
0x83: {  	_ =	shalt  }
0x84: {  	_ =	shalt  }
0x85: {  	_ =	shalt  }
0x86: {  	_ =	shalt  }
0x87: {  	_ =	shalt  }
.Lfunc_end0:
.L_simem_size_0:
called_computation.1_lowered:
.L_overlay_start_0:
0x88: {  	s2 =	sld [smem:$0x3FD9]  }
0x89: {  	s3 =	sld [smem:$0x3FFE];
	_ =	sdelay $0x1  }
0x8a: {  	s1 =	srdreg.scid  }
0x8b: {  	s0 =	sand.u32 $0x1, s1  }
0x8c: {  	s16 =	sshll.u32 s0, $0xA;
	s2 =	sadd.s32 s3, s2  }
0x8d: {  	s2 =	sadd.s32 s2, s16  }
0x8e: {  	[smem:$0x3FB7] =	sst s2  }
0x8f: {  	_ = 	snop  }
0x90: {  	(tm) =	ssettm $0x1  }
0x91: {  	s17 =	sld [smem:$0x3FFB];
	_ =	sdelay $0x3  }
0x92: {  	_ =	strace s17  }
0x93: {  	s2 =	sld [smem:$0x3FFC];
	_ =	sdelay $0x3  }
0x94: {  	_ =	strace s2  }
0x95: {  	s2 =	sld [smem:$0x3FFD];
	_ =	sdelay $0x3  }
0x96: {  	_ =	strace s2  }
0x97: {  	_ =	strace $0x8FFFFFFF  }
0x98: {  	s18 =	sld [smem:$0x3FDB];
	_ =	sdelay $0x1  }
0x99: {  	s19 =	simm.s32 $_scs_section_size  }
0x9a: {  	s4 =	simm.s32 $_size__tile_overlayer_lowered;
	s5 =	simm.s32 $_tile_overlayer_lowered  }
0x9b: {  	s22 =	simm.s32 $0x1BFF;
	s21 =	sshll.u32 s5, $0x1;
	s2 =	sadd.s32 s19, s18  }
0x9c: {  	s6 =	simm.s32 $0x0;
	s20 =	sshll.u32 s4, $0x1;
	s4 =	sadd.s32 s21, s2  }
0x9d: {  	[timem:s6], [sflag:s22] =	dma.local [hbm:s4], s20  }
0x9e: {  	_ =	swait.ge [sflag:s22], s20  }
0x9f: {  	s3 =	ssub.s32 $0x0, s20;
	[sflag:s22] =	ssyncset.done $0x0  }
0xa0: {  	[sflag:s22] =	ssyncadd.s32 s3;
	_ =	sdelay $0x1  }
0xa1: {  	s23 =	simm.s32 $0x1B8B  }
0xa2: {  	_ =	swait.ge [sflag:s23], $0x1  }
0xa3: {  	[sflag:s23] =	ssyncset.done $0x0  }
0xa4: {  	s25 =	simm.s32 $0x1B8E;
	s24 =	sld [smem:$0x3FFE];
	[sflag:s23] =	ssyncadd.s32 $0xFFFFFFFF  }
0xa5: {  	s26 =	simm.s32 $execute0_lowered;
	[smem:$0x3FD2] =	sst s25  }
0xa6: {  	s4 =	sshll.u32 s26, $0x1;
	_ =	strace $0x80000049;
	[dreg:$0x1] =	wrdreg $0xFFFFFFFF  }
0xa7: {  	s28 =	simm.s32 $_size_execute0_lowered;
	s2 =	sadd.s32 s2, s4;
	[dreg:$0x0] =	wrdreg $0x0  }
0xa8: {  	s4 =	sshll.u32 s28, $0x1;
	[dreg:$0x2] =	wrdreg s2  }
0xa9: {  	[dreg:$0x3] =	wrdreg s4  }
0xaa: {  	[dreg:$0x4] =	wrdreg $0xC0  }
0xab: {  	_ =	task [dreg:s6], $0x5FFFF  }
0xac: {  	[dreg:$0x1] =	wrdreg $0xFFFFFFFF  }
0xad: {  	[dreg:$0x0] =	wrdreg $0x60  }
0xae: {  	[dreg:$0x2] =	wrdreg s24  }
0xaf: {  	[dreg:$0x3] =	wrdreg $0x91A00  }
0xb0: {  	[dreg:$0x4] =	wrdreg $0x9  }
0xb1: {  	_ =	task.clear_ibuf [dreg:s6], $0x5FFFF;
	_ =	strace $0x90000049  }
0xb2: {  	s29 =	simm.s32 $0x9;
	_ =	strace $0x8000004B  }
0xb3: {  	_ =	swait.ge [sflag:s29], $0x1  }
0xb4: {  	[sflag:s29] =	ssyncadd.s32 $0xFFFFFFFF  }
0xb5: {  	_ =	strace $0x9000004B  }
0xb6: {  	_ =	sfence  }
0xb7: {  	s30 =	sld [smem:$0x0];
	_ =	sdelay $0x2  }
0xb8: {  	s31 =	sshll.u32 s1, $0xD;
	s1 =	sshrl.u32 s1, $0x2  }
0xb9: {  	s3 =	sand.u32 $0x4000, s31;
	s1 =	sadd.s32 s1, s30  }
0xba: {  	s0 =	sor.u32 s3, s0;
	s1 =	sshll.u32 s1, $0x11  }
0xbb: {  	s0 =	sor.u32 s1, s0  }
0xbc: {  	s0 =	sadd.s32 $0x8F2B, s0  }
0xbd: {  	[sflag:s0] =	ssyncadd.remote.s32 $0x1  }
0xbe: {  	_ =	sfence.sel $0xFFFF  }
0xbf: {  	[dreg:$0x0] =	wrdreg $0xFFFFFFFF;
	(pc) =	sbr.abs _section_cstart, $3  }
0xc0: {  	[dreg:$0x1] =	wrdreg $0xFFFFFFFF  }
0xc1: {  	_ =	task.clear_ibuf [dreg:s6], $0x2FFFF;
	_ =	strace $0x9FFFFFFF  }
0xc2: {  	(tm) =	ssettm $0x7FFFFFFF  }
0xc3: {  	_ =	shalt  }
tec
execute0_lowered:
.L_overlay_start_1:
0x0: {  	(tag) =	ssettag $0x1  }
0x1: {  	s8 =	rddreg [dreg:$0x0]  }
0x2: {  	s2 =	rddreg [dreg:$0x1]  }
0x3: {  	s0 =	rddreg [dreg:$0x2]  }
0x4: {  	s3 =	simm.s32 $0x0;
	s1 =	stileid.u32;
	s5 =	srdreg.scid  }
0x5: {  	s15 =	simm.s32 $0x69A0;
	s16 =	simm.s32 $0x7D0;
	s17 =	simm.s32 $0x50  }
0x6: {  	s18 =	simm.s32 $0xFA0;
	s19 =	simm.s32 $0x0;
	[smem:$0x7FF] =	sst s3  }
0x7: {  	s9 =	smul.u32 $0x16800, s1;
	s4 =	sadd.s32 $0x18600, s8;
	s10 =	sand.u32 $0x1, s5  }
0x8: {  	s11 =	smul.u32 $0x2D00, s1;
	s5 =	sadd.s32 $0x2200, s8;
	s6 =	sadd.s32 $0xE800, s8  }
0x9: {  	s7 =	sadd.s32 $0x4A00, s8;
	s31 =	sshll.u32 s1, $0x6;
	_ =	strace $0x8000004A  }
0xa: {  	s12 =	smul.u32 $0x2D000, s10;
	s14 =	ssub.s32 $0x2, s10;
	s29 =	sshll.u32 s10, $0x4  }
0xb: {  	s13 =	sshrl.u32 s9, $0x3;
	s28 =	sshrl.u32 s14, $0x1;
	s10 =	sor.u32 s1, s29  }
0xc: {  	v0 =	vlaneseq.u32;
	s30 =	sadd.s32 s9, s2;
	s9 =	sor.u32 $0x1C03, s31;
	s13 =	sadd.s32 s13, s8  }
0xd: {  	v0 =	vmul.u32 $0x90, v0;
	s11 =	sadd.s32 s11, s12;
	s12 =	ssub.s32 s14, s28;
	s10 =	smul.u32 $0x7D, s10  }
0xe: {  	s14 =	simm.s32 $0x3;
	s11 =	sadd.s32 s11, s8;
	s8 =	sadd.s32 $0x66800, s13  }
0xf: {  	v0 =	vadd.s32 $0x81, v0;
	s12 =	smax.u32 s12, $0x1;
	s13 =	sshrl.u32 s30, $0x3;
	s11 =	sadd.s32 $0x93800, s11  }
.LBB2_1:
0x10: {  	[spmem:s13], [sflag:s9] =	dma.local [hbm:s8], $0x2D00  }
0x11: {  	_ =	swait.ge [sflag:s14], $0x2D00  }
0x12: {  	[sflag:s14] =	ssyncset.done $0x0  }
0x13: {  	[sflag:s14] =	ssyncadd.s32 $0xFFFFD300  }
0x14: {  	[tilespmem:s15], [sflag:$0x3] =	stream.linear.gather [hbm4b:s5+s3], $0x2800, $0x38;
	[tilespmem:$0x1F9A0] =	vst v63  }
0x15: {  	_ =	swait.ge [sflag:s14], $0x2800  }
0x16: {  	[sflag:s14] =	ssyncset.done $0x0  }
0x17: {  	[sflag:s14] =	ssyncadd.s32 $0xFFFFD800  }
0x18: {  	s20 =	simm.s32 $0x0;
	[bflag:$0x0] =	sbarrier.arrive $0xFFFF  }
.LBB2_2:
0x19: {  	s21 =	smul.u32 $0x19, s20;
	_ =	sdelay $0x1  }
0x1a: {  	s21 =	sadd.s32 s10, s21  }
0x1b: {  	s22 =	smul.u32 $0xA, s21;
	_ =	sdelay $0x1  }
0x1c: {  	s21 =	simm.s32 $0x0;
	s23 =	sadd.s32 s6, s22  }
0x1d: {  	[tilespmem:s21], [sflag:$0x3] =	stream.linear.gather [hbm4b:s23+s21], $0x7D0, $0x38;
	[tilespmem:$0x1F9A0] =	vst v63  }
0x1e: {  	_ =	swait.ge [sflag:s14], $0x7D0  }
0x1f: {  	[sflag:s14] =	ssyncset.done $0x0  }
0x20: {  	s22 =	sadd.s32 s7, s22;
	[sflag:s14] =	ssyncadd.s32 $0xFFFFF830  }
0x21: {  	[tilespmem:s16], [sflag:$0x3] =	stream.linear.gather [hbm4b:s22+s21], $0x7D0, $0x38;
	[tilespmem:$0x1F9A0] =	vst v63  }
0x22: {  	_ =	swait.ge [sflag:s14], $0x7D0  }
0x23: {  	[sflag:s14] =	ssyncset.done $0x0  }
0x24: {  	[sflag:s14] =	ssyncadd.s32 $0xFFFFF830  }
0x25: {  	[tilespmem:s18], [sflag:$0x1] =	stream.indirect.gather [hbm4b:s4+s17], $0x90, s21, s17, $0xb8;
	[tilespmem:$0x1F9A0] =	vst v63  }
.LBB2_3:
0x26: {  	s22 =	smov.u32 s21  }
0x27: {  	s23 =	sand.u32 $0x1, s21;
	p0 =	seq.s32 s21, $0x18;
	s21 =	sadd.s32 $0x1, s21  }
0x28: {  	s28 =	smul.u32 @!p0 $0x140, s21  }
0x29: {  	s24 =	sadd.s32 $0x1, s23;
	s22 =	smul.u32 $0x140, s22  }
0x2a: {  	s25 =	sxor.u32 @!p0 $0x1, s23;
	s29 =	smul.u32 $0xB400, s23;
	_ =	swait.ge [sflag:s24], $0x2D00  }
0x2b: {  	s26 =	smul.u32 @!p0 $0xB400, s25;
	s25 =	sadd.s32 @!p0 $0x1, s25;
	[sflag:s24] =	ssyncset.done $0x0  }
0x2c: {  	s22 =	sshra.s32 s22, $0x2;
	s31 =	sshrl.u32 s29, $0x2;
	[sflag:s24] =	ssyncadd.s32 $0xFFFFD300  }
0x2d: {  	s24 =	sshrl.u32 @!p0 s26, $0x2;
	s26 =	sshra.s32 @!p0 s28, $0x2;
	s28 =	simm.s32 @!p0 $0x50  }
0x2e: {  	v1 =	vmov s23;
	s22 =	sadd.s32 $0x7D0, s22;
	s23 =	sadd.s32 $0xFA0, s31;
	s24 =	sadd.s32 @!p0 $0xFA0, s24  }
0x2f: {  	v2 =	vmov s22;
	[tilespmem:s24], [sflag:s25] =	stream.indirect.gather @!p0 [hbm4b:s4+s28], $0x90, s26, s28, $0xb8;
	[tilespmem:$0x1F9A0] =	vst v63  }
0x30: {  	v1 =	vmul.u32 $0x2D00, v1;
	v3 =	vmov s23;
	s24 =	simm.s32 $0x0  }
.LBB2_4:
0x31: {  	s25 =	sshll.u32 s24, $0x4  }
0x32: {  	v4 =	vmov s25  }
0x33: {  	v4 =	vmul.u32 $0x90, v4  }
0x34: {  	v5 =	vld.idx.msk [tilespmem:v2+s25+$0x0 ss:$0x1], $0xffff  }
0x35: {  	v4 =	vadd.s32 v1, v4  }
0x36: {  	v4 =	vbroadcast v4, $0x0;
	_ =	sdelay $0x1  }
0x37: {  	v4 =	vadd.s32 v0, v4;
	_ =	sdelay $0x3  }
0x38: {  	v5 =	vld.idx.msk [tilespmem:v5+s15+$0x0], $0xffff  }
0x39: {  	v4 =	vld.idx.msk [tilespmem:v4+s18+$0x0], $0xffff;
	_ =	sdelay $0x4  }
0x3a: {  	v4 =	vadd.f32 v5, v4;
	_ =	sdelay $0x1  }
0x3b: {  	v5 =	vmul.f32 $2.000000030e-01, v4  }
0x3c: {  	vm0 =	vgt.f32 v4, $0.0e+00  }
0x3d: {  	v4 =	vsel vm0, v4, v5  }
0x3e: {  	v4 =	vmul.f32 $1.442695020e+00, v4;
	_ =	sdelay $0x1  }
0x3f: {  	(erf) = vpow2.f32 v4;
	_ =	sdelay $0x3  }
0x40: {  	s31 =	smul.u32 $0x2400, s24;
	_ =	sdelay $0x1  }
0x41: {  	s25 =	sshra.s32 s31, $0x2  }
0x42: {  	v5 =	vld.idx.msk [tilespmem:v3+s25+$0x0 ss:$0x1], $0xffff;
	_ =	sdelay $0x1  }
0x43: {  	v4 =	vpop (erf)  }
0x44: {  	v6 =	vbroadcast v4, $0x0;
	_ =	sdelay $0x1  }
0x45: {  	v5 =	vmul.f32 v6, v5;
	_ =	sdelay $0x1  }
0x46: {  	[tilespmem:v3+s25+$0x0 ss:$0x1] =	vst.idx.msk $0xffff, v5  }
0x47: {  	v5 =	vld.idx.msk [tilespmem:v3+s25+$0x10 ss:$0x1], $0xffff;
	_ =	sdelay $0x4  }
0x48: {  	v5 =	vmul.f32 v6, v5;
	_ =	sdelay $0x1  }
0x49: {  	[tilespmem:v3+s25+$0x10 ss:$0x1] =	vst.idx.msk $0xffff, v5  }
0x4a: {  	v5 =	vld.idx.msk [tilespmem:v3+s25+$0x20 ss:$0x1], $0xffff;
	_ =	sdelay $0x4  }
0x4b: {  	v5 =	vmul.f32 v6, v5;
	_ =	sdelay $0x1  }
0x4c: {  	[tilespmem:v3+s25+$0x20 ss:$0x1] =	vst.idx.msk $0xffff, v5  }
0x4d: {  	v5 =	vld.idx.msk [tilespmem:v3+s25+$0x30 ss:$0x1], $0xffff;
	_ =	sdelay $0x4  }
0x4e: {  	v5 =	vmul.f32 v5, v6;
	_ =	sdelay $0x1  }
0x4f: {  	[tilespmem:v3+s25+$0x30 ss:$0x1] =	vst.idx.msk $0xffff, v5  }
0x50: {  	v5 =	vld.idx.msk [tilespmem:v3+s25+$0x40 ss:$0x1], $0xffff;
	_ =	sdelay $0x4  }
0x51: {  	v5 =	vmul.f32 v5, v6;
	_ =	sdelay $0x1  }
0x52: {  	[tilespmem:v3+s25+$0x40 ss:$0x1] =	vst.idx.msk $0xffff, v5  }
0x53: {  	v5 =	vld.idx.msk [tilespmem:v3+s25+$0x50 ss:$0x1], $0xffff;
	_ =	sdelay $0x4  }
0x54: {  	v5 =	vmul.f32 v5, v6;
	_ =	sdelay $0x1  }
0x55: {  	[tilespmem:v3+s25+$0x50 ss:$0x1] =	vst.idx.msk $0xffff, v5  }
0x56: {  	v5 =	vld.idx.msk [tilespmem:v3+s25+$0x60 ss:$0x1], $0xffff;
	_ =	sdelay $0x4  }
0x57: {  	v5 =	vmul.f32 v5, v6;
	_ =	sdelay $0x1  }
0x58: {  	[tilespmem:v3+s25+$0x60 ss:$0x1] =	vst.idx.msk $0xffff, v5  }
0x59: {  	v5 =	vld.idx.msk [tilespmem:v3+s25+$0x70 ss:$0x1], $0xffff;
	_ =	sdelay $0x4  }
0x5a: {  	v5 =	vmul.f32 v5, v6;
	_ =	sdelay $0x1  }
0x5b: {  	[tilespmem:v3+s25+$0x70 ss:$0x1] =	vst.idx.msk $0xffff, v5  }
0x5c: {  	[tilespmem:v3+s25+$0x80 ss:$0x1] =	vst.idx.msk $0xffff, v6  }
0x5d: {  	v5 =	vld.idx.msk [tilespmem:v3+s25+$0x90 ss:$0x1], $0xffff;
	_ =	sdelay $0x2  }
0x5e: {  	v50 =	vbroadcast v4, $0x1;
	_ =	sdelay $0x1  }
0x5f: {  	v5 =	vmul.f32 v5, v50;
	_ =	sdelay $0x1  }
0x60: {  	[tilespmem:v3+s25+$0x90 ss:$0x1] =	vst.idx.msk $0xffff, v5  }
0x61: {  	v5 =	vld.idx.msk [tilespmem:v3+s25+$0xA0 ss:$0x1], $0xffff;
	_ =	sdelay $0x4  }
0x62: {  	v5 =	vmul.f32 v5, v50;
	_ =	sdelay $0x1  }
0x63: {  	[tilespmem:v3+s25+$0xA0 ss:$0x1] =	vst.idx.msk $0xffff, v5  }
0x64: {  	v5 =	vld.idx.msk [tilespmem:v3+s25+$0xB0 ss:$0x1], $0xffff;
	_ =	sdelay $0x4  }
0x65: {  	v5 =	vmul.f32 v5, v50;
	_ =	sdelay $0x1  }
0x66: {  	[tilespmem:v3+s25+$0xB0 ss:$0x1] =	vst.idx.msk $0xffff, v5  }
0x67: {  	v5 =	vld.idx.msk [tilespmem:v3+s25+$0xC0 ss:$0x1], $0xffff;
	_ =	sdelay $0x4  }
0x68: {  	v5 =	vmul.f32 v5, v50;
	_ =	sdelay $0x1  }
0x69: {  	[tilespmem:v3+s25+$0xC0 ss:$0x1] =	vst.idx.msk $0xffff, v5  }
0x6a: {  	v5 =	vld.idx.msk [tilespmem:v3+s25+$0xD0 ss:$0x1], $0xffff;
	_ =	sdelay $0x4  }
0x6b: {  	v5 =	vmul.f32 v5, v50;
	_ =	sdelay $0x1  }
0x6c: {  	[tilespmem:v3+s25+$0xD0 ss:$0x1] =	vst.idx.msk $0xffff, v5  }
0x6d: {  	v5 =	vld.idx.msk [tilespmem:v3+s25+$0xE0 ss:$0x1], $0xffff;
	_ =	sdelay $0x4  }
0x6e: {  	v5 =	vmul.f32 v5, v50;
	_ =	sdelay $0x1  }
0x6f: {  	[tilespmem:v3+s25+$0xE0 ss:$0x1] =	vst.idx.msk $0xffff, v5  }
0x70: {  	v5 =	vld.idx.msk [tilespmem:v3+s25+$0xF0 ss:$0x1], $0xffff;
	_ =	sdelay $0x4  }
0x71: {  	v5 =	vmul.f32 v5, v50;
	_ =	sdelay $0x1  }
0x72: {  	[tilespmem:v3+s25+$0xF0 ss:$0x1] =	vst.idx.msk $0xffff, v5  }
0x73: {  	v5 =	vld.idx.msk [tilespmem:v3+s25+$0x100 ss:$0x1], $0xffff;
	_ =	sdelay $0x4  }
0x74: {  	v5 =	vmul.f32 v5, v50;
	_ =	sdelay $0x1  }
0x75: {  	[tilespmem:v3+s25+$0x100 ss:$0x1] =	vst.idx.msk $0xffff, v5  }
0x76: {  	[tilespmem:v3+s25+$0x110 ss:$0x1] =	vst.idx.msk $0xffff, v50  }
0x77: {  	v5 =	vld.idx.msk [tilespmem:v3+s25+$0x120 ss:$0x1], $0xffff;
	_ =	sdelay $0x2  }
0x78: {  	v51 =	vbroadcast v4, $0x2;
	_ =	sdelay $0x1  }
0x79: {  	v5 =	vmul.f32 v5, v51;
	_ =	sdelay $0x1  }
0x7a: {  	[tilespmem:v3+s25+$0x120 ss:$0x1] =	vst.idx.msk $0xffff, v5  }
0x7b: {  	v5 =	vld.idx.msk [tilespmem:v3+s25+$0x130 ss:$0x1], $0xffff;
	_ =	sdelay $0x4  }
0x7c: {  	v5 =	vmul.f32 v5, v51;
	_ =	sdelay $0x1  }
0x7d: {  	[tilespmem:v3+s25+$0x130 ss:$0x1] =	vst.idx.msk $0xffff, v5  }
0x7e: {  	v5 =	vld.idx.msk [tilespmem:v3+s25+$0x140 ss:$0x1], $0xffff;
	_ =	sdelay $0x4  }
0x7f: {  	v5 =	vmul.f32 v5, v51;
	_ =	sdelay $0x1  }
0x80: {  	[tilespmem:v3+s25+$0x140 ss:$0x1] =	vst.idx.msk $0xffff, v5  }
0x81: {  	v5 =	vld.idx.msk [tilespmem:v3+s25+$0x150 ss:$0x1], $0xffff;
	_ =	sdelay $0x4  }
0x82: {  	v5 =	vmul.f32 v5, v51;
	_ =	sdelay $0x1  }
0x83: {  	[tilespmem:v3+s25+$0x150 ss:$0x1] =	vst.idx.msk $0xffff, v5  }
0x84: {  	v5 =	vld.idx.msk [tilespmem:v3+s25+$0x160 ss:$0x1], $0xffff;
	_ =	sdelay $0x4  }
0x85: {  	v5 =	vmul.f32 v5, v51;
	_ =	sdelay $0x1  }
0x86: {  	[tilespmem:v3+s25+$0x160 ss:$0x1] =	vst.idx.msk $0xffff, v5  }
0x87: {  	v5 =	vld.idx.msk [tilespmem:v3+s25+$0x170 ss:$0x1], $0xffff;
	_ =	sdelay $0x4  }
0x88: {  	v5 =	vmul.f32 v5, v51;
	_ =	sdelay $0x1  }
0x89: {  	[tilespmem:v3+s25+$0x170 ss:$0x1] =	vst.idx.msk $0xffff, v5  }
0x8a: {  	v5 =	vld.idx.msk [tilespmem:v3+s25+$0x180 ss:$0x1], $0xffff;
	_ =	sdelay $0x4  }
0x8b: {  	v5 =	vmul.f32 v5, v51;
	_ =	sdelay $0x1  }
0x8c: {  	[tilespmem:v3+s25+$0x180 ss:$0x1] =	vst.idx.msk $0xffff, v5  }
0x8d: {  	v5 =	vld.idx.msk [tilespmem:v3+s25+$0x190 ss:$0x1], $0xffff;
	_ =	sdelay $0x4  }
0x8e: {  	v5 =	vmul.f32 v5, v51;
	_ =	sdelay $0x1  }
0x8f: {  	[tilespmem:v3+s25+$0x190 ss:$0x1] =	vst.idx.msk $0xffff, v5  }
0x90: {  	[tilespmem:v3+s25+$0x1A0 ss:$0x1] =	vst.idx.msk $0xffff, v51  }
0x91: {  	v5 =	vld.idx.msk [tilespmem:v3+s25+$0x1B0 ss:$0x1], $0xffff;
	_ =	sdelay $0x2  }
0x92: {  	v52 =	vbroadcast v4, $0x3;
	_ =	sdelay $0x1  }
0x93: {  	v5 =	vmul.f32 v5, v52;
	_ =	sdelay $0x1  }
0x94: {  	[tilespmem:v3+s25+$0x1B0 ss:$0x1] =	vst.idx.msk $0xffff, v5  }
0x95: {  	v5 =	vld.idx.msk [tilespmem:v3+s25+$0x1C0 ss:$0x1], $0xffff;
	_ =	sdelay $0x4  }
0x96: {  	v5 =	vmul.f32 v5, v52;
	_ =	sdelay $0x1  }
0x97: {  	[tilespmem:v3+s25+$0x1C0 ss:$0x1] =	vst.idx.msk $0xffff, v5  }
0x98: {  	v5 =	vld.idx.msk [tilespmem:v3+s25+$0x1D0 ss:$0x1], $0xffff;
	_ =	sdelay $0x4  }
0x99: {  	v5 =	vmul.f32 v5, v52;
	_ =	sdelay $0x1  }
0x9a: {  	[tilespmem:v3+s25+$0x1D0 ss:$0x1] =	vst.idx.msk $0xffff, v5  }
0x9b: {  	v5 =	vld.idx.msk [tilespmem:v3+s25+$0x1E0 ss:$0x1], $0xffff;
	_ =	sdelay $0x4  }
0x9c: {  	v5 =	vmul.f32 v5, v52;
	_ =	sdelay $0x1  }
0x9d: {  	[tilespmem:v3+s25+$0x1E0 ss:$0x1] =	vst.idx.msk $0xffff, v5  }
0x9e: {  	v5 =	vld.idx.msk [tilespmem:v3+s25+$0x1F0 ss:$0x1], $0xffff;
	_ =	sdelay $0x4  }
0x9f: {  	v5 =	vmul.f32 v5, v52;
	_ =	sdelay $0x1  }
0xa0: {  	[tilespmem:v3+s25+$0x1F0 ss:$0x1] =	vst.idx.msk $0xffff, v5  }
0xa1: {  	v5 =	vld.idx.msk [tilespmem:v3+s25+$0x200 ss:$0x1], $0xffff;
	_ =	sdelay $0x4  }
0xa2: {  	v5 =	vmul.f32 v5, v52;
	_ =	sdelay $0x1  }
0xa3: {  	[tilespmem:v3+s25+$0x200 ss:$0x1] =	vst.idx.msk $0xffff, v5  }
0xa4: {  	v5 =	vld.idx.msk [tilespmem:v3+s25+$0x210 ss:$0x1], $0xffff;
	_ =	sdelay $0x4  }
0xa5: {  	v5 =	vmul.f32 v5, v52;
	_ =	sdelay $0x1  }
0xa6: {  	[tilespmem:v3+s25+$0x210 ss:$0x1] =	vst.idx.msk $0xffff, v5  }
0xa7: {  	v5 =	vld.idx.msk [tilespmem:v3+s25+$0x220 ss:$0x1], $0xffff;
	_ =	sdelay $0x4  }
0xa8: {  	v5 =	vmul.f32 v5, v52;
	_ =	sdelay $0x1  }
0xa9: {  	[tilespmem:v3+s25+$0x220 ss:$0x1] =	vst.idx.msk $0xffff, v5  }
0xaa: {  	[tilespmem:v3+s25+$0x230 ss:$0x1] =	vst.idx.msk $0xffff, v52  }
0xab: {  	v5 =	vld.idx.msk [tilespmem:v3+s25+$0x240 ss:$0x1], $0xffff;
	_ =	sdelay $0x2  }
0xac: {  	v53 =	vbroadcast v4, $0x4;
	_ =	sdelay $0x1  }
0xad: {  	v5 =	vmul.f32 v5, v53;
	_ =	sdelay $0x1  }
0xae: {  	[tilespmem:v3+s25+$0x240 ss:$0x1] =	vst.idx.msk $0xffff, v5  }
0xaf: {  	v5 =	vld.idx.msk [tilespmem:v3+s25+$0x250 ss:$0x1], $0xffff;
	_ =	sdelay $0x4  }
0xb0: {  	v5 =	vmul.f32 v5, v53;
	_ =	sdelay $0x1  }
0xb1: {  	[tilespmem:v3+s25+$0x250 ss:$0x1] =	vst.idx.msk $0xffff, v5  }
0xb2: {  	v5 =	vld.idx.msk [tilespmem:v3+s25+$0x260 ss:$0x1], $0xffff;
	_ =	sdelay $0x4  }
0xb3: {  	v5 =	vmul.f32 v5, v53;
	_ =	sdelay $0x1  }
0xb4: {  	[tilespmem:v3+s25+$0x260 ss:$0x1] =	vst.idx.msk $0xffff, v5  }
0xb5: {  	v5 =	vld.idx.msk [tilespmem:v3+s25+$0x270 ss:$0x1], $0xffff;
	_ =	sdelay $0x4  }
0xb6: {  	v5 =	vmul.f32 v5, v53;
	_ =	sdelay $0x1  }
0xb7: {  	[tilespmem:v3+s25+$0x270 ss:$0x1] =	vst.idx.msk $0xffff, v5  }
0xb8: {  	v5 =	vld.idx.msk [tilespmem:v3+s25+$0x280 ss:$0x1], $0xffff;
	_ =	sdelay $0x4  }
0xb9: {  	v5 =	vmul.f32 v5, v53;
	_ =	sdelay $0x1  }
0xba: {  	[tilespmem:v3+s25+$0x280 ss:$0x1] =	vst.idx.msk $0xffff, v5  }
0xbb: {  	v5 =	vld.idx.msk [tilespmem:v3+s25+$0x290 ss:$0x1], $0xffff;
	_ =	sdelay $0x4  }
0xbc: {  	v5 =	vmul.f32 v5, v53;
	_ =	sdelay $0x1  }
0xbd: {  	[tilespmem:v3+s25+$0x290 ss:$0x1] =	vst.idx.msk $0xffff, v5  }
0xbe: {  	v5 =	vld.idx.msk [tilespmem:v3+s25+$0x2A0 ss:$0x1], $0xffff;
	_ =	sdelay $0x4  }
0xbf: {  	v5 =	vmul.f32 v5, v53;
	_ =	sdelay $0x1  }
0xc0: {  	[tilespmem:v3+s25+$0x2A0 ss:$0x1] =	vst.idx.msk $0xffff, v5  }
0xc1: {  	v5 =	vld.idx.msk [tilespmem:v3+s25+$0x2B0 ss:$0x1], $0xffff;
	_ =	sdelay $0x4  }
0xc2: {  	v5 =	vmul.f32 v5, v53;
	_ =	sdelay $0x1  }
0xc3: {  	[tilespmem:v3+s25+$0x2B0 ss:$0x1] =	vst.idx.msk $0xffff, v5  }
0xc4: {  	[tilespmem:v3+s25+$0x2C0 ss:$0x1] =	vst.idx.msk $0xffff, v53  }
0xc5: {  	v5 =	vld.idx.msk [tilespmem:v3+s25+$0x2D0 ss:$0x1], $0xffff;
	_ =	sdelay $0x2  }
0xc6: {  	v54 =	vbroadcast v4, $0x5;
	_ =	sdelay $0x1  }
0xc7: {  	v5 =	vmul.f32 v5, v54;
	_ =	sdelay $0x1  }
0xc8: {  	[tilespmem:v3+s25+$0x2D0 ss:$0x1] =	vst.idx.msk $0xffff, v5  }
0xc9: {  	v5 =	vld.idx.msk [tilespmem:v3+s25+$0x2E0 ss:$0x1], $0xffff;
	_ =	sdelay $0x4  }
0xca: {  	v5 =	vmul.f32 v5, v54;
	_ =	sdelay $0x1  }
0xcb: {  	[tilespmem:v3+s25+$0x2E0 ss:$0x1] =	vst.idx.msk $0xffff, v5  }
0xcc: {  	v5 =	vld.idx.msk [tilespmem:v3+s25+$0x2F0 ss:$0x1], $0xffff;
	_ =	sdelay $0x4  }
0xcd: {  	v5 =	vmul.f32 v5, v54;
	_ =	sdelay $0x1  }
0xce: {  	[tilespmem:v3+s25+$0x2F0 ss:$0x1] =	vst.idx.msk $0xffff, v5  }
0xcf: {  	v5 =	vld.idx.msk [tilespmem:v3+s25+$0x300 ss:$0x1], $0xffff;
	_ =	sdelay $0x4  }
0xd0: {  	v5 =	vmul.f32 v5, v54;
	_ =	sdelay $0x1  }
0xd1: {  	[tilespmem:v3+s25+$0x300 ss:$0x1] =	vst.idx.msk $0xffff, v5  }
0xd2: {  	v5 =	vld.idx.msk [tilespmem:v3+s25+$0x310 ss:$0x1], $0xffff;
	_ =	sdelay $0x4  }
0xd3: {  	v5 =	vmul.f32 v5, v54;
	_ =	sdelay $0x1  }
0xd4: {  	[tilespmem:v3+s25+$0x310 ss:$0x1] =	vst.idx.msk $0xffff, v5  }
0xd5: {  	v5 =	vld.idx.msk [tilespmem:v3+s25+$0x320 ss:$0x1], $0xffff;
	_ =	sdelay $0x4  }
0xd6: {  	v5 =	vmul.f32 v5, v54;
	_ =	sdelay $0x1  }
0xd7: {  	[tilespmem:v3+s25+$0x320 ss:$0x1] =	vst.idx.msk $0xffff, v5  }
0xd8: {  	v5 =	vld.idx.msk [tilespmem:v3+s25+$0x330 ss:$0x1], $0xffff;
	_ =	sdelay $0x4  }
0xd9: {  	v5 =	vmul.f32 v5, v54;
	_ =	sdelay $0x1  }
0xda: {  	[tilespmem:v3+s25+$0x330 ss:$0x1] =	vst.idx.msk $0xffff, v5  }
0xdb: {  	v5 =	vld.idx.msk [tilespmem:v3+s25+$0x340 ss:$0x1], $0xffff;
	_ =	sdelay $0x4  }
0xdc: {  	v5 =	vmul.f32 v5, v54;
	_ =	sdelay $0x1  }
0xdd: {  	[tilespmem:v3+s25+$0x340 ss:$0x1] =	vst.idx.msk $0xffff, v5  }
0xde: {  	[tilespmem:v3+s25+$0x350 ss:$0x1] =	vst.idx.msk $0xffff, v54  }
0xdf: {  	v5 =	vld.idx.msk [tilespmem:v3+s25+$0x360 ss:$0x1], $0xffff;
	_ =	sdelay $0x2  }
0xe0: {  	v55 =	vbroadcast v4, $0x6;
	_ =	sdelay $0x1  }
0xe1: {  	v5 =	vmul.f32 v5, v55;
	_ =	sdelay $0x1  }
0xe2: {  	[tilespmem:v3+s25+$0x360 ss:$0x1] =	vst.idx.msk $0xffff, v5  }
0xe3: {  	v5 =	vld.idx.msk [tilespmem:v3+s25+$0x370 ss:$0x1], $0xffff;
	_ =	sdelay $0x4  }
0xe4: {  	v5 =	vmul.f32 v5, v55;
	_ =	sdelay $0x1  }
0xe5: {  	[tilespmem:v3+s25+$0x370 ss:$0x1] =	vst.idx.msk $0xffff, v5  }
0xe6: {  	v5 =	vld.idx.msk [tilespmem:v3+s25+$0x380 ss:$0x1], $0xffff;
	_ =	sdelay $0x4  }
0xe7: {  	v5 =	vmul.f32 v5, v55;
	_ =	sdelay $0x1  }
0xe8: {  	[tilespmem:v3+s25+$0x380 ss:$0x1] =	vst.idx.msk $0xffff, v5  }
0xe9: {  	v5 =	vld.idx.msk [tilespmem:v3+s25+$0x390 ss:$0x1], $0xffff;
	_ =	sdelay $0x4  }
0xea: {  	v5 =	vmul.f32 v5, v55;
	_ =	sdelay $0x1  }
0xeb: {  	[tilespmem:v3+s25+$0x390 ss:$0x1] =	vst.idx.msk $0xffff, v5  }
0xec: {  	v5 =	vld.idx.msk [tilespmem:v3+s25+$0x3A0 ss:$0x1], $0xffff;
	_ =	sdelay $0x4  }
0xed: {  	v5 =	vmul.f32 v5, v55;
	_ =	sdelay $0x1  }
0xee: {  	[tilespmem:v3+s25+$0x3A0 ss:$0x1] =	vst.idx.msk $0xffff, v5  }
0xef: {  	v5 =	vld.idx.msk [tilespmem:v3+s25+$0x3B0 ss:$0x1], $0xffff;
	_ =	sdelay $0x4  }
0xf0: {  	v5 =	vmul.f32 v5, v55;
	_ =	sdelay $0x1  }
0xf1: {  	[tilespmem:v3+s25+$0x3B0 ss:$0x1] =	vst.idx.msk $0xffff, v5  }
0xf2: {  	v5 =	vld.idx.msk [tilespmem:v3+s25+$0x3C0 ss:$0x1], $0xffff;
	_ =	sdelay $0x4  }
0xf3: {  	v5 =	vmul.f32 v5, v55;
	_ =	sdelay $0x1  }
0xf4: {  	[tilespmem:v3+s25+$0x3C0 ss:$0x1] =	vst.idx.msk $0xffff, v5  }
0xf5: {  	v5 =	vld.idx.msk [tilespmem:v3+s25+$0x3D0 ss:$0x1], $0xffff;
	_ =	sdelay $0x4  }
0xf6: {  	v5 =	vmul.f32 v5, v55;
	_ =	sdelay $0x1  }
0xf7: {  	[tilespmem:v3+s25+$0x3D0 ss:$0x1] =	vst.idx.msk $0xffff, v5  }
0xf8: {  	[tilespmem:v3+s25+$0x3E0 ss:$0x1] =	vst.idx.msk $0xffff, v55  }
0xf9: {  	v5 =	vld.idx.msk [tilespmem:v3+s25+$0x3F0 ss:$0x1], $0xffff;
	_ =	sdelay $0x2  }
0xfa: {  	v56 =	vbroadcast v4, $0x7;
	_ =	sdelay $0x1  }
0xfb: {  	v5 =	vmul.f32 v5, v56;
	_ =	sdelay $0x1  }
0xfc: {  	[tilespmem:v3+s25+$0x3F0 ss:$0x1] =	vst.idx.msk $0xffff, v5  }
0xfd: {  	v5 =	vld.idx.msk [tilespmem:v3+s25+$0x400 ss:$0x1], $0xffff;
	_ =	sdelay $0x4  }
0xfe: {  	v5 =	vmul.f32 v5, v56;
	_ =	sdelay $0x1  }
0xff: {  	[tilespmem:v3+s25+$0x400 ss:$0x1] =	vst.idx.msk $0xffff, v5  }
0x100: {  	v5 =	vld.idx.msk [tilespmem:v3+s25+$0x410 ss:$0x1], $0xffff;
	_ =	sdelay $0x4  }
0x101: {  	v5 =	vmul.f32 v5, v56;
	_ =	sdelay $0x1  }
0x102: {  	[tilespmem:v3+s25+$0x410 ss:$0x1] =	vst.idx.msk $0xffff, v5  }
0x103: {  	v5 =	vld.idx.msk [tilespmem:v3+s25+$0x420 ss:$0x1], $0xffff;
	_ =	sdelay $0x4  }
0x104: {  	v5 =	vmul.f32 v5, v56;
	_ =	sdelay $0x1  }
0x105: {  	[tilespmem:v3+s25+$0x420 ss:$0x1] =	vst.idx.msk $0xffff, v5  }
0x106: {  	v5 =	vld.idx.msk [tilespmem:v3+s25+$0x430 ss:$0x1], $0xffff;
	_ =	sdelay $0x4  }
0x107: {  	v5 =	vmul.f32 v5, v56;
	_ =	sdelay $0x1  }
0x108: {  	[tilespmem:v3+s25+$0x430 ss:$0x1] =	vst.idx.msk $0xffff, v5  }
0x109: {  	v5 =	vld.idx.msk [tilespmem:v3+s25+$0x440 ss:$0x1], $0xffff;
	_ =	sdelay $0x4  }
0x10a: {  	v5 =	vmul.f32 v5, v56;
	_ =	sdelay $0x1  }
0x10b: {  	[tilespmem:v3+s25+$0x440 ss:$0x1] =	vst.idx.msk $0xffff, v5  }
0x10c: {  	v5 =	vld.idx.msk [tilespmem:v3+s25+$0x450 ss:$0x1], $0xffff;
	_ =	sdelay $0x4  }
0x10d: {  	v5 =	vmul.f32 v5, v56;
	_ =	sdelay $0x1  }
0x10e: {  	[tilespmem:v3+s25+$0x450 ss:$0x1] =	vst.idx.msk $0xffff, v5  }
0x10f: {  	v5 =	vld.idx.msk [tilespmem:v3+s25+$0x460 ss:$0x1], $0xffff;
	_ =	sdelay $0x4  }
0x110: {  	v5 =	vmul.f32 v5, v56;
	_ =	sdelay $0x1  }
0x111: {  	[tilespmem:v3+s25+$0x460 ss:$0x1] =	vst.idx.msk $0xffff, v5  }
0x112: {  	[tilespmem:v3+s25+$0x470 ss:$0x1] =	vst.idx.msk $0xffff, v56  }
0x113: {  	v5 =	vld.idx.msk [tilespmem:v3+s25+$0x480 ss:$0x1], $0xffff;
	_ =	sdelay $0x2  }
0x114: {  	v57 =	vbroadcast v4, $0x8;
	_ =	sdelay $0x1  }
0x115: {  	v5 =	vmul.f32 v5, v57;
	_ =	sdelay $0x1  }
0x116: {  	[tilespmem:v3+s25+$0x480 ss:$0x1] =	vst.idx.msk $0xffff, v5  }
0x117: {  	v5 =	vld.idx.msk [tilespmem:v3+s25+$0x490 ss:$0x1], $0xffff;
	_ =	sdelay $0x4  }
0x118: {  	v5 =	vmul.f32 v5, v57;
	_ =	sdelay $0x1  }
0x119: {  	[tilespmem:v3+s25+$0x490 ss:$0x1] =	vst.idx.msk $0xffff, v5  }
0x11a: {  	v5 =	vld.idx.msk [tilespmem:v3+s25+$0x4A0 ss:$0x1], $0xffff;
	_ =	sdelay $0x4  }
0x11b: {  	v5 =	vmul.f32 v5, v57;
	_ =	sdelay $0x1  }
0x11c: {  	[tilespmem:v3+s25+$0x4A0 ss:$0x1] =	vst.idx.msk $0xffff, v5  }
0x11d: {  	v5 =	vld.idx.msk [tilespmem:v3+s25+$0x4B0 ss:$0x1], $0xffff;
	_ =	sdelay $0x4  }
0x11e: {  	v5 =	vmul.f32 v5, v57;
	_ =	sdelay $0x1  }
0x11f: {  	[tilespmem:v3+s25+$0x4B0 ss:$0x1] =	vst.idx.msk $0xffff, v5  }
0x120: {  	v5 =	vld.idx.msk [tilespmem:v3+s25+$0x4C0 ss:$0x1], $0xffff;
	_ =	sdelay $0x4  }
0x121: {  	v5 =	vmul.f32 v5, v57;
	_ =	sdelay $0x1  }
0x122: {  	[tilespmem:v3+s25+$0x4C0 ss:$0x1] =	vst.idx.msk $0xffff, v5  }
0x123: {  	v5 =	vld.idx.msk [tilespmem:v3+s25+$0x4D0 ss:$0x1], $0xffff;
	_ =	sdelay $0x4  }
0x124: {  	v5 =	vmul.f32 v5, v57;
	_ =	sdelay $0x1  }
0x125: {  	[tilespmem:v3+s25+$0x4D0 ss:$0x1] =	vst.idx.msk $0xffff, v5  }
0x126: {  	v5 =	vld.idx.msk [tilespmem:v3+s25+$0x4E0 ss:$0x1], $0xffff;
	_ =	sdelay $0x4  }
0x127: {  	v5 =	vmul.f32 v5, v57;
	_ =	sdelay $0x1  }
0x128: {  	[tilespmem:v3+s25+$0x4E0 ss:$0x1] =	vst.idx.msk $0xffff, v5  }
0x129: {  	v5 =	vld.idx.msk [tilespmem:v3+s25+$0x4F0 ss:$0x1], $0xffff;
	_ =	sdelay $0x4  }
0x12a: {  	v5 =	vmul.f32 v5, v57;
	_ =	sdelay $0x1  }
0x12b: {  	[tilespmem:v3+s25+$0x4F0 ss:$0x1] =	vst.idx.msk $0xffff, v5  }
0x12c: {  	[tilespmem:v3+s25+$0x500 ss:$0x1] =	vst.idx.msk $0xffff, v57  }
0x12d: {  	v5 =	vld.idx.msk [tilespmem:v3+s25+$0x510 ss:$0x1], $0xffff;
	_ =	sdelay $0x2  }
0x12e: {  	v58 =	vbroadcast v4, $0x9;
	_ =	sdelay $0x1  }
0x12f: {  	v5 =	vmul.f32 v5, v58;
	_ =	sdelay $0x1  }
0x130: {  	[tilespmem:v3+s25+$0x510 ss:$0x1] =	vst.idx.msk $0xffff, v5  }
0x131: {  	v5 =	vld.idx.msk [tilespmem:v3+s25+$0x520 ss:$0x1], $0xffff;
	_ =	sdelay $0x4  }
0x132: {  	v5 =	vmul.f32 v5, v58;
	_ =	sdelay $0x1  }
0x133: {  	[tilespmem:v3+s25+$0x520 ss:$0x1] =	vst.idx.msk $0xffff, v5  }
0x134: {  	v5 =	vld.idx.msk [tilespmem:v3+s25+$0x530 ss:$0x1], $0xffff;
	_ =	sdelay $0x4  }
0x135: {  	v5 =	vmul.f32 v5, v58;
	_ =	sdelay $0x1  }
0x136: {  	[tilespmem:v3+s25+$0x530 ss:$0x1] =	vst.idx.msk $0xffff, v5  }
0x137: {  	v5 =	vld.idx.msk [tilespmem:v3+s25+$0x540 ss:$0x1], $0xffff;
	_ =	sdelay $0x4  }
0x138: {  	v5 =	vmul.f32 v5, v58;
	_ =	sdelay $0x1  }
0x139: {  	[tilespmem:v3+s25+$0x540 ss:$0x1] =	vst.idx.msk $0xffff, v5  }
0x13a: {  	v5 =	vld.idx.msk [tilespmem:v3+s25+$0x550 ss:$0x1], $0xffff;
	_ =	sdelay $0x4  }
0x13b: {  	v5 =	vmul.f32 v5, v58;
	_ =	sdelay $0x1  }
0x13c: {  	[tilespmem:v3+s25+$0x550 ss:$0x1] =	vst.idx.msk $0xffff, v5  }
0x13d: {  	v5 =	vld.idx.msk [tilespmem:v3+s25+$0x560 ss:$0x1], $0xffff;
	_ =	sdelay $0x4  }
0x13e: {  	v5 =	vmul.f32 v5, v58;
	_ =	sdelay $0x1  }
0x13f: {  	[tilespmem:v3+s25+$0x560 ss:$0x1] =	vst.idx.msk $0xffff, v5  }
0x140: {  	v5 =	vld.idx.msk [tilespmem:v3+s25+$0x570 ss:$0x1], $0xffff;
	_ =	sdelay $0x4  }
0x141: {  	v5 =	vmul.f32 v5, v58;
	_ =	sdelay $0x1  }
0x142: {  	[tilespmem:v3+s25+$0x570 ss:$0x1] =	vst.idx.msk $0xffff, v5  }
0x143: {  	v5 =	vld.idx.msk [tilespmem:v3+s25+$0x580 ss:$0x1], $0xffff;
	_ =	sdelay $0x4  }
0x144: {  	v5 =	vmul.f32 v5, v58;
	_ =	sdelay $0x1  }
0x145: {  	[tilespmem:v3+s25+$0x580 ss:$0x1] =	vst.idx.msk $0xffff, v5  }
0x146: {  	[tilespmem:v3+s25+$0x590 ss:$0x1] =	vst.idx.msk $0xffff, v58  }
0x147: {  	v5 =	vld.idx.msk [tilespmem:v3+s25+$0x5A0 ss:$0x1], $0xffff;
	_ =	sdelay $0x2  }
0x148: {  	v59 =	vbroadcast v4, $0xA;
	_ =	sdelay $0x1  }
0x149: {  	v5 =	vmul.f32 v5, v59;
	_ =	sdelay $0x1  }
0x14a: {  	[tilespmem:v3+s25+$0x5A0 ss:$0x1] =	vst.idx.msk $0xffff, v5  }
0x14b: {  	v5 =	vld.idx.msk [tilespmem:v3+s25+$0x5B0 ss:$0x1], $0xffff;
	_ =	sdelay $0x4  }
0x14c: {  	v5 =	vmul.f32 v5, v59;
	_ =	sdelay $0x1  }
0x14d: {  	[tilespmem:v3+s25+$0x5B0 ss:$0x1] =	vst.idx.msk $0xffff, v5  }
0x14e: {  	v5 =	vld.idx.msk [tilespmem:v3+s25+$0x5C0 ss:$0x1], $0xffff;
	_ =	sdelay $0x4  }
0x14f: {  	v5 =	vmul.f32 v5, v59;
	_ =	sdelay $0x1  }
0x150: {  	[tilespmem:v3+s25+$0x5C0 ss:$0x1] =	vst.idx.msk $0xffff, v5  }
0x151: {  	v5 =	vld.idx.msk [tilespmem:v3+s25+$0x5D0 ss:$0x1], $0xffff;
	_ =	sdelay $0x4  }
0x152: {  	v5 =	vmul.f32 v5, v59;
	_ =	sdelay $0x1  }
0x153: {  	[tilespmem:v3+s25+$0x5D0 ss:$0x1] =	vst.idx.msk $0xffff, v5  }
0x154: {  	v5 =	vld.idx.msk [tilespmem:v3+s25+$0x5E0 ss:$0x1], $0xffff;
	_ =	sdelay $0x4  }
0x155: {  	v5 =	vmul.f32 v5, v59;
	_ =	sdelay $0x1  }
0x156: {  	[tilespmem:v3+s25+$0x5E0 ss:$0x1] =	vst.idx.msk $0xffff, v5  }
0x157: {  	v5 =	vld.idx.msk [tilespmem:v3+s25+$0x5F0 ss:$0x1], $0xffff;
	_ =	sdelay $0x4  }
0x158: {  	v5 =	vmul.f32 v5, v59;
	_ =	sdelay $0x1  }
0x159: {  	[tilespmem:v3+s25+$0x5F0 ss:$0x1] =	vst.idx.msk $0xffff, v5  }
0x15a: {  	v5 =	vld.idx.msk [tilespmem:v3+s25+$0x600 ss:$0x1], $0xffff;
	_ =	sdelay $0x4  }
0x15b: {  	v5 =	vmul.f32 v5, v59;
	_ =	sdelay $0x1  }
0x15c: {  	[tilespmem:v3+s25+$0x600 ss:$0x1] =	vst.idx.msk $0xffff, v5  }
0x15d: {  	v5 =	vld.idx.msk [tilespmem:v3+s25+$0x610 ss:$0x1], $0xffff;
	_ =	sdelay $0x4  }
0x15e: {  	v5 =	vmul.f32 v5, v59;
	_ =	sdelay $0x1  }
0x15f: {  	[tilespmem:v3+s25+$0x610 ss:$0x1] =	vst.idx.msk $0xffff, v5  }
0x160: {  	[tilespmem:v3+s25+$0x620 ss:$0x1] =	vst.idx.msk $0xffff, v59  }
0x161: {  	v5 =	vld.idx.msk [tilespmem:v3+s25+$0x630 ss:$0x1], $0xffff;
	_ =	sdelay $0x2  }
0x162: {  	v60 =	vbroadcast v4, $0xB;
	_ =	sdelay $0x1  }
0x163: {  	v5 =	vmul.f32 v5, v60;
	_ =	sdelay $0x1  }
0x164: {  	[tilespmem:v3+s25+$0x630 ss:$0x1] =	vst.idx.msk $0xffff, v5  }
0x165: {  	v5 =	vld.idx.msk [tilespmem:v3+s25+$0x640 ss:$0x1], $0xffff;
	_ =	sdelay $0x4  }
0x166: {  	v5 =	vmul.f32 v5, v60;
	_ =	sdelay $0x1  }
0x167: {  	[tilespmem:v3+s25+$0x640 ss:$0x1] =	vst.idx.msk $0xffff, v5  }
0x168: {  	v5 =	vld.idx.msk [tilespmem:v3+s25+$0x650 ss:$0x1], $0xffff;
	_ =	sdelay $0x4  }
0x169: {  	v5 =	vmul.f32 v5, v60;
	_ =	sdelay $0x1  }
0x16a: {  	[tilespmem:v3+s25+$0x650 ss:$0x1] =	vst.idx.msk $0xffff, v5  }
0x16b: {  	v5 =	vld.idx.msk [tilespmem:v3+s25+$0x660 ss:$0x1], $0xffff;
	_ =	sdelay $0x4  }
0x16c: {  	v5 =	vmul.f32 v5, v60;
	_ =	sdelay $0x1  }
0x16d: {  	[tilespmem:v3+s25+$0x660 ss:$0x1] =	vst.idx.msk $0xffff, v5  }
0x16e: {  	v5 =	vld.idx.msk [tilespmem:v3+s25+$0x670 ss:$0x1], $0xffff;
	_ =	sdelay $0x4  }
0x16f: {  	v5 =	vmul.f32 v5, v60;
	_ =	sdelay $0x1  }
0x170: {  	[tilespmem:v3+s25+$0x670 ss:$0x1] =	vst.idx.msk $0xffff, v5  }
0x171: {  	v5 =	vld.idx.msk [tilespmem:v3+s25+$0x680 ss:$0x1], $0xffff;
	_ =	sdelay $0x4  }
0x172: {  	v5 =	vmul.f32 v5, v60;
	_ =	sdelay $0x1  }
0x173: {  	[tilespmem:v3+s25+$0x680 ss:$0x1] =	vst.idx.msk $0xffff, v5  }
0x174: {  	v5 =	vld.idx.msk [tilespmem:v3+s25+$0x690 ss:$0x1], $0xffff;
	_ =	sdelay $0x4  }
0x175: {  	v5 =	vmul.f32 v5, v60;
	_ =	sdelay $0x1  }
0x176: {  	[tilespmem:v3+s25+$0x690 ss:$0x1] =	vst.idx.msk $0xffff, v5  }
0x177: {  	v5 =	vld.idx.msk [tilespmem:v3+s25+$0x6A0 ss:$0x1], $0xffff;
	_ =	sdelay $0x4  }
0x178: {  	v5 =	vmul.f32 v5, v60;
	_ =	sdelay $0x1  }
0x179: {  	[tilespmem:v3+s25+$0x6A0 ss:$0x1] =	vst.idx.msk $0xffff, v5  }
0x17a: {  	[tilespmem:v3+s25+$0x6B0 ss:$0x1] =	vst.idx.msk $0xffff, v60  }
0x17b: {  	v5 =	vld.idx.msk [tilespmem:v3+s25+$0x6C0 ss:$0x1], $0xffff;
	_ =	sdelay $0x2  }
0x17c: {  	v61 =	vbroadcast v4, $0xC;
	_ =	sdelay $0x1  }
0x17d: {  	v5 =	vmul.f32 v5, v61;
	_ =	sdelay $0x1  }
0x17e: {  	[tilespmem:v3+s25+$0x6C0 ss:$0x1] =	vst.idx.msk $0xffff, v5  }
0x17f: {  	v5 =	vld.idx.msk [tilespmem:v3+s25+$0x6D0 ss:$0x1], $0xffff;
	_ =	sdelay $0x4  }
0x180: {  	v5 =	vmul.f32 v5, v61;
	_ =	sdelay $0x1  }
0x181: {  	[tilespmem:v3+s25+$0x6D0 ss:$0x1] =	vst.idx.msk $0xffff, v5  }
0x182: {  	v5 =	vld.idx.msk [tilespmem:v3+s25+$0x6E0 ss:$0x1], $0xffff;
	_ =	sdelay $0x4  }
0x183: {  	v5 =	vmul.f32 v5, v61;
	_ =	sdelay $0x1  }
0x184: {  	[tilespmem:v3+s25+$0x6E0 ss:$0x1] =	vst.idx.msk $0xffff, v5  }
0x185: {  	v5 =	vld.idx.msk [tilespmem:v3+s25+$0x6F0 ss:$0x1], $0xffff;
	_ =	sdelay $0x4  }
0x186: {  	v5 =	vmul.f32 v5, v61;
	_ =	sdelay $0x1  }
0x187: {  	[tilespmem:v3+s25+$0x6F0 ss:$0x1] =	vst.idx.msk $0xffff, v5  }
0x188: {  	v5 =	vld.idx.msk [tilespmem:v3+s25+$0x700 ss:$0x1], $0xffff;
	_ =	sdelay $0x4  }
0x189: {  	v5 =	vmul.f32 v5, v61;
	_ =	sdelay $0x1  }
0x18a: {  	[tilespmem:v3+s25+$0x700 ss:$0x1] =	vst.idx.msk $0xffff, v5  }
0x18b: {  	v5 =	vld.idx.msk [tilespmem:v3+s25+$0x710 ss:$0x1], $0xffff;
	_ =	sdelay $0x4  }
0x18c: {  	v5 =	vmul.f32 v5, v61;
	_ =	sdelay $0x1  }
0x18d: {  	[tilespmem:v3+s25+$0x710 ss:$0x1] =	vst.idx.msk $0xffff, v5  }
0x18e: {  	v5 =	vld.idx.msk [tilespmem:v3+s25+$0x720 ss:$0x1], $0xffff;
	_ =	sdelay $0x4  }
0x18f: {  	v5 =	vmul.f32 v5, v61;
	_ =	sdelay $0x1  }
0x190: {  	[tilespmem:v3+s25+$0x720 ss:$0x1] =	vst.idx.msk $0xffff, v5  }
0x191: {  	v5 =	vld.idx.msk [tilespmem:v3+s25+$0x730 ss:$0x1], $0xffff;
	_ =	sdelay $0x4  }
0x192: {  	v5 =	vmul.f32 v5, v61;
	_ =	sdelay $0x1  }
0x193: {  	[tilespmem:v3+s25+$0x730 ss:$0x1] =	vst.idx.msk $0xffff, v5  }
0x194: {  	[tilespmem:v3+s25+$0x740 ss:$0x1] =	vst.idx.msk $0xffff, v61  }
0x195: {  	v5 =	vld.idx.msk [tilespmem:v3+s25+$0x750 ss:$0x1], $0xffff;
	_ =	sdelay $0x2  }
0x196: {  	v62 =	vbroadcast v4, $0xD;
	_ =	sdelay $0x1  }
0x197: {  	v5 =	vmul.f32 v5, v62;
	_ =	sdelay $0x1  }
0x198: {  	[tilespmem:v3+s25+$0x750 ss:$0x1] =	vst.idx.msk $0xffff, v5  }
0x199: {  	v5 =	vld.idx.msk [tilespmem:v3+s25+$0x760 ss:$0x1], $0xffff;
	_ =	sdelay $0x4  }
0x19a: {  	v5 =	vmul.f32 v5, v62;
	_ =	sdelay $0x1  }
0x19b: {  	[tilespmem:v3+s25+$0x760 ss:$0x1] =	vst.idx.msk $0xffff, v5  }
0x19c: {  	v5 =	vld.idx.msk [tilespmem:v3+s25+$0x770 ss:$0x1], $0xffff;
	_ =	sdelay $0x4  }
0x19d: {  	v5 =	vmul.f32 v5, v62;
	_ =	sdelay $0x1  }
0x19e: {  	[tilespmem:v3+s25+$0x770 ss:$0x1] =	vst.idx.msk $0xffff, v5  }
0x19f: {  	v5 =	vld.idx.msk [tilespmem:v3+s25+$0x780 ss:$0x1], $0xffff;
	_ =	sdelay $0x4  }
0x1a0: {  	v5 =	vmul.f32 v5, v62;
	_ =	sdelay $0x1  }
0x1a1: {  	[tilespmem:v3+s25+$0x780 ss:$0x1] =	vst.idx.msk $0xffff, v5  }
0x1a2: {  	v5 =	vld.idx.msk [tilespmem:v3+s25+$0x790 ss:$0x1], $0xffff;
	_ =	sdelay $0x4  }
0x1a3: {  	v5 =	vmul.f32 v5, v62;
	_ =	sdelay $0x1  }
0x1a4: {  	[tilespmem:v3+s25+$0x790 ss:$0x1] =	vst.idx.msk $0xffff, v5  }
0x1a5: {  	v5 =	vld.idx.msk [tilespmem:v3+s25+$0x7A0 ss:$0x1], $0xffff;
	_ =	sdelay $0x4  }
0x1a6: {  	v5 =	vmul.f32 v5, v62;
	_ =	sdelay $0x1  }
0x1a7: {  	[tilespmem:v3+s25+$0x7A0 ss:$0x1] =	vst.idx.msk $0xffff, v5  }
0x1a8: {  	v5 =	vld.idx.msk [tilespmem:v3+s25+$0x7B0 ss:$0x1], $0xffff;
	_ =	sdelay $0x4  }
0x1a9: {  	v5 =	vmul.f32 v5, v62;
	_ =	sdelay $0x1  }
0x1aa: {  	[tilespmem:v3+s25+$0x7B0 ss:$0x1] =	vst.idx.msk $0xffff, v5  }
0x1ab: {  	v5 =	vld.idx.msk [tilespmem:v3+s25+$0x7C0 ss:$0x1], $0xffff;
	_ =	sdelay $0x4  }
0x1ac: {  	v5 =	vmul.f32 v5, v62;
	_ =	sdelay $0x1  }
0x1ad: {  	[tilespmem:v3+s25+$0x7C0 ss:$0x1] =	vst.idx.msk $0xffff, v5  }
0x1ae: {  	[tilespmem:v3+s25+$0x7D0 ss:$0x1] =	vst.idx.msk $0xffff, v62  }
0x1af: {  	v5 =	vld.idx.msk [tilespmem:v3+s25+$0x7E0 ss:$0x1], $0xffff;
	_ =	sdelay $0x2  }
0x1b0: {  	v63 =	vbroadcast v4, $0xE;
	_ =	sdelay $0x1  }
0x1b1: {  	v5 =	vmul.f32 v5, v63;
	_ =	sdelay $0x1  }
0x1b2: {  	[tilespmem:v3+s25+$0x7E0 ss:$0x1] =	vst.idx.msk $0xffff, v5  }
0x1b3: {  	v5 =	vld.idx.msk [tilespmem:v3+s25+$0x7F0 ss:$0x1], $0xffff;
	_ =	sdelay $0x4  }
0x1b4: {  	v5 =	vmul.f32 v5, v63;
	_ =	sdelay $0x1  }
0x1b5: {  	[tilespmem:v3+s25+$0x7F0 ss:$0x1] =	vst.idx.msk $0xffff, v5  }
0x1b6: {  	v5 =	vld.idx.msk [tilespmem:v3+s25+$0x800 ss:$0x1], $0xffff;
	_ =	sdelay $0x4  }
0x1b7: {  	v5 =	vmul.f32 v5, v63;
	_ =	sdelay $0x1  }
0x1b8: {  	[tilespmem:v3+s25+$0x800 ss:$0x1] =	vst.idx.msk $0xffff, v5  }
0x1b9: {  	v5 =	vld.idx.msk [tilespmem:v3+s25+$0x810 ss:$0x1], $0xffff;
	_ =	sdelay $0x4  }
0x1ba: {  	v5 =	vmul.f32 v5, v63;
	_ =	sdelay $0x1  }
0x1bb: {  	[tilespmem:v3+s25+$0x810 ss:$0x1] =	vst.idx.msk $0xffff, v5  }
0x1bc: {  	v5 =	vld.idx.msk [tilespmem:v3+s25+$0x820 ss:$0x1], $0xffff;
	_ =	sdelay $0x4  }
0x1bd: {  	v5 =	vmul.f32 v5, v63;
	_ =	sdelay $0x1  }
0x1be: {  	[tilespmem:v3+s25+$0x820 ss:$0x1] =	vst.idx.msk $0xffff, v5  }
0x1bf: {  	v5 =	vld.idx.msk [tilespmem:v3+s25+$0x830 ss:$0x1], $0xffff;
	_ =	sdelay $0x4  }
0x1c0: {  	v5 =	vmul.f32 v5, v63;
	_ =	sdelay $0x1  }
0x1c1: {  	[tilespmem:v3+s25+$0x830 ss:$0x1] =	vst.idx.msk $0xffff, v5  }
0x1c2: {  	v5 =	vld.idx.msk [tilespmem:v3+s25+$0x840 ss:$0x1], $0xffff;
	_ =	sdelay $0x4  }
0x1c3: {  	v5 =	vmul.f32 v5, v63;
	_ =	sdelay $0x1  }
0x1c4: {  	[tilespmem:v3+s25+$0x840 ss:$0x1] =	vst.idx.msk $0xffff, v5  }
0x1c5: {  	v5 =	vld.idx.msk [tilespmem:v3+s25+$0x850 ss:$0x1], $0xffff;
	_ =	sdelay $0x4  }
0x1c6: {  	v5 =	vmul.f32 v5, v63;
	_ =	sdelay $0x1  }
0x1c7: {  	[tilespmem:v3+s25+$0x850 ss:$0x1] =	vst.idx.msk $0xffff, v5  }
0x1c8: {  	[tilespmem:v3+s25+$0x860 ss:$0x1] =	vst.idx.msk $0xffff, v63  }
0x1c9: {  	v5 =	vld.idx.msk [tilespmem:v3+s25+$0x870 ss:$0x1], $0xffff;
	_ =	sdelay $0x2  }
0x1ca: {  	v4 =	vbroadcast v4, $0xF;
	_ =	sdelay $0x1  }
0x1cb: {  	v5 =	vmul.f32 v5, v4;
	_ =	sdelay $0x1  }
0x1cc: {  	[tilespmem:v3+s25+$0x870 ss:$0x1] =	vst.idx.msk $0xffff, v5  }
0x1cd: {  	v5 =	vld.idx.msk [tilespmem:v3+s25+$0x880 ss:$0x1], $0xffff;
	_ =	sdelay $0x4  }
0x1ce: {  	v5 =	vmul.f32 v5, v4;
	_ =	sdelay $0x1  }
0x1cf: {  	[tilespmem:v3+s25+$0x880 ss:$0x1] =	vst.idx.msk $0xffff, v5  }
0x1d0: {  	v5 =	vld.idx.msk [tilespmem:v3+s25+$0x890 ss:$0x1], $0xffff;
	_ =	sdelay $0x4  }
0x1d1: {  	v5 =	vmul.f32 v5, v4;
	_ =	sdelay $0x1  }
0x1d2: {  	[tilespmem:v3+s25+$0x890 ss:$0x1] =	vst.idx.msk $0xffff, v5  }
0x1d3: {  	v5 =	vld.idx.msk [tilespmem:v3+s25+$0x8A0 ss:$0x1], $0xffff;
	_ =	sdelay $0x4  }
0x1d4: {  	v5 =	vmul.f32 v5, v4;
	_ =	sdelay $0x1  }
0x1d5: {  	[tilespmem:v3+s25+$0x8A0 ss:$0x1] =	vst.idx.msk $0xffff, v5  }
0x1d6: {  	v5 =	vld.idx.msk [tilespmem:v3+s25+$0x8B0 ss:$0x1], $0xffff;
	_ =	sdelay $0x4  }
0x1d7: {  	v5 =	vmul.f32 v5, v4;
	_ =	sdelay $0x1  }
0x1d8: {  	[tilespmem:v3+s25+$0x8B0 ss:$0x1] =	vst.idx.msk $0xffff, v5  }
0x1d9: {  	v5 =	vld.idx.msk [tilespmem:v3+s25+$0x8C0 ss:$0x1], $0xffff;
	_ =	sdelay $0x4  }
0x1da: {  	v5 =	vmul.f32 v5, v4;
	_ =	sdelay $0x1  }
0x1db: {  	[tilespmem:v3+s25+$0x8C0 ss:$0x1] =	vst.idx.msk $0xffff, v5  }
0x1dc: {  	v5 =	vld.idx.msk [tilespmem:v3+s25+$0x8D0 ss:$0x1], $0xffff;
	_ =	sdelay $0x4  }
0x1dd: {  	v5 =	vmul.f32 v5, v4;
	_ =	sdelay $0x1  }
0x1de: {  	[tilespmem:v3+s25+$0x8D0 ss:$0x1] =	vst.idx.msk $0xffff, v5  }
0x1df: {  	v5 =	vld.idx.msk [tilespmem:v3+s25+$0x8E0 ss:$0x1], $0xffff;
	_ =	sdelay $0x2  }
0x1e0: {  	p0 =	sne.s32 s24, $0x4  }
.Ltmp0:
0x1e1: {  	_ = 	snop;
	(pc) =	sbr.rel @p0 .LBB2_4-.Ltmp0, $3  }
0x1e2: {  	v5 =	vmul.f32 v5, v4;
	_ =	sdelay $0x1  }
0x1e3: {  	[tilespmem:v3+s25+$0x8E0 ss:$0x1] =	vst.idx.msk $0xffff, v5  }
0x1e4: {  	s24 =	sadd.s32 $0x1, s24;
	[tilespmem:v3+s25+$0x8F0 ss:$0x1] =	vst.idx.msk $0xffff, v4  }
0x1e5: {  	p0 =	sne.s32 s21, $0x19  }
.Ltmp1:
0x1e6: {  	_ = 	snop;
	(pc) =	sbr.rel @p0 .LBB2_3-.Ltmp1, $4  }
0x1e7: {  	[spmem:s2] =	stream.indirect.scatter.add.f32 [tilespmem:s23], [sflag:$0x3], $0x90, s22, s17, $0xb8;
	[tilespmem:$0x1F9A0] =	vst v63  }
0x1e8: {  	_ =	swait.ge [sflag:s14], $0x2D00  }
0x1e9: {  	[sflag:s14] =	ssyncset.done $0x0  }
0x1ea: {  	[sflag:s14] =	ssyncadd.s32 $0xFFFFD300  }
0x1eb: {  	s20 =	sadd.s32 $0x1, s20  }
0x1ec: {  	p0 =	sne.s32 s20, $0x5  }
.Ltmp2:
0x1ed: {  	_ = 	snop;
	(pc) =	sbr.rel @p0 .LBB2_2-.Ltmp2, $1  }
0x1ee: {  	_ =	sdelay $0x3  }
0x1ef: {  	s19 =	sadd.s32 $0x1, s19  }
0x1f0: {  	p0 =	sne.s32 s19, s12  }
.Ltmp3:
0x1f1: {  	[bflag:$0x0] =	sbarrier.arrive $0xFFFF;
	(pc) =	sbr.rel @p0 .LBB2_1-.Ltmp3, $4  }
0x1f2: {  	[hbm:s11], [sflag:s9] =	dma.local [spmem:s13], $0x2D00  }
0x1f3: {  	_ =	swait.ge [sflag:s14], $0x2D00  }
0x1f4: {  	[sflag:s14] =	ssyncset.done $0x0  }
0x1f5: {  	[sflag:s14] =	ssyncadd.s32 $0xFFFFD300  }
0x1f6: {  	_ =	sfence.sel $0x180000  }
0x1f7: {  	[bflag:$0x0] =	sbarrier.arrive $0xFFFF  }
0x1f8: {  	p0 =	sne.s32 s1, $0x0;
	_ =	strace $0x9000004A  }
0x1f9: {  	s0 =	sadd.s32 @!p0 $0x100000, s0;
	[bflag:$0x2] =	sbarrier.arrive $0xFFFF  }
0x1fa: {  	[sflag:s0] =	ssyncadd.tile.s32 @!p0 $0x1;
	_ =	shalt  }
.Lfunc_end2:
_tile_overlayer_lowered:
.L_overlay_start_2:
0x1fb: {  	(tag) =	ssettag $0x2  }
0x1fc: {  	s0 =	rddreg [dreg:$0x0];
	s2 =	stileid.u32  }
0x1fd: {  	s1 =	rddreg [dreg:$0x1];
	p0 =	sne.s32 s2, $0x0  }
0x1fe: {  	s3 =	rddreg [dreg:$0x2];
	[bflag:$0x3] =	sbarrier.arrive $0xFFFF;
	s2 =	simm.s32 @!p0 $0x1C03  }
0x1ff: {  	[timem:s3], [sflag:s2] =	dma.local @!p0 [hbm:s0], s1  }
0x200: {  	s0 =	simm.s32 @!p0 $0x3  }
0x201: {  	_ =	swait.ge @!p0 [sflag:s0], s1  }
0x202: {  	s1 =	ssub.s32 @!p0 $0x0, s1;
	[sflag:s0] =	ssyncset.done @!p0 $0x0  }
0x203: {  	[sflag:s0] =	ssyncadd.s32 @!p0 s1  }
0x204: {  	[bflag:$0x3] =	sbarrier.arrive $0xFFFF  }
0x205: {  	_ =	shalt  }

// kernel: kernel.7.cloned.1.call-start
scs
__scs_entry_jumppad:
0x0: {  	(pc) =	sbr.rel $0x88, $3  }
0x1: {  	(tag) =	ssettag $0x0;
	lr =	simm.s32 $0x1  }
0x2: {  	[smem:$0x3F90] =	sst lr;
	_ =	strace $0xD0000000  }
0x3: {  	_ = 	snop  }
0x4: {  	_ = 	snop  }
0x5: {  	_ = 	snop  }
0x6: {  	_ = 	snop  }
0x7: {  	_ = 	snop  }
__scs_overlays_trampoline_lowered:
0x8: {  	[smem:$0x3F9F] =	sst s0  }
0x9: {  	[smem:$0x3FA0] =	sst s1  }
0xa: {  	[smem:$0x3FA1] =	sst s2  }
0xb: {  	[smem:$0x3FA2] =	sst s3  }
0xc: {  	[smem:$0x3FA3] =	sst s4  }
0xd: {  	[smem:$0x3FA4] =	sst s5  }
0xe: {  	[smem:$0x3FA5] =	sst s6  }
0xf: {  	[smem:$0x3FA6] =	sst s7  }
0x10: {  	[smem:$0x3FA7] =	sst s8  }
0x11: {  	[smem:$0x3FA8] =	sst s9;
	s0 =	simm.s32 @!p0 $0x0  }
0x12: {  	s1 =	sld [smem:$0x3F8E];
	s0 =	simm.s32 @p0 $0x1  }
0x13: {  	[smem:$0x3FA9] =	sst s0;
	s0 =	simm.s32 @!p1 $0x0  }
0x14: {  	s2 =	sld [smem:$0x3F8D];
	s0 =	simm.s32 @p1 $0x1  }
0x15: {  	[smem:$0x3FAA] =	sst s0;
	s0 =	simm.s32 @!p2 $0x0  }
0x16: {  	s3 =	sld [smem:$0x3FDB];
	s0 =	simm.s32 @p2 $0x1  }
0x17: {  	s4 =	simm.s32 $0x1BF5;
	[smem:$0x3FAC] =	sst s0  }
0x18: {  	s0 =	sld [smem:$0x3F8F];
	_ =	swait.ge [sflag:s4], $0x0  }
0x19: {  	s7 =	sld [smem:$0x3F90]  }
0x1a: {  	s8 =	sadd.s32 $0xFFFFE003, lr  }
0x1b: {  	s9 =	sadd.s32 $0xFFFFFEF7, lr;
	s5 =	simm.s32 $0xFFFFFFFF;
	p2 =	slt.u32 s8, $0xFFFFF086  }
0x1c: {  	p1 =	slt.u32 s9, $0xF7A;
	s5 =	simm.s32 @!p2 $0x0  }
0x1d: {  	s5 =	simm.s32 @p1 $0x1;
	p0 =	seq.s32 s7, s2  }
0x1e: {  	s7 =	smul.u32 @!p0 $0xF7A, s2;
	p2 =	seq.s32 @!p0 s5, $0x0  }
0x1f: {  	s9 =	smul.u32 $0xF7A, s1;
	s8 =	simm.s32 @!p0 $0x1BF5;
	p2 =	por !p2, p0  }
0x20: {  	[sflag:s8] =	ssyncset.s32 @!p0 $0xFFFFF086;
	s6 =	sadd.s32 @!p0 s3, s7;
	s7 =	simm.s32 @!p0 $0x108  }
0x21: {  	s3 =	sadd.s32 s3, s9;
	s6 =	sadd.s32 @!p0 $0x88, s6;
	s7 =	simm.s32 @p2 $0x1082  }
0x22: {  	[simem:s7], [sflag:s8] =	dma.local @!p0 [hbm:s6], $0xF7A  }
0x23: {  	s9 =	sor.u32 $0xD0000000, s2;
	s6 =	simm.s32 $0x108;
	_ =	swait.ge @!p0 [sflag:s8], $0x0  }
0x24: {  	s3 =	sadd.s32 $0x88, s3;
	s6 =	simm.s32 @!p1 $0x1082;
	[sflag:s4] =	ssyncset.s32 $0xFFFFF086  }
0x25: {  	[simem:s6], [sflag:s4] =	dma.local [hbm:s3], $0xF7A  }
0x26: {  	[smem:$0x3F90] =	sst s1;
	(tag) =	ssettag s2;
	_ =	strace s9  }
0x27: {  	s1 =	sld [smem:$0x3FA0]  }
0x28: {  	s2 =	sld [smem:$0x3FA1]  }
0x29: {  	s4 =	sld [smem:$0x3FA3]  }
0x2a: {  	p0 =	seq.s32 s5, $0x0;
	s5 =	sld [smem:$0x3FA4]  }
0x2b: {  	s6 =	sld [smem:$0x3FA5]  }
0x2c: {  	s7 =	sld [smem:$0x3FA6]  }
0x2d: {  	s3 =	simm.s32 $0x108;
	s8 =	sld [smem:$0x3FA7]  }
0x2e: {  	s3 =	simm.s32 @!p0 $0x1082;
	s9 =	sld [smem:$0x3FA8]  }
0x2f: {  	lr =	sadd.s32 s0, s3;
	s0 =	sld [smem:$0x3F9F]  }
0x30: {  	s3 =	sld [smem:$0x3FA2]  }
0x31: {  	[smem:$0x3FAB] =	sst s10  }
0x32: {  	s10 =	sld [smem:$0x3FA9];
	_ =	sdelay $0x3  }
0x33: {  	p0 =	seq.s32 s10, $0x1;
	s10 =	sld [smem:$0x3FAB];
	_ =	sdelay $0x3  }
0x34: {  	[smem:$0x3FAB] =	sst s10  }
0x35: {  	s10 =	sld [smem:$0x3FAA];
	_ =	sdelay $0x3  }
0x36: {  	p1 =	seq.s32 s10, $0x1;
	s10 =	sld [smem:$0x3FAB];
	_ =	sdelay $0x3  }
0x37: {  	[smem:$0x3FAB] =	sst s10  }
0x38: {  	s10 =	sld [smem:$0x3FAC]  }
0x39: {  	_ = 	snop;
	(pc) =	sbr.ind lr, $3  }
0x3a: {  	_ = 	snop  }
0x3b: {  	_ = 	snop  }
0x3c: {  	p2 =	seq.s32 s10, $0x1;
	s10 =	sld [smem:$0x3FAB]  }
0x3d: {  	_ =	shalt  }
0x3e: {  	_ =	shalt  }
0x3f: {  	_ =	shalt  }
0x40: {  	_ =	shalt  }
0x41: {  	_ =	shalt  }
0x42: {  	_ =	shalt  }
0x43: {  	_ =	shalt  }
0x44: {  	_ =	shalt  }
0x45: {  	_ =	shalt  }
0x46: {  	_ =	shalt  }
0x47: {  	_ =	shalt  }
0x48: {  	_ =	shalt  }
0x49: {  	_ =	shalt  }
0x4a: {  	_ =	shalt  }
0x4b: {  	_ =	shalt  }
0x4c: {  	_ =	shalt  }
0x4d: {  	_ =	shalt  }
0x4e: {  	_ =	shalt  }
0x4f: {  	_ =	shalt  }
0x50: {  	_ =	shalt  }
0x51: {  	_ =	shalt  }
0x52: {  	_ =	shalt  }
0x53: {  	_ =	shalt  }
0x54: {  	_ =	shalt  }
0x55: {  	_ =	shalt  }
0x56: {  	_ =	shalt  }
0x57: {  	_ =	shalt  }
0x58: {  	_ =	shalt  }
0x59: {  	_ =	shalt  }
0x5a: {  	_ =	shalt  }
0x5b: {  	_ =	shalt  }
0x5c: {  	_ =	shalt  }
0x5d: {  	_ =	shalt  }
0x5e: {  	_ =	shalt  }
0x5f: {  	_ =	shalt  }
0x60: {  	_ =	shalt  }
0x61: {  	_ =	shalt  }
0x62: {  	_ =	shalt  }
0x63: {  	_ =	shalt  }
0x64: {  	_ =	shalt  }
0x65: {  	_ =	shalt  }
0x66: {  	_ =	shalt  }
0x67: {  	_ =	shalt  }
0x68: {  	_ =	shalt  }
0x69: {  	_ =	shalt  }
0x6a: {  	_ =	shalt  }
0x6b: {  	_ =	shalt  }
0x6c: {  	_ =	shalt  }
0x6d: {  	_ =	shalt  }
0x6e: {  	_ =	shalt  }
0x6f: {  	_ =	shalt  }
0x70: {  	_ =	shalt  }
0x71: {  	_ =	shalt  }
0x72: {  	_ =	shalt  }
0x73: {  	_ =	shalt  }
0x74: {  	_ =	shalt  }
0x75: {  	_ =	shalt  }
0x76: {  	_ =	shalt  }
0x77: {  	_ =	shalt  }
0x78: {  	_ =	shalt  }
0x79: {  	_ =	shalt  }
0x7a: {  	_ =	shalt  }
0x7b: {  	_ =	shalt  }
0x7c: {  	_ =	shalt  }
0x7d: {  	_ =	shalt  }
0x7e: {  	_ =	shalt  }
0x7f: {  	_ =	shalt  }
0x80: {  	_ =	shalt  }
0x81: {  	_ =	shalt  }
0x82: {  	_ =	shalt  }
0x83: {  	_ =	shalt  }
0x84: {  	_ =	shalt  }
0x85: {  	_ =	shalt  }
0x86: {  	_ =	shalt  }
0x87: {  	_ =	shalt  }
.Lfunc_end0:
.L_simem_size_0:
called_computation_lowered:
.L_overlay_start_0:
0x88: {  	s2 =	sld [smem:$0x3FD9]  }
0x89: {  	s3 =	sld [smem:$0x3FFE];
	_ =	sdelay $0x1  }
0x8a: {  	s1 =	srdreg.scid  }
0x8b: {  	s0 =	sand.u32 $0x1, s1  }
0x8c: {  	s16 =	sshll.u32 s0, $0xA;
	s2 =	sadd.s32 s3, s2  }
0x8d: {  	s2 =	sadd.s32 s2, s16  }
0x8e: {  	[smem:$0x3FB7] =	sst s2  }
0x8f: {  	_ = 	snop  }
0x90: {  	(tm) =	ssettm $0x1  }
0x91: {  	s17 =	sld [smem:$0x3FFB];
	_ =	sdelay $0x3  }
0x92: {  	_ =	strace s17  }
0x93: {  	s2 =	sld [smem:$0x3FFC];
	_ =	sdelay $0x3  }
0x94: {  	_ =	strace s2  }
0x95: {  	s2 =	sld [smem:$0x3FFD];
	_ =	sdelay $0x3  }
0x96: {  	_ =	strace s2  }
0x97: {  	_ =	strace $0x8FFFFFFF  }
0x98: {  	s18 =	sld [smem:$0x3FDB];
	_ =	sdelay $0x1  }
0x99: {  	s19 =	simm.s32 $_scs_section_size  }
0x9a: {  	s4 =	simm.s32 $_size__tile_overlayer_lowered;
	s5 =	simm.s32 $_tile_overlayer_lowered  }
0x9b: {  	s22 =	simm.s32 $0x1BFF;
	s21 =	sshll.u32 s5, $0x1;
	s2 =	sadd.s32 s19, s18  }
0x9c: {  	s6 =	simm.s32 $0x0;
	s20 =	sshll.u32 s4, $0x1;
	s4 =	sadd.s32 s21, s2  }
0x9d: {  	[timem:s6], [sflag:s22] =	dma.local [hbm:s4], s20  }
0x9e: {  	_ =	swait.ge [sflag:s22], s20  }
0x9f: {  	s3 =	ssub.s32 $0x0, s20;
	[sflag:s22] =	ssyncset.done $0x0  }
0xa0: {  	[sflag:s22] =	ssyncadd.s32 s3;
	_ =	sdelay $0x1  }
0xa1: {  	s23 =	simm.s32 $0x1B8B  }
0xa2: {  	_ =	swait.ge [sflag:s23], $0x1  }
0xa3: {  	[sflag:s23] =	ssyncset.done $0x0  }
0xa4: {  	s25 =	simm.s32 $0x1B8E;
	s24 =	sld [smem:$0x3FFE];
	[sflag:s23] =	ssyncadd.s32 $0xFFFFFFFF  }
0xa5: {  	s26 =	simm.s32 $execute0_lowered;
	[smem:$0x3FD2] =	sst s25  }
0xa6: {  	s4 =	sshll.u32 s26, $0x1;
	_ =	strace $0x80000046;
	[dreg:$0x1] =	wrdreg $0xFFFFFFFF  }
0xa7: {  	s28 =	simm.s32 $_size_execute0_lowered;
	s2 =	sadd.s32 s2, s4;
	[dreg:$0x0] =	wrdreg $0x0  }
0xa8: {  	s4 =	sshll.u32 s28, $0x1;
	[dreg:$0x2] =	wrdreg s2  }
0xa9: {  	[dreg:$0x3] =	wrdreg s4  }
0xaa: {  	[dreg:$0x4] =	wrdreg $0xC0  }
0xab: {  	_ =	task [dreg:s6], $0x5FFFF  }
0xac: {  	[dreg:$0x1] =	wrdreg $0xFFFFFFFF  }
0xad: {  	[dreg:$0x0] =	wrdreg $0x60  }
0xae: {  	[dreg:$0x2] =	wrdreg s24  }
0xaf: {  	[dreg:$0x3] =	wrdreg $0x91A00  }
0xb0: {  	[dreg:$0x4] =	wrdreg $0x9  }
0xb1: {  	_ =	task.clear_ibuf [dreg:s6], $0x5FFFF;
	_ =	strace $0x90000046  }
0xb2: {  	s29 =	simm.s32 $0x9;
	_ =	strace $0x80000048  }
0xb3: {  	_ =	swait.ge [sflag:s29], $0x1  }
0xb4: {  	[sflag:s29] =	ssyncadd.s32 $0xFFFFFFFF  }
0xb5: {  	_ =	strace $0x90000048  }
0xb6: {  	_ =	sfence  }
0xb7: {  	s30 =	sld [smem:$0x0];
	_ =	sdelay $0x2  }
0xb8: {  	s31 =	sshll.u32 s1, $0xD;
	s1 =	sshrl.u32 s1, $0x2  }
0xb9: {  	s3 =	sand.u32 $0x4000, s31;
	s1 =	sadd.s32 s1, s30  }
0xba: {  	s0 =	sor.u32 s3, s0;
	s1 =	sshll.u32 s1, $0x11  }
0xbb: {  	s0 =	sor.u32 s1, s0  }
0xbc: {  	s0 =	sadd.s32 $0x8F2B, s0  }
0xbd: {  	[sflag:s0] =	ssyncadd.remote.s32 $0x1  }
0xbe: {  	_ =	sfence.sel $0xFFFF  }
0xbf: {  	[dreg:$0x0] =	wrdreg $0xFFFFFFFF;
	(pc) =	sbr.abs _section_cstart, $3  }
0xc0: {  	[dreg:$0x1] =	wrdreg $0xFFFFFFFF  }
0xc1: {  	_ =	task.clear_ibuf [dreg:s6], $0x2FFFF;
	_ =	strace $0x9FFFFFFF  }
0xc2: {  	(tm) =	ssettm $0x7FFFFFFF  }
0xc3: {  	_ =	shalt  }
tec
execute0_lowered:
.L_overlay_start_1:
0x0: {  	(tag) =	ssettag $0x1  }
0x1: {  	s8 =	rddreg [dreg:$0x0]  }
0x2: {  	s1 =	rddreg [dreg:$0x1];
	s3 =	simm.s32 $0x0;
	s0 =	stileid.u32  }
0x3: {  	s7 =	srdreg.scid;
	s16 =	simm.s32 $0x3;
	s17 =	simm.s32 $0x69A0  }
0x4: {  	s18 =	simm.s32 $0x7D0;
	s19 =	simm.s32 $0x50;
	s20 =	simm.s32 $0xFA0  }
0x5: {  	[smem:$0x7FF] =	sst s3;
	s4 =	sadd.s32 $0x282200, s8;
	s11 =	smul.u32 $0x16800, s0  }
0x6: {  	s5 =	sadd.s32 $0x2200, s8;
	s6 =	sadd.s32 $0x18600, s8;
	s9 =	sand.u32 $0x1, s7  }
0x7: {  	s7 =	sadd.s32 $0x4A00, s8;
	s30 =	sshll.u32 s0, $0x6;
	_ =	strace $0x80000047  }
0x8: {  	s12 =	ssub.s32 $0x2, s9;
	s9 =	sshll.u32 s9, $0x2;
	s10 =	sshrl.u32 s11, $0x3  }
0x9: {  	v0 =	vlaneseq.u32;
	s29 =	sshrl.u32 s12, $0x1;
	s15 =	sadd.s32 s11, s1;
	s13 =	sadd.s32 s10, s8  }
0xa: {  	v0 =	vmul.u32 $0x90, v0;
	s8 =	sadd.s32 $0x93800, s8;
	s14 =	ssub.s32 s12, s29;
	s10 =	smul.u32 $0x280, s0  }
0xb: {  	s12 =	sor.u32 $0x1C03, s30;
	s15 =	sshrl.u32 s15, $0x3;
	s31 =	smax.u32 s14, $0x1  }
0xc: {  	v0 =	vadd.s32 $0x81, v0;
	s11 =	sadd.s32 $0x66800, s13;
	s13 =	smul.u32 $0xFA, s0;
	[dreg:$0x3] =	wrdreg s31  }
.LBB2_1:
0xd: {  	s21 =	simm.s32 $0x0  }
.LBB2_2:
0xe: {  	s24 =	sadd.s32 s9, s21  }
0xf: {  	[spmem:s15], [sflag:s12] =	dma.local [hbm:s11], $0x2D00  }
0x10: {  	s22 =	smul.u32 $0x2800, s24  }
0x11: {  	_ =	swait.ge [sflag:s16], $0x2D00  }
0x12: {  	[sflag:s16] =	ssyncset.done $0x0;
	s23 =	sshrl.u32 s22, $0x3  }
0x13: {  	[sflag:s16] =	ssyncadd.s32 $0xFFFFD300;
	s25 =	sadd.s32 s5, s23;
	s23 =	simm.s32 $0x0  }
0x14: {  	[tilespmem:s17], [sflag:$0x3] =	stream.linear.gather [hbm4b:s25+s23], $0x2800, $0x38;
	[tilespmem:$0x1F9A0] =	vst v63  }
0x15: {  	_ =	swait.ge [sflag:s16], $0x2800  }
0x16: {  	s24 =	smul.u32 $0xFA0, s24;
	[sflag:s16] =	ssyncset.done $0x0  }
0x17: {  	[sflag:s16] =	ssyncadd.s32 $0xFFFFD800  }
0x18: {  	s24 =	sadd.s32 s24, s13;
	s25 =	simm.s32 $0x0;
	[bflag:$0x0] =	sbarrier.arrive $0xFFFF  }
.LBB2_3:
0x19: {  	s26 =	smul.u32 $0x19, s25;
	_ =	sdelay $0x1  }
0x1a: {  	s28 =	sadd.s32 s24, s26  }
0x1b: {  	s28 =	smul.u32 $0xA, s28;
	_ =	sdelay $0x1  }
0x1c: {  	s26 =	sadd.s32 s13, s26;
	s28 =	sadd.s32 s6, s28  }
0x1d: {  	[tilespmem:s23], [sflag:$0x3] =	stream.linear.gather [hbm4b:s28+s23], $0x7D0, $0x38;
	[tilespmem:$0x1F9A0] =	vst v63  }
0x1e: {  	s26 =	smul.u32 $0xA, s26;
	_ =	swait.ge [sflag:s16], $0x7D0  }
0x1f: {  	[sflag:s16] =	ssyncset.done $0x0  }
0x20: {  	s26 =	sadd.s32 s7, s26;
	[sflag:s16] =	ssyncadd.s32 $0xFFFFF830  }
0x21: {  	[tilespmem:s18], [sflag:$0x3] =	stream.linear.gather [hbm4b:s26+s23], $0x7D0, $0x38;
	[tilespmem:$0x1F9A0] =	vst v63  }
0x22: {  	_ =	swait.ge [sflag:s16], $0x7D0  }
0x23: {  	[sflag:s16] =	ssyncset.done $0x0  }
0x24: {  	s26 =	simm.s32 $0x0;
	[sflag:s16] =	ssyncadd.s32 $0xFFFFF830  }
0x25: {  	[tilespmem:s20], [sflag:$0x1] =	stream.indirect.gather [hbm4b:s4+s19], $0x90, s23, s19, $0xb8;
	[tilespmem:$0x1F9A0] =	vst v63  }
.LBB2_4:
0x26: {  	s28 =	smov.u32 s26  }
0x27: {  	s29 =	sand.u32 $0x1, s26;
	p0 =	seq.s32 s26, $0x18;
	s26 =	sadd.s32 $0x1, s26  }
0x28: {  	s2 =	smul.u32 @!p0 $0x140, s26  }
0x29: {  	s30 =	sadd.s32 $0x1, s29;
	s31 =	sxor.u32 @!p0 $0x1, s29;
	s28 =	smul.u32 $0x140, s28  }
0x2a: {  	_ =	swait.ge [sflag:s30], $0x2D00;
	s0 =	smul.u32 @!p0 $0xB400, s31  }
0x2b: {  	s14 =	smul.u32 $0xB400, s29;
	[sflag:s30] =	ssyncset.done $0x0  }
0x2c: {  	s2 =	sshra.s32 @!p0 s2, $0x2;
	[sflag:s30] =	ssyncadd.s32 $0xFFFFD300;
	s0 =	sshrl.u32 @!p0 s0, $0x2  }
0x2d: {  	s30 =	sadd.s32 @!p0 $0x1, s31;
	s31 =	simm.s32 @!p0 $0x50;
	s0 =	sadd.s32 @!p0 $0xFA0, s0  }
0x2e: {  	[tilespmem:s0], [sflag:s30] =	stream.indirect.gather @!p0 [hbm4b:s4+s31], $0x90, s2, s31, $0xb8;
	[tilespmem:$0x1F9A0] =	vst v63  }
0x2f: {  	s2 =	sshra.s32 s28, $0x2  }
0x30: {  	s31 =	sshrl.u32 s14, $0x2;
	s28 =	sadd.s32 $0x7D0, s2  }
0x31: {  	v1 =	vmov s29;
	s29 =	sadd.s32 $0xFA0, s31;
	v2 =	vmov s28  }
0x32: {  	v1 =	vmul.u32 $0x2D00, v1;
	s30 =	simm.s32 $0x0;
	v3 =	vmov s29  }
.LBB2_5:
0x33: {  	s0 =	sshll.u32 s30, $0x4  }
0x34: {  	v4 =	vmov s0  }
0x35: {  	v4 =	vmul.u32 $0x90, v4  }
0x36: {  	v5 =	vld.idx.msk [tilespmem:v2+s0+$0x0 ss:$0x1], $0xffff  }
0x37: {  	v4 =	vadd.s32 v1, v4  }
0x38: {  	v4 =	vbroadcast v4, $0x0;
	_ =	sdelay $0x1  }
0x39: {  	v4 =	vadd.s32 v0, v4;
	_ =	sdelay $0x3  }
0x3a: {  	v5 =	vld.idx.msk [tilespmem:v5+s17+$0x0], $0xffff  }
0x3b: {  	v4 =	vld.idx.msk [tilespmem:v4+s20+$0x0], $0xffff;
	_ =	sdelay $0x4  }
0x3c: {  	v4 =	vadd.f32 v5, v4;
	_ =	sdelay $0x1  }
0x3d: {  	v5 =	vmul.f32 $2.000000030e-01, v4  }
0x3e: {  	vm0 =	vgt.f32 v4, $0.0e+00  }
0x3f: {  	v4 =	vsel vm0, v4, v5  }
0x40: {  	v4 =	vmul.f32 $1.442695020e+00, v4;
	_ =	sdelay $0x1  }
0x41: {  	(erf) = vpow2.f32 v4;
	_ =	sdelay $0x3  }
0x42: {  	s31 =	smul.u32 $0x2400, s30;
	_ =	sdelay $0x1  }
0x43: {  	s31 =	sshra.s32 s31, $0x2  }
0x44: {  	v5 =	vld.idx.msk [tilespmem:v3+s31+$0x0 ss:$0x1], $0xffff;
	_ =	sdelay $0x1  }
0x45: {  	v4 =	vpop (erf)  }
0x46: {  	v6 =	vbroadcast v4, $0x0;
	_ =	sdelay $0x1  }
0x47: {  	v5 =	vmul.f32 v6, v5;
	_ =	sdelay $0x1  }
0x48: {  	[tilespmem:v3+s31+$0x0 ss:$0x1] =	vst.idx.msk $0xffff, v5  }
0x49: {  	v5 =	vld.idx.msk [tilespmem:v3+s31+$0x10 ss:$0x1], $0xffff;
	_ =	sdelay $0x4  }
0x4a: {  	v5 =	vmul.f32 v6, v5;
	_ =	sdelay $0x1  }
0x4b: {  	[tilespmem:v3+s31+$0x10 ss:$0x1] =	vst.idx.msk $0xffff, v5  }
0x4c: {  	v5 =	vld.idx.msk [tilespmem:v3+s31+$0x20 ss:$0x1], $0xffff;
	_ =	sdelay $0x4  }
0x4d: {  	v5 =	vmul.f32 v6, v5;
	_ =	sdelay $0x1  }
0x4e: {  	[tilespmem:v3+s31+$0x20 ss:$0x1] =	vst.idx.msk $0xffff, v5  }
0x4f: {  	v5 =	vld.idx.msk [tilespmem:v3+s31+$0x30 ss:$0x1], $0xffff;
	_ =	sdelay $0x4  }
0x50: {  	v5 =	vmul.f32 v5, v6;
	_ =	sdelay $0x1  }
0x51: {  	[tilespmem:v3+s31+$0x30 ss:$0x1] =	vst.idx.msk $0xffff, v5  }
0x52: {  	v5 =	vld.idx.msk [tilespmem:v3+s31+$0x40 ss:$0x1], $0xffff;
	_ =	sdelay $0x4  }
0x53: {  	v5 =	vmul.f32 v5, v6;
	_ =	sdelay $0x1  }
0x54: {  	[tilespmem:v3+s31+$0x40 ss:$0x1] =	vst.idx.msk $0xffff, v5  }
0x55: {  	v5 =	vld.idx.msk [tilespmem:v3+s31+$0x50 ss:$0x1], $0xffff;
	_ =	sdelay $0x4  }
0x56: {  	v5 =	vmul.f32 v5, v6;
	_ =	sdelay $0x1  }
0x57: {  	[tilespmem:v3+s31+$0x50 ss:$0x1] =	vst.idx.msk $0xffff, v5  }
0x58: {  	v5 =	vld.idx.msk [tilespmem:v3+s31+$0x60 ss:$0x1], $0xffff;
	_ =	sdelay $0x4  }
0x59: {  	v5 =	vmul.f32 v5, v6;
	_ =	sdelay $0x1  }
0x5a: {  	[tilespmem:v3+s31+$0x60 ss:$0x1] =	vst.idx.msk $0xffff, v5  }
0x5b: {  	v5 =	vld.idx.msk [tilespmem:v3+s31+$0x70 ss:$0x1], $0xffff;
	_ =	sdelay $0x4  }
0x5c: {  	v5 =	vmul.f32 v5, v6;
	_ =	sdelay $0x1  }
0x5d: {  	[tilespmem:v3+s31+$0x70 ss:$0x1] =	vst.idx.msk $0xffff, v5  }
0x5e: {  	[tilespmem:v3+s31+$0x80 ss:$0x1] =	vst.idx.msk $0xffff, v6  }
0x5f: {  	v5 =	vld.idx.msk [tilespmem:v3+s31+$0x90 ss:$0x1], $0xffff;
	_ =	sdelay $0x2  }
0x60: {  	v50 =	vbroadcast v4, $0x1;
	_ =	sdelay $0x1  }
0x61: {  	v5 =	vmul.f32 v5, v50;
	_ =	sdelay $0x1  }
0x62: {  	[tilespmem:v3+s31+$0x90 ss:$0x1] =	vst.idx.msk $0xffff, v5  }
0x63: {  	v5 =	vld.idx.msk [tilespmem:v3+s31+$0xA0 ss:$0x1], $0xffff;
	_ =	sdelay $0x4  }
0x64: {  	v5 =	vmul.f32 v5, v50;
	_ =	sdelay $0x1  }
0x65: {  	[tilespmem:v3+s31+$0xA0 ss:$0x1] =	vst.idx.msk $0xffff, v5  }
0x66: {  	v5 =	vld.idx.msk [tilespmem:v3+s31+$0xB0 ss:$0x1], $0xffff;
	_ =	sdelay $0x4  }
0x67: {  	v5 =	vmul.f32 v5, v50;
	_ =	sdelay $0x1  }
0x68: {  	[tilespmem:v3+s31+$0xB0 ss:$0x1] =	vst.idx.msk $0xffff, v5  }
0x69: {  	v5 =	vld.idx.msk [tilespmem:v3+s31+$0xC0 ss:$0x1], $0xffff;
	_ =	sdelay $0x4  }
0x6a: {  	v5 =	vmul.f32 v5, v50;
	_ =	sdelay $0x1  }
0x6b: {  	[tilespmem:v3+s31+$0xC0 ss:$0x1] =	vst.idx.msk $0xffff, v5  }
0x6c: {  	v5 =	vld.idx.msk [tilespmem:v3+s31+$0xD0 ss:$0x1], $0xffff;
	_ =	sdelay $0x4  }
0x6d: {  	v5 =	vmul.f32 v5, v50;
	_ =	sdelay $0x1  }
0x6e: {  	[tilespmem:v3+s31+$0xD0 ss:$0x1] =	vst.idx.msk $0xffff, v5  }
0x6f: {  	v5 =	vld.idx.msk [tilespmem:v3+s31+$0xE0 ss:$0x1], $0xffff;
	_ =	sdelay $0x4  }
0x70: {  	v5 =	vmul.f32 v5, v50;
	_ =	sdelay $0x1  }
0x71: {  	[tilespmem:v3+s31+$0xE0 ss:$0x1] =	vst.idx.msk $0xffff, v5  }
0x72: {  	v5 =	vld.idx.msk [tilespmem:v3+s31+$0xF0 ss:$0x1], $0xffff;
	_ =	sdelay $0x4  }
0x73: {  	v5 =	vmul.f32 v5, v50;
	_ =	sdelay $0x1  }
0x74: {  	[tilespmem:v3+s31+$0xF0 ss:$0x1] =	vst.idx.msk $0xffff, v5  }
0x75: {  	v5 =	vld.idx.msk [tilespmem:v3+s31+$0x100 ss:$0x1], $0xffff;
	_ =	sdelay $0x4  }
0x76: {  	v5 =	vmul.f32 v5, v50;
	_ =	sdelay $0x1  }
0x77: {  	[tilespmem:v3+s31+$0x100 ss:$0x1] =	vst.idx.msk $0xffff, v5  }
0x78: {  	[tilespmem:v3+s31+$0x110 ss:$0x1] =	vst.idx.msk $0xffff, v50  }
0x79: {  	v5 =	vld.idx.msk [tilespmem:v3+s31+$0x120 ss:$0x1], $0xffff;
	_ =	sdelay $0x2  }
0x7a: {  	v51 =	vbroadcast v4, $0x2;
	_ =	sdelay $0x1  }
0x7b: {  	v5 =	vmul.f32 v5, v51;
	_ =	sdelay $0x1  }
0x7c: {  	[tilespmem:v3+s31+$0x120 ss:$0x1] =	vst.idx.msk $0xffff, v5  }
0x7d: {  	v5 =	vld.idx.msk [tilespmem:v3+s31+$0x130 ss:$0x1], $0xffff;
	_ =	sdelay $0x4  }
0x7e: {  	v5 =	vmul.f32 v5, v51;
	_ =	sdelay $0x1  }
0x7f: {  	[tilespmem:v3+s31+$0x130 ss:$0x1] =	vst.idx.msk $0xffff, v5  }
0x80: {  	v5 =	vld.idx.msk [tilespmem:v3+s31+$0x140 ss:$0x1], $0xffff;
	_ =	sdelay $0x4  }
0x81: {  	v5 =	vmul.f32 v5, v51;
	_ =	sdelay $0x1  }
0x82: {  	[tilespmem:v3+s31+$0x140 ss:$0x1] =	vst.idx.msk $0xffff, v5  }
0x83: {  	v5 =	vld.idx.msk [tilespmem:v3+s31+$0x150 ss:$0x1], $0xffff;
	_ =	sdelay $0x4  }
0x84: {  	v5 =	vmul.f32 v5, v51;
	_ =	sdelay $0x1  }
0x85: {  	[tilespmem:v3+s31+$0x150 ss:$0x1] =	vst.idx.msk $0xffff, v5  }
0x86: {  	v5 =	vld.idx.msk [tilespmem:v3+s31+$0x160 ss:$0x1], $0xffff;
	_ =	sdelay $0x4  }
0x87: {  	v5 =	vmul.f32 v5, v51;
	_ =	sdelay $0x1  }
0x88: {  	[tilespmem:v3+s31+$0x160 ss:$0x1] =	vst.idx.msk $0xffff, v5  }
0x89: {  	v5 =	vld.idx.msk [tilespmem:v3+s31+$0x170 ss:$0x1], $0xffff;
	_ =	sdelay $0x4  }
0x8a: {  	v5 =	vmul.f32 v5, v51;
	_ =	sdelay $0x1  }
0x8b: {  	[tilespmem:v3+s31+$0x170 ss:$0x1] =	vst.idx.msk $0xffff, v5  }
0x8c: {  	v5 =	vld.idx.msk [tilespmem:v3+s31+$0x180 ss:$0x1], $0xffff;
	_ =	sdelay $0x4  }
0x8d: {  	v5 =	vmul.f32 v5, v51;
	_ =	sdelay $0x1  }
0x8e: {  	[tilespmem:v3+s31+$0x180 ss:$0x1] =	vst.idx.msk $0xffff, v5  }
0x8f: {  	v5 =	vld.idx.msk [tilespmem:v3+s31+$0x190 ss:$0x1], $0xffff;
	_ =	sdelay $0x4  }
0x90: {  	v5 =	vmul.f32 v5, v51;
	_ =	sdelay $0x1  }
0x91: {  	[tilespmem:v3+s31+$0x190 ss:$0x1] =	vst.idx.msk $0xffff, v5  }
0x92: {  	[tilespmem:v3+s31+$0x1A0 ss:$0x1] =	vst.idx.msk $0xffff, v51  }
0x93: {  	v5 =	vld.idx.msk [tilespmem:v3+s31+$0x1B0 ss:$0x1], $0xffff;
	_ =	sdelay $0x2  }
0x94: {  	v52 =	vbroadcast v4, $0x3;
	_ =	sdelay $0x1  }
0x95: {  	v5 =	vmul.f32 v5, v52;
	_ =	sdelay $0x1  }
0x96: {  	[tilespmem:v3+s31+$0x1B0 ss:$0x1] =	vst.idx.msk $0xffff, v5  }
0x97: {  	v5 =	vld.idx.msk [tilespmem:v3+s31+$0x1C0 ss:$0x1], $0xffff;
	_ =	sdelay $0x4  }
0x98: {  	v5 =	vmul.f32 v5, v52;
	_ =	sdelay $0x1  }
0x99: {  	[tilespmem:v3+s31+$0x1C0 ss:$0x1] =	vst.idx.msk $0xffff, v5  }
0x9a: {  	v5 =	vld.idx.msk [tilespmem:v3+s31+$0x1D0 ss:$0x1], $0xffff;
	_ =	sdelay $0x4  }
0x9b: {  	v5 =	vmul.f32 v5, v52;
	_ =	sdelay $0x1  }
0x9c: {  	[tilespmem:v3+s31+$0x1D0 ss:$0x1] =	vst.idx.msk $0xffff, v5  }
0x9d: {  	v5 =	vld.idx.msk [tilespmem:v3+s31+$0x1E0 ss:$0x1], $0xffff;
	_ =	sdelay $0x4  }
0x9e: {  	v5 =	vmul.f32 v5, v52;
	_ =	sdelay $0x1  }
0x9f: {  	[tilespmem:v3+s31+$0x1E0 ss:$0x1] =	vst.idx.msk $0xffff, v5  }
0xa0: {  	v5 =	vld.idx.msk [tilespmem:v3+s31+$0x1F0 ss:$0x1], $0xffff;
	_ =	sdelay $0x4  }
0xa1: {  	v5 =	vmul.f32 v5, v52;
	_ =	sdelay $0x1  }
0xa2: {  	[tilespmem:v3+s31+$0x1F0 ss:$0x1] =	vst.idx.msk $0xffff, v5  }
0xa3: {  	v5 =	vld.idx.msk [tilespmem:v3+s31+$0x200 ss:$0x1], $0xffff;
	_ =	sdelay $0x4  }
0xa4: {  	v5 =	vmul.f32 v5, v52;
	_ =	sdelay $0x1  }
0xa5: {  	[tilespmem:v3+s31+$0x200 ss:$0x1] =	vst.idx.msk $0xffff, v5  }
0xa6: {  	v5 =	vld.idx.msk [tilespmem:v3+s31+$0x210 ss:$0x1], $0xffff;
	_ =	sdelay $0x4  }
0xa7: {  	v5 =	vmul.f32 v5, v52;
	_ =	sdelay $0x1  }
0xa8: {  	[tilespmem:v3+s31+$0x210 ss:$0x1] =	vst.idx.msk $0xffff, v5  }
0xa9: {  	v5 =	vld.idx.msk [tilespmem:v3+s31+$0x220 ss:$0x1], $0xffff;
	_ =	sdelay $0x4  }
0xaa: {  	v5 =	vmul.f32 v5, v52;
	_ =	sdelay $0x1  }
0xab: {  	[tilespmem:v3+s31+$0x220 ss:$0x1] =	vst.idx.msk $0xffff, v5  }
0xac: {  	[tilespmem:v3+s31+$0x230 ss:$0x1] =	vst.idx.msk $0xffff, v52  }
0xad: {  	v5 =	vld.idx.msk [tilespmem:v3+s31+$0x240 ss:$0x1], $0xffff;
	_ =	sdelay $0x2  }
0xae: {  	v53 =	vbroadcast v4, $0x4;
	_ =	sdelay $0x1  }
0xaf: {  	v5 =	vmul.f32 v5, v53;
	_ =	sdelay $0x1  }
0xb0: {  	[tilespmem:v3+s31+$0x240 ss:$0x1] =	vst.idx.msk $0xffff, v5  }
0xb1: {  	v5 =	vld.idx.msk [tilespmem:v3+s31+$0x250 ss:$0x1], $0xffff;
	_ =	sdelay $0x4  }
0xb2: {  	v5 =	vmul.f32 v5, v53;
	_ =	sdelay $0x1  }
0xb3: {  	[tilespmem:v3+s31+$0x250 ss:$0x1] =	vst.idx.msk $0xffff, v5  }
0xb4: {  	v5 =	vld.idx.msk [tilespmem:v3+s31+$0x260 ss:$0x1], $0xffff;
	_ =	sdelay $0x4  }
0xb5: {  	v5 =	vmul.f32 v5, v53;
	_ =	sdelay $0x1  }
0xb6: {  	[tilespmem:v3+s31+$0x260 ss:$0x1] =	vst.idx.msk $0xffff, v5  }
0xb7: {  	v5 =	vld.idx.msk [tilespmem:v3+s31+$0x270 ss:$0x1], $0xffff;
	_ =	sdelay $0x4  }
0xb8: {  	v5 =	vmul.f32 v5, v53;
	_ =	sdelay $0x1  }
0xb9: {  	[tilespmem:v3+s31+$0x270 ss:$0x1] =	vst.idx.msk $0xffff, v5  }
0xba: {  	v5 =	vld.idx.msk [tilespmem:v3+s31+$0x280 ss:$0x1], $0xffff;
	_ =	sdelay $0x4  }
0xbb: {  	v5 =	vmul.f32 v5, v53;
	_ =	sdelay $0x1  }
0xbc: {  	[tilespmem:v3+s31+$0x280 ss:$0x1] =	vst.idx.msk $0xffff, v5  }
0xbd: {  	v5 =	vld.idx.msk [tilespmem:v3+s31+$0x290 ss:$0x1], $0xffff;
	_ =	sdelay $0x4  }
0xbe: {  	v5 =	vmul.f32 v5, v53;
	_ =	sdelay $0x1  }
0xbf: {  	[tilespmem:v3+s31+$0x290 ss:$0x1] =	vst.idx.msk $0xffff, v5  }
0xc0: {  	v5 =	vld.idx.msk [tilespmem:v3+s31+$0x2A0 ss:$0x1], $0xffff;
	_ =	sdelay $0x4  }
0xc1: {  	v5 =	vmul.f32 v5, v53;
	_ =	sdelay $0x1  }
0xc2: {  	[tilespmem:v3+s31+$0x2A0 ss:$0x1] =	vst.idx.msk $0xffff, v5  }
0xc3: {  	v5 =	vld.idx.msk [tilespmem:v3+s31+$0x2B0 ss:$0x1], $0xffff;
	_ =	sdelay $0x4  }
0xc4: {  	v5 =	vmul.f32 v5, v53;
	_ =	sdelay $0x1  }
0xc5: {  	[tilespmem:v3+s31+$0x2B0 ss:$0x1] =	vst.idx.msk $0xffff, v5  }
0xc6: {  	[tilespmem:v3+s31+$0x2C0 ss:$0x1] =	vst.idx.msk $0xffff, v53  }
0xc7: {  	v5 =	vld.idx.msk [tilespmem:v3+s31+$0x2D0 ss:$0x1], $0xffff;
	_ =	sdelay $0x2  }
0xc8: {  	v54 =	vbroadcast v4, $0x5;
	_ =	sdelay $0x1  }
0xc9: {  	v5 =	vmul.f32 v5, v54;
	_ =	sdelay $0x1  }
0xca: {  	[tilespmem:v3+s31+$0x2D0 ss:$0x1] =	vst.idx.msk $0xffff, v5  }
0xcb: {  	v5 =	vld.idx.msk [tilespmem:v3+s31+$0x2E0 ss:$0x1], $0xffff;
	_ =	sdelay $0x4  }
0xcc: {  	v5 =	vmul.f32 v5, v54;
	_ =	sdelay $0x1  }
0xcd: {  	[tilespmem:v3+s31+$0x2E0 ss:$0x1] =	vst.idx.msk $0xffff, v5  }
0xce: {  	v5 =	vld.idx.msk [tilespmem:v3+s31+$0x2F0 ss:$0x1], $0xffff;
	_ =	sdelay $0x4  }
0xcf: {  	v5 =	vmul.f32 v5, v54;
	_ =	sdelay $0x1  }
0xd0: {  	[tilespmem:v3+s31+$0x2F0 ss:$0x1] =	vst.idx.msk $0xffff, v5  }
0xd1: {  	v5 =	vld.idx.msk [tilespmem:v3+s31+$0x300 ss:$0x1], $0xffff;
	_ =	sdelay $0x4  }
0xd2: {  	v5 =	vmul.f32 v5, v54;
	_ =	sdelay $0x1  }
0xd3: {  	[tilespmem:v3+s31+$0x300 ss:$0x1] =	vst.idx.msk $0xffff, v5  }
0xd4: {  	v5 =	vld.idx.msk [tilespmem:v3+s31+$0x310 ss:$0x1], $0xffff;
	_ =	sdelay $0x4  }
0xd5: {  	v5 =	vmul.f32 v5, v54;
	_ =	sdelay $0x1  }
0xd6: {  	[tilespmem:v3+s31+$0x310 ss:$0x1] =	vst.idx.msk $0xffff, v5  }
0xd7: {  	v5 =	vld.idx.msk [tilespmem:v3+s31+$0x320 ss:$0x1], $0xffff;
	_ =	sdelay $0x4  }
0xd8: {  	v5 =	vmul.f32 v5, v54;
	_ =	sdelay $0x1  }
0xd9: {  	[tilespmem:v3+s31+$0x320 ss:$0x1] =	vst.idx.msk $0xffff, v5  }
0xda: {  	v5 =	vld.idx.msk [tilespmem:v3+s31+$0x330 ss:$0x1], $0xffff;
	_ =	sdelay $0x4  }
0xdb: {  	v5 =	vmul.f32 v5, v54;
	_ =	sdelay $0x1  }
0xdc: {  	[tilespmem:v3+s31+$0x330 ss:$0x1] =	vst.idx.msk $0xffff, v5  }
0xdd: {  	v5 =	vld.idx.msk [tilespmem:v3+s31+$0x340 ss:$0x1], $0xffff;
	_ =	sdelay $0x4  }
0xde: {  	v5 =	vmul.f32 v5, v54;
	_ =	sdelay $0x1  }
0xdf: {  	[tilespmem:v3+s31+$0x340 ss:$0x1] =	vst.idx.msk $0xffff, v5  }
0xe0: {  	[tilespmem:v3+s31+$0x350 ss:$0x1] =	vst.idx.msk $0xffff, v54  }
0xe1: {  	v5 =	vld.idx.msk [tilespmem:v3+s31+$0x360 ss:$0x1], $0xffff;
	_ =	sdelay $0x2  }
0xe2: {  	v55 =	vbroadcast v4, $0x6;
	_ =	sdelay $0x1  }
0xe3: {  	v5 =	vmul.f32 v5, v55;
	_ =	sdelay $0x1  }
0xe4: {  	[tilespmem:v3+s31+$0x360 ss:$0x1] =	vst.idx.msk $0xffff, v5  }
0xe5: {  	v5 =	vld.idx.msk [tilespmem:v3+s31+$0x370 ss:$0x1], $0xffff;
	_ =	sdelay $0x4  }
0xe6: {  	v5 =	vmul.f32 v5, v55;
	_ =	sdelay $0x1  }
0xe7: {  	[tilespmem:v3+s31+$0x370 ss:$0x1] =	vst.idx.msk $0xffff, v5  }
0xe8: {  	v5 =	vld.idx.msk [tilespmem:v3+s31+$0x380 ss:$0x1], $0xffff;
	_ =	sdelay $0x4  }
0xe9: {  	v5 =	vmul.f32 v5, v55;
	_ =	sdelay $0x1  }
0xea: {  	[tilespmem:v3+s31+$0x380 ss:$0x1] =	vst.idx.msk $0xffff, v5  }
0xeb: {  	v5 =	vld.idx.msk [tilespmem:v3+s31+$0x390 ss:$0x1], $0xffff;
	_ =	sdelay $0x4  }
0xec: {  	v5 =	vmul.f32 v5, v55;
	_ =	sdelay $0x1  }
0xed: {  	[tilespmem:v3+s31+$0x390 ss:$0x1] =	vst.idx.msk $0xffff, v5  }
0xee: {  	v5 =	vld.idx.msk [tilespmem:v3+s31+$0x3A0 ss:$0x1], $0xffff;
	_ =	sdelay $0x4  }
0xef: {  	v5 =	vmul.f32 v5, v55;
	_ =	sdelay $0x1  }
0xf0: {  	[tilespmem:v3+s31+$0x3A0 ss:$0x1] =	vst.idx.msk $0xffff, v5  }
0xf1: {  	v5 =	vld.idx.msk [tilespmem:v3+s31+$0x3B0 ss:$0x1], $0xffff;
	_ =	sdelay $0x4  }
0xf2: {  	v5 =	vmul.f32 v5, v55;
	_ =	sdelay $0x1  }
0xf3: {  	[tilespmem:v3+s31+$0x3B0 ss:$0x1] =	vst.idx.msk $0xffff, v5  }
0xf4: {  	v5 =	vld.idx.msk [tilespmem:v3+s31+$0x3C0 ss:$0x1], $0xffff;
	_ =	sdelay $0x4  }
0xf5: {  	v5 =	vmul.f32 v5, v55;
	_ =	sdelay $0x1  }
0xf6: {  	[tilespmem:v3+s31+$0x3C0 ss:$0x1] =	vst.idx.msk $0xffff, v5  }
0xf7: {  	v5 =	vld.idx.msk [tilespmem:v3+s31+$0x3D0 ss:$0x1], $0xffff;
	_ =	sdelay $0x4  }
0xf8: {  	v5 =	vmul.f32 v5, v55;
	_ =	sdelay $0x1  }
0xf9: {  	[tilespmem:v3+s31+$0x3D0 ss:$0x1] =	vst.idx.msk $0xffff, v5  }
0xfa: {  	[tilespmem:v3+s31+$0x3E0 ss:$0x1] =	vst.idx.msk $0xffff, v55  }
0xfb: {  	v5 =	vld.idx.msk [tilespmem:v3+s31+$0x3F0 ss:$0x1], $0xffff;
	_ =	sdelay $0x2  }
0xfc: {  	v56 =	vbroadcast v4, $0x7;
	_ =	sdelay $0x1  }
0xfd: {  	v5 =	vmul.f32 v5, v56;
	_ =	sdelay $0x1  }
0xfe: {  	[tilespmem:v3+s31+$0x3F0 ss:$0x1] =	vst.idx.msk $0xffff, v5  }
0xff: {  	v5 =	vld.idx.msk [tilespmem:v3+s31+$0x400 ss:$0x1], $0xffff;
	_ =	sdelay $0x4  }
0x100: {  	v5 =	vmul.f32 v5, v56;
	_ =	sdelay $0x1  }
0x101: {  	[tilespmem:v3+s31+$0x400 ss:$0x1] =	vst.idx.msk $0xffff, v5  }
0x102: {  	v5 =	vld.idx.msk [tilespmem:v3+s31+$0x410 ss:$0x1], $0xffff;
	_ =	sdelay $0x4  }
0x103: {  	v5 =	vmul.f32 v5, v56;
	_ =	sdelay $0x1  }
0x104: {  	[tilespmem:v3+s31+$0x410 ss:$0x1] =	vst.idx.msk $0xffff, v5  }
0x105: {  	v5 =	vld.idx.msk [tilespmem:v3+s31+$0x420 ss:$0x1], $0xffff;
	_ =	sdelay $0x4  }
0x106: {  	v5 =	vmul.f32 v5, v56;
	_ =	sdelay $0x1  }
0x107: {  	[tilespmem:v3+s31+$0x420 ss:$0x1] =	vst.idx.msk $0xffff, v5  }
0x108: {  	v5 =	vld.idx.msk [tilespmem:v3+s31+$0x430 ss:$0x1], $0xffff;
	_ =	sdelay $0x4  }
0x109: {  	v5 =	vmul.f32 v5, v56;
	_ =	sdelay $0x1  }
0x10a: {  	[tilespmem:v3+s31+$0x430 ss:$0x1] =	vst.idx.msk $0xffff, v5  }
0x10b: {  	v5 =	vld.idx.msk [tilespmem:v3+s31+$0x440 ss:$0x1], $0xffff;
	_ =	sdelay $0x4  }
0x10c: {  	v5 =	vmul.f32 v5, v56;
	_ =	sdelay $0x1  }
0x10d: {  	[tilespmem:v3+s31+$0x440 ss:$0x1] =	vst.idx.msk $0xffff, v5  }
0x10e: {  	v5 =	vld.idx.msk [tilespmem:v3+s31+$0x450 ss:$0x1], $0xffff;
	_ =	sdelay $0x4  }
0x10f: {  	v5 =	vmul.f32 v5, v56;
	_ =	sdelay $0x1  }
0x110: {  	[tilespmem:v3+s31+$0x450 ss:$0x1] =	vst.idx.msk $0xffff, v5  }
0x111: {  	v5 =	vld.idx.msk [tilespmem:v3+s31+$0x460 ss:$0x1], $0xffff;
	_ =	sdelay $0x4  }
0x112: {  	v5 =	vmul.f32 v5, v56;
	_ =	sdelay $0x1  }
0x113: {  	[tilespmem:v3+s31+$0x460 ss:$0x1] =	vst.idx.msk $0xffff, v5  }
0x114: {  	[tilespmem:v3+s31+$0x470 ss:$0x1] =	vst.idx.msk $0xffff, v56  }
0x115: {  	v5 =	vld.idx.msk [tilespmem:v3+s31+$0x480 ss:$0x1], $0xffff;
	_ =	sdelay $0x2  }
0x116: {  	v57 =	vbroadcast v4, $0x8;
	_ =	sdelay $0x1  }
0x117: {  	v5 =	vmul.f32 v5, v57;
	_ =	sdelay $0x1  }
0x118: {  	[tilespmem:v3+s31+$0x480 ss:$0x1] =	vst.idx.msk $0xffff, v5  }
0x119: {  	v5 =	vld.idx.msk [tilespmem:v3+s31+$0x490 ss:$0x1], $0xffff;
	_ =	sdelay $0x4  }
0x11a: {  	v5 =	vmul.f32 v5, v57;
	_ =	sdelay $0x1  }
0x11b: {  	[tilespmem:v3+s31+$0x490 ss:$0x1] =	vst.idx.msk $0xffff, v5  }
0x11c: {  	v5 =	vld.idx.msk [tilespmem:v3+s31+$0x4A0 ss:$0x1], $0xffff;
	_ =	sdelay $0x4  }
0x11d: {  	v5 =	vmul.f32 v5, v57;
	_ =	sdelay $0x1  }
0x11e: {  	[tilespmem:v3+s31+$0x4A0 ss:$0x1] =	vst.idx.msk $0xffff, v5  }
0x11f: {  	v5 =	vld.idx.msk [tilespmem:v3+s31+$0x4B0 ss:$0x1], $0xffff;
	_ =	sdelay $0x4  }
0x120: {  	v5 =	vmul.f32 v5, v57;
	_ =	sdelay $0x1  }
0x121: {  	[tilespmem:v3+s31+$0x4B0 ss:$0x1] =	vst.idx.msk $0xffff, v5  }
0x122: {  	v5 =	vld.idx.msk [tilespmem:v3+s31+$0x4C0 ss:$0x1], $0xffff;
	_ =	sdelay $0x4  }
0x123: {  	v5 =	vmul.f32 v5, v57;
	_ =	sdelay $0x1  }
0x124: {  	[tilespmem:v3+s31+$0x4C0 ss:$0x1] =	vst.idx.msk $0xffff, v5  }
0x125: {  	v5 =	vld.idx.msk [tilespmem:v3+s31+$0x4D0 ss:$0x1], $0xffff;
	_ =	sdelay $0x4  }
0x126: {  	v5 =	vmul.f32 v5, v57;
	_ =	sdelay $0x1  }
0x127: {  	[tilespmem:v3+s31+$0x4D0 ss:$0x1] =	vst.idx.msk $0xffff, v5  }
0x128: {  	v5 =	vld.idx.msk [tilespmem:v3+s31+$0x4E0 ss:$0x1], $0xffff;
	_ =	sdelay $0x4  }
0x129: {  	v5 =	vmul.f32 v5, v57;
	_ =	sdelay $0x1  }
0x12a: {  	[tilespmem:v3+s31+$0x4E0 ss:$0x1] =	vst.idx.msk $0xffff, v5  }
0x12b: {  	v5 =	vld.idx.msk [tilespmem:v3+s31+$0x4F0 ss:$0x1], $0xffff;
	_ =	sdelay $0x4  }
0x12c: {  	v5 =	vmul.f32 v5, v57;
	_ =	sdelay $0x1  }
0x12d: {  	[tilespmem:v3+s31+$0x4F0 ss:$0x1] =	vst.idx.msk $0xffff, v5  }
0x12e: {  	[tilespmem:v3+s31+$0x500 ss:$0x1] =	vst.idx.msk $0xffff, v57  }
0x12f: {  	v5 =	vld.idx.msk [tilespmem:v3+s31+$0x510 ss:$0x1], $0xffff;
	_ =	sdelay $0x2  }
0x130: {  	v58 =	vbroadcast v4, $0x9;
	_ =	sdelay $0x1  }
0x131: {  	v5 =	vmul.f32 v5, v58;
	_ =	sdelay $0x1  }
0x132: {  	[tilespmem:v3+s31+$0x510 ss:$0x1] =	vst.idx.msk $0xffff, v5  }
0x133: {  	v5 =	vld.idx.msk [tilespmem:v3+s31+$0x520 ss:$0x1], $0xffff;
	_ =	sdelay $0x4  }
0x134: {  	v5 =	vmul.f32 v5, v58;
	_ =	sdelay $0x1  }
0x135: {  	[tilespmem:v3+s31+$0x520 ss:$0x1] =	vst.idx.msk $0xffff, v5  }
0x136: {  	v5 =	vld.idx.msk [tilespmem:v3+s31+$0x530 ss:$0x1], $0xffff;
	_ =	sdelay $0x4  }
0x137: {  	v5 =	vmul.f32 v5, v58;
	_ =	sdelay $0x1  }
0x138: {  	[tilespmem:v3+s31+$0x530 ss:$0x1] =	vst.idx.msk $0xffff, v5  }
0x139: {  	v5 =	vld.idx.msk [tilespmem:v3+s31+$0x540 ss:$0x1], $0xffff;
	_ =	sdelay $0x4  }
0x13a: {  	v5 =	vmul.f32 v5, v58;
	_ =	sdelay $0x1  }
0x13b: {  	[tilespmem:v3+s31+$0x540 ss:$0x1] =	vst.idx.msk $0xffff, v5  }
0x13c: {  	v5 =	vld.idx.msk [tilespmem:v3+s31+$0x550 ss:$0x1], $0xffff;
	_ =	sdelay $0x4  }
0x13d: {  	v5 =	vmul.f32 v5, v58;
	_ =	sdelay $0x1  }
0x13e: {  	[tilespmem:v3+s31+$0x550 ss:$0x1] =	vst.idx.msk $0xffff, v5  }
0x13f: {  	v5 =	vld.idx.msk [tilespmem:v3+s31+$0x560 ss:$0x1], $0xffff;
	_ =	sdelay $0x4  }
0x140: {  	v5 =	vmul.f32 v5, v58;
	_ =	sdelay $0x1  }
0x141: {  	[tilespmem:v3+s31+$0x560 ss:$0x1] =	vst.idx.msk $0xffff, v5  }
0x142: {  	v5 =	vld.idx.msk [tilespmem:v3+s31+$0x570 ss:$0x1], $0xffff;
	_ =	sdelay $0x4  }
0x143: {  	v5 =	vmul.f32 v5, v58;
	_ =	sdelay $0x1  }
0x144: {  	[tilespmem:v3+s31+$0x570 ss:$0x1] =	vst.idx.msk $0xffff, v5  }
0x145: {  	v5 =	vld.idx.msk [tilespmem:v3+s31+$0x580 ss:$0x1], $0xffff;
	_ =	sdelay $0x4  }
0x146: {  	v5 =	vmul.f32 v5, v58;
	_ =	sdelay $0x1  }
0x147: {  	[tilespmem:v3+s31+$0x580 ss:$0x1] =	vst.idx.msk $0xffff, v5  }
0x148: {  	[tilespmem:v3+s31+$0x590 ss:$0x1] =	vst.idx.msk $0xffff, v58  }
0x149: {  	v5 =	vld.idx.msk [tilespmem:v3+s31+$0x5A0 ss:$0x1], $0xffff;
	_ =	sdelay $0x2  }
0x14a: {  	v59 =	vbroadcast v4, $0xA;
	_ =	sdelay $0x1  }
0x14b: {  	v5 =	vmul.f32 v5, v59;
	_ =	sdelay $0x1  }
0x14c: {  	[tilespmem:v3+s31+$0x5A0 ss:$0x1] =	vst.idx.msk $0xffff, v5  }
0x14d: {  	v5 =	vld.idx.msk [tilespmem:v3+s31+$0x5B0 ss:$0x1], $0xffff;
	_ =	sdelay $0x4  }
0x14e: {  	v5 =	vmul.f32 v5, v59;
	_ =	sdelay $0x1  }
0x14f: {  	[tilespmem:v3+s31+$0x5B0 ss:$0x1] =	vst.idx.msk $0xffff, v5  }
0x150: {  	v5 =	vld.idx.msk [tilespmem:v3+s31+$0x5C0 ss:$0x1], $0xffff;
	_ =	sdelay $0x4  }
0x151: {  	v5 =	vmul.f32 v5, v59;
	_ =	sdelay $0x1  }
0x152: {  	[tilespmem:v3+s31+$0x5C0 ss:$0x1] =	vst.idx.msk $0xffff, v5  }
0x153: {  	v5 =	vld.idx.msk [tilespmem:v3+s31+$0x5D0 ss:$0x1], $0xffff;
	_ =	sdelay $0x4  }
0x154: {  	v5 =	vmul.f32 v5, v59;
	_ =	sdelay $0x1  }
0x155: {  	[tilespmem:v3+s31+$0x5D0 ss:$0x1] =	vst.idx.msk $0xffff, v5  }
0x156: {  	v5 =	vld.idx.msk [tilespmem:v3+s31+$0x5E0 ss:$0x1], $0xffff;
	_ =	sdelay $0x4  }
0x157: {  	v5 =	vmul.f32 v5, v59;
	_ =	sdelay $0x1  }
0x158: {  	[tilespmem:v3+s31+$0x5E0 ss:$0x1] =	vst.idx.msk $0xffff, v5  }
0x159: {  	v5 =	vld.idx.msk [tilespmem:v3+s31+$0x5F0 ss:$0x1], $0xffff;
	_ =	sdelay $0x4  }
0x15a: {  	v5 =	vmul.f32 v5, v59;
	_ =	sdelay $0x1  }
0x15b: {  	[tilespmem:v3+s31+$0x5F0 ss:$0x1] =	vst.idx.msk $0xffff, v5  }
0x15c: {  	v5 =	vld.idx.msk [tilespmem:v3+s31+$0x600 ss:$0x1], $0xffff;
	_ =	sdelay $0x4  }
0x15d: {  	v5 =	vmul.f32 v5, v59;
	_ =	sdelay $0x1  }
0x15e: {  	[tilespmem:v3+s31+$0x600 ss:$0x1] =	vst.idx.msk $0xffff, v5  }
0x15f: {  	v5 =	vld.idx.msk [tilespmem:v3+s31+$0x610 ss:$0x1], $0xffff;
	_ =	sdelay $0x4  }
0x160: {  	v5 =	vmul.f32 v5, v59;
	_ =	sdelay $0x1  }
0x161: {  	[tilespmem:v3+s31+$0x610 ss:$0x1] =	vst.idx.msk $0xffff, v5  }
0x162: {  	[tilespmem:v3+s31+$0x620 ss:$0x1] =	vst.idx.msk $0xffff, v59  }
0x163: {  	v5 =	vld.idx.msk [tilespmem:v3+s31+$0x630 ss:$0x1], $0xffff;
	_ =	sdelay $0x2  }
0x164: {  	v60 =	vbroadcast v4, $0xB;
	_ =	sdelay $0x1  }
0x165: {  	v5 =	vmul.f32 v5, v60;
	_ =	sdelay $0x1  }
0x166: {  	[tilespmem:v3+s31+$0x630 ss:$0x1] =	vst.idx.msk $0xffff, v5  }
0x167: {  	v5 =	vld.idx.msk [tilespmem:v3+s31+$0x640 ss:$0x1], $0xffff;
	_ =	sdelay $0x4  }
0x168: {  	v5 =	vmul.f32 v5, v60;
	_ =	sdelay $0x1  }
0x169: {  	[tilespmem:v3+s31+$0x640 ss:$0x1] =	vst.idx.msk $0xffff, v5  }
0x16a: {  	v5 =	vld.idx.msk [tilespmem:v3+s31+$0x650 ss:$0x1], $0xffff;
	_ =	sdelay $0x4  }
0x16b: {  	v5 =	vmul.f32 v5, v60;
	_ =	sdelay $0x1  }
0x16c: {  	[tilespmem:v3+s31+$0x650 ss:$0x1] =	vst.idx.msk $0xffff, v5  }
0x16d: {  	v5 =	vld.idx.msk [tilespmem:v3+s31+$0x660 ss:$0x1], $0xffff;
	_ =	sdelay $0x4  }
0x16e: {  	v5 =	vmul.f32 v5, v60;
	_ =	sdelay $0x1  }
0x16f: {  	[tilespmem:v3+s31+$0x660 ss:$0x1] =	vst.idx.msk $0xffff, v5  }
0x170: {  	v5 =	vld.idx.msk [tilespmem:v3+s31+$0x670 ss:$0x1], $0xffff;
	_ =	sdelay $0x4  }
0x171: {  	v5 =	vmul.f32 v5, v60;
	_ =	sdelay $0x1  }
0x172: {  	[tilespmem:v3+s31+$0x670 ss:$0x1] =	vst.idx.msk $0xffff, v5  }
0x173: {  	v5 =	vld.idx.msk [tilespmem:v3+s31+$0x680 ss:$0x1], $0xffff;
	_ =	sdelay $0x4  }
0x174: {  	v5 =	vmul.f32 v5, v60;
	_ =	sdelay $0x1  }
0x175: {  	[tilespmem:v3+s31+$0x680 ss:$0x1] =	vst.idx.msk $0xffff, v5  }
0x176: {  	v5 =	vld.idx.msk [tilespmem:v3+s31+$0x690 ss:$0x1], $0xffff;
	_ =	sdelay $0x4  }
0x177: {  	v5 =	vmul.f32 v5, v60;
	_ =	sdelay $0x1  }
0x178: {  	[tilespmem:v3+s31+$0x690 ss:$0x1] =	vst.idx.msk $0xffff, v5  }
0x179: {  	v5 =	vld.idx.msk [tilespmem:v3+s31+$0x6A0 ss:$0x1], $0xffff;
	_ =	sdelay $0x4  }
0x17a: {  	v5 =	vmul.f32 v5, v60;
	_ =	sdelay $0x1  }
0x17b: {  	[tilespmem:v3+s31+$0x6A0 ss:$0x1] =	vst.idx.msk $0xffff, v5  }
0x17c: {  	[tilespmem:v3+s31+$0x6B0 ss:$0x1] =	vst.idx.msk $0xffff, v60  }
0x17d: {  	v5 =	vld.idx.msk [tilespmem:v3+s31+$0x6C0 ss:$0x1], $0xffff;
	_ =	sdelay $0x2  }
0x17e: {  	v61 =	vbroadcast v4, $0xC;
	_ =	sdelay $0x1  }
0x17f: {  	v5 =	vmul.f32 v5, v61;
	_ =	sdelay $0x1  }
0x180: {  	[tilespmem:v3+s31+$0x6C0 ss:$0x1] =	vst.idx.msk $0xffff, v5  }
0x181: {  	v5 =	vld.idx.msk [tilespmem:v3+s31+$0x6D0 ss:$0x1], $0xffff;
	_ =	sdelay $0x4  }
0x182: {  	v5 =	vmul.f32 v5, v61;
	_ =	sdelay $0x1  }
0x183: {  	[tilespmem:v3+s31+$0x6D0 ss:$0x1] =	vst.idx.msk $0xffff, v5  }
0x184: {  	v5 =	vld.idx.msk [tilespmem:v3+s31+$0x6E0 ss:$0x1], $0xffff;
	_ =	sdelay $0x4  }
0x185: {  	v5 =	vmul.f32 v5, v61;
	_ =	sdelay $0x1  }
0x186: {  	[tilespmem:v3+s31+$0x6E0 ss:$0x1] =	vst.idx.msk $0xffff, v5  }
0x187: {  	v5 =	vld.idx.msk [tilespmem:v3+s31+$0x6F0 ss:$0x1], $0xffff;
	_ =	sdelay $0x4  }
0x188: {  	v5 =	vmul.f32 v5, v61;
	_ =	sdelay $0x1  }
0x189: {  	[tilespmem:v3+s31+$0x6F0 ss:$0x1] =	vst.idx.msk $0xffff, v5  }
0x18a: {  	v5 =	vld.idx.msk [tilespmem:v3+s31+$0x700 ss:$0x1], $0xffff;
	_ =	sdelay $0x4  }
0x18b: {  	v5 =	vmul.f32 v5, v61;
	_ =	sdelay $0x1  }
0x18c: {  	[tilespmem:v3+s31+$0x700 ss:$0x1] =	vst.idx.msk $0xffff, v5  }
0x18d: {  	v5 =	vld.idx.msk [tilespmem:v3+s31+$0x710 ss:$0x1], $0xffff;
	_ =	sdelay $0x4  }
0x18e: {  	v5 =	vmul.f32 v5, v61;
	_ =	sdelay $0x1  }
0x18f: {  	[tilespmem:v3+s31+$0x710 ss:$0x1] =	vst.idx.msk $0xffff, v5  }
0x190: {  	v5 =	vld.idx.msk [tilespmem:v3+s31+$0x720 ss:$0x1], $0xffff;
	_ =	sdelay $0x4  }
0x191: {  	v5 =	vmul.f32 v5, v61;
	_ =	sdelay $0x1  }
0x192: {  	[tilespmem:v3+s31+$0x720 ss:$0x1] =	vst.idx.msk $0xffff, v5  }
0x193: {  	v5 =	vld.idx.msk [tilespmem:v3+s31+$0x730 ss:$0x1], $0xffff;
	_ =	sdelay $0x4  }
0x194: {  	v5 =	vmul.f32 v5, v61;
	_ =	sdelay $0x1  }
0x195: {  	[tilespmem:v3+s31+$0x730 ss:$0x1] =	vst.idx.msk $0xffff, v5  }
0x196: {  	[tilespmem:v3+s31+$0x740 ss:$0x1] =	vst.idx.msk $0xffff, v61  }
0x197: {  	v5 =	vld.idx.msk [tilespmem:v3+s31+$0x750 ss:$0x1], $0xffff;
	_ =	sdelay $0x2  }
0x198: {  	v62 =	vbroadcast v4, $0xD;
	_ =	sdelay $0x1  }
0x199: {  	v5 =	vmul.f32 v5, v62;
	_ =	sdelay $0x1  }
0x19a: {  	[tilespmem:v3+s31+$0x750 ss:$0x1] =	vst.idx.msk $0xffff, v5  }
0x19b: {  	v5 =	vld.idx.msk [tilespmem:v3+s31+$0x760 ss:$0x1], $0xffff;
	_ =	sdelay $0x4  }
0x19c: {  	v5 =	vmul.f32 v5, v62;
	_ =	sdelay $0x1  }
0x19d: {  	[tilespmem:v3+s31+$0x760 ss:$0x1] =	vst.idx.msk $0xffff, v5  }
0x19e: {  	v5 =	vld.idx.msk [tilespmem:v3+s31+$0x770 ss:$0x1], $0xffff;
	_ =	sdelay $0x4  }
0x19f: {  	v5 =	vmul.f32 v5, v62;
	_ =	sdelay $0x1  }
0x1a0: {  	[tilespmem:v3+s31+$0x770 ss:$0x1] =	vst.idx.msk $0xffff, v5  }
0x1a1: {  	v5 =	vld.idx.msk [tilespmem:v3+s31+$0x780 ss:$0x1], $0xffff;
	_ =	sdelay $0x4  }
0x1a2: {  	v5 =	vmul.f32 v5, v62;
	_ =	sdelay $0x1  }
0x1a3: {  	[tilespmem:v3+s31+$0x780 ss:$0x1] =	vst.idx.msk $0xffff, v5  }
0x1a4: {  	v5 =	vld.idx.msk [tilespmem:v3+s31+$0x790 ss:$0x1], $0xffff;
	_ =	sdelay $0x4  }
0x1a5: {  	v5 =	vmul.f32 v5, v62;
	_ =	sdelay $0x1  }
0x1a6: {  	[tilespmem:v3+s31+$0x790 ss:$0x1] =	vst.idx.msk $0xffff, v5  }
0x1a7: {  	v5 =	vld.idx.msk [tilespmem:v3+s31+$0x7A0 ss:$0x1], $0xffff;
	_ =	sdelay $0x4  }
0x1a8: {  	v5 =	vmul.f32 v5, v62;
	_ =	sdelay $0x1  }
0x1a9: {  	[tilespmem:v3+s31+$0x7A0 ss:$0x1] =	vst.idx.msk $0xffff, v5  }
0x1aa: {  	v5 =	vld.idx.msk [tilespmem:v3+s31+$0x7B0 ss:$0x1], $0xffff;
	_ =	sdelay $0x4  }
0x1ab: {  	v5 =	vmul.f32 v5, v62;
	_ =	sdelay $0x1  }
0x1ac: {  	[tilespmem:v3+s31+$0x7B0 ss:$0x1] =	vst.idx.msk $0xffff, v5  }
0x1ad: {  	v5 =	vld.idx.msk [tilespmem:v3+s31+$0x7C0 ss:$0x1], $0xffff;
	_ =	sdelay $0x4  }
0x1ae: {  	v5 =	vmul.f32 v5, v62;
	_ =	sdelay $0x1  }
0x1af: {  	[tilespmem:v3+s31+$0x7C0 ss:$0x1] =	vst.idx.msk $0xffff, v5  }
0x1b0: {  	[tilespmem:v3+s31+$0x7D0 ss:$0x1] =	vst.idx.msk $0xffff, v62  }
0x1b1: {  	v5 =	vld.idx.msk [tilespmem:v3+s31+$0x7E0 ss:$0x1], $0xffff;
	_ =	sdelay $0x2  }
0x1b2: {  	v63 =	vbroadcast v4, $0xE;
	_ =	sdelay $0x1  }
0x1b3: {  	v5 =	vmul.f32 v5, v63;
	_ =	sdelay $0x1  }
0x1b4: {  	[tilespmem:v3+s31+$0x7E0 ss:$0x1] =	vst.idx.msk $0xffff, v5  }
0x1b5: {  	v5 =	vld.idx.msk [tilespmem:v3+s31+$0x7F0 ss:$0x1], $0xffff;
	_ =	sdelay $0x4  }
0x1b6: {  	v5 =	vmul.f32 v5, v63;
	_ =	sdelay $0x1  }
0x1b7: {  	[tilespmem:v3+s31+$0x7F0 ss:$0x1] =	vst.idx.msk $0xffff, v5  }
0x1b8: {  	v5 =	vld.idx.msk [tilespmem:v3+s31+$0x800 ss:$0x1], $0xffff;
	_ =	sdelay $0x4  }
0x1b9: {  	v5 =	vmul.f32 v5, v63;
	_ =	sdelay $0x1  }
0x1ba: {  	[tilespmem:v3+s31+$0x800 ss:$0x1] =	vst.idx.msk $0xffff, v5  }
0x1bb: {  	v5 =	vld.idx.msk [tilespmem:v3+s31+$0x810 ss:$0x1], $0xffff;
	_ =	sdelay $0x4  }
0x1bc: {  	v5 =	vmul.f32 v5, v63;
	_ =	sdelay $0x1  }
0x1bd: {  	[tilespmem:v3+s31+$0x810 ss:$0x1] =	vst.idx.msk $0xffff, v5  }
0x1be: {  	v5 =	vld.idx.msk [tilespmem:v3+s31+$0x820 ss:$0x1], $0xffff;
	_ =	sdelay $0x4  }
0x1bf: {  	v5 =	vmul.f32 v5, v63;
	_ =	sdelay $0x1  }
0x1c0: {  	[tilespmem:v3+s31+$0x820 ss:$0x1] =	vst.idx.msk $0xffff, v5  }
0x1c1: {  	v5 =	vld.idx.msk [tilespmem:v3+s31+$0x830 ss:$0x1], $0xffff;
	_ =	sdelay $0x4  }
0x1c2: {  	v5 =	vmul.f32 v5, v63;
	_ =	sdelay $0x1  }
0x1c3: {  	[tilespmem:v3+s31+$0x830 ss:$0x1] =	vst.idx.msk $0xffff, v5  }
0x1c4: {  	v5 =	vld.idx.msk [tilespmem:v3+s31+$0x840 ss:$0x1], $0xffff;
	_ =	sdelay $0x4  }
0x1c5: {  	v5 =	vmul.f32 v5, v63;
	_ =	sdelay $0x1  }
0x1c6: {  	[tilespmem:v3+s31+$0x840 ss:$0x1] =	vst.idx.msk $0xffff, v5  }
0x1c7: {  	v5 =	vld.idx.msk [tilespmem:v3+s31+$0x850 ss:$0x1], $0xffff;
	_ =	sdelay $0x4  }
0x1c8: {  	v5 =	vmul.f32 v5, v63;
	_ =	sdelay $0x1  }
0x1c9: {  	[tilespmem:v3+s31+$0x850 ss:$0x1] =	vst.idx.msk $0xffff, v5  }
0x1ca: {  	[tilespmem:v3+s31+$0x860 ss:$0x1] =	vst.idx.msk $0xffff, v63  }
0x1cb: {  	v5 =	vld.idx.msk [tilespmem:v3+s31+$0x870 ss:$0x1], $0xffff;
	_ =	sdelay $0x2  }
0x1cc: {  	v4 =	vbroadcast v4, $0xF;
	_ =	sdelay $0x1  }
0x1cd: {  	v5 =	vmul.f32 v5, v4;
	_ =	sdelay $0x1  }
0x1ce: {  	[tilespmem:v3+s31+$0x870 ss:$0x1] =	vst.idx.msk $0xffff, v5  }
0x1cf: {  	v5 =	vld.idx.msk [tilespmem:v3+s31+$0x880 ss:$0x1], $0xffff;
	_ =	sdelay $0x4  }
0x1d0: {  	v5 =	vmul.f32 v5, v4;
	_ =	sdelay $0x1  }
0x1d1: {  	[tilespmem:v3+s31+$0x880 ss:$0x1] =	vst.idx.msk $0xffff, v5  }
0x1d2: {  	v5 =	vld.idx.msk [tilespmem:v3+s31+$0x890 ss:$0x1], $0xffff;
	_ =	sdelay $0x4  }
0x1d3: {  	v5 =	vmul.f32 v5, v4;
	_ =	sdelay $0x1  }
0x1d4: {  	[tilespmem:v3+s31+$0x890 ss:$0x1] =	vst.idx.msk $0xffff, v5  }
0x1d5: {  	v5 =	vld.idx.msk [tilespmem:v3+s31+$0x8A0 ss:$0x1], $0xffff;
	_ =	sdelay $0x4  }
0x1d6: {  	v5 =	vmul.f32 v5, v4;
	_ =	sdelay $0x1  }
0x1d7: {  	[tilespmem:v3+s31+$0x8A0 ss:$0x1] =	vst.idx.msk $0xffff, v5  }
0x1d8: {  	v5 =	vld.idx.msk [tilespmem:v3+s31+$0x8B0 ss:$0x1], $0xffff;
	_ =	sdelay $0x4  }
0x1d9: {  	v5 =	vmul.f32 v5, v4;
	_ =	sdelay $0x1  }
0x1da: {  	[tilespmem:v3+s31+$0x8B0 ss:$0x1] =	vst.idx.msk $0xffff, v5  }
0x1db: {  	v5 =	vld.idx.msk [tilespmem:v3+s31+$0x8C0 ss:$0x1], $0xffff;
	_ =	sdelay $0x4  }
0x1dc: {  	v5 =	vmul.f32 v5, v4;
	_ =	sdelay $0x1  }
0x1dd: {  	[tilespmem:v3+s31+$0x8C0 ss:$0x1] =	vst.idx.msk $0xffff, v5  }
0x1de: {  	v5 =	vld.idx.msk [tilespmem:v3+s31+$0x8D0 ss:$0x1], $0xffff;
	_ =	sdelay $0x4  }
0x1df: {  	v5 =	vmul.f32 v5, v4;
	_ =	sdelay $0x1  }
0x1e0: {  	[tilespmem:v3+s31+$0x8D0 ss:$0x1] =	vst.idx.msk $0xffff, v5  }
0x1e1: {  	v5 =	vld.idx.msk [tilespmem:v3+s31+$0x8E0 ss:$0x1], $0xffff;
	_ =	sdelay $0x2  }
0x1e2: {  	p0 =	sne.s32 s30, $0x4  }
.Ltmp0:
0x1e3: {  	_ = 	snop;
	(pc) =	sbr.rel @p0 .LBB2_5-.Ltmp0, $3  }
0x1e4: {  	v5 =	vmul.f32 v5, v4;
	_ =	sdelay $0x1  }
0x1e5: {  	[tilespmem:v3+s31+$0x8E0 ss:$0x1] =	vst.idx.msk $0xffff, v5  }
0x1e6: {  	s30 =	sadd.s32 $0x1, s30;
	[tilespmem:v3+s31+$0x8F0 ss:$0x1] =	vst.idx.msk $0xffff, v4  }
0x1e7: {  	p0 =	sne.s32 s26, $0x19  }
.Ltmp1:
0x1e8: {  	_ = 	snop;
	(pc) =	sbr.rel @p0 .LBB2_4-.Ltmp1, $4  }
0x1e9: {  	[spmem:s1] =	stream.indirect.scatter.add.f32 [tilespmem:s29], [sflag:$0x3], $0x90, s28, s19, $0xb8;
	[tilespmem:$0x1F9A0] =	vst v63  }
0x1ea: {  	_ =	swait.ge [sflag:s16], $0x2D00  }
0x1eb: {  	[sflag:s16] =	ssyncset.done $0x0  }
0x1ec: {  	[sflag:s16] =	ssyncadd.s32 $0xFFFFD300  }
0x1ed: {  	s25 =	sadd.s32 $0x1, s25  }
0x1ee: {  	p0 =	sne.s32 s25, $0xA  }
.Ltmp2:
0x1ef: {  	_ = 	snop;
	(pc) =	sbr.rel @p0 .LBB2_3-.Ltmp2, $1  }
0x1f0: {  	_ =	sdelay $0x3  }
0x1f1: {  	s0 =	sadd.s32 s10, s22  }
0x1f2: {  	s21 =	sadd.s32 $0x1, s21;
	s0 =	smul.u32 $0x12, s0  }
0x1f3: {  	p0 =	sne.s32 s21, $0x4  }
.Ltmp3:
0x1f4: {  	[bflag:$0x0] =	sbarrier.arrive $0xFFFF;
	s0 =	sadd.s32 s8, s0;
	(pc) =	sbr.rel @p0 .LBB2_2-.Ltmp3, $4  }
0x1f5: {  	[hbm:s0], [sflag:s12] =	dma.local [spmem:s15], $0x2D00  }
0x1f6: {  	_ =	swait.ge [sflag:s16], $0x2D00  }
0x1f7: {  	[sflag:s16] =	ssyncset.done $0x0  }
0x1f8: {  	[sflag:s16] =	ssyncadd.s32 $0xFFFFD300  }
0x1f9: {  	s3 =	sadd.s32 $0x1, s3;
	s0 =	rddreg [dreg:$0x3]  }
0x1fa: {  	p0 =	sne.s32 s3, s0  }
.Ltmp4:
0x1fb: {  	_ = 	snop;
	(pc) =	sbr.rel @p0 .LBB2_1-.Ltmp4, $1  }
0x1fc: {  	_ =	sdelay $0x3  }
0x1fd: {  	_ =	sfence.sel $0x180000  }
0x1fe: {  	[bflag:$0x0] =	sbarrier.arrive $0xFFFF  }
0x1ff: {  	_ =	strace $0x90000047  }
0x200: {  	s0 =	stileid.u32;
	[bflag:$0x2] =	sbarrier.arrive $0xFFFF  }
0x201: {  	p0 =	sne.s32 s0, $0x0;
	s0 =	rddreg [dreg:$0x2]  }
0x202: {  	s0 =	sadd.s32 @!p0 $0x100000, s0  }
0x203: {  	[sflag:s0] =	ssyncadd.tile.s32 @!p0 $0x1;
	_ =	shalt  }
.Lfunc_end2:
_tile_overlayer_lowered:
.L_overlay_start_2:
0x204: {  	(tag) =	ssettag $0x2  }
0x205: {  	s0 =	rddreg [dreg:$0x0];
	s2 =	stileid.u32  }
0x206: {  	s1 =	rddreg [dreg:$0x1];
	p0 =	sne.s32 s2, $0x0  }
0x207: {  	s3 =	rddreg [dreg:$0x2];
	[bflag:$0x3] =	sbarrier.arrive $0xFFFF;
	s2 =	simm.s32 @!p0 $0x1C03  }
0x208: {  	[timem:s3], [sflag:s2] =	dma.local @!p0 [hbm:s0], s1  }
0x209: {  	s0 =	simm.s32 @!p0 $0x3  }
0x20a: {  	_ =	swait.ge @!p0 [sflag:s0], s1  }
0x20b: {  	s1 =	ssub.s32 @!p0 $0x0, s1;
	[sflag:s0] =	ssyncset.done @!p0 $0x0  }
0x20c: {  	[sflag:s0] =	ssyncadd.s32 @!p0 s1  }
0x20d: {  	[bflag:$0x3] =	sbarrier.arrive $0xFFFF  }
0x20e: {  	_ =	shalt  }

</sc_bundles>
